<compile_context>
chip_gen: v7x
topology: tpu7x:2x2x1
jax: 0.10.2.dev20260603
libtpu: 0.0.44.dev20260713+nightly
codegen_flags: <defaults>
</compile_context>

<pallas_src>
import jax
import jax.numpy as jnp
from jax import lax
from jax.experimental import pallas as pl
from jax.experimental.pallas import tpu as pltpu
from jax.experimental.pallas import tpu_sc as plsc

_VOCAB = 30528
_D = 768
_S = 2048
_B = 4
_EPS = 1e-12

_NC = 2
_NS = 16
_NW = _NC * _NS
_NTOK = _B * _S
_TPW = _NTOK // _NW
_C = 16
_NCHUNK = _TPW // _C
_NV = _D // 16


def _rsqrt_vec(v):
    bits = lax.bitcast_convert_type(v, jnp.int32)
    y = lax.bitcast_convert_type(jnp.int32(0x5F3759DF) - (bits >> 1), jnp.float32)
    half = v * 0.5
    for _ in range(2):
        y = y * (1.5 - half * y * y)
    return y


def _sc_body(ids_hbm, tids_hbm, word_hbm, pos_hbm, type_hbm, gamma_hbm,
             beta_hbm, out_hbm,
             idx0, idx1, tid0, tid1,
             wbuf0, wbuf1, pbuf0, pbuf1, xbuf, obuf0, obuf1,
             t01buf, gbuf, bbuf, mbuf, ibuf,
             wsem0, wsem1, psem0, psem1, osem0, osem1):
    idx = [idx0, idx1]
    tid = [tid0, tid1]
    wbuf = [wbuf0, wbuf1]
    pbuf = [pbuf0, pbuf1]
    obuf = [obuf0, obuf1]
    wsem = [wsem0, wsem1]
    psem = [psem0, psem1]
    osem = [osem0, osem1]

    cid = lax.axis_index("c")
    sid = lax.axis_index("s")
    wid = sid * _NC + cid
    tok0 = wid * _TPW
    s0 = lax.rem(tok0, _S)

    pltpu.sync_copy(gamma_hbm, gbuf)
    pltpu.sync_copy(beta_hbm, bbuf)
    pltpu.sync_copy(type_hbm, t01buf)


    def fire(kk, b2):
        base = tok0 + kk * _C
        sb = s0 + kk * _C
        pltpu.sync_copy(ids_hbm.at[pl.ds(base, _C)], idx[b2])
        pltpu.sync_copy(tids_hbm.at[pl.ds(base, _C)], tid[b2])
        pltpu.async_copy(word_hbm.at[idx[b2]], wbuf[b2], wsem[b2])
        pltpu.async_copy(pos_hbm.at[pl.ds(sb, _C)], pbuf[b2], psem[b2])

    fire(0, 0)
    fire(1, 1)

    def chunk(kk, b2):
        base = tok0 + kk * _C
        pltpu.make_async_copy(word_hbm.at[idx[b2]], wbuf[b2],
                              wsem[b2]).wait()
        pltpu.make_async_copy(pos_hbm.at[pl.ds(s0, _C)], pbuf[b2],
                              psem[b2]).wait()
        tidvec = tid[b2][...]

        wb = wbuf[b2]
        pb = pbuf[b2]
        ob = obuf[b2]

        for h in range(0, _C, 8):
            preds = []
            for i in range(8):
                tb = lax.gather(
                    tidvec, jnp.full((16, 1), h + i, jnp.int32),
                    lax.GatherDimensionNumbers(
                        offset_dims=(), collapsed_slice_dims=(0,),
                        start_index_map=(0,)),
                    (1,), mode=lax.GatherScatterMode.PROMISE_IN_BOUNDS)
                preds.append(tb > 0)
            zero = jnp.zeros((16,), jnp.float32)
            carry0 = (tuple(zero for _ in range(8)),
                      tuple(zero for _ in range(8)))

            @plsc.parallel_loop(0, _NV, carry=carry0)
            def _pass_a(j, carry):
                accs, acc2s = carry
                sl = pl.ds(j * 16, 16)
                t0 = t01buf[0, sl]
                t1 = t01buf[1, sl]
                na, n2 = [], []
                for i in range(8):
                    x = wb[h + i, sl] + (pb[h + i, sl]
                                         + jnp.where(preds[i], t1, t0))
                    xbuf[h + i, sl] = x
                    na.append(accs[i] + x)
                    n2.append(acc2s[i] + x * x)
                return (tuple(na), tuple(n2))

            accs, acc2s = _pass_a
            for i in range(8):
                tot = jnp.sum(accs[i])
                tot2 = jnp.sum(acc2s[i])
                mean = tot * (1.0 / _D)
                var = tot2 * (1.0 / _D) - mean * mean
                inv = _rsqrt_vec(jnp.full((16,), var + _EPS, jnp.float32))
                mbuf[h + i, :] = jnp.full((16,), mean, jnp.float32)
                ibuf[h + i, :] = inv

        @pl.when(kk + 2 < _NCHUNK)
        def _():
            fire(kk + 2, b2)

        @pl.when(kk >= 2)
        def _():
            pltpu.make_async_copy(ob, out_hbm.at[pl.ds(base, _C)],
                                  osem[b2]).wait()

        for h in range(0, _C, 8):
            mb = [mbuf[i, :] for i in range(h, h + 8)]
            iv = [ibuf[i, :] for i in range(h, h + 8)]

            @plsc.parallel_loop(0, _NV)
            def _pass_b(j):
                sl = pl.ds(j * 16, 16)
                g = gbuf[sl]
                bt = bbuf[sl]
                for i in range(8):
                    ob[h + i, sl] = (xbuf[h + i, sl] - mb[i]) * iv[i] * g + bt

        pltpu.async_copy(ob, out_hbm.at[pl.ds(base, _C)], osem[b2])

    @pl.loop(0, _NCHUNK, step=2)
    def _chunk_pair(r):
        chunk(r, 0)
        chunk(r + 1, 1)

    for last in (_NCHUNK - 2, _NCHUNK - 1):
        b2 = last % 2
        base = tok0 + last * _C
        pltpu.make_async_copy(obuf[b2], out_hbm.at[pl.ds(base, _C)],
                              osem[b2]).wait()


@jax.jit
def _run(ids, tids, word_emb, pos_emb, type_emb, gamma, beta):
    mesh = plsc.VectorSubcoreMesh(
        core_axis_name="c", subcore_axis_name="s", num_cores=_NC,
        num_subcores=_NS)
    f = pl.kernel(
        _sc_body,
        out_type=jax.ShapeDtypeStruct((_NTOK, _D), jnp.float32),
        mesh=mesh,
        compiler_params=pltpu.CompilerParams(needs_layout_passes=False),
        scratch_types=[
            pltpu.VMEM((_C,), jnp.int32),
            pltpu.VMEM((_C,), jnp.int32),
            pltpu.VMEM((_C,), jnp.int32),
            pltpu.VMEM((_C,), jnp.int32),
            pltpu.VMEM((_C, _D), jnp.float32),
            pltpu.VMEM((_C, _D), jnp.float32),
            pltpu.VMEM((_C, _D), jnp.float32),
            pltpu.VMEM((_C, _D), jnp.float32),
            pltpu.VMEM((_C, _D), jnp.float32),
            pltpu.VMEM((_C, _D), jnp.float32),
            pltpu.VMEM((_C, _D), jnp.float32),
            pltpu.VMEM((2, _D), jnp.float32),
            pltpu.VMEM((_D,), jnp.float32),
            pltpu.VMEM((_D,), jnp.float32),
            pltpu.VMEM((_C, 16), jnp.float32),
            pltpu.VMEM((_C, 16), jnp.float32),
        ] + [pltpu.SemaphoreType.DMA] * 6,
    )
    return f(ids, tids, word_emb, pos_emb, type_emb, gamma, beta)


def kernel(input_ids, token_type_ids, word_emb, pos_emb, type_emb, gamma,
           beta):
    ids = input_ids.reshape(_NTOK).astype(jnp.int32)
    tids = token_type_ids.reshape(_NTOK).astype(jnp.int32)
    out = _run(ids, tids, word_emb, pos_emb, type_emb, gamma, beta)
    return out.reshape(_B, _S, _D)

# --- scband reference (transcript-rebuilt; emitter-appended) ---
"""Pipeline reference for scband-tt-squeeze-bert-embeddings-35081292874120 (READ-ONLY COPY).

The authoritative reference and input builder live on the scoring server;
editing this copy changes nothing except your own understanding.
"""

import jax, jax.numpy as jnp
import numpy as np

VOCAB = 30528
D = 768
MAXPOS = 2048
TYPES = 2
B = 4
S = 2048
EPS = 1e-12


def setup_inputs(seed: int = 0) -> dict:
    key = jax.random.key(seed)
    ks = jax.random.split(key, 7)
    input_ids = jax.random.randint(ks[0], (B, S), 0, VOCAB)
    token_type_ids = jax.random.randint(ks[1], (B, S), 0, TYPES)
    word_emb = jax.random.normal(ks[2], (VOCAB, D), dtype=jnp.float32) * 0.02
    pos_emb = jax.random.normal(ks[3], (MAXPOS, D), dtype=jnp.float32) * 0.02
    type_emb = jax.random.normal(ks[4], (TYPES, D), dtype=jnp.float32) * 0.02
    gamma = jnp.ones((D,), dtype=jnp.float32)
    beta = jnp.zeros((D,), dtype=jnp.float32)
    return {
        "input_ids": input_ids,
        "token_type_ids": token_type_ids,
        "word_emb": word_emb,
        "pos_emb": pos_emb,
        "type_emb": type_emb,
        "gamma": gamma,
        "beta": beta,
    }


def reference(input_ids, token_type_ids, word_emb, pos_emb, type_emb, gamma, beta):
    seq_len = input_ids.shape[1]
    position_ids = jnp.arange(seq_len)[None, :]  # [1, S], broadcast over batch
    inputs_embeds = jnp.take(word_emb, input_ids, axis=0)          # [B, S, D]
    position_embeddings = jnp.take(pos_emb, position_ids, axis=0)  # [1, S, D]
    token_type_embeddings = jnp.take(type_emb, token_type_ids, axis=0)  # [B, S, D]
    embeddings = inputs_embeds + (position_embeddings + token_type_embeddings)
    mean = jnp.mean(embeddings, axis=-1, keepdims=True)
    var = jnp.mean(jnp.square(embeddings - mean), axis=-1, keepdims=True)
    normed = (embeddings - mean) / jnp.sqrt(var + EPS)
    out = normed * gamma + beta
    return out

if __name__ == "__main__":
    import jax
    _d = setup_inputs()
    print(jax.jit(kernel)(*tuple(_d.values())))

</pallas_src>

<mosaic_0001>
#map = affine_map<(d0, d1) -> (0)>
#map1 = affine_map<(d0, d1) -> (0, 0)>
module attributes {stable_mosaic.version = 14 : i64} {
  func.func @_sc_body(%arg0: i32, %arg1: i32, %arg2: memref<8192xi32, #tpu.memory_space<hbm>>, %arg3: memref<8192xi32, #tpu.memory_space<hbm>>, %arg4: memref<30528x768xf32, #tpu.memory_space<hbm>>, %arg5: memref<2048x768xf32, #tpu.memory_space<hbm>>, %arg6: memref<2x768xf32, #tpu.memory_space<hbm>>, %arg7: memref<768xf32, #tpu.memory_space<hbm>>, %arg8: memref<768xf32, #tpu.memory_space<hbm>>, %arg9: memref<8192x768xf32, #tpu.memory_space<hbm>>, %arg10: memref<16xi32, #tpu.memory_space<vmem>>, %arg11: memref<16xi32, #tpu.memory_space<vmem>>, %arg12: memref<16xi32, #tpu.memory_space<vmem>>, %arg13: memref<16xi32, #tpu.memory_space<vmem>>, %arg14: memref<16x768xf32, #tpu.memory_space<vmem>>, %arg15: memref<16x768xf32, #tpu.memory_space<vmem>>, %arg16: memref<16x768xf32, #tpu.memory_space<vmem>>, %arg17: memref<16x768xf32, #tpu.memory_space<vmem>>, %arg18: memref<16x768xf32, #tpu.memory_space<vmem>>, %arg19: memref<16x768xf32, #tpu.memory_space<vmem>>, %arg20: memref<16x768xf32, #tpu.memory_space<vmem>>, %arg21: memref<2x768xf32, #tpu.memory_space<vmem>>, %arg22: memref<768xf32, #tpu.memory_space<vmem>>, %arg23: memref<768xf32, #tpu.memory_space<vmem>>, %arg24: memref<16x16xf32, #tpu.memory_space<vmem>>, %arg25: memref<16x16xf32, #tpu.memory_space<vmem>>, %arg26: memref<!tpu.dma_semaphore, #tpu.memory_space<semaphore_mem>>, %arg27: memref<!tpu.dma_semaphore, #tpu.memory_space<semaphore_mem>>, %arg28: memref<!tpu.dma_semaphore, #tpu.memory_space<semaphore_mem>>, %arg29: memref<!tpu.dma_semaphore, #tpu.memory_space<semaphore_mem>>, %arg30: memref<!tpu.dma_semaphore, #tpu.memory_space<semaphore_mem>>, %arg31: memref<!tpu.dma_semaphore, #tpu.memory_space<semaphore_mem>>) attributes {dimension_semantics = [#tpu.dimension_semantics<core_parallel>, #tpu.dimension_semantics<subcore_parallel>], iteration_bounds = array<i64: 2, 16>, scalar_prefetch = 0 : i64, scratch_operands = 22 : i64, tpu.core_type = #tpu.core_type<sc_vector_subcore>, window_params = [{transform_indices = #map}, {transform_indices = #map}, {transform_indices = #map1}, {transform_indices = #map1}, {transform_indices = #map1}, {transform_indices = #map}, {transform_indices = #map}, {transform_indices = #map1}]} {
    %mul3A = arith.constant 2 : i32
    %mul3A_0 = arith.muli %arg1, %mul3A : i32
    %add3A = arith.addi %mul3A_0, %arg0 : i32
    %mul3A_1 = arith.constant 256 : i32
    %mul3A_2 = arith.muli %add3A, %mul3A_1 : i32
    %rem3A = arith.constant 2048 : i32
    %rem3A_3 = arith.remsi %mul3A_2, %rem3A : i32
    "tpu.region"() ({
      %run_scoped3A = tpu.sem_alloc : memref<!tpu.dma_semaphore, #tpu.memory_space<semaphore_mem>>
      tpu.enqueue_dma source(%arg7 : memref<768xf32, #tpu.memory_space<hbm>>) target(%arg22 : memref<768xf32, #tpu.memory_space<vmem>>) target_semaphore(%run_scoped3A : memref<!tpu.dma_semaphore, #tpu.memory_space<semaphore_mem>>)
      tpu.wait_dma2 semaphore(%run_scoped3A : memref<!tpu.dma_semaphore, #tpu.memory_space<semaphore_mem>>) src(%arg7 : memref<768xf32, #tpu.memory_space<hbm>>) dst(%arg22 : memref<768xf32, #tpu.memory_space<vmem>>)
      tpu.yield
    }) : () -> ()
    "tpu.region"() ({
      %run_scoped3A = tpu.sem_alloc : memref<!tpu.dma_semaphore, #tpu.memory_space<semaphore_mem>>
      tpu.enqueue_dma source(%arg8 : memref<768xf32, #tpu.memory_space<hbm>>) target(%arg23 : memref<768xf32, #tpu.memory_space<vmem>>) target_semaphore(%run_scoped3A : memref<!tpu.dma_semaphore, #tpu.memory_space<semaphore_mem>>)
      tpu.wait_dma2 semaphore(%run_scoped3A : memref<!tpu.dma_semaphore, #tpu.memory_space<semaphore_mem>>) src(%arg8 : memref<768xf32, #tpu.memory_space<hbm>>) dst(%arg23 : memref<768xf32, #tpu.memory_space<vmem>>)
      tpu.yield
    }) : () -> ()
    "tpu.region"() ({
      %run_scoped3A = tpu.sem_alloc : memref<!tpu.dma_semaphore, #tpu.memory_space<semaphore_mem>>
      tpu.enqueue_dma source(%arg6 : memref<2x768xf32, #tpu.memory_space<hbm>>) target(%arg21 : memref<2x768xf32, #tpu.memory_space<vmem>>) target_semaphore(%run_scoped3A : memref<!tpu.dma_semaphore, #tpu.memory_space<semaphore_mem>>)
      tpu.wait_dma2 semaphore(%run_scoped3A : memref<!tpu.dma_semaphore, #tpu.memory_space<semaphore_mem>>) src(%arg6 : memref<2x768xf32, #tpu.memory_space<hbm>>) dst(%arg21 : memref<2x768xf32, #tpu.memory_space<vmem>>)
      tpu.yield
    }) : () -> ()
    %add3A_4 = arith.constant 0 : i32
    %add3A_5 = arith.addi %mul3A_2, %add3A_4 : i32
    %add3A_6 = arith.constant 0 : i32
    %add3A_7 = arith.addi %rem3A_3, %add3A_6 : i32
    "tpu.region"() ({
      %run_scoped3A = tpu.sem_alloc : memref<!tpu.dma_semaphore, #tpu.memory_space<semaphore_mem>>
      %dma_start3A_40 = tpu.memref_slice %arg2[%add3A_5] : memref<8192xi32, #tpu.memory_space<hbm>> -> memref<16xi32, #tpu.memory_space<hbm>>
      %dma_start3A_41 = tpu.memref_slice %arg2[%add3A_5] : memref<8192xi32, #tpu.memory_space<hbm>> -> memref<16xi32, #tpu.memory_space<hbm>>
      tpu.enqueue_dma source(%dma_start3A_41 : memref<16xi32, #tpu.memory_space<hbm>>) target(%arg10 : memref<16xi32, #tpu.memory_space<vmem>>) target_semaphore(%run_scoped3A : memref<!tpu.dma_semaphore, #tpu.memory_space<semaphore_mem>>)
      %dma_wait3A_42 = tpu.memref_slice %arg2[%add3A_5] : memref<8192xi32, #tpu.memory_space<hbm>> -> memref<16xi32, #tpu.memory_space<hbm>>
      %dma_wait3A_43 = tpu.memref_slice %arg2[%add3A_5] : memref<8192xi32, #tpu.memory_space<hbm>> -> memref<16xi32, #tpu.memory_space<hbm>>
      tpu.wait_dma2 semaphore(%run_scoped3A : memref<!tpu.dma_semaphore, #tpu.memory_space<semaphore_mem>>) src(%dma_wait3A_43 : memref<16xi32, #tpu.memory_space<hbm>>) dst(%arg10 : memref<16xi32, #tpu.memory_space<vmem>>)
      tpu.yield
    }) : () -> ()
    "tpu.region"() ({
      %run_scoped3A = tpu.sem_alloc : memref<!tpu.dma_semaphore, #tpu.memory_space<semaphore_mem>>
      %dma_start3A_40 = tpu.memref_slice %arg3[%add3A_5] : memref<8192xi32, #tpu.memory_space<hbm>> -> memref<16xi32, #tpu.memory_space<hbm>>
      %dma_start3A_41 = tpu.memref_slice %arg3[%add3A_5] : memref<8192xi32, #tpu.memory_space<hbm>> -> memref<16xi32, #tpu.memory_space<hbm>>
      tpu.enqueue_dma source(%dma_start3A_41 : memref<16xi32, #tpu.memory_space<hbm>>) target(%arg12 : memref<16xi32, #tpu.memory_space<vmem>>) target_semaphore(%run_scoped3A : memref<!tpu.dma_semaphore, #tpu.memory_space<semaphore_mem>>)
      %dma_wait3A_42 = tpu.memref_slice %arg3[%add3A_5] : memref<8192xi32, #tpu.memory_space<hbm>> -> memref<16xi32, #tpu.memory_space<hbm>>
      %dma_wait3A_43 = tpu.memref_slice %arg3[%add3A_5] : memref<8192xi32, #tpu.memory_space<hbm>> -> memref<16xi32, #tpu.memory_space<hbm>>
      tpu.wait_dma2 semaphore(%run_scoped3A : memref<!tpu.dma_semaphore, #tpu.memory_space<semaphore_mem>>) src(%dma_wait3A_43 : memref<16xi32, #tpu.memory_space<hbm>>) dst(%arg12 : memref<16xi32, #tpu.memory_space<vmem>>)
      tpu.yield
    }) : () -> ()
    %dma_start3A = arith.constant 0 : i32
    %dma_start3A_8 = arith.constant 0 : i32
    %dma_start3A_9 = tpu.memref_slice %arg4[%dma_start3A, %dma_start3A_8] : memref<30528x768xf32, #tpu.memory_space<hbm>> -> memref<30528x768xf32, #tpu.memory_space<hbm>>
    tpu.enqueue_indirect_dma source(%dma_start3A_9 : memref<30528x768xf32, #tpu.memory_space<hbm>>) target(%arg14 : memref<16x768xf32, #tpu.memory_space<vmem>>) offsets(%arg10 : memref<16xi32, #tpu.memory_space<vmem>>) semaphore(%arg26 : memref<!tpu.dma_semaphore, #tpu.memory_space<semaphore_mem>>)
    %dma_start3A_10 = arith.constant 0 : i32
    %dma_start3A_11 = tpu.memref_slice %arg5[%add3A_7, %dma_start3A_10] : memref<2048x768xf32, #tpu.memory_space<hbm>> -> memref<16x768xf32, #tpu.memory_space<hbm>>
    %dma_start3A_12 = arith.constant 0 : i32
    %dma_start3A_13 = tpu.memref_slice %arg5[%add3A_7, %dma_start3A_12] : memref<2048x768xf32, #tpu.memory_space<hbm>> -> memref<16x768xf32, #tpu.memory_space<hbm>>
    tpu.enqueue_dma source(%dma_start3A_13 : memref<16x768xf32, #tpu.memory_space<hbm>>) target(%arg16 : memref<16x768xf32, #tpu.memory_space<vmem>>) target_semaphore(%arg28 : memref<!tpu.dma_semaphore, #tpu.memory_space<semaphore_mem>>)
    %add3A_14 = arith.constant 16 : i32
    %add3A_15 = arith.addi %mul3A_2, %add3A_14 : i32
    %add3A_16 = arith.constant 16 : i32
    %add3A_17 = arith.addi %rem3A_3, %add3A_16 : i32
    "tpu.region"() ({
      %run_scoped3A = tpu.sem_alloc : memref<!tpu.dma_semaphore, #tpu.memory_space<semaphore_mem>>
      %dma_start3A_40 = tpu.memref_slice %arg2[%add3A_15] : memref<8192xi32, #tpu.memory_space<hbm>> -> memref<16xi32, #tpu.memory_space<hbm>>
      %dma_start3A_41 = tpu.memref_slice %arg2[%add3A_15] : memref<8192xi32, #tpu.memory_space<hbm>> -> memref<16xi32, #tpu.memory_space<hbm>>
      tpu.enqueue_dma source(%dma_start3A_41 : memref<16xi32, #tpu.memory_space<hbm>>) target(%arg11 : memref<16xi32, #tpu.memory_space<vmem>>) target_semaphore(%run_scoped3A : memref<!tpu.dma_semaphore, #tpu.memory_space<semaphore_mem>>)
      %dma_wait3A_42 = tpu.memref_slice %arg2[%add3A_15] : memref<8192xi32, #tpu.memory_space<hbm>> -> memref<16xi32, #tpu.memory_space<hbm>>
      %dma_wait3A_43 = tpu.memref_slice %arg2[%add3A_15] : memref<8192xi32, #tpu.memory_space<hbm>> -> memref<16xi32, #tpu.memory_space<hbm>>
      tpu.wait_dma2 semaphore(%run_scoped3A : memref<!tpu.dma_semaphore, #tpu.memory_space<semaphore_mem>>) src(%dma_wait3A_43 : memref<16xi32, #tpu.memory_space<hbm>>) dst(%arg11 : memref<16xi32, #tpu.memory_space<vmem>>)
      tpu.yield
    }) : () -> ()
    "tpu.region"() ({
      %run_scoped3A = tpu.sem_alloc : memref<!tpu.dma_semaphore, #tpu.memory_space<semaphore_mem>>
      %dma_start3A_40 = tpu.memref_slice %arg3[%add3A_15] : memref<8192xi32, #tpu.memory_space<hbm>> -> memref<16xi32, #tpu.memory_space<hbm>>
      %dma_start3A_41 = tpu.memref_slice %arg3[%add3A_15] : memref<8192xi32, #tpu.memory_space<hbm>> -> memref<16xi32, #tpu.memory_space<hbm>>
      tpu.enqueue_dma source(%dma_start3A_41 : memref<16xi32, #tpu.memory_space<hbm>>) target(%arg13 : memref<16xi32, #tpu.memory_space<vmem>>) target_semaphore(%run_scoped3A : memref<!tpu.dma_semaphore, #tpu.memory_space<semaphore_mem>>)
      %dma_wait3A_42 = tpu.memref_slice %arg3[%add3A_15] : memref<8192xi32, #tpu.memory_space<hbm>> -> memref<16xi32, #tpu.memory_space<hbm>>
      %dma_wait3A_43 = tpu.memref_slice %arg3[%add3A_15] : memref<8192xi32, #tpu.memory_space<hbm>> -> memref<16xi32, #tpu.memory_space<hbm>>
      tpu.wait_dma2 semaphore(%run_scoped3A : memref<!tpu.dma_semaphore, #tpu.memory_space<semaphore_mem>>) src(%dma_wait3A_43 : memref<16xi32, #tpu.memory_space<hbm>>) dst(%arg13 : memref<16xi32, #tpu.memory_space<vmem>>)
      tpu.yield
    }) : () -> ()
    %dma_start3A_18 = arith.constant 0 : i32
    %dma_start3A_19 = arith.constant 0 : i32
    %dma_start3A_20 = tpu.memref_slice %arg4[%dma_start3A_18, %dma_start3A_19] : memref<30528x768xf32, #tpu.memory_space<hbm>> -> memref<30528x768xf32, #tpu.memory_space<hbm>>
    tpu.enqueue_indirect_dma source(%dma_start3A_20 : memref<30528x768xf32, #tpu.memory_space<hbm>>) target(%arg15 : memref<16x768xf32, #tpu.memory_space<vmem>>) offsets(%arg11 : memref<16xi32, #tpu.memory_space<vmem>>) semaphore(%arg27 : memref<!tpu.dma_semaphore, #tpu.memory_space<semaphore_mem>>)
    %dma_start3A_21 = arith.constant 0 : i32
    %dma_start3A_22 = tpu.memref_slice %arg5[%add3A_17, %dma_start3A_21] : memref<2048x768xf32, #tpu.memory_space<hbm>> -> memref<16x768xf32, #tpu.memory_space<hbm>>
    %dma_start3A_23 = arith.constant 0 : i32
    %dma_start3A_24 = tpu.memref_slice %arg5[%add3A_17, %dma_start3A_23] : memref<2048x768xf32, #tpu.memory_space<hbm>> -> memref<16x768xf32, #tpu.memory_space<hbm>>
    tpu.enqueue_dma source(%dma_start3A_24 : memref<16x768xf32, #tpu.memory_space<hbm>>) target(%arg17 : memref<16x768xf32, #tpu.memory_space<vmem>>) target_semaphore(%arg29 : memref<!tpu.dma_semaphore, #tpu.memory_space<semaphore_mem>>)
    %scan3A = arith.constant 0 : i32
    %scan3A_25 = arith.constant 8 : i32
    %scan3A_26 = arith.addi %scan3A, %scan3A_25 : i32
    %scan3A_27 = arith.constant 1 : i32
    scf.for %scan3A_40 = %scan3A to %scan3A_26 step %scan3A_27  : i32 {
      %mul3A_41 = arith.constant 2 : i32
      %mul3A_42 = arith.muli %scan3A_40, %mul3A_41 : i32
      %add3A_43 = arith.constant 0 : i32
      %add3A_44 = arith.addi %add3A_43, %mul3A_42 : i32
      %mul3A_45 = arith.constant 16 : i32
      %mul3A_46 = arith.muli %add3A_44, %mul3A_45 : i32
      %add3A_47 = arith.addi %mul3A_2, %mul3A_46 : i32
      %dma_wait3A_48 = arith.constant 0 : i32
      %dma_wait3A_49 = arith.constant 0 : i32
      %dma_wait3A_50 = tpu.memref_slice %arg4[%dma_wait3A_48, %dma_wait3A_49] : memref<30528x768xf32, #tpu.memory_space<hbm>> -> memref<30528x768xf32, #tpu.memory_space<hbm>>
      tpu.wait_indirect_dma semaphore(%arg26 : memref<!tpu.dma_semaphore, #tpu.memory_space<semaphore_mem>>) src(%dma_wait3A_50 : memref<30528x768xf32, #tpu.memory_space<hbm>>) dst(%arg14 : memref<16x768xf32, #tpu.memory_space<vmem>>)
      %dma_wait3A_51 = arith.constant 0 : i32
      %dma_wait3A_52 = tpu.memref_slice %arg5[%rem3A_3, %dma_wait3A_51] : memref<2048x768xf32, #tpu.memory_space<hbm>> -> memref<16x768xf32, #tpu.memory_space<hbm>>
      %dma_wait3A_53 = arith.constant 0 : i32
      %dma_wait3A_54 = tpu.memref_slice %arg5[%rem3A_3, %dma_wait3A_53] : memref<2048x768xf32, #tpu.memory_space<hbm>> -> memref<16x768xf32, #tpu.memory_space<hbm>>
      tpu.wait_dma2 semaphore(%arg28 : memref<!tpu.dma_semaphore, #tpu.memory_space<semaphore_mem>>) src(%dma_wait3A_54 : memref<16x768xf32, #tpu.memory_space<hbm>>) dst(%arg16 : memref<16x768xf32, #tpu.memory_space<vmem>>)
      %get3A = arith.constant 0 : index
      %get3A_55 = tpu.vector_load %arg12[%get3A] {strides = array<i32>} : memref<16xi32, #tpu.memory_space<vmem>>, vector<16xi32>,
      %broadcast_in_dim3A = arith.constant 0 : i32
      %broadcast_in_dim3A_56 = vector.broadcast %broadcast_in_dim3A : i32 to vector<16x1xi32>
      %gather3A = vector.shape_cast %broadcast_in_dim3A_56 : vector<16x1xi32> to vector<16xi32>
      %gather3A_57 = tpu.dynamic_gather %get3A_55[%gather3A] in [0] : vector<16xi32>, vector<16xi32> -> vector<16xi32>
      %gt3A = arith.constant 0 : i32
      %gt3A_58 = vector.broadcast %gt3A : i32 to vector<16xi32>
      %gt3A_59 = arith.cmpi sgt, %gather3A_57, %gt3A_58 : vector<16xi32>
      %broadcast_in_dim3A_60 = arith.constant 1 : i32
      %broadcast_in_dim3A_61 = vector.broadcast %broadcast_in_dim3A_60 : i32 to vector<16x1xi32>
      %gather3A_62 = vector.shape_cast %broadcast_in_dim3A_61 : vector<16x1xi32> to vector<16xi32>
      %gather3A_63 = tpu.dynamic_gather %get3A_55[%gather3A_62] in [0] : vector<16xi32>, vector<16xi32> -> vector<16xi32>
      %gt3A_64 = arith.constant 0 : i32
      %gt3A_65 = vector.broadcast %gt3A_64 : i32 to vector<16xi32>
      %gt3A_66 = arith.cmpi sgt, %gather3A_63, %gt3A_65 : vector<16xi32>
      %broadcast_in_dim3A_67 = arith.constant 2 : i32
      %broadcast_in_dim3A_68 = vector.broadcast %broadcast_in_dim3A_67 : i32 to vector<16x1xi32>
      %gather3A_69 = vector.shape_cast %broadcast_in_dim3A_68 : vector<16x1xi32> to vector<16xi32>
      %gather3A_70 = tpu.dynamic_gather %get3A_55[%gather3A_69] in [0] : vector<16xi32>, vector<16xi32> -> vector<16xi32>
      %gt3A_71 = arith.constant 0 : i32
      %gt3A_72 = vector.broadcast %gt3A_71 : i32 to vector<16xi32>
      %gt3A_73 = arith.cmpi sgt, %gather3A_70, %gt3A_72 : vector<16xi32>
      %broadcast_in_dim3A_74 = arith.constant 3 : i32
      %broadcast_in_dim3A_75 = vector.broadcast %broadcast_in_dim3A_74 : i32 to vector<16x1xi32>
      %gather3A_76 = vector.shape_cast %broadcast_in_dim3A_75 : vector<16x1xi32> to vector<16xi32>
      %gather3A_77 = tpu.dynamic_gather %get3A_55[%gather3A_76] in [0] : vector<16xi32>, vector<16xi32> -> vector<16xi32>
      %gt3A_78 = arith.constant 0 : i32
      %gt3A_79 = vector.broadcast %gt3A_78 : i32 to vector<16xi32>
      %gt3A_80 = arith.cmpi sgt, %gather3A_77, %gt3A_79 : vector<16xi32>
      %broadcast_in_dim3A_81 = arith.constant 4 : i32
      %broadcast_in_dim3A_82 = vector.broadcast %broadcast_in_dim3A_81 : i32 to vector<16x1xi32>
      %gather3A_83 = vector.shape_cast %broadcast_in_dim3A_82 : vector<16x1xi32> to vector<16xi32>
      %gather3A_84 = tpu.dynamic_gather %get3A_55[%gather3A_83] in [0] : vector<16xi32>, vector<16xi32> -> vector<16xi32>
      %gt3A_85 = arith.constant 0 : i32
      %gt3A_86 = vector.broadcast %gt3A_85 : i32 to vector<16xi32>
      %gt3A_87 = arith.cmpi sgt, %gather3A_84, %gt3A_86 : vector<16xi32>
      %broadcast_in_dim3A_88 = arith.constant 5 : i32
      %broadcast_in_dim3A_89 = vector.broadcast %broadcast_in_dim3A_88 : i32 to vector<16x1xi32>
      %gather3A_90 = vector.shape_cast %broadcast_in_dim3A_89 : vector<16x1xi32> to vector<16xi32>
      %gather3A_91 = tpu.dynamic_gather %get3A_55[%gather3A_90] in [0] : vector<16xi32>, vector<16xi32> -> vector<16xi32>
      %gt3A_92 = arith.constant 0 : i32
      %gt3A_93 = vector.broadcast %gt3A_92 : i32 to vector<16xi32>
      %gt3A_94 = arith.cmpi sgt, %gather3A_91, %gt3A_93 : vector<16xi32>
      %broadcast_in_dim3A_95 = arith.constant 6 : i32
      %broadcast_in_dim3A_96 = vector.broadcast %broadcast_in_dim3A_95 : i32 to vector<16x1xi32>
      %gather3A_97 = vector.shape_cast %broadcast_in_dim3A_96 : vector<16x1xi32> to vector<16xi32>
      %gather3A_98 = tpu.dynamic_gather %get3A_55[%gather3A_97] in [0] : vector<16xi32>, vector<16xi32> -> vector<16xi32>
      %gt3A_99 = arith.constant 0 : i32
      %gt3A_100 = vector.broadcast %gt3A_99 : i32 to vector<16xi32>
      %gt3A_101 = arith.cmpi sgt, %gather3A_98, %gt3A_100 : vector<16xi32>
      %broadcast_in_dim3A_102 = arith.constant 7 : i32
      %broadcast_in_dim3A_103 = vector.broadcast %broadcast_in_dim3A_102 : i32 to vector<16x1xi32>
      %gather3A_104 = vector.shape_cast %broadcast_in_dim3A_103 : vector<16x1xi32> to vector<16xi32>
      %gather3A_105 = tpu.dynamic_gather %get3A_55[%gather3A_104] in [0] : vector<16xi32>, vector<16xi32> -> vector<16xi32>
      %gt3A_106 = arith.constant 0 : i32
      %gt3A_107 = vector.broadcast %gt3A_106 : i32 to vector<16xi32>
      %gt3A_108 = arith.cmpi sgt, %gather3A_105, %gt3A_107 : vector<16xi32>
      %broadcast_in_dim3A_109 = arith.constant 0.000000e+00 : f32
      %broadcast_in_dim3A_110 = vector.broadcast %broadcast_in_dim3A_109 : f32 to vector<16xf32>
      %parallel_loop3A = arith.constant 0 : i32
      %parallel_loop3A_111 = arith.constant 48 : i32
      %parallel_loop3A_112 = arith.constant 1 : i32
      %parallel_loop3A_113:16 = scf.for %parallel_loop3A_2173 = %parallel_loop3A to %parallel_loop3A_111 step %parallel_loop3A_112 iter_args(%parallel_loop3A_2174 = %broadcast_in_dim3A_110, %parallel_loop3A_2175 = %broadcast_in_dim3A_110, %parallel_loop3A_2176 = %broadcast_in_dim3A_110, %parallel_loop3A_2177 = %broadcast_in_dim3A_110, %parallel_loop3A_2178 = %broadcast_in_dim3A_110, %parallel_loop3A_2179 = %broadcast_in_dim3A_110, %parallel_loop3A_2180 = %broadcast_in_dim3A_110, %parallel_loop3A_2181 = %broadcast_in_dim3A_110, %parallel_loop3A_2182 = %broadcast_in_dim3A_110, %parallel_loop3A_2183 = %broadcast_in_dim3A_110, %parallel_loop3A_2184 = %broadcast_in_dim3A_110, %parallel_loop3A_2185 = %broadcast_in_dim3A_110, %parallel_loop3A_2186 = %broadcast_in_dim3A_110, %parallel_loop3A_2187 = %broadcast_in_dim3A_110, %parallel_loop3A_2188 = %broadcast_in_dim3A_110, %parallel_loop3A_2189 = %broadcast_in_dim3A_110) -> (vector<16xf32>, vector<16xf32>, vector<16xf32>, vector<16xf32>, vector<16xf32>, vector<16xf32>, vector<16xf32>, vector<16xf32>, vector<16xf32>, vector<16xf32>, vector<16xf32>, vector<16xf32>, vector<16xf32>, vector<16xf32>, vector<16xf32>, vector<16xf32>)  : i32 {
        %parallel_loop3A_2190 = arith.constant 16 : i32
        %parallel_loop3A_2191 = arith.muli %parallel_loop3A_2173, %parallel_loop3A_2190 : i32
        %parallel_loop3A_2192 = arith.constant 0 : i32
        %parallel_loop3A_2193 = arith.index_cast %parallel_loop3A_2192 : i32 to index
        %parallel_loop3A_2194 = arith.index_cast %parallel_loop3A_2191 : i32 to index
        %parallel_loop3A_2195 = tpu.vector_load %arg21[%parallel_loop3A_2193, %parallel_loop3A_2194] {strides = array<i32>} : memref<2x768xf32, #tpu.memory_space<vmem>>, vector<16xf32>,
        %parallel_loop3A_2196 = arith.constant 1 : i32
        %parallel_loop3A_2197 = arith.index_cast %parallel_loop3A_2196 : i32 to index
        %parallel_loop3A_2198 = arith.index_cast %parallel_loop3A_2191 : i32 to index
        %parallel_loop3A_2199 = tpu.vector_load %arg21[%parallel_loop3A_2197, %parallel_loop3A_2198] {strides = array<i32>} : memref<2x768xf32, #tpu.memory_space<vmem>>, vector<16xf32>,
        %parallel_loop3A_2200 = arith.constant 0 : i32
        %parallel_loop3A_2201 = arith.index_cast %parallel_loop3A_2200 : i32 to index
        %parallel_loop3A_2202 = arith.index_cast %parallel_loop3A_2191 : i32 to index
        %parallel_loop3A_2203 = tpu.vector_load %arg14[%parallel_loop3A_2201, %parallel_loop3A_2202] {strides = array<i32>} : memref<16x768xf32, #tpu.memory_space<vmem>>, vector<16xf32>,
        %parallel_loop3A_2204 = arith.constant 0 : i32
        %parallel_loop3A_2205 = arith.index_cast %parallel_loop3A_2204 : i32 to index
        %parallel_loop3A_2206 = arith.index_cast %parallel_loop3A_2191 : i32 to index
        %parallel_loop3A_2207 = tpu.vector_load %arg16[%parallel_loop3A_2205, %parallel_loop3A_2206] {strides = array<i32>} : memref<16x768xf32, #tpu.memory_space<vmem>>, vector<16xf32>,
        %parallel_loop3A_2208 = arith.select %gt3A_59, %parallel_loop3A_2199, %parallel_loop3A_2195 : vector<16xi1>, vector<16xf32>
        %parallel_loop3A_2209 = arith.addf %parallel_loop3A_2207, %parallel_loop3A_2208 : vector<16xf32>
        %parallel_loop3A_2210 = arith.addf %parallel_loop3A_2203, %parallel_loop3A_2209 : vector<16xf32>
        %parallel_loop3A_2211 = arith.constant 0 : i32
        %parallel_loop3A_2212 = arith.index_cast %parallel_loop3A_2211 : i32 to index
        %parallel_loop3A_2213 = arith.index_cast %parallel_loop3A_2191 : i32 to index
        %parallel_loop3A_2214 = tpu.vector_load %arg18[%parallel_loop3A_2212, %parallel_loop3A_2213] {strides = array<i32>} : memref<16x768xf32, #tpu.memory_space<vmem>>, vector<16xf32>,
        tpu.vector_store %arg18[%parallel_loop3A_2212, %parallel_loop3A_2213], %parallel_loop3A_2210 {strides = array<i32>} : memref<16x768xf32, #tpu.memory_space<vmem>>, vector<16xf32>,
        %parallel_loop3A_2215 = arith.addf %parallel_loop3A_2174, %parallel_loop3A_2210 : vector<16xf32>
        %parallel_loop3A_2216 = arith.mulf %parallel_loop3A_2210, %parallel_loop3A_2210 : vector<16xf32>
        %parallel_loop3A_2217 = arith.addf %parallel_loop3A_2182, %parallel_loop3A_2216 : vector<16xf32>
        %parallel_loop3A_2218 = arith.constant 1 : i32
        %parallel_loop3A_2219 = arith.index_cast %parallel_loop3A_2218 : i32 to index
        %parallel_loop3A_2220 = arith.index_cast %parallel_loop3A_2191 : i32 to index
        %parallel_loop3A_2221 = tpu.vector_load %arg14[%parallel_loop3A_2219, %parallel_loop3A_2220] {strides = array<i32>} : memref<16x768xf32, #tpu.memory_space<vmem>>, vector<16xf32>,
        %parallel_loop3A_2222 = arith.constant 1 : i32
        %parallel_loop3A_2223 = arith.index_cast %parallel_loop3A_2222 : i32 to index
        %parallel_loop3A_2224 = arith.index_cast %parallel_loop3A_2191 : i32 to index
        %parallel_loop3A_2225 = tpu.vector_load %arg16[%parallel_loop3A_2223, %parallel_loop3A_2224] {strides = array<i32>} : memref<16x768xf32, #tpu.memory_space<vmem>>, vector<16xf32>,
        %parallel_loop3A_2226 = arith.select %gt3A_66, %parallel_loop3A_2199, %parallel_loop3A_2195 : vector<16xi1>, vector<16xf32>
        %parallel_loop3A_2227 = arith.addf %parallel_loop3A_2225, %parallel_loop3A_2226 : vector<16xf32>
        %parallel_loop3A_2228 = arith.addf %parallel_loop3A_2221, %parallel_loop3A_2227 : vector<16xf32>
        %parallel_loop3A_2229 = arith.constant 1 : i32
        %parallel_loop3A_2230 = arith.index_cast %parallel_loop3A_2229 : i32 to index
        %parallel_loop3A_2231 = arith.index_cast %parallel_loop3A_2191 : i32 to index
        %parallel_loop3A_2232 = tpu.vector_load %arg18[%parallel_loop3A_2230, %parallel_loop3A_2231] {strides = array<i32>} : memref<16x768xf32, #tpu.memory_space<vmem>>, vector<16xf32>,
        tpu.vector_store %arg18[%parallel_loop3A_2230, %parallel_loop3A_2231], %parallel_loop3A_2228 {strides = array<i32>} : memref<16x768xf32, #tpu.memory_space<vmem>>, vector<16xf32>,
        %parallel_loop3A_2233 = arith.addf %parallel_loop3A_2175, %parallel_loop3A_2228 : vector<16xf32>
        %parallel_loop3A_2234 = arith.mulf %parallel_loop3A_2228, %parallel_loop3A_2228 : vector<16xf32>
        %parallel_loop3A_2235 = arith.addf %parallel_loop3A_2183, %parallel_loop3A_2234 : vector<16xf32>
        %parallel_loop3A_2236 = arith.constant 2 : i32
        %parallel_loop3A_2237 = arith.index_cast %parallel_loop3A_2236 : i32 to index
        %parallel_loop3A_2238 = arith.index_cast %parallel_loop3A_2191 : i32 to index
        %parallel_loop3A_2239 = tpu.vector_load %arg14[%parallel_loop3A_2237, %parallel_loop3A_2238] {strides = array<i32>} : memref<16x768xf32, #tpu.memory_space<vmem>>, vector<16xf32>,
        %parallel_loop3A_2240 = arith.constant 2 : i32
        %parallel_loop3A_2241 = arith.index_cast %parallel_loop3A_2240 : i32 to index
        %parallel_loop3A_2242 = arith.index_cast %parallel_loop3A_2191 : i32 to index
        %parallel_loop3A_2243 = tpu.vector_load %arg16[%parallel_loop3A_2241, %parallel_loop3A_2242] {strides = array<i32>} : memref<16x768xf32, #tpu.memory_space<vmem>>, vector<16xf32>,
        %parallel_loop3A_2244 = arith.select %gt3A_73, %parallel_loop3A_2199, %parallel_loop3A_2195 : vector<16xi1>, vector<16xf32>
        %parallel_loop3A_2245 = arith.addf %parallel_loop3A_2243, %parallel_loop3A_2244 : vector<16xf32>
        %parallel_loop3A_2246 = arith.addf %parallel_loop3A_2239, %parallel_loop3A_2245 : vector<16xf32>
        %parallel_loop3A_2247 = arith.constant 2 : i32
        %parallel_loop3A_2248 = arith.index_cast %parallel_loop3A_2247 : i32 to index
        %parallel_loop3A_2249 = arith.index_cast %parallel_loop3A_2191 : i32 to index
        %parallel_loop3A_2250 = tpu.vector_load %arg18[%parallel_loop3A_2248, %parallel_loop3A_2249] {strides = array<i32>} : memref<16x768xf32, #tpu.memory_space<vmem>>, vector<16xf32>,
        tpu.vector_store %arg18[%parallel_loop3A_2248, %parallel_loop3A_2249], %parallel_loop3A_2246 {strides = array<i32>} : memref<16x768xf32, #tpu.memory_space<vmem>>, vector<16xf32>,
        %parallel_loop3A_2251 = arith.addf %parallel_loop3A_2176, %parallel_loop3A_2246 : vector<16xf32>
        %parallel_loop3A_2252 = arith.mulf %parallel_loop3A_2246, %parallel_loop3A_2246 : vector<16xf32>
        %parallel_loop3A_2253 = arith.addf %parallel_loop3A_2184, %parallel_loop3A_2252 : vector<16xf32>
        %parallel_loop3A_2254 = arith.constant 3 : i32
        %parallel_loop3A_2255 = arith.index_cast %parallel_loop3A_2254 : i32 to index
        %parallel_loop3A_2256 = arith.index_cast %parallel_loop3A_2191 : i32 to index
        %parallel_loop3A_2257 = tpu.vector_load %arg14[%parallel_loop3A_2255, %parallel_loop3A_2256] {strides = array<i32>} : memref<16x768xf32, #tpu.memory_space<vmem>>, vector<16xf32>,
        %parallel_loop3A_2258 = arith.constant 3 : i32
        %parallel_loop3A_2259 = arith.index_cast %parallel_loop3A_2258 : i32 to index
        %parallel_loop3A_2260 = arith.index_cast %parallel_loop3A_2191 : i32 to index
        %parallel_loop3A_2261 = tpu.vector_load %arg16[%parallel_loop3A_2259, %parallel_loop3A_2260] {strides = array<i32>} : memref<16x768xf32, #tpu.memory_space<vmem>>, vector<16xf32>,
        %parallel_loop3A_2262 = arith.select %gt3A_80, %parallel_loop3A_2199, %parallel_loop3A_2195 : vector<16xi1>, vector<16xf32>
        %parallel_loop3A_2263 = arith.addf %parallel_loop3A_2261, %parallel_loop3A_2262 : vector<16xf32>
        %parallel_loop3A_2264 = arith.addf %parallel_loop3A_2257, %parallel_loop3A_2263 : vector<16xf32>
        %parallel_loop3A_2265 = arith.constant 3 : i32
        %parallel_loop3A_2266 = arith.index_cast %parallel_loop3A_2265 : i32 to index
        %parallel_loop3A_2267 = arith.index_cast %parallel_loop3A_2191 : i32 to index
        %parallel_loop3A_2268 = tpu.vector_load %arg18[%parallel_loop3A_2266, %parallel_loop3A_2267] {strides = array<i32>} : memref<16x768xf32, #tpu.memory_space<vmem>>, vector<16xf32>,
        tpu.vector_store %arg18[%parallel_loop3A_2266, %parallel_loop3A_2267], %parallel_loop3A_2264 {strides = array<i32>} : memref<16x768xf32, #tpu.memory_space<vmem>>, vector<16xf32>,
        %parallel_loop3A_2269 = arith.addf %parallel_loop3A_2177, %parallel_loop3A_2264 : vector<16xf32>
        %parallel_loop3A_2270 = arith.mulf %parallel_loop3A_2264, %parallel_loop3A_2264 : vector<16xf32>
        %parallel_loop3A_2271 = arith.addf %parallel_loop3A_2185, %parallel_loop3A_2270 : vector<16xf32>
        %parallel_loop3A_2272 = arith.constant 4 : i32
        %parallel_loop3A_2273 = arith.index_cast %parallel_loop3A_2272 : i32 to index
        %parallel_loop3A_2274 = arith.index_cast %parallel_loop3A_2191 : i32 to index
        %parallel_loop3A_2275 = tpu.vector_load %arg14[%parallel_loop3A_2273, %parallel_loop3A_2274] {strides = array<i32>} : memref<16x768xf32, #tpu.memory_space<vmem>>, vector<16xf32>,
        %parallel_loop3A_2276 = arith.constant 4 : i32
        %parallel_loop3A_2277 = arith.index_cast %parallel_loop3A_2276 : i32 to index
        %parallel_loop3A_2278 = arith.index_cast %parallel_loop3A_2191 : i32 to index
        %parallel_loop3A_2279 = tpu.vector_load %arg16[%parallel_loop3A_2277, %parallel_loop3A_2278] {strides = array<i32>} : memref<16x768xf32, #tpu.memory_space<vmem>>, vector<16xf32>,
        %parallel_loop3A_2280 = arith.select %gt3A_87, %parallel_loop3A_2199, %parallel_loop3A_2195 : vector<16xi1>, vector<16xf32>
        %parallel_loop3A_2281 = arith.addf %parallel_loop3A_2279, %parallel_loop3A_2280 : vector<16xf32>
        %parallel_loop3A_2282 = arith.addf %parallel_loop3A_2275, %parallel_loop3A_2281 : vector<16xf32>
        %parallel_loop3A_2283 = arith.constant 4 : i32
        %parallel_loop3A_2284 = arith.index_cast %parallel_loop3A_2283 : i32 to index
        %parallel_loop3A_2285 = arith.index_cast %parallel_loop3A_2191 : i32 to index
        %parallel_loop3A_2286 = tpu.vector_load %arg18[%parallel_loop3A_2284, %parallel_loop3A_2285] {strides = array<i32>} : memref<16x768xf32, #tpu.memory_space<vmem>>, vector<16xf32>,
        tpu.vector_store %arg18[%parallel_loop3A_2284, %parallel_loop3A_2285], %parallel_loop3A_2282 {strides = array<i32>} : memref<16x768xf32, #tpu.memory_space<vmem>>, vector<16xf32>,
        %parallel_loop3A_2287 = arith.addf %parallel_loop3A_2178, %parallel_loop3A_2282 : vector<16xf32>
        %parallel_loop3A_2288 = arith.mulf %parallel_loop3A_2282, %parallel_loop3A_2282 : vector<16xf32>
        %parallel_loop3A_2289 = arith.addf %parallel_loop3A_2186, %parallel_loop3A_2288 : vector<16xf32>
        %parallel_loop3A_2290 = arith.constant 5 : i32
        %parallel_loop3A_2291 = arith.index_cast %parallel_loop3A_2290 : i32 to index
        %parallel_loop3A_2292 = arith.index_cast %parallel_loop3A_2191 : i32 to index
        %parallel_loop3A_2293 = tpu.vector_load %arg14[%parallel_loop3A_2291, %parallel_loop3A_2292] {strides = array<i32>} : memref<16x768xf32, #tpu.memory_space<vmem>>, vector<16xf32>,
        %parallel_loop3A_2294 = arith.constant 5 : i32
        %parallel_loop3A_2295 = arith.index_cast %parallel_loop3A_2294 : i32 to index
        %parallel_loop3A_2296 = arith.index_cast %parallel_loop3A_2191 : i32 to index
        %parallel_loop3A_2297 = tpu.vector_load %arg16[%parallel_loop3A_2295, %parallel_loop3A_2296] {strides = array<i32>} : memref<16x768xf32, #tpu.memory_space<vmem>>, vector<16xf32>,
        %parallel_loop3A_2298 = arith.select %gt3A_94, %parallel_loop3A_2199, %parallel_loop3A_2195 : vector<16xi1>, vector<16xf32>
        %parallel_loop3A_2299 = arith.addf %parallel_loop3A_2297, %parallel_loop3A_2298 : vector<16xf32>
        %parallel_loop3A_2300 = arith.addf %parallel_loop3A_2293, %parallel_loop3A_2299 : vector<16xf32>
        %parallel_loop3A_2301 = arith.constant 5 : i32
        %parallel_loop3A_2302 = arith.index_cast %parallel_loop3A_2301 : i32 to index
        %parallel_loop3A_2303 = arith.index_cast %parallel_loop3A_2191 : i32 to index
        %parallel_loop3A_2304 = tpu.vector_load %arg18[%parallel_loop3A_2302, %parallel_loop3A_2303] {strides = array<i32>} : memref<16x768xf32, #tpu.memory_space<vmem>>, vector<16xf32>,
        tpu.vector_store %arg18[%parallel_loop3A_2302, %parallel_loop3A_2303], %parallel_loop3A_2300 {strides = array<i32>} : memref<16x768xf32, #tpu.memory_space<vmem>>, vector<16xf32>,
        %parallel_loop3A_2305 = arith.addf %parallel_loop3A_2179, %parallel_loop3A_2300 : vector<16xf32>
        %parallel_loop3A_2306 = arith.mulf %parallel_loop3A_2300, %parallel_loop3A_2300 : vector<16xf32>
        %parallel_loop3A_2307 = arith.addf %parallel_loop3A_2187, %parallel_loop3A_2306 : vector<16xf32>
        %parallel_loop3A_2308 = arith.constant 6 : i32
        %parallel_loop3A_2309 = arith.index_cast %parallel_loop3A_2308 : i32 to index
        %parallel_loop3A_2310 = arith.index_cast %parallel_loop3A_2191 : i32 to index
        %parallel_loop3A_2311 = tpu.vector_load %arg14[%parallel_loop3A_2309, %parallel_loop3A_2310] {strides = array<i32>} : memref<16x768xf32, #tpu.memory_space<vmem>>, vector<16xf32>,
        %parallel_loop3A_2312 = arith.constant 6 : i32
        %parallel_loop3A_2313 = arith.index_cast %parallel_loop3A_2312 : i32 to index
        %parallel_loop3A_2314 = arith.index_cast %parallel_loop3A_2191 : i32 to index
        %parallel_loop3A_2315 = tpu.vector_load %arg16[%parallel_loop3A_2313, %parallel_loop3A_2314] {strides = array<i32>} : memref<16x768xf32, #tpu.memory_space<vmem>>, vector<16xf32>,
        %parallel_loop3A_2316 = arith.select %gt3A_101, %parallel_loop3A_2199, %parallel_loop3A_2195 : vector<16xi1>, vector<16xf32>
        %parallel_loop3A_2317 = arith.addf %parallel_loop3A_2315, %parallel_loop3A_2316 : vector<16xf32>
        %parallel_loop3A_2318 = arith.addf %parallel_loop3A_2311, %parallel_loop3A_2317 : vector<16xf32>
        %parallel_loop3A_2319 = arith.constant 6 : i32
        %parallel_loop3A_2320 = arith.index_cast %parallel_loop3A_2319 : i32 to index
        %parallel_loop3A_2321 = arith.index_cast %parallel_loop3A_2191 : i32 to index
        %parallel_loop3A_2322 = tpu.vector_load %arg18[%parallel_loop3A_2320, %parallel_loop3A_2321] {strides = array<i32>} : memref<16x768xf32, #tpu.memory_space<vmem>>, vector<16xf32>,
        tpu.vector_store %arg18[%parallel_loop3A_2320, %parallel_loop3A_2321], %parallel_loop3A_2318 {strides = array<i32>} : memref<16x768xf32, #tpu.memory_space<vmem>>, vector<16xf32>,
        %parallel_loop3A_2323 = arith.addf %parallel_loop3A_2180, %parallel_loop3A_2318 : vector<16xf32>
        %parallel_loop3A_2324 = arith.mulf %parallel_loop3A_2318, %parallel_loop3A_2318 : vector<16xf32>
        %parallel_loop3A_2325 = arith.addf %parallel_loop3A_2188, %parallel_loop3A_2324 : vector<16xf32>
        %parallel_loop3A_2326 = arith.constant 7 : i32
        %parallel_loop3A_2327 = arith.index_cast %parallel_loop3A_2326 : i32 to index
        %parallel_loop3A_2328 = arith.index_cast %parallel_loop3A_2191 : i32 to index
        %parallel_loop3A_2329 = tpu.vector_load %arg14[%parallel_loop3A_2327, %parallel_loop3A_2328] {strides = array<i32>} : memref<16x768xf32, #tpu.memory_space<vmem>>, vector<16xf32>,
        %parallel_loop3A_2330 = arith.constant 7 : i32
        %parallel_loop3A_2331 = arith.index_cast %parallel_loop3A_2330 : i32 to index
        %parallel_loop3A_2332 = arith.index_cast %parallel_loop3A_2191 : i32 to index
        %parallel_loop3A_2333 = tpu.vector_load %arg16[%parallel_loop3A_2331, %parallel_loop3A_2332] {strides = array<i32>} : memref<16x768xf32, #tpu.memory_space<vmem>>, vector<16xf32>,
        %parallel_loop3A_2334 = arith.select %gt3A_108, %parallel_loop3A_2199, %parallel_loop3A_2195 : vector<16xi1>, vector<16xf32>
        %parallel_loop3A_2335 = arith.addf %parallel_loop3A_2333, %parallel_loop3A_2334 : vector<16xf32>
        %parallel_loop3A_2336 = arith.addf %parallel_loop3A_2329, %parallel_loop3A_2335 : vector<16xf32>
        %parallel_loop3A_2337 = arith.constant 7 : i32
        %parallel_loop3A_2338 = arith.index_cast %parallel_loop3A_2337 : i32 to index
        %parallel_loop3A_2339 = arith.index_cast %parallel_loop3A_2191 : i32 to index
        %parallel_loop3A_2340 = tpu.vector_load %arg18[%parallel_loop3A_2338, %parallel_loop3A_2339] {strides = array<i32>} : memref<16x768xf32, #tpu.memory_space<vmem>>, vector<16xf32>,
        tpu.vector_store %arg18[%parallel_loop3A_2338, %parallel_loop3A_2339], %parallel_loop3A_2336 {strides = array<i32>} : memref<16x768xf32, #tpu.memory_space<vmem>>, vector<16xf32>,
        %parallel_loop3A_2341 = arith.addf %parallel_loop3A_2181, %parallel_loop3A_2336 : vector<16xf32>
        %parallel_loop3A_2342 = arith.mulf %parallel_loop3A_2336, %parallel_loop3A_2336 : vector<16xf32>
        %parallel_loop3A_2343 = arith.addf %parallel_loop3A_2189, %parallel_loop3A_2342 : vector<16xf32>
        scf.yield %parallel_loop3A_2215, %parallel_loop3A_2233, %parallel_loop3A_2251, %parallel_loop3A_2269, %parallel_loop3A_2287, %parallel_loop3A_2305, %parallel_loop3A_2323, %parallel_loop3A_2341, %parallel_loop3A_2217, %parallel_loop3A_2235, %parallel_loop3A_2253, %parallel_loop3A_2271, %parallel_loop3A_2289, %parallel_loop3A_2307, %parallel_loop3A_2325, %parallel_loop3A_2343 : vector<16xf32>, vector<16xf32>, vector<16xf32>, vector<16xf32>, vector<16xf32>, vector<16xf32>, vector<16xf32>, vector<16xf32>, vector<16xf32>, vector<16xf32>, vector<16xf32>, vector<16xf32>, vector<16xf32>, vector<16xf32>, vector<16xf32>, vector<16xf32>
      } {sc.loop_unroll_factor = 1 : i64, sc.parallel_access}
      %reduce_sum3A = arith.constant true
      %reduce_sum3A_114 = vector.broadcast %reduce_sum3A : i1 to vector<16xi1>
      %reduce_sum3A_115 = tpu.scan <sum>, %parallel_loop3A_113#0 masked %reduce_sum3A_114 : vector<16xf32>, vector<16xi1> -> vector<16xf32>
      %reduce_sum3A_116 = vector.extract %reduce_sum3A_115[15] : f32 from vector<16xf32>
      %reduce_sum3A_117 = arith.constant true
      %reduce_sum3A_118 = vector.broadcast %reduce_sum3A_117 : i1 to vector<16xi1>
      %reduce_sum3A_119 = tpu.scan <sum>, %parallel_loop3A_113#8 masked %reduce_sum3A_118 : vector<16xf32>, vector<16xi1> -> vector<16xf32>
      %reduce_sum3A_120 = vector.extract %reduce_sum3A_119[15] : f32 from vector<16xf32>
      %mul3A_121 = arith.constant 0.00130208337 : f32
      %mul3A_122 = arith.mulf %reduce_sum3A_116, %mul3A_121 : f32
      %mul3A_123 = arith.constant 0.00130208337 : f32
      %mul3A_124 = arith.mulf %reduce_sum3A_120, %mul3A_123 : f32
      %mul3A_125 = arith.mulf %mul3A_122, %mul3A_122 : f32
      %sub3A = arith.subf %mul3A_124, %mul3A_125 : f32
      %add3A_126 = arith.constant 9.99999996E-13 : f32
      %add3A_127 = arith.addf %sub3A, %add3A_126 : f32
      %broadcast_in_dim3A_128 = vector.broadcast %add3A_127 : f32 to vector<16xf32>
      %bitcast_convert_type3A = tpu.bitcast %broadcast_in_dim3A_128 : vector<16xf32> -> vector<16xi32>
      %shift_right_arithmetic3A = arith.constant 1 : i32
      %shift_right_arithmetic3A_129 = vector.broadcast %shift_right_arithmetic3A : i32 to vector<16xi32>
      %shift_right_arithmetic3A_130 = arith.shrsi %bitcast_convert_type3A, %shift_right_arithmetic3A_129 : vector<16xi32>
      %sub3A_131 = arith.constant 1597463007 : i32
      %sub3A_132 = vector.broadcast %sub3A_131 : i32 to vector<16xi32>
      %sub3A_133 = arith.subi %sub3A_132, %shift_right_arithmetic3A_130 : vector<16xi32>
      %bitcast_convert_type3A_134 = tpu.bitcast %sub3A_133 : vector<16xi32> -> vector<16xf32>
      %mul3A_135 = arith.constant 5.000000e-01 : f32
      %mul3A_136 = vector.broadcast %mul3A_135 : f32 to vector<16xf32>
      %mul3A_137 = arith.mulf %broadcast_in_dim3A_128, %mul3A_136 : vector<16xf32>
      %mul3A_138 = arith.mulf %mul3A_137, %bitcast_convert_type3A_134 : vector<16xf32>
      %mul3A_139 = arith.mulf %mul3A_138, %bitcast_convert_type3A_134 : vector<16xf32>
      %sub3A_140 = arith.constant 1.500000e+00 : f32
      %sub3A_141 = vector.broadcast %sub3A_140 : f32 to vector<16xf32>
      %sub3A_142 = arith.subf %sub3A_141, %mul3A_139 : vector<16xf32>
      %mul3A_143 = arith.mulf %bitcast_convert_type3A_134, %sub3A_142 : vector<16xf32>
      %mul3A_144 = arith.mulf %mul3A_137, %mul3A_143 : vector<16xf32>
      %mul3A_145 = arith.mulf %mul3A_144, %mul3A_143 : vector<16xf32>
      %sub3A_146 = arith.constant 1.500000e+00 : f32
      %sub3A_147 = vector.broadcast %sub3A_146 : f32 to vector<16xf32>
      %sub3A_148 = arith.subf %sub3A_147, %mul3A_145 : vector<16xf32>
      %mul3A_149 = arith.mulf %mul3A_143, %sub3A_148 : vector<16xf32>
      %broadcast_in_dim3A_150 = vector.broadcast %mul3A_122 : f32 to vector<16xf32>
      %swap3A = arith.constant 0 : i32
      %swap3A_151 = arith.index_cast %swap3A : i32 to index
      %swap3A_152 = arith.constant 0 : index
      %swap3A_153 = tpu.vector_load %arg24[%swap3A_151, %swap3A_152] {strides = array<i32>} : memref<16x16xf32, #tpu.memory_space<vmem>>, vector<16xf32>,
      tpu.vector_store %arg24[%swap3A_151, %swap3A_152], %broadcast_in_dim3A_150 {strides = array<i32>} : memref<16x16xf32, #tpu.memory_space<vmem>>, vector<16xf32>,
      %swap3A_154 = arith.constant 0 : i32
      %swap3A_155 = arith.index_cast %swap3A_154 : i32 to index
      %swap3A_156 = arith.constant 0 : index
      %swap3A_157 = tpu.vector_load %arg25[%swap3A_155, %swap3A_156] {strides = array<i32>} : memref<16x16xf32, #tpu.memory_space<vmem>>, vector<16xf32>,
      tpu.vector_store %arg25[%swap3A_155, %swap3A_156], %mul3A_149 {strides = array<i32>} : memref<16x16xf32, #tpu.memory_space<vmem>>, vector<16xf32>,
      %reduce_sum3A_158 = arith.constant true
      %reduce_sum3A_159 = vector.broadcast %reduce_sum3A_158 : i1 to vector<16xi1>
      %reduce_sum3A_160 = tpu.scan <sum>, %parallel_loop3A_113#1 masked %reduce_sum3A_159 : vector<16xf32>, vector<16xi1> -> vector<16xf32>
      %reduce_sum3A_161 = vector.extract %reduce_sum3A_160[15] : f32 from vector<16xf32>
      %reduce_sum3A_162 = arith.constant true
      %reduce_sum3A_163 = vector.broadcast %reduce_sum3A_162 : i1 to vector<16xi1>
      %reduce_sum3A_164 = tpu.scan <sum>, %parallel_loop3A_113#9 masked %reduce_sum3A_163 : vector<16xf32>, vector<16xi1> -> vector<16xf32>
      %reduce_sum3A_165 = vector.extract %reduce_sum3A_164[15] : f32 from vector<16xf32>
      %mul3A_166 = arith.constant 0.00130208337 : f32
      %mul3A_167 = arith.mulf %reduce_sum3A_161, %mul3A_166 : f32
      %mul3A_168 = arith.constant 0.00130208337 : f32
      %mul3A_169 = arith.mulf %reduce_sum3A_165, %mul3A_168 : f32
      %mul3A_170 = arith.mulf %mul3A_167, %mul3A_167 : f32
      %sub3A_171 = arith.subf %mul3A_169, %mul3A_170 : f32
      %add3A_172 = arith.constant 9.99999996E-13 : f32
      %add3A_173 = arith.addf %sub3A_171, %add3A_172 : f32
      %broadcast_in_dim3A_174 = vector.broadcast %add3A_173 : f32 to vector<16xf32>
      %bitcast_convert_type3A_175 = tpu.bitcast %broadcast_in_dim3A_174 : vector<16xf32> -> vector<16xi32>
      %shift_right_arithmetic3A_176 = arith.constant 1 : i32
      %shift_right_arithmetic3A_177 = vector.broadcast %shift_right_arithmetic3A_176 : i32 to vector<16xi32>
      %shift_right_arithmetic3A_178 = arith.shrsi %bitcast_convert_type3A_175, %shift_right_arithmetic3A_177 : vector<16xi32>
      %sub3A_179 = arith.constant 1597463007 : i32
      %sub3A_180 = vector.broadcast %sub3A_179 : i32 to vector<16xi32>
      %sub3A_181 = arith.subi %sub3A_180, %shift_right_arithmetic3A_178 : vector<16xi32>
      %bitcast_convert_type3A_182 = tpu.bitcast %sub3A_181 : vector<16xi32> -> vector<16xf32>
      %mul3A_183 = arith.constant 5.000000e-01 : f32
      %mul3A_184 = vector.broadcast %mul3A_183 : f32 to vector<16xf32>
      %mul3A_185 = arith.mulf %broadcast_in_dim3A_174, %mul3A_184 : vector<16xf32>
      %mul3A_186 = arith.mulf %mul3A_185, %bitcast_convert_type3A_182 : vector<16xf32>
      %mul3A_187 = arith.mulf %mul3A_186, %bitcast_convert_type3A_182 : vector<16xf32>
      %sub3A_188 = arith.constant 1.500000e+00 : f32
      %sub3A_189 = vector.broadcast %sub3A_188 : f32 to vector<16xf32>
      %sub3A_190 = arith.subf %sub3A_189, %mul3A_187 : vector<16xf32>
      %mul3A_191 = arith.mulf %bitcast_convert_type3A_182, %sub3A_190 : vector<16xf32>
      %mul3A_192 = arith.mulf %mul3A_185, %mul3A_191 : vector<16xf32>
      %mul3A_193 = arith.mulf %mul3A_192, %mul3A_191 : vector<16xf32>
      %sub3A_194 = arith.constant 1.500000e+00 : f32
      %sub3A_195 = vector.broadcast %sub3A_194 : f32 to vector<16xf32>
      %sub3A_196 = arith.subf %sub3A_195, %mul3A_193 : vector<16xf32>
      %mul3A_197 = arith.mulf %mul3A_191, %sub3A_196 : vector<16xf32>
      %broadcast_in_dim3A_198 = vector.broadcast %mul3A_167 : f32 to vector<16xf32>
      %swap3A_199 = arith.constant 1 : i32
      %swap3A_200 = arith.index_cast %swap3A_199 : i32 to index
      %swap3A_201 = arith.constant 0 : index
      %swap3A_202 = tpu.vector_load %arg24[%swap3A_200, %swap3A_201] {strides = array<i32>} : memref<16x16xf32, #tpu.memory_space<vmem>>, vector<16xf32>,
      tpu.vector_store %arg24[%swap3A_200, %swap3A_201], %broadcast_in_dim3A_198 {strides = array<i32>} : memref<16x16xf32, #tpu.memory_space<vmem>>, vector<16xf32>,
      %swap3A_203 = arith.constant 1 : i32
      %swap3A_204 = arith.index_cast %swap3A_203 : i32 to index
      %swap3A_205 = arith.constant 0 : index
      %swap3A_206 = tpu.vector_load %arg25[%swap3A_204, %swap3A_205] {strides = array<i32>} : memref<16x16xf32, #tpu.memory_space<vmem>>, vector<16xf32>,
      tpu.vector_store %arg25[%swap3A_204, %swap3A_205], %mul3A_197 {strides = array<i32>} : memref<16x16xf32, #tpu.memory_space<vmem>>, vector<16xf32>,
      %reduce_sum3A_207 = arith.constant true
      %reduce_sum3A_208 = vector.broadcast %reduce_sum3A_207 : i1 to vector<16xi1>
      %reduce_sum3A_209 = tpu.scan <sum>, %parallel_loop3A_113#2 masked %reduce_sum3A_208 : vector<16xf32>, vector<16xi1> -> vector<16xf32>
      %reduce_sum3A_210 = vector.extract %reduce_sum3A_209[15] : f32 from vector<16xf32>
      %reduce_sum3A_211 = arith.constant true
      %reduce_sum3A_212 = vector.broadcast %reduce_sum3A_211 : i1 to vector<16xi1>
      %reduce_sum3A_213 = tpu.scan <sum>, %parallel_loop3A_113#10 masked %reduce_sum3A_212 : vector<16xf32>, vector<16xi1> -> vector<16xf32>
      %reduce_sum3A_214 = vector.extract %reduce_sum3A_213[15] : f32 from vector<16xf32>
      %mul3A_215 = arith.constant 0.00130208337 : f32
      %mul3A_216 = arith.mulf %reduce_sum3A_210, %mul3A_215 : f32
      %mul3A_217 = arith.constant 0.00130208337 : f32
      %mul3A_218 = arith.mulf %reduce_sum3A_214, %mul3A_217 : f32
      %mul3A_219 = arith.mulf %mul3A_216, %mul3A_216 : f32
      %sub3A_220 = arith.subf %mul3A_218, %mul3A_219 : f32
      %add3A_221 = arith.constant 9.99999996E-13 : f32
      %add3A_222 = arith.addf %sub3A_220, %add3A_221 : f32
      %broadcast_in_dim3A_223 = vector.broadcast %add3A_222 : f32 to vector<16xf32>
      %bitcast_convert_type3A_224 = tpu.bitcast %broadcast_in_dim3A_223 : vector<16xf32> -> vector<16xi32>
      %shift_right_arithmetic3A_225 = arith.constant 1 : i32
      %shift_right_arithmetic3A_226 = vector.broadcast %shift_right_arithmetic3A_225 : i32 to vector<16xi32>
      %shift_right_arithmetic3A_227 = arith.shrsi %bitcast_convert_type3A_224, %shift_right_arithmetic3A_226 : vector<16xi32>
      %sub3A_228 = arith.constant 1597463007 : i32
      %sub3A_229 = vector.broadcast %sub3A_228 : i32 to vector<16xi32>
      %sub3A_230 = arith.subi %sub3A_229, %shift_right_arithmetic3A_227 : vector<16xi32>
      %bitcast_convert_type3A_231 = tpu.bitcast %sub3A_230 : vector<16xi32> -> vector<16xf32>
      %mul3A_232 = arith.constant 5.000000e-01 : f32
      %mul3A_233 = vector.broadcast %mul3A_232 : f32 to vector<16xf32>
      %mul3A_234 = arith.mulf %broadcast_in_dim3A_223, %mul3A_233 : vector<16xf32>
      %mul3A_235 = arith.mulf %mul3A_234, %bitcast_convert_type3A_231 : vector<16xf32>
      %mul3A_236 = arith.mulf %mul3A_235, %bitcast_convert_type3A_231 : vector<16xf32>
      %sub3A_237 = arith.constant 1.500000e+00 : f32
      %sub3A_238 = vector.broadcast %sub3A_237 : f32 to vector<16xf32>
      %sub3A_239 = arith.subf %sub3A_238, %mul3A_236 : vector<16xf32>
      %mul3A_240 = arith.mulf %bitcast_convert_type3A_231, %sub3A_239 : vector<16xf32>
      %mul3A_241 = arith.mulf %mul3A_234, %mul3A_240 : vector<16xf32>
      %mul3A_242 = arith.mulf %mul3A_241, %mul3A_240 : vector<16xf32>
      %sub3A_243 = arith.constant 1.500000e+00 : f32
      %sub3A_244 = vector.broadcast %sub3A_243 : f32 to vector<16xf32>
      %sub3A_245 = arith.subf %sub3A_244, %mul3A_242 : vector<16xf32>
      %mul3A_246 = arith.mulf %mul3A_240, %sub3A_245 : vector<16xf32>
      %broadcast_in_dim3A_247 = vector.broadcast %mul3A_216 : f32 to vector<16xf32>
      %swap3A_248 = arith.constant 2 : i32
      %swap3A_249 = arith.index_cast %swap3A_248 : i32 to index
      %swap3A_250 = arith.constant 0 : index
      %swap3A_251 = tpu.vector_load %arg24[%swap3A_249, %swap3A_250] {strides = array<i32>} : memref<16x16xf32, #tpu.memory_space<vmem>>, vector<16xf32>,
      tpu.vector_store %arg24[%swap3A_249, %swap3A_250], %broadcast_in_dim3A_247 {strides = array<i32>} : memref<16x16xf32, #tpu.memory_space<vmem>>, vector<16xf32>,
      %swap3A_252 = arith.constant 2 : i32
      %swap3A_253 = arith.index_cast %swap3A_252 : i32 to index
      %swap3A_254 = arith.constant 0 : index
      %swap3A_255 = tpu.vector_load %arg25[%swap3A_253, %swap3A_254] {strides = array<i32>} : memref<16x16xf32, #tpu.memory_space<vmem>>, vector<16xf32>,
      tpu.vector_store %arg25[%swap3A_253, %swap3A_254], %mul3A_246 {strides = array<i32>} : memref<16x16xf32, #tpu.memory_space<vmem>>, vector<16xf32>,
      %reduce_sum3A_256 = arith.constant true
      %reduce_sum3A_257 = vector.broadcast %reduce_sum3A_256 : i1 to vector<16xi1>
      %reduce_sum3A_258 = tpu.scan <sum>, %parallel_loop3A_113#3 masked %reduce_sum3A_257 : vector<16xf32>, vector<16xi1> -> vector<16xf32>
      %reduce_sum3A_259 = vector.extract %reduce_sum3A_258[15] : f32 from vector<16xf32>
      %reduce_sum3A_260 = arith.constant true
      %reduce_sum3A_261 = vector.broadcast %reduce_sum3A_260 : i1 to vector<16xi1>
      %reduce_sum3A_262 = tpu.scan <sum>, %parallel_loop3A_113#11 masked %reduce_sum3A_261 : vector<16xf32>, vector<16xi1> -> vector<16xf32>
      %reduce_sum3A_263 = vector.extract %reduce_sum3A_262[15] : f32 from vector<16xf32>
      %mul3A_264 = arith.constant 0.00130208337 : f32
      %mul3A_265 = arith.mulf %reduce_sum3A_259, %mul3A_264 : f32
      %mul3A_266 = arith.constant 0.00130208337 : f32
      %mul3A_267 = arith.mulf %reduce_sum3A_263, %mul3A_266 : f32
      %mul3A_268 = arith.mulf %mul3A_265, %mul3A_265 : f32
      %sub3A_269 = arith.subf %mul3A_267, %mul3A_268 : f32
      %add3A_270 = arith.constant 9.99999996E-13 : f32
      %add3A_271 = arith.addf %sub3A_269, %add3A_270 : f32
      %broadcast_in_dim3A_272 = vector.broadcast %add3A_271 : f32 to vector<16xf32>
      %bitcast_convert_type3A_273 = tpu.bitcast %broadcast_in_dim3A_272 : vector<16xf32> -> vector<16xi32>
      %shift_right_arithmetic3A_274 = arith.constant 1 : i32
      %shift_right_arithmetic3A_275 = vector.broadcast %shift_right_arithmetic3A_274 : i32 to vector<16xi32>
      %shift_right_arithmetic3A_276 = arith.shrsi %bitcast_convert_type3A_273, %shift_right_arithmetic3A_275 : vector<16xi32>
      %sub3A_277 = arith.constant 1597463007 : i32
      %sub3A_278 = vector.broadcast %sub3A_277 : i32 to vector<16xi32>
      %sub3A_279 = arith.subi %sub3A_278, %shift_right_arithmetic3A_276 : vector<16xi32>
      %bitcast_convert_type3A_280 = tpu.bitcast %sub3A_279 : vector<16xi32> -> vector<16xf32>
      %mul3A_281 = arith.constant 5.000000e-01 : f32
      %mul3A_282 = vector.broadcast %mul3A_281 : f32 to vector<16xf32>
      %mul3A_283 = arith.mulf %broadcast_in_dim3A_272, %mul3A_282 : vector<16xf32>
      %mul3A_284 = arith.mulf %mul3A_283, %bitcast_convert_type3A_280 : vector<16xf32>
      %mul3A_285 = arith.mulf %mul3A_284, %bitcast_convert_type3A_280 : vector<16xf32>
      %sub3A_286 = arith.constant 1.500000e+00 : f32
      %sub3A_287 = vector.broadcast %sub3A_286 : f32 to vector<16xf32>
      %sub3A_288 = arith.subf %sub3A_287, %mul3A_285 : vector<16xf32>
      %mul3A_289 = arith.mulf %bitcast_convert_type3A_280, %sub3A_288 : vector<16xf32>
      %mul3A_290 = arith.mulf %mul3A_283, %mul3A_289 : vector<16xf32>
      %mul3A_291 = arith.mulf %mul3A_290, %mul3A_289 : vector<16xf32>
      %sub3A_292 = arith.constant 1.500000e+00 : f32
      %sub3A_293 = vector.broadcast %sub3A_292 : f32 to vector<16xf32>
      %sub3A_294 = arith.subf %sub3A_293, %mul3A_291 : vector<16xf32>
      %mul3A_295 = arith.mulf %mul3A_289, %sub3A_294 : vector<16xf32>
      %broadcast_in_dim3A_296 = vector.broadcast %mul3A_265 : f32 to vector<16xf32>
      %swap3A_297 = arith.constant 3 : i32
      %swap3A_298 = arith.index_cast %swap3A_297 : i32 to index
      %swap3A_299 = arith.constant 0 : index
      %swap3A_300 = tpu.vector_load %arg24[%swap3A_298, %swap3A_299] {strides = array<i32>} : memref<16x16xf32, #tpu.memory_space<vmem>>, vector<16xf32>,
      tpu.vector_store %arg24[%swap3A_298, %swap3A_299], %broadcast_in_dim3A_296 {strides = array<i32>} : memref<16x16xf32, #tpu.memory_space<vmem>>, vector<16xf32>,
      %swap3A_301 = arith.constant 3 : i32
      %swap3A_302 = arith.index_cast %swap3A_301 : i32 to index
      %swap3A_303 = arith.constant 0 : index
      %swap3A_304 = tpu.vector_load %arg25[%swap3A_302, %swap3A_303] {strides = array<i32>} : memref<16x16xf32, #tpu.memory_space<vmem>>, vector<16xf32>,
      tpu.vector_store %arg25[%swap3A_302, %swap3A_303], %mul3A_295 {strides = array<i32>} : memref<16x16xf32, #tpu.memory_space<vmem>>, vector<16xf32>,
      %reduce_sum3A_305 = arith.constant true
      %reduce_sum3A_306 = vector.broadcast %reduce_sum3A_305 : i1 to vector<16xi1>
      %reduce_sum3A_307 = tpu.scan <sum>, %parallel_loop3A_113#4 masked %reduce_sum3A_306 : vector<16xf32>, vector<16xi1> -> vector<16xf32>
      %reduce_sum3A_308 = vector.extract %reduce_sum3A_307[15] : f32 from vector<16xf32>
      %reduce_sum3A_309 = arith.constant true
      %reduce_sum3A_310 = vector.broadcast %reduce_sum3A_309 : i1 to vector<16xi1>
      %reduce_sum3A_311 = tpu.scan <sum>, %parallel_loop3A_113#12 masked %reduce_sum3A_310 : vector<16xf32>, vector<16xi1> -> vector<16xf32>
      %reduce_sum3A_312 = vector.extract %reduce_sum3A_311[15] : f32 from vector<16xf32>
      %mul3A_313 = arith.constant 0.00130208337 : f32
      %mul3A_314 = arith.mulf %reduce_sum3A_308, %mul3A_313 : f32
      %mul3A_315 = arith.constant 0.00130208337 : f32
      %mul3A_316 = arith.mulf %reduce_sum3A_312, %mul3A_315 : f32
      %mul3A_317 = arith.mulf %mul3A_314, %mul3A_314 : f32
      %sub3A_318 = arith.subf %mul3A_316, %mul3A_317 : f32
      %add3A_319 = arith.constant 9.99999996E-13 : f32
      %add3A_320 = arith.addf %sub3A_318, %add3A_319 : f32
      %broadcast_in_dim3A_321 = vector.broadcast %add3A_320 : f32 to vector<16xf32>
      %bitcast_convert_type3A_322 = tpu.bitcast %broadcast_in_dim3A_321 : vector<16xf32> -> vector<16xi32>
      %shift_right_arithmetic3A_323 = arith.constant 1 : i32
      %shift_right_arithmetic3A_324 = vector.broadcast %shift_right_arithmetic3A_323 : i32 to vector<16xi32>
      %shift_right_arithmetic3A_325 = arith.shrsi %bitcast_convert_type3A_322, %shift_right_arithmetic3A_324 : vector<16xi32>
      %sub3A_326 = arith.constant 1597463007 : i32
      %sub3A_327 = vector.broadcast %sub3A_326 : i32 to vector<16xi32>
      %sub3A_328 = arith.subi %sub3A_327, %shift_right_arithmetic3A_325 : vector<16xi32>
      %bitcast_convert_type3A_329 = tpu.bitcast %sub3A_328 : vector<16xi32> -> vector<16xf32>
      %mul3A_330 = arith.constant 5.000000e-01 : f32
      %mul3A_331 = vector.broadcast %mul3A_330 : f32 to vector<16xf32>
      %mul3A_332 = arith.mulf %broadcast_in_dim3A_321, %mul3A_331 : vector<16xf32>
      %mul3A_333 = arith.mulf %mul3A_332, %bitcast_convert_type3A_329 : vector<16xf32>
      %mul3A_334 = arith.mulf %mul3A_333, %bitcast_convert_type3A_329 : vector<16xf32>
      %sub3A_335 = arith.constant 1.500000e+00 : f32
      %sub3A_336 = vector.broadcast %sub3A_335 : f32 to vector<16xf32>
      %sub3A_337 = arith.subf %sub3A_336, %mul3A_334 : vector<16xf32>
      %mul3A_338 = arith.mulf %bitcast_convert_type3A_329, %sub3A_337 : vector<16xf32>
      %mul3A_339 = arith.mulf %mul3A_332, %mul3A_338 : vector<16xf32>
      %mul3A_340 = arith.mulf %mul3A_339, %mul3A_338 : vector<16xf32>
      %sub3A_341 = arith.constant 1.500000e+00 : f32
      %sub3A_342 = vector.broadcast %sub3A_341 : f32 to vector<16xf32>
      %sub3A_343 = arith.subf %sub3A_342, %mul3A_340 : vector<16xf32>
      %mul3A_344 = arith.mulf %mul3A_338, %sub3A_343 : vector<16xf32>
      %broadcast_in_dim3A_345 = vector.broadcast %mul3A_314 : f32 to vector<16xf32>
      %swap3A_346 = arith.constant 4 : i32
      %swap3A_347 = arith.index_cast %swap3A_346 : i32 to index
      %swap3A_348 = arith.constant 0 : index
      %swap3A_349 = tpu.vector_load %arg24[%swap3A_347, %swap3A_348] {strides = array<i32>} : memref<16x16xf32, #tpu.memory_space<vmem>>, vector<16xf32>,
      tpu.vector_store %arg24[%swap3A_347, %swap3A_348], %broadcast_in_dim3A_345 {strides = array<i32>} : memref<16x16xf32, #tpu.memory_space<vmem>>, vector<16xf32>,
      %swap3A_350 = arith.constant 4 : i32
      %swap3A_351 = arith.index_cast %swap3A_350 : i32 to index
      %swap3A_352 = arith.constant 0 : index
      %swap3A_353 = tpu.vector_load %arg25[%swap3A_351, %swap3A_352] {strides = array<i32>} : memref<16x16xf32, #tpu.memory_space<vmem>>, vector<16xf32>,
      tpu.vector_store %arg25[%swap3A_351, %swap3A_352], %mul3A_344 {strides = array<i32>} : memref<16x16xf32, #tpu.memory_space<vmem>>, vector<16xf32>,
      %reduce_sum3A_354 = arith.constant true
      %reduce_sum3A_355 = vector.broadcast %reduce_sum3A_354 : i1 to vector<16xi1>
      %reduce_sum3A_356 = tpu.scan <sum>, %parallel_loop3A_113#5 masked %reduce_sum3A_355 : vector<16xf32>, vector<16xi1> -> vector<16xf32>
      %reduce_sum3A_357 = vector.extract %reduce_sum3A_356[15] : f32 from vector<16xf32>
      %reduce_sum3A_358 = arith.constant true
      %reduce_sum3A_359 = vector.broadcast %reduce_sum3A_358 : i1 to vector<16xi1>
      %reduce_sum3A_360 = tpu.scan <sum>, %parallel_loop3A_113#13 masked %reduce_sum3A_359 : vector<16xf32>, vector<16xi1> -> vector<16xf32>
      %reduce_sum3A_361 = vector.extract %reduce_sum3A_360[15] : f32 from vector<16xf32>
      %mul3A_362 = arith.constant 0.00130208337 : f32
      %mul3A_363 = arith.mulf %reduce_sum3A_357, %mul3A_362 : f32
      %mul3A_364 = arith.constant 0.00130208337 : f32
      %mul3A_365 = arith.mulf %reduce_sum3A_361, %mul3A_364 : f32
      %mul3A_366 = arith.mulf %mul3A_363, %mul3A_363 : f32
      %sub3A_367 = arith.subf %mul3A_365, %mul3A_366 : f32
      %add3A_368 = arith.constant 9.99999996E-13 : f32
      %add3A_369 = arith.addf %sub3A_367, %add3A_368 : f32
      %broadcast_in_dim3A_370 = vector.broadcast %add3A_369 : f32 to vector<16xf32>
      %bitcast_convert_type3A_371 = tpu.bitcast %broadcast_in_dim3A_370 : vector<16xf32> -> vector<16xi32>
      %shift_right_arithmetic3A_372 = arith.constant 1 : i32
      %shift_right_arithmetic3A_373 = vector.broadcast %shift_right_arithmetic3A_372 : i32 to vector<16xi32>
      %shift_right_arithmetic3A_374 = arith.shrsi %bitcast_convert_type3A_371, %shift_right_arithmetic3A_373 : vector<16xi32>
      %sub3A_375 = arith.constant 1597463007 : i32
      %sub3A_376 = vector.broadcast %sub3A_375 : i32 to vector<16xi32>
      %sub3A_377 = arith.subi %sub3A_376, %shift_right_arithmetic3A_374 : vector<16xi32>
      %bitcast_convert_type3A_378 = tpu.bitcast %sub3A_377 : vector<16xi32> -> vector<16xf32>
      %mul3A_379 = arith.constant 5.000000e-01 : f32
      %mul3A_380 = vector.broadcast %mul3A_379 : f32 to vector<16xf32>
      %mul3A_381 = arith.mulf %broadcast_in_dim3A_370, %mul3A_380 : vector<16xf32>
      %mul3A_382 = arith.mulf %mul3A_381, %bitcast_convert_type3A_378 : vector<16xf32>
      %mul3A_383 = arith.mulf %mul3A_382, %bitcast_convert_type3A_378 : vector<16xf32>
      %sub3A_384 = arith.constant 1.500000e+00 : f32
      %sub3A_385 = vector.broadcast %sub3A_384 : f32 to vector<16xf32>
      %sub3A_386 = arith.subf %sub3A_385, %mul3A_383 : vector<16xf32>
      %mul3A_387 = arith.mulf %bitcast_convert_type3A_378, %sub3A_386 : vector<16xf32>
      %mul3A_388 = arith.mulf %mul3A_381, %mul3A_387 : vector<16xf32>
      %mul3A_389 = arith.mulf %mul3A_388, %mul3A_387 : vector<16xf32>
      %sub3A_390 = arith.constant 1.500000e+00 : f32
      %sub3A_391 = vector.broadcast %sub3A_390 : f32 to vector<16xf32>
      %sub3A_392 = arith.subf %sub3A_391, %mul3A_389 : vector<16xf32>
      %mul3A_393 = arith.mulf %mul3A_387, %sub3A_392 : vector<16xf32>
      %broadcast_in_dim3A_394 = vector.broadcast %mul3A_363 : f32 to vector<16xf32>
      %swap3A_395 = arith.constant 5 : i32
      %swap3A_396 = arith.index_cast %swap3A_395 : i32 to index
      %swap3A_397 = arith.constant 0 : index
      %swap3A_398 = tpu.vector_load %arg24[%swap3A_396, %swap3A_397] {strides = array<i32>} : memref<16x16xf32, #tpu.memory_space<vmem>>, vector<16xf32>,
      tpu.vector_store %arg24[%swap3A_396, %swap3A_397], %broadcast_in_dim3A_394 {strides = array<i32>} : memref<16x16xf32, #tpu.memory_space<vmem>>, vector<16xf32>,
      %swap3A_399 = arith.constant 5 : i32
      %swap3A_400 = arith.index_cast %swap3A_399 : i32 to index
      %swap3A_401 = arith.constant 0 : index
      %swap3A_402 = tpu.vector_load %arg25[%swap3A_400, %swap3A_401] {strides = array<i32>} : memref<16x16xf32, #tpu.memory_space<vmem>>, vector<16xf32>,
      tpu.vector_store %arg25[%swap3A_400, %swap3A_401], %mul3A_393 {strides = array<i32>} : memref<16x16xf32, #tpu.memory_space<vmem>>, vector<16xf32>,
      %reduce_sum3A_403 = arith.constant true
      %reduce_sum3A_404 = vector.broadcast %reduce_sum3A_403 : i1 to vector<16xi1>
      %reduce_sum3A_405 = tpu.scan <sum>, %parallel_loop3A_113#6 masked %reduce_sum3A_404 : vector<16xf32>, vector<16xi1> -> vector<16xf32>
      %reduce_sum3A_406 = vector.extract %reduce_sum3A_405[15] : f32 from vector<16xf32>
      %reduce_sum3A_407 = arith.constant true
      %reduce_sum3A_408 = vector.broadcast %reduce_sum3A_407 : i1 to vector<16xi1>
      %reduce_sum3A_409 = tpu.scan <sum>, %parallel_loop3A_113#14 masked %reduce_sum3A_408 : vector<16xf32>, vector<16xi1> -> vector<16xf32>
      %reduce_sum3A_410 = vector.extract %reduce_sum3A_409[15] : f32 from vector<16xf32>
      %mul3A_411 = arith.constant 0.00130208337 : f32
      %mul3A_412 = arith.mulf %reduce_sum3A_406, %mul3A_411 : f32
      %mul3A_413 = arith.constant 0.00130208337 : f32
      %mul3A_414 = arith.mulf %reduce_sum3A_410, %mul3A_413 : f32
      %mul3A_415 = arith.mulf %mul3A_412, %mul3A_412 : f32
      %sub3A_416 = arith.subf %mul3A_414, %mul3A_415 : f32
      %add3A_417 = arith.constant 9.99999996E-13 : f32
      %add3A_418 = arith.addf %sub3A_416, %add3A_417 : f32
      %broadcast_in_dim3A_419 = vector.broadcast %add3A_418 : f32 to vector<16xf32>
      %bitcast_convert_type3A_420 = tpu.bitcast %broadcast_in_dim3A_419 : vector<16xf32> -> vector<16xi32>
      %shift_right_arithmetic3A_421 = arith.constant 1 : i32
      %shift_right_arithmetic3A_422 = vector.broadcast %shift_right_arithmetic3A_421 : i32 to vector<16xi32>
      %shift_right_arithmetic3A_423 = arith.shrsi %bitcast_convert_type3A_420, %shift_right_arithmetic3A_422 : vector<16xi32>
      %sub3A_424 = arith.constant 1597463007 : i32
      %sub3A_425 = vector.broadcast %sub3A_424 : i32 to vector<16xi32>
      %sub3A_426 = arith.subi %sub3A_425, %shift_right_arithmetic3A_423 : vector<16xi32>
      %bitcast_convert_type3A_427 = tpu.bitcast %sub3A_426 : vector<16xi32> -> vector<16xf32>
      %mul3A_428 = arith.constant 5.000000e-01 : f32
      %mul3A_429 = vector.broadcast %mul3A_428 : f32 to vector<16xf32>
      %mul3A_430 = arith.mulf %broadcast_in_dim3A_419, %mul3A_429 : vector<16xf32>
      %mul3A_431 = arith.mulf %mul3A_430, %bitcast_convert_type3A_427 : vector<16xf32>
      %mul3A_432 = arith.mulf %mul3A_431, %bitcast_convert_type3A_427 : vector<16xf32>
      %sub3A_433 = arith.constant 1.500000e+00 : f32
      %sub3A_434 = vector.broadcast %sub3A_433 : f32 to vector<16xf32>
      %sub3A_435 = arith.subf %sub3A_434, %mul3A_432 : vector<16xf32>
      %mul3A_436 = arith.mulf %bitcast_convert_type3A_427, %sub3A_435 : vector<16xf32>
      %mul3A_437 = arith.mulf %mul3A_430, %mul3A_436 : vector<16xf32>
      %mul3A_438 = arith.mulf %mul3A_437, %mul3A_436 : vector<16xf32>
      %sub3A_439 = arith.constant 1.500000e+00 : f32
      %sub3A_440 = vector.broadcast %sub3A_439 : f32 to vector<16xf32>
      %sub3A_441 = arith.subf %sub3A_440, %mul3A_438 : vector<16xf32>
      %mul3A_442 = arith.mulf %mul3A_436, %sub3A_441 : vector<16xf32>
      %broadcast_in_dim3A_443 = vector.broadcast %mul3A_412 : f32 to vector<16xf32>
      %swap3A_444 = arith.constant 6 : i32
      %swap3A_445 = arith.index_cast %swap3A_444 : i32 to index
      %swap3A_446 = arith.constant 0 : index
      %swap3A_447 = tpu.vector_load %arg24[%swap3A_445, %swap3A_446] {strides = array<i32>} : memref<16x16xf32, #tpu.memory_space<vmem>>, vector<16xf32>,
      tpu.vector_store %arg24[%swap3A_445, %swap3A_446], %broadcast_in_dim3A_443 {strides = array<i32>} : memref<16x16xf32, #tpu.memory_space<vmem>>, vector<16xf32>,
      %swap3A_448 = arith.constant 6 : i32
      %swap3A_449 = arith.index_cast %swap3A_448 : i32 to index
      %swap3A_450 = arith.constant 0 : index
      %swap3A_451 = tpu.vector_load %arg25[%swap3A_449, %swap3A_450] {strides = array<i32>} : memref<16x16xf32, #tpu.memory_space<vmem>>, vector<16xf32>,
      tpu.vector_store %arg25[%swap3A_449, %swap3A_450], %mul3A_442 {strides = array<i32>} : memref<16x16xf32, #tpu.memory_space<vmem>>, vector<16xf32>,
      %reduce_sum3A_452 = arith.constant true
      %reduce_sum3A_453 = vector.broadcast %reduce_sum3A_452 : i1 to vector<16xi1>
      %reduce_sum3A_454 = tpu.scan <sum>, %parallel_loop3A_113#7 masked %reduce_sum3A_453 : vector<16xf32>, vector<16xi1> -> vector<16xf32>
      %reduce_sum3A_455 = vector.extract %reduce_sum3A_454[15] : f32 from vector<16xf32>
      %reduce_sum3A_456 = arith.constant true
      %reduce_sum3A_457 = vector.broadcast %reduce_sum3A_456 : i1 to vector<16xi1>
      %reduce_sum3A_458 = tpu.scan <sum>, %parallel_loop3A_113#15 masked %reduce_sum3A_457 : vector<16xf32>, vector<16xi1> -> vector<16xf32>
      %reduce_sum3A_459 = vector.extract %reduce_sum3A_458[15] : f32 from vector<16xf32>
      %mul3A_460 = arith.constant 0.00130208337 : f32
      %mul3A_461 = arith.mulf %reduce_sum3A_455, %mul3A_460 : f32
      %mul3A_462 = arith.constant 0.00130208337 : f32
      %mul3A_463 = arith.mulf %reduce_sum3A_459, %mul3A_462 : f32
      %mul3A_464 = arith.mulf %mul3A_461, %mul3A_461 : f32
      %sub3A_465 = arith.subf %mul3A_463, %mul3A_464 : f32
      %add3A_466 = arith.constant 9.99999996E-13 : f32
      %add3A_467 = arith.addf %sub3A_465, %add3A_466 : f32
      %broadcast_in_dim3A_468 = vector.broadcast %add3A_467 : f32 to vector<16xf32>
      %bitcast_convert_type3A_469 = tpu.bitcast %broadcast_in_dim3A_468 : vector<16xf32> -> vector<16xi32>
      %shift_right_arithmetic3A_470 = arith.constant 1 : i32
      %shift_right_arithmetic3A_471 = vector.broadcast %shift_right_arithmetic3A_470 : i32 to vector<16xi32>
      %shift_right_arithmetic3A_472 = arith.shrsi %bitcast_convert_type3A_469, %shift_right_arithmetic3A_471 : vector<16xi32>
      %sub3A_473 = arith.constant 1597463007 : i32
      %sub3A_474 = vector.broadcast %sub3A_473 : i32 to vector<16xi32>
      %sub3A_475 = arith.subi %sub3A_474, %shift_right_arithmetic3A_472 : vector<16xi32>
      %bitcast_convert_type3A_476 = tpu.bitcast %sub3A_475 : vector<16xi32> -> vector<16xf32>
      %mul3A_477 = arith.constant 5.000000e-01 : f32
      %mul3A_478 = vector.broadcast %mul3A_477 : f32 to vector<16xf32>
      %mul3A_479 = arith.mulf %broadcast_in_dim3A_468, %mul3A_478 : vector<16xf32>
      %mul3A_480 = arith.mulf %mul3A_479, %bitcast_convert_type3A_476 : vector<16xf32>
      %mul3A_481 = arith.mulf %mul3A_480, %bitcast_convert_type3A_476 : vector<16xf32>
      %sub3A_482 = arith.constant 1.500000e+00 : f32
      %sub3A_483 = vector.broadcast %sub3A_482 : f32 to vector<16xf32>
      %sub3A_484 = arith.subf %sub3A_483, %mul3A_481 : vector<16xf32>
      %mul3A_485 = arith.mulf %bitcast_convert_type3A_476, %sub3A_484 : vector<16xf32>
      %mul3A_486 = arith.mulf %mul3A_479, %mul3A_485 : vector<16xf32>
      %mul3A_487 = arith.mulf %mul3A_486, %mul3A_485 : vector<16xf32>
      %sub3A_488 = arith.constant 1.500000e+00 : f32
      %sub3A_489 = vector.broadcast %sub3A_488 : f32 to vector<16xf32>
      %sub3A_490 = arith.subf %sub3A_489, %mul3A_487 : vector<16xf32>
      %mul3A_491 = arith.mulf %mul3A_485, %sub3A_490 : vector<16xf32>
      %broadcast_in_dim3A_492 = vector.broadcast %mul3A_461 : f32 to vector<16xf32>
      %swap3A_493 = arith.constant 7 : i32
      %swap3A_494 = arith.index_cast %swap3A_493 : i32 to index
      %swap3A_495 = arith.constant 0 : index
      %swap3A_496 = tpu.vector_load %arg24[%swap3A_494, %swap3A_495] {strides = array<i32>} : memref<16x16xf32, #tpu.memory_space<vmem>>, vector<16xf32>,
      tpu.vector_store %arg24[%swap3A_494, %swap3A_495], %broadcast_in_dim3A_492 {strides = array<i32>} : memref<16x16xf32, #tpu.memory_space<vmem>>, vector<16xf32>,
      %swap3A_497 = arith.constant 7 : i32
      %swap3A_498 = arith.index_cast %swap3A_497 : i32 to index
      %swap3A_499 = arith.constant 0 : index
      %swap3A_500 = tpu.vector_load %arg25[%swap3A_498, %swap3A_499] {strides = array<i32>} : memref<16x16xf32, #tpu.memory_space<vmem>>, vector<16xf32>,
      tpu.vector_store %arg25[%swap3A_498, %swap3A_499], %mul3A_491 {strides = array<i32>} : memref<16x16xf32, #tpu.memory_space<vmem>>, vector<16xf32>,
      %broadcast_in_dim3A_501 = arith.constant 8 : i32
      %broadcast_in_dim3A_502 = vector.broadcast %broadcast_in_dim3A_501 : i32 to vector<16x1xi32>
      %gather3A_503 = vector.shape_cast %broadcast_in_dim3A_502 : vector<16x1xi32> to vector<16xi32>
      %gather3A_504 = tpu.dynamic_gather %get3A_55[%gather3A_503] in [0] : vector<16xi32>, vector<16xi32> -> vector<16xi32>
      %gt3A_505 = arith.constant 0 : i32
      %gt3A_506 = vector.broadcast %gt3A_505 : i32 to vector<16xi32>
      %gt3A_507 = arith.cmpi sgt, %gather3A_504, %gt3A_506 : vector<16xi32>
      %broadcast_in_dim3A_508 = arith.constant 9 : i32
      %broadcast_in_dim3A_509 = vector.broadcast %broadcast_in_dim3A_508 : i32 to vector<16x1xi32>
      %gather3A_510 = vector.shape_cast %broadcast_in_dim3A_509 : vector<16x1xi32> to vector<16xi32>
      %gather3A_511 = tpu.dynamic_gather %get3A_55[%gather3A_510] in [0] : vector<16xi32>, vector<16xi32> -> vector<16xi32>
      %gt3A_512 = arith.constant 0 : i32
      %gt3A_513 = vector.broadcast %gt3A_512 : i32 to vector<16xi32>
      %gt3A_514 = arith.cmpi sgt, %gather3A_511, %gt3A_513 : vector<16xi32>
      %broadcast_in_dim3A_515 = arith.constant 10 : i32
      %broadcast_in_dim3A_516 = vector.broadcast %broadcast_in_dim3A_515 : i32 to vector<16x1xi32>
      %gather3A_517 = vector.shape_cast %broadcast_in_dim3A_516 : vector<16x1xi32> to vector<16xi32>
      %gather3A_518 = tpu.dynamic_gather %get3A_55[%gather3A_517] in [0] : vector<16xi32>, vector<16xi32> -> vector<16xi32>
      %gt3A_519 = arith.constant 0 : i32
      %gt3A_520 = vector.broadcast %gt3A_519 : i32 to vector<16xi32>
      %gt3A_521 = arith.cmpi sgt, %gather3A_518, %gt3A_520 : vector<16xi32>
      %broadcast_in_dim3A_522 = arith.constant 11 : i32
      %broadcast_in_dim3A_523 = vector.broadcast %broadcast_in_dim3A_522 : i32 to vector<16x1xi32>
      %gather3A_524 = vector.shape_cast %broadcast_in_dim3A_523 : vector<16x1xi32> to vector<16xi32>
      %gather3A_525 = tpu.dynamic_gather %get3A_55[%gather3A_524] in [0] : vector<16xi32>, vector<16xi32> -> vector<16xi32>
      %gt3A_526 = arith.constant 0 : i32
      %gt3A_527 = vector.broadcast %gt3A_526 : i32 to vector<16xi32>
      %gt3A_528 = arith.cmpi sgt, %gather3A_525, %gt3A_527 : vector<16xi32>
      %broadcast_in_dim3A_529 = arith.constant 12 : i32
      %broadcast_in_dim3A_530 = vector.broadcast %broadcast_in_dim3A_529 : i32 to vector<16x1xi32>
      %gather3A_531 = vector.shape_cast %broadcast_in_dim3A_530 : vector<16x1xi32> to vector<16xi32>
      %gather3A_532 = tpu.dynamic_gather %get3A_55[%gather3A_531] in [0] : vector<16xi32>, vector<16xi32> -> vector<16xi32>
      %gt3A_533 = arith.constant 0 : i32
      %gt3A_534 = vector.broadcast %gt3A_533 : i32 to vector<16xi32>
      %gt3A_535 = arith.cmpi sgt, %gather3A_532, %gt3A_534 : vector<16xi32>
      %broadcast_in_dim3A_536 = arith.constant 13 : i32
      %broadcast_in_dim3A_537 = vector.broadcast %broadcast_in_dim3A_536 : i32 to vector<16x1xi32>
      %gather3A_538 = vector.shape_cast %broadcast_in_dim3A_537 : vector<16x1xi32> to vector<16xi32>
      %gather3A_539 = tpu.dynamic_gather %get3A_55[%gather3A_538] in [0] : vector<16xi32>, vector<16xi32> -> vector<16xi32>
      %gt3A_540 = arith.constant 0 : i32
      %gt3A_541 = vector.broadcast %gt3A_540 : i32 to vector<16xi32>
      %gt3A_542 = arith.cmpi sgt, %gather3A_539, %gt3A_541 : vector<16xi32>
      %broadcast_in_dim3A_543 = arith.constant 14 : i32
      %broadcast_in_dim3A_544 = vector.broadcast %broadcast_in_dim3A_543 : i32 to vector<16x1xi32>
      %gather3A_545 = vector.shape_cast %broadcast_in_dim3A_544 : vector<16x1xi32> to vector<16xi32>
      %gather3A_546 = tpu.dynamic_gather %get3A_55[%gather3A_545] in [0] : vector<16xi32>, vector<16xi32> -> vector<16xi32>
      %gt3A_547 = arith.constant 0 : i32
      %gt3A_548 = vector.broadcast %gt3A_547 : i32 to vector<16xi32>
      %gt3A_549 = arith.cmpi sgt, %gather3A_546, %gt3A_548 : vector<16xi32>
      %broadcast_in_dim3A_550 = arith.constant 15 : i32
      %broadcast_in_dim3A_551 = vector.broadcast %broadcast_in_dim3A_550 : i32 to vector<16x1xi32>
      %gather3A_552 = vector.shape_cast %broadcast_in_dim3A_551 : vector<16x1xi32> to vector<16xi32>
      %gather3A_553 = tpu.dynamic_gather %get3A_55[%gather3A_552] in [0] : vector<16xi32>, vector<16xi32> -> vector<16xi32>
      %gt3A_554 = arith.constant 0 : i32
      %gt3A_555 = vector.broadcast %gt3A_554 : i32 to vector<16xi32>
      %gt3A_556 = arith.cmpi sgt, %gather3A_553, %gt3A_555 : vector<16xi32>
      %broadcast_in_dim3A_557 = arith.constant 0.000000e+00 : f32
      %broadcast_in_dim3A_558 = vector.broadcast %broadcast_in_dim3A_557 : f32 to vector<16xf32>
      %parallel_loop3A_559 = arith.constant 0 : i32
      %parallel_loop3A_560 = arith.constant 48 : i32
      %parallel_loop3A_561 = arith.constant 1 : i32
      %parallel_loop3A_562:16 = scf.for %parallel_loop3A_2173 = %parallel_loop3A_559 to %parallel_loop3A_560 step %parallel_loop3A_561 iter_args(%parallel_loop3A_2174 = %broadcast_in_dim3A_558, %parallel_loop3A_2175 = %broadcast_in_dim3A_558, %parallel_loop3A_2176 = %broadcast_in_dim3A_558, %parallel_loop3A_2177 = %broadcast_in_dim3A_558, %parallel_loop3A_2178 = %broadcast_in_dim3A_558, %parallel_loop3A_2179 = %broadcast_in_dim3A_558, %parallel_loop3A_2180 = %broadcast_in_dim3A_558, %parallel_loop3A_2181 = %broadcast_in_dim3A_558, %parallel_loop3A_2182 = %broadcast_in_dim3A_558, %parallel_loop3A_2183 = %broadcast_in_dim3A_558, %parallel_loop3A_2184 = %broadcast_in_dim3A_558, %parallel_loop3A_2185 = %broadcast_in_dim3A_558, %parallel_loop3A_2186 = %broadcast_in_dim3A_558, %parallel_loop3A_2187 = %broadcast_in_dim3A_558, %parallel_loop3A_2188 = %broadcast_in_dim3A_558, %parallel_loop3A_2189 = %broadcast_in_dim3A_558) -> (vector<16xf32>, vector<16xf32>, vector<16xf32>, vector<16xf32>, vector<16xf32>, vector<16xf32>, vector<16xf32>, vector<16xf32>, vector<16xf32>, vector<16xf32>, vector<16xf32>, vector<16xf32>, vector<16xf32>, vector<16xf32>, vector<16xf32>, vector<16xf32>)  : i32 {
        %parallel_loop3A_2190 = arith.constant 16 : i32
        %parallel_loop3A_2191 = arith.muli %parallel_loop3A_2173, %parallel_loop3A_2190 : i32
        %parallel_loop3A_2192 = arith.constant 0 : i32
        %parallel_loop3A_2193 = arith.index_cast %parallel_loop3A_2192 : i32 to index
        %parallel_loop3A_2194 = arith.index_cast %parallel_loop3A_2191 : i32 to index
        %parallel_loop3A_2195 = tpu.vector_load %arg21[%parallel_loop3A_2193, %parallel_loop3A_2194] {strides = array<i32>} : memref<2x768xf32, #tpu.memory_space<vmem>>, vector<16xf32>,
        %parallel_loop3A_2196 = arith.constant 1 : i32
        %parallel_loop3A_2197 = arith.index_cast %parallel_loop3A_2196 : i32 to index
        %parallel_loop3A_2198 = arith.index_cast %parallel_loop3A_2191 : i32 to index
        %parallel_loop3A_2199 = tpu.vector_load %arg21[%parallel_loop3A_2197, %parallel_loop3A_2198] {strides = array<i32>} : memref<2x768xf32, #tpu.memory_space<vmem>>, vector<16xf32>,
        %parallel_loop3A_2200 = arith.constant 8 : i32
        %parallel_loop3A_2201 = arith.index_cast %parallel_loop3A_2200 : i32 to index
        %parallel_loop3A_2202 = arith.index_cast %parallel_loop3A_2191 : i32 to index
        %parallel_loop3A_2203 = tpu.vector_load %arg14[%parallel_loop3A_2201, %parallel_loop3A_2202] {strides = array<i32>} : memref<16x768xf32, #tpu.memory_space<vmem>>, vector<16xf32>,
        %parallel_loop3A_2204 = arith.constant 8 : i32
        %parallel_loop3A_2205 = arith.index_cast %parallel_loop3A_2204 : i32 to index
        %parallel_loop3A_2206 = arith.index_cast %parallel_loop3A_2191 : i32 to index
        %parallel_loop3A_2207 = tpu.vector_load %arg16[%parallel_loop3A_2205, %parallel_loop3A_2206] {strides = array<i32>} : memref<16x768xf32, #tpu.memory_space<vmem>>, vector<16xf32>,
        %parallel_loop3A_2208 = arith.select %gt3A_507, %parallel_loop3A_2199, %parallel_loop3A_2195 : vector<16xi1>, vector<16xf32>
        %parallel_loop3A_2209 = arith.addf %parallel_loop3A_2207, %parallel_loop3A_2208 : vector<16xf32>
        %parallel_loop3A_2210 = arith.addf %parallel_loop3A_2203, %parallel_loop3A_2209 : vector<16xf32>
        %parallel_loop3A_2211 = arith.constant 8 : i32
        %parallel_loop3A_2212 = arith.index_cast %parallel_loop3A_2211 : i32 to index
        %parallel_loop3A_2213 = arith.index_cast %parallel_loop3A_2191 : i32 to index
        %parallel_loop3A_2214 = tpu.vector_load %arg18[%parallel_loop3A_2212, %parallel_loop3A_2213] {strides = array<i32>} : memref<16x768xf32, #tpu.memory_space<vmem>>, vector<16xf32>,
        tpu.vector_store %arg18[%parallel_loop3A_2212, %parallel_loop3A_2213], %parallel_loop3A_2210 {strides = array<i32>} : memref<16x768xf32, #tpu.memory_space<vmem>>, vector<16xf32>,
        %parallel_loop3A_2215 = arith.addf %parallel_loop3A_2174, %parallel_loop3A_2210 : vector<16xf32>
        %parallel_loop3A_2216 = arith.mulf %parallel_loop3A_2210, %parallel_loop3A_2210 : vector<16xf32>
        %parallel_loop3A_2217 = arith.addf %parallel_loop3A_2182, %parallel_loop3A_2216 : vector<16xf32>
        %parallel_loop3A_2218 = arith.constant 9 : i32
        %parallel_loop3A_2219 = arith.index_cast %parallel_loop3A_2218 : i32 to index
        %parallel_loop3A_2220 = arith.index_cast %parallel_loop3A_2191 : i32 to index
        %parallel_loop3A_2221 = tpu.vector_load %arg14[%parallel_loop3A_2219, %parallel_loop3A_2220] {strides = array<i32>} : memref<16x768xf32, #tpu.memory_space<vmem>>, vector<16xf32>,
        %parallel_loop3A_2222 = arith.constant 9 : i32
        %parallel_loop3A_2223 = arith.index_cast %parallel_loop3A_2222 : i32 to index
        %parallel_loop3A_2224 = arith.index_cast %parallel_loop3A_2191 : i32 to index
        %parallel_loop3A_2225 = tpu.vector_load %arg16[%parallel_loop3A_2223, %parallel_loop3A_2224] {strides = array<i32>} : memref<16x768xf32, #tpu.memory_space<vmem>>, vector<16xf32>,
        %parallel_loop3A_2226 = arith.select %gt3A_514, %parallel_loop3A_2199, %parallel_loop3A_2195 : vector<16xi1>, vector<16xf32>
        %parallel_loop3A_2227 = arith.addf %parallel_loop3A_2225, %parallel_loop3A_2226 : vector<16xf32>
        %parallel_loop3A_2228 = arith.addf %parallel_loop3A_2221, %parallel_loop3A_2227 : vector<16xf32>
        %parallel_loop3A_2229 = arith.constant 9 : i32
        %parallel_loop3A_2230 = arith.index_cast %parallel_loop3A_2229 : i32 to index
        %parallel_loop3A_2231 = arith.index_cast %parallel_loop3A_2191 : i32 to index
        %parallel_loop3A_2232 = tpu.vector_load %arg18[%parallel_loop3A_2230, %parallel_loop3A_2231] {strides = array<i32>} : memref<16x768xf32, #tpu.memory_space<vmem>>, vector<16xf32>,
        tpu.vector_store %arg18[%parallel_loop3A_2230, %parallel_loop3A_2231], %parallel_loop3A_2228 {strides = array<i32>} : memref<16x768xf32, #tpu.memory_space<vmem>>, vector<16xf32>,
        %parallel_loop3A_2233 = arith.addf %parallel_loop3A_2175, %parallel_loop3A_2228 : vector<16xf32>
        %parallel_loop3A_2234 = arith.mulf %parallel_loop3A_2228, %parallel_loop3A_2228 : vector<16xf32>
        %parallel_loop3A_2235 = arith.addf %parallel_loop3A_2183, %parallel_loop3A_2234 : vector<16xf32>
        %parallel_loop3A_2236 = arith.constant 10 : i32
        %parallel_loop3A_2237 = arith.index_cast %parallel_loop3A_2236 : i32 to index
        %parallel_loop3A_2238 = arith.index_cast %parallel_loop3A_2191 : i32 to index
        %parallel_loop3A_2239 = tpu.vector_load %arg14[%parallel_loop3A_2237, %parallel_loop3A_2238] {strides = array<i32>} : memref<16x768xf32, #tpu.memory_space<vmem>>, vector<16xf32>,
        %parallel_loop3A_2240 = arith.constant 10 : i32
        %parallel_loop3A_2241 = arith.index_cast %parallel_loop3A_2240 : i32 to index
        %parallel_loop3A_2242 = arith.index_cast %parallel_loop3A_2191 : i32 to index
        %parallel_loop3A_2243 = tpu.vector_load %arg16[%parallel_loop3A_2241, %parallel_loop3A_2242] {strides = array<i32>} : memref<16x768xf32, #tpu.memory_space<vmem>>, vector<16xf32>,
        %parallel_loop3A_2244 = arith.select %gt3A_521, %parallel_loop3A_2199, %parallel_loop3A_2195 : vector<16xi1>, vector<16xf32>
        %parallel_loop3A_2245 = arith.addf %parallel_loop3A_2243, %parallel_loop3A_2244 : vector<16xf32>
        %parallel_loop3A_2246 = arith.addf %parallel_loop3A_2239, %parallel_loop3A_2245 : vector<16xf32>
        %parallel_loop3A_2247 = arith.constant 10 : i32
        %parallel_loop3A_2248 = arith.index_cast %parallel_loop3A_2247 : i32 to index
        %parallel_loop3A_2249 = arith.index_cast %parallel_loop3A_2191 : i32 to index
        %parallel_loop3A_2250 = tpu.vector_load %arg18[%parallel_loop3A_2248, %parallel_loop3A_2249] {strides = array<i32>} : memref<16x768xf32, #tpu.memory_space<vmem>>, vector<16xf32>,
        tpu.vector_store %arg18[%parallel_loop3A_2248, %parallel_loop3A_2249], %parallel_loop3A_2246 {strides = array<i32>} : memref<16x768xf32, #tpu.memory_space<vmem>>, vector<16xf32>,
        %parallel_loop3A_2251 = arith.addf %parallel_loop3A_2176, %parallel_loop3A_2246 : vector<16xf32>
        %parallel_loop3A_2252 = arith.mulf %parallel_loop3A_2246, %parallel_loop3A_2246 : vector<16xf32>
        %parallel_loop3A_2253 = arith.addf %parallel_loop3A_2184, %parallel_loop3A_2252 : vector<16xf32>
        %parallel_loop3A_2254 = arith.constant 11 : i32
        %parallel_loop3A_2255 = arith.index_cast %parallel_loop3A_2254 : i32 to index
        %parallel_loop3A_2256 = arith.index_cast %parallel_loop3A_2191 : i32 to index
        %parallel_loop3A_2257 = tpu.vector_load %arg14[%parallel_loop3A_2255, %parallel_loop3A_2256] {strides = array<i32>} : memref<16x768xf32, #tpu.memory_space<vmem>>, vector<16xf32>,
        %parallel_loop3A_2258 = arith.constant 11 : i32
        %parallel_loop3A_2259 = arith.index_cast %parallel_loop3A_2258 : i32 to index
        %parallel_loop3A_2260 = arith.index_cast %parallel_loop3A_2191 : i32 to index
        %parallel_loop3A_2261 = tpu.vector_load %arg16[%parallel_loop3A_2259, %parallel_loop3A_2260] {strides = array<i32>} : memref<16x768xf32, #tpu.memory_space<vmem>>, vector<16xf32>,
        %parallel_loop3A_2262 = arith.select %gt3A_528, %parallel_loop3A_2199, %parallel_loop3A_2195 : vector<16xi1>, vector<16xf32>
        %parallel_loop3A_2263 = arith.addf %parallel_loop3A_2261, %parallel_loop3A_2262 : vector<16xf32>
        %parallel_loop3A_2264 = arith.addf %parallel_loop3A_2257, %parallel_loop3A_2263 : vector<16xf32>
        %parallel_loop3A_2265 = arith.constant 11 : i32
        %parallel_loop3A_2266 = arith.index_cast %parallel_loop3A_2265 : i32 to index
        %parallel_loop3A_2267 = arith.index_cast %parallel_loop3A_2191 : i32 to index
        %parallel_loop3A_2268 = tpu.vector_load %arg18[%parallel_loop3A_2266, %parallel_loop3A_2267] {strides = array<i32>} : memref<16x768xf32, #tpu.memory_space<vmem>>, vector<16xf32>,
        tpu.vector_store %arg18[%parallel_loop3A_2266, %parallel_loop3A_2267], %parallel_loop3A_2264 {strides = array<i32>} : memref<16x768xf32, #tpu.memory_space<vmem>>, vector<16xf32>,
        %parallel_loop3A_2269 = arith.addf %parallel_loop3A_2177, %parallel_loop3A_2264 : vector<16xf32>
        %parallel_loop3A_2270 = arith.mulf %parallel_loop3A_2264, %parallel_loop3A_2264 : vector<16xf32>
        %parallel_loop3A_2271 = arith.addf %parallel_loop3A_2185, %parallel_loop3A_2270 : vector<16xf32>
        %parallel_loop3A_2272 = arith.constant 12 : i32
        %parallel_loop3A_2273 = arith.index_cast %parallel_loop3A_2272 : i32 to index
        %parallel_loop3A_2274 = arith.index_cast %parallel_loop3A_2191 : i32 to index
        %parallel_loop3A_2275 = tpu.vector_load %arg14[%parallel_loop3A_2273, %parallel_loop3A_2274] {strides = array<i32>} : memref<16x768xf32, #tpu.memory_space<vmem>>, vector<16xf32>,
        %parallel_loop3A_2276 = arith.constant 12 : i32
        %parallel_loop3A_2277 = arith.index_cast %parallel_loop3A_2276 : i32 to index
        %parallel_loop3A_2278 = arith.index_cast %parallel_loop3A_2191 : i32 to index
        %parallel_loop3A_2279 = tpu.vector_load %arg16[%parallel_loop3A_2277, %parallel_loop3A_2278] {strides = array<i32>} : memref<16x768xf32, #tpu.memory_space<vmem>>, vector<16xf32>,
        %parallel_loop3A_2280 = arith.select %gt3A_535, %parallel_loop3A_2199, %parallel_loop3A_2195 : vector<16xi1>, vector<16xf32>
        %parallel_loop3A_2281 = arith.addf %parallel_loop3A_2279, %parallel_loop3A_2280 : vector<16xf32>
        %parallel_loop3A_2282 = arith.addf %parallel_loop3A_2275, %parallel_loop3A_2281 : vector<16xf32>
        %parallel_loop3A_2283 = arith.constant 12 : i32
        %parallel_loop3A_2284 = arith.index_cast %parallel_loop3A_2283 : i32 to index
        %parallel_loop3A_2285 = arith.index_cast %parallel_loop3A_2191 : i32 to index
        %parallel_loop3A_2286 = tpu.vector_load %arg18[%parallel_loop3A_2284, %parallel_loop3A_2285] {strides = array<i32>} : memref<16x768xf32, #tpu.memory_space<vmem>>, vector<16xf32>,
        tpu.vector_store %arg18[%parallel_loop3A_2284, %parallel_loop3A_2285], %parallel_loop3A_2282 {strides = array<i32>} : memref<16x768xf32, #tpu.memory_space<vmem>>, vector<16xf32>,
        %parallel_loop3A_2287 = arith.addf %parallel_loop3A_2178, %parallel_loop3A_2282 : vector<16xf32>
        %parallel_loop3A_2288 = arith.mulf %parallel_loop3A_2282, %parallel_loop3A_2282 : vector<16xf32>
        %parallel_loop3A_2289 = arith.addf %parallel_loop3A_2186, %parallel_loop3A_2288 : vector<16xf32>
        %parallel_loop3A_2290 = arith.constant 13 : i32
        %parallel_loop3A_2291 = arith.index_cast %parallel_loop3A_2290 : i32 to index
        %parallel_loop3A_2292 = arith.index_cast %parallel_loop3A_2191 : i32 to index
        %parallel_loop3A_2293 = tpu.vector_load %arg14[%parallel_loop3A_2291, %parallel_loop3A_2292] {strides = array<i32>} : memref<16x768xf32, #tpu.memory_space<vmem>>, vector<16xf32>,
        %parallel_loop3A_2294 = arith.constant 13 : i32
        %parallel_loop3A_2295 = arith.index_cast %parallel_loop3A_2294 : i32 to index
        %parallel_loop3A_2296 = arith.index_cast %parallel_loop3A_2191 : i32 to index
        %parallel_loop3A_2297 = tpu.vector_load %arg16[%parallel_loop3A_2295, %parallel_loop3A_2296] {strides = array<i32>} : memref<16x768xf32, #tpu.memory_space<vmem>>, vector<16xf32>,
        %parallel_loop3A_2298 = arith.select %gt3A_542, %parallel_loop3A_2199, %parallel_loop3A_2195 : vector<16xi1>, vector<16xf32>
        %parallel_loop3A_2299 = arith.addf %parallel_loop3A_2297, %parallel_loop3A_2298 : vector<16xf32>
        %parallel_loop3A_2300 = arith.addf %parallel_loop3A_2293, %parallel_loop3A_2299 : vector<16xf32>
        %parallel_loop3A_2301 = arith.constant 13 : i32
        %parallel_loop3A_2302 = arith.index_cast %parallel_loop3A_2301 : i32 to index
        %parallel_loop3A_2303 = arith.index_cast %parallel_loop3A_2191 : i32 to index
        %parallel_loop3A_2304 = tpu.vector_load %arg18[%parallel_loop3A_2302, %parallel_loop3A_2303] {strides = array<i32>} : memref<16x768xf32, #tpu.memory_space<vmem>>, vector<16xf32>,
        tpu.vector_store %arg18[%parallel_loop3A_2302, %parallel_loop3A_2303], %parallel_loop3A_2300 {strides = array<i32>} : memref<16x768xf32, #tpu.memory_space<vmem>>, vector<16xf32>,
        %parallel_loop3A_2305 = arith.addf %parallel_loop3A_2179, %parallel_loop3A_2300 : vector<16xf32>
        %parallel_loop3A_2306 = arith.mulf %parallel_loop3A_2300, %parallel_loop3A_2300 : vector<16xf32>
        %parallel_loop3A_2307 = arith.addf %parallel_loop3A_2187, %parallel_loop3A_2306 : vector<16xf32>
        %parallel_loop3A_2308 = arith.constant 14 : i32
        %parallel_loop3A_2309 = arith.index_cast %parallel_loop3A_2308 : i32 to index
        %parallel_loop3A_2310 = arith.index_cast %parallel_loop3A_2191 : i32 to index
        %parallel_loop3A_2311 = tpu.vector_load %arg14[%parallel_loop3A_2309, %parallel_loop3A_2310] {strides = array<i32>} : memref<16x768xf32, #tpu.memory_space<vmem>>, vector<16xf32>,
        %parallel_loop3A_2312 = arith.constant 14 : i32
        %parallel_loop3A_2313 = arith.index_cast %parallel_loop3A_2312 : i32 to index
        %parallel_loop3A_2314 = arith.index_cast %parallel_loop3A_2191 : i32 to index
        %parallel_loop3A_2315 = tpu.vector_load %arg16[%parallel_loop3A_2313, %parallel_loop3A_2314] {strides = array<i32>} : memref<16x768xf32, #tpu.memory_space<vmem>>, vector<16xf32>,
        %parallel_loop3A_2316 = arith.select %gt3A_549, %parallel_loop3A_2199, %parallel_loop3A_2195 : vector<16xi1>, vector<16xf32>
        %parallel_loop3A_2317 = arith.addf %parallel_loop3A_2315, %parallel_loop3A_2316 : vector<16xf32>
        %parallel_loop3A_2318 = arith.addf %parallel_loop3A_2311, %parallel_loop3A_2317 : vector<16xf32>
        %parallel_loop3A_2319 = arith.constant 14 : i32
        %parallel_loop3A_2320 = arith.index_cast %parallel_loop3A_2319 : i32 to index
        %parallel_loop3A_2321 = arith.index_cast %parallel_loop3A_2191 : i32 to index
        %parallel_loop3A_2322 = tpu.vector_load %arg18[%parallel_loop3A_2320, %parallel_loop3A_2321] {strides = array<i32>} : memref<16x768xf32, #tpu.memory_space<vmem>>, vector<16xf32>,
        tpu.vector_store %arg18[%parallel_loop3A_2320, %parallel_loop3A_2321], %parallel_loop3A_2318 {strides = array<i32>} : memref<16x768xf32, #tpu.memory_space<vmem>>, vector<16xf32>,
        %parallel_loop3A_2323 = arith.addf %parallel_loop3A_2180, %parallel_loop3A_2318 : vector<16xf32>
        %parallel_loop3A_2324 = arith.mulf %parallel_loop3A_2318, %parallel_loop3A_2318 : vector<16xf32>
        %parallel_loop3A_2325 = arith.addf %parallel_loop3A_2188, %parallel_loop3A_2324 : vector<16xf32>
        %parallel_loop3A_2326 = arith.constant 15 : i32
        %parallel_loop3A_2327 = arith.index_cast %parallel_loop3A_2326 : i32 to index
        %parallel_loop3A_2328 = arith.index_cast %parallel_loop3A_2191 : i32 to index
        %parallel_loop3A_2329 = tpu.vector_load %arg14[%parallel_loop3A_2327, %parallel_loop3A_2328] {strides = array<i32>} : memref<16x768xf32, #tpu.memory_space<vmem>>, vector<16xf32>,
        %parallel_loop3A_2330 = arith.constant 15 : i32
        %parallel_loop3A_2331 = arith.index_cast %parallel_loop3A_2330 : i32 to index
        %parallel_loop3A_2332 = arith.index_cast %parallel_loop3A_2191 : i32 to index
        %parallel_loop3A_2333 = tpu.vector_load %arg16[%parallel_loop3A_2331, %parallel_loop3A_2332] {strides = array<i32>} : memref<16x768xf32, #tpu.memory_space<vmem>>, vector<16xf32>,
        %parallel_loop3A_2334 = arith.select %gt3A_556, %parallel_loop3A_2199, %parallel_loop3A_2195 : vector<16xi1>, vector<16xf32>
        %parallel_loop3A_2335 = arith.addf %parallel_loop3A_2333, %parallel_loop3A_2334 : vector<16xf32>
        %parallel_loop3A_2336 = arith.addf %parallel_loop3A_2329, %parallel_loop3A_2335 : vector<16xf32>
        %parallel_loop3A_2337 = arith.constant 15 : i32
        %parallel_loop3A_2338 = arith.index_cast %parallel_loop3A_2337 : i32 to index
        %parallel_loop3A_2339 = arith.index_cast %parallel_loop3A_2191 : i32 to index
        %parallel_loop3A_2340 = tpu.vector_load %arg18[%parallel_loop3A_2338, %parallel_loop3A_2339] {strides = array<i32>} : memref<16x768xf32, #tpu.memory_space<vmem>>, vector<16xf32>,
        tpu.vector_store %arg18[%parallel_loop3A_2338, %parallel_loop3A_2339], %parallel_loop3A_2336 {strides = array<i32>} : memref<16x768xf32, #tpu.memory_space<vmem>>, vector<16xf32>,
        %parallel_loop3A_2341 = arith.addf %parallel_loop3A_2181, %parallel_loop3A_2336 : vector<16xf32>
        %parallel_loop3A_2342 = arith.mulf %parallel_loop3A_2336, %parallel_loop3A_2336 : vector<16xf32>
        %parallel_loop3A_2343 = arith.addf %parallel_loop3A_2189, %parallel_loop3A_2342 : vector<16xf32>
        scf.yield %parallel_loop3A_2215, %parallel_loop3A_2233, %parallel_loop3A_2251, %parallel_loop3A_2269, %parallel_loop3A_2287, %parallel_loop3A_2305, %parallel_loop3A_2323, %parallel_loop3A_2341, %parallel_loop3A_2217, %parallel_loop3A_2235, %parallel_loop3A_2253, %parallel_loop3A_2271, %parallel_loop3A_2289, %parallel_loop3A_2307, %parallel_loop3A_2325, %parallel_loop3A_2343 : vector<16xf32>, vector<16xf32>, vector<16xf32>, vector<16xf32>, vector<16xf32>, vector<16xf32>, vector<16xf32>, vector<16xf32>, vector<16xf32>, vector<16xf32>, vector<16xf32>, vector<16xf32>, vector<16xf32>, vector<16xf32>, vector<16xf32>, vector<16xf32>
      } {sc.loop_unroll_factor = 1 : i64, sc.parallel_access}
      %reduce_sum3A_563 = arith.constant true
      %reduce_sum3A_564 = vector.broadcast %reduce_sum3A_563 : i1 to vector<16xi1>
      %reduce_sum3A_565 = tpu.scan <sum>, %parallel_loop3A_562#0 masked %reduce_sum3A_564 : vector<16xf32>, vector<16xi1> -> vector<16xf32>
      %reduce_sum3A_566 = vector.extract %reduce_sum3A_565[15] : f32 from vector<16xf32>
      %reduce_sum3A_567 = arith.constant true
      %reduce_sum3A_568 = vector.broadcast %reduce_sum3A_567 : i1 to vector<16xi1>
      %reduce_sum3A_569 = tpu.scan <sum>, %parallel_loop3A_562#8 masked %reduce_sum3A_568 : vector<16xf32>, vector<16xi1> -> vector<16xf32>
      %reduce_sum3A_570 = vector.extract %reduce_sum3A_569[15] : f32 from vector<16xf32>
      %mul3A_571 = arith.constant 0.00130208337 : f32
      %mul3A_572 = arith.mulf %reduce_sum3A_566, %mul3A_571 : f32
      %mul3A_573 = arith.constant 0.00130208337 : f32
      %mul3A_574 = arith.mulf %reduce_sum3A_570, %mul3A_573 : f32
      %mul3A_575 = arith.mulf %mul3A_572, %mul3A_572 : f32
      %sub3A_576 = arith.subf %mul3A_574, %mul3A_575 : f32
      %add3A_577 = arith.constant 9.99999996E-13 : f32
      %add3A_578 = arith.addf %sub3A_576, %add3A_577 : f32
      %broadcast_in_dim3A_579 = vector.broadcast %add3A_578 : f32 to vector<16xf32>
      %bitcast_convert_type3A_580 = tpu.bitcast %broadcast_in_dim3A_579 : vector<16xf32> -> vector<16xi32>
      %shift_right_arithmetic3A_581 = arith.constant 1 : i32
      %shift_right_arithmetic3A_582 = vector.broadcast %shift_right_arithmetic3A_581 : i32 to vector<16xi32>
      %shift_right_arithmetic3A_583 = arith.shrsi %bitcast_convert_type3A_580, %shift_right_arithmetic3A_582 : vector<16xi32>
      %sub3A_584 = arith.constant 1597463007 : i32
      %sub3A_585 = vector.broadcast %sub3A_584 : i32 to vector<16xi32>
      %sub3A_586 = arith.subi %sub3A_585, %shift_right_arithmetic3A_583 : vector<16xi32>
      %bitcast_convert_type3A_587 = tpu.bitcast %sub3A_586 : vector<16xi32> -> vector<16xf32>
      %mul3A_588 = arith.constant 5.000000e-01 : f32
      %mul3A_589 = vector.broadcast %mul3A_588 : f32 to vector<16xf32>
      %mul3A_590 = arith.mulf %broadcast_in_dim3A_579, %mul3A_589 : vector<16xf32>
      %mul3A_591 = arith.mulf %mul3A_590, %bitcast_convert_type3A_587 : vector<16xf32>
      %mul3A_592 = arith.mulf %mul3A_591, %bitcast_convert_type3A_587 : vector<16xf32>
      %sub3A_593 = arith.constant 1.500000e+00 : f32
      %sub3A_594 = vector.broadcast %sub3A_593 : f32 to vector<16xf32>
      %sub3A_595 = arith.subf %sub3A_594, %mul3A_592 : vector<16xf32>
      %mul3A_596 = arith.mulf %bitcast_convert_type3A_587, %sub3A_595 : vector<16xf32>
      %mul3A_597 = arith.mulf %mul3A_590, %mul3A_596 : vector<16xf32>
      %mul3A_598 = arith.mulf %mul3A_597, %mul3A_596 : vector<16xf32>
      %sub3A_599 = arith.constant 1.500000e+00 : f32
      %sub3A_600 = vector.broadcast %sub3A_599 : f32 to vector<16xf32>
      %sub3A_601 = arith.subf %sub3A_600, %mul3A_598 : vector<16xf32>
      %mul3A_602 = arith.mulf %mul3A_596, %sub3A_601 : vector<16xf32>
      %broadcast_in_dim3A_603 = vector.broadcast %mul3A_572 : f32 to vector<16xf32>
      %swap3A_604 = arith.constant 8 : i32
      %swap3A_605 = arith.index_cast %swap3A_604 : i32 to index
      %swap3A_606 = arith.constant 0 : index
      %swap3A_607 = tpu.vector_load %arg24[%swap3A_605, %swap3A_606] {strides = array<i32>} : memref<16x16xf32, #tpu.memory_space<vmem>>, vector<16xf32>,
      tpu.vector_store %arg24[%swap3A_605, %swap3A_606], %broadcast_in_dim3A_603 {strides = array<i32>} : memref<16x16xf32, #tpu.memory_space<vmem>>, vector<16xf32>,
      %swap3A_608 = arith.constant 8 : i32
      %swap3A_609 = arith.index_cast %swap3A_608 : i32 to index
      %swap3A_610 = arith.constant 0 : index
      %swap3A_611 = tpu.vector_load %arg25[%swap3A_609, %swap3A_610] {strides = array<i32>} : memref<16x16xf32, #tpu.memory_space<vmem>>, vector<16xf32>,
      tpu.vector_store %arg25[%swap3A_609, %swap3A_610], %mul3A_602 {strides = array<i32>} : memref<16x16xf32, #tpu.memory_space<vmem>>, vector<16xf32>,
      %reduce_sum3A_612 = arith.constant true
      %reduce_sum3A_613 = vector.broadcast %reduce_sum3A_612 : i1 to vector<16xi1>
      %reduce_sum3A_614 = tpu.scan <sum>, %parallel_loop3A_562#1 masked %reduce_sum3A_613 : vector<16xf32>, vector<16xi1> -> vector<16xf32>
      %reduce_sum3A_615 = vector.extract %reduce_sum3A_614[15] : f32 from vector<16xf32>
      %reduce_sum3A_616 = arith.constant true
      %reduce_sum3A_617 = vector.broadcast %reduce_sum3A_616 : i1 to vector<16xi1>
      %reduce_sum3A_618 = tpu.scan <sum>, %parallel_loop3A_562#9 masked %reduce_sum3A_617 : vector<16xf32>, vector<16xi1> -> vector<16xf32>
      %reduce_sum3A_619 = vector.extract %reduce_sum3A_618[15] : f32 from vector<16xf32>
      %mul3A_620 = arith.constant 0.00130208337 : f32
      %mul3A_621 = arith.mulf %reduce_sum3A_615, %mul3A_620 : f32
      %mul3A_622 = arith.constant 0.00130208337 : f32
      %mul3A_623 = arith.mulf %reduce_sum3A_619, %mul3A_622 : f32
      %mul3A_624 = arith.mulf %mul3A_621, %mul3A_621 : f32
      %sub3A_625 = arith.subf %mul3A_623, %mul3A_624 : f32
      %add3A_626 = arith.constant 9.99999996E-13 : f32
      %add3A_627 = arith.addf %sub3A_625, %add3A_626 : f32
      %broadcast_in_dim3A_628 = vector.broadcast %add3A_627 : f32 to vector<16xf32>
      %bitcast_convert_type3A_629 = tpu.bitcast %broadcast_in_dim3A_628 : vector<16xf32> -> vector<16xi32>
      %shift_right_arithmetic3A_630 = arith.constant 1 : i32
      %shift_right_arithmetic3A_631 = vector.broadcast %shift_right_arithmetic3A_630 : i32 to vector<16xi32>
      %shift_right_arithmetic3A_632 = arith.shrsi %bitcast_convert_type3A_629, %shift_right_arithmetic3A_631 : vector<16xi32>
      %sub3A_633 = arith.constant 1597463007 : i32
      %sub3A_634 = vector.broadcast %sub3A_633 : i32 to vector<16xi32>
      %sub3A_635 = arith.subi %sub3A_634, %shift_right_arithmetic3A_632 : vector<16xi32>
      %bitcast_convert_type3A_636 = tpu.bitcast %sub3A_635 : vector<16xi32> -> vector<16xf32>
      %mul3A_637 = arith.constant 5.000000e-01 : f32
      %mul3A_638 = vector.broadcast %mul3A_637 : f32 to vector<16xf32>
      %mul3A_639 = arith.mulf %broadcast_in_dim3A_628, %mul3A_638 : vector<16xf32>
      %mul3A_640 = arith.mulf %mul3A_639, %bitcast_convert_type3A_636 : vector<16xf32>
      %mul3A_641 = arith.mulf %mul3A_640, %bitcast_convert_type3A_636 : vector<16xf32>
      %sub3A_642 = arith.constant 1.500000e+00 : f32
      %sub3A_643 = vector.broadcast %sub3A_642 : f32 to vector<16xf32>
      %sub3A_644 = arith.subf %sub3A_643, %mul3A_641 : vector<16xf32>
      %mul3A_645 = arith.mulf %bitcast_convert_type3A_636, %sub3A_644 : vector<16xf32>
      %mul3A_646 = arith.mulf %mul3A_639, %mul3A_645 : vector<16xf32>
      %mul3A_647 = arith.mulf %mul3A_646, %mul3A_645 : vector<16xf32>
      %sub3A_648 = arith.constant 1.500000e+00 : f32
      %sub3A_649 = vector.broadcast %sub3A_648 : f32 to vector<16xf32>
      %sub3A_650 = arith.subf %sub3A_649, %mul3A_647 : vector<16xf32>
      %mul3A_651 = arith.mulf %mul3A_645, %sub3A_650 : vector<16xf32>
      %broadcast_in_dim3A_652 = vector.broadcast %mul3A_621 : f32 to vector<16xf32>
      %swap3A_653 = arith.constant 9 : i32
      %swap3A_654 = arith.index_cast %swap3A_653 : i32 to index
      %swap3A_655 = arith.constant 0 : index
      %swap3A_656 = tpu.vector_load %arg24[%swap3A_654, %swap3A_655] {strides = array<i32>} : memref<16x16xf32, #tpu.memory_space<vmem>>, vector<16xf32>,
      tpu.vector_store %arg24[%swap3A_654, %swap3A_655], %broadcast_in_dim3A_652 {strides = array<i32>} : memref<16x16xf32, #tpu.memory_space<vmem>>, vector<16xf32>,
      %swap3A_657 = arith.constant 9 : i32
      %swap3A_658 = arith.index_cast %swap3A_657 : i32 to index
      %swap3A_659 = arith.constant 0 : index
      %swap3A_660 = tpu.vector_load %arg25[%swap3A_658, %swap3A_659] {strides = array<i32>} : memref<16x16xf32, #tpu.memory_space<vmem>>, vector<16xf32>,
      tpu.vector_store %arg25[%swap3A_658, %swap3A_659], %mul3A_651 {strides = array<i32>} : memref<16x16xf32, #tpu.memory_space<vmem>>, vector<16xf32>,
      %reduce_sum3A_661 = arith.constant true
      %reduce_sum3A_662 = vector.broadcast %reduce_sum3A_661 : i1 to vector<16xi1>
      %reduce_sum3A_663 = tpu.scan <sum>, %parallel_loop3A_562#2 masked %reduce_sum3A_662 : vector<16xf32>, vector<16xi1> -> vector<16xf32>
      %reduce_sum3A_664 = vector.extract %reduce_sum3A_663[15] : f32 from vector<16xf32>
      %reduce_sum3A_665 = arith.constant true
      %reduce_sum3A_666 = vector.broadcast %reduce_sum3A_665 : i1 to vector<16xi1>
      %reduce_sum3A_667 = tpu.scan <sum>, %parallel_loop3A_562#10 masked %reduce_sum3A_666 : vector<16xf32>, vector<16xi1> -> vector<16xf32>
      %reduce_sum3A_668 = vector.extract %reduce_sum3A_667[15] : f32 from vector<16xf32>
      %mul3A_669 = arith.constant 0.00130208337 : f32
      %mul3A_670 = arith.mulf %reduce_sum3A_664, %mul3A_669 : f32
      %mul3A_671 = arith.constant 0.00130208337 : f32
      %mul3A_672 = arith.mulf %reduce_sum3A_668, %mul3A_671 : f32
      %mul3A_673 = arith.mulf %mul3A_670, %mul3A_670 : f32
      %sub3A_674 = arith.subf %mul3A_672, %mul3A_673 : f32
      %add3A_675 = arith.constant 9.99999996E-13 : f32
      %add3A_676 = arith.addf %sub3A_674, %add3A_675 : f32
      %broadcast_in_dim3A_677 = vector.broadcast %add3A_676 : f32 to vector<16xf32>
      %bitcast_convert_type3A_678 = tpu.bitcast %broadcast_in_dim3A_677 : vector<16xf32> -> vector<16xi32>
      %shift_right_arithmetic3A_679 = arith.constant 1 : i32
      %shift_right_arithmetic3A_680 = vector.broadcast %shift_right_arithmetic3A_679 : i32 to vector<16xi32>
      %shift_right_arithmetic3A_681 = arith.shrsi %bitcast_convert_type3A_678, %shift_right_arithmetic3A_680 : vector<16xi32>
      %sub3A_682 = arith.constant 1597463007 : i32
      %sub3A_683 = vector.broadcast %sub3A_682 : i32 to vector<16xi32>
      %sub3A_684 = arith.subi %sub3A_683, %shift_right_arithmetic3A_681 : vector<16xi32>
      %bitcast_convert_type3A_685 = tpu.bitcast %sub3A_684 : vector<16xi32> -> vector<16xf32>
      %mul3A_686 = arith.constant 5.000000e-01 : f32
      %mul3A_687 = vector.broadcast %mul3A_686 : f32 to vector<16xf32>
      %mul3A_688 = arith.mulf %broadcast_in_dim3A_677, %mul3A_687 : vector<16xf32>
      %mul3A_689 = arith.mulf %mul3A_688, %bitcast_convert_type3A_685 : vector<16xf32>
      %mul3A_690 = arith.mulf %mul3A_689, %bitcast_convert_type3A_685 : vector<16xf32>
      %sub3A_691 = arith.constant 1.500000e+00 : f32
      %sub3A_692 = vector.broadcast %sub3A_691 : f32 to vector<16xf32>
      %sub3A_693 = arith.subf %sub3A_692, %mul3A_690 : vector<16xf32>
      %mul3A_694 = arith.mulf %bitcast_convert_type3A_685, %sub3A_693 : vector<16xf32>
      %mul3A_695 = arith.mulf %mul3A_688, %mul3A_694 : vector<16xf32>
      %mul3A_696 = arith.mulf %mul3A_695, %mul3A_694 : vector<16xf32>
      %sub3A_697 = arith.constant 1.500000e+00 : f32
      %sub3A_698 = vector.broadcast %sub3A_697 : f32 to vector<16xf32>
      %sub3A_699 = arith.subf %sub3A_698, %mul3A_696 : vector<16xf32>
      %mul3A_700 = arith.mulf %mul3A_694, %sub3A_699 : vector<16xf32>
      %broadcast_in_dim3A_701 = vector.broadcast %mul3A_670 : f32 to vector<16xf32>
      %swap3A_702 = arith.constant 10 : i32
      %swap3A_703 = arith.index_cast %swap3A_702 : i32 to index
      %swap3A_704 = arith.constant 0 : index
      %swap3A_705 = tpu.vector_load %arg24[%swap3A_703, %swap3A_704] {strides = array<i32>} : memref<16x16xf32, #tpu.memory_space<vmem>>, vector<16xf32>,
      tpu.vector_store %arg24[%swap3A_703, %swap3A_704], %broadcast_in_dim3A_701 {strides = array<i32>} : memref<16x16xf32, #tpu.memory_space<vmem>>, vector<16xf32>,
      %swap3A_706 = arith.constant 10 : i32
      %swap3A_707 = arith.index_cast %swap3A_706 : i32 to index
      %swap3A_708 = arith.constant 0 : index
      %swap3A_709 = tpu.vector_load %arg25[%swap3A_707, %swap3A_708] {strides = array<i32>} : memref<16x16xf32, #tpu.memory_space<vmem>>, vector<16xf32>,
      tpu.vector_store %arg25[%swap3A_707, %swap3A_708], %mul3A_700 {strides = array<i32>} : memref<16x16xf32, #tpu.memory_space<vmem>>, vector<16xf32>,
      %reduce_sum3A_710 = arith.constant true
      %reduce_sum3A_711 = vector.broadcast %reduce_sum3A_710 : i1 to vector<16xi1>
      %reduce_sum3A_712 = tpu.scan <sum>, %parallel_loop3A_562#3 masked %reduce_sum3A_711 : vector<16xf32>, vector<16xi1> -> vector<16xf32>
      %reduce_sum3A_713 = vector.extract %reduce_sum3A_712[15] : f32 from vector<16xf32>
      %reduce_sum3A_714 = arith.constant true
      %reduce_sum3A_715 = vector.broadcast %reduce_sum3A_714 : i1 to vector<16xi1>
      %reduce_sum3A_716 = tpu.scan <sum>, %parallel_loop3A_562#11 masked %reduce_sum3A_715 : vector<16xf32>, vector<16xi1> -> vector<16xf32>
      %reduce_sum3A_717 = vector.extract %reduce_sum3A_716[15] : f32 from vector<16xf32>
      %mul3A_718 = arith.constant 0.00130208337 : f32
      %mul3A_719 = arith.mulf %reduce_sum3A_713, %mul3A_718 : f32
      %mul3A_720 = arith.constant 0.00130208337 : f32
      %mul3A_721 = arith.mulf %reduce_sum3A_717, %mul3A_720 : f32
      %mul3A_722 = arith.mulf %mul3A_719, %mul3A_719 : f32
      %sub3A_723 = arith.subf %mul3A_721, %mul3A_722 : f32
      %add3A_724 = arith.constant 9.99999996E-13 : f32
      %add3A_725 = arith.addf %sub3A_723, %add3A_724 : f32
      %broadcast_in_dim3A_726 = vector.broadcast %add3A_725 : f32 to vector<16xf32>
      %bitcast_convert_type3A_727 = tpu.bitcast %broadcast_in_dim3A_726 : vector<16xf32> -> vector<16xi32>
      %shift_right_arithmetic3A_728 = arith.constant 1 : i32
      %shift_right_arithmetic3A_729 = vector.broadcast %shift_right_arithmetic3A_728 : i32 to vector<16xi32>
      %shift_right_arithmetic3A_730 = arith.shrsi %bitcast_convert_type3A_727, %shift_right_arithmetic3A_729 : vector<16xi32>
      %sub3A_731 = arith.constant 1597463007 : i32
      %sub3A_732 = vector.broadcast %sub3A_731 : i32 to vector<16xi32>
      %sub3A_733 = arith.subi %sub3A_732, %shift_right_arithmetic3A_730 : vector<16xi32>
      %bitcast_convert_type3A_734 = tpu.bitcast %sub3A_733 : vector<16xi32> -> vector<16xf32>
      %mul3A_735 = arith.constant 5.000000e-01 : f32
      %mul3A_736 = vector.broadcast %mul3A_735 : f32 to vector<16xf32>
      %mul3A_737 = arith.mulf %broadcast_in_dim3A_726, %mul3A_736 : vector<16xf32>
      %mul3A_738 = arith.mulf %mul3A_737, %bitcast_convert_type3A_734 : vector<16xf32>
      %mul3A_739 = arith.mulf %mul3A_738, %bitcast_convert_type3A_734 : vector<16xf32>
      %sub3A_740 = arith.constant 1.500000e+00 : f32
      %sub3A_741 = vector.broadcast %sub3A_740 : f32 to vector<16xf32>
      %sub3A_742 = arith.subf %sub3A_741, %mul3A_739 : vector<16xf32>
      %mul3A_743 = arith.mulf %bitcast_convert_type3A_734, %sub3A_742 : vector<16xf32>
      %mul3A_744 = arith.mulf %mul3A_737, %mul3A_743 : vector<16xf32>
      %mul3A_745 = arith.mulf %mul3A_744, %mul3A_743 : vector<16xf32>
      %sub3A_746 = arith.constant 1.500000e+00 : f32
      %sub3A_747 = vector.broadcast %sub3A_746 : f32 to vector<16xf32>
      %sub3A_748 = arith.subf %sub3A_747, %mul3A_745 : vector<16xf32>
      %mul3A_749 = arith.mulf %mul3A_743, %sub3A_748 : vector<16xf32>
      %broadcast_in_dim3A_750 = vector.broadcast %mul3A_719 : f32 to vector<16xf32>
      %swap3A_751 = arith.constant 11 : i32
      %swap3A_752 = arith.index_cast %swap3A_751 : i32 to index
      %swap3A_753 = arith.constant 0 : index
      %swap3A_754 = tpu.vector_load %arg24[%swap3A_752, %swap3A_753] {strides = array<i32>} : memref<16x16xf32, #tpu.memory_space<vmem>>, vector<16xf32>,
      tpu.vector_store %arg24[%swap3A_752, %swap3A_753], %broadcast_in_dim3A_750 {strides = array<i32>} : memref<16x16xf32, #tpu.memory_space<vmem>>, vector<16xf32>,
      %swap3A_755 = arith.constant 11 : i32
      %swap3A_756 = arith.index_cast %swap3A_755 : i32 to index
      %swap3A_757 = arith.constant 0 : index
      %swap3A_758 = tpu.vector_load %arg25[%swap3A_756, %swap3A_757] {strides = array<i32>} : memref<16x16xf32, #tpu.memory_space<vmem>>, vector<16xf32>,
      tpu.vector_store %arg25[%swap3A_756, %swap3A_757], %mul3A_749 {strides = array<i32>} : memref<16x16xf32, #tpu.memory_space<vmem>>, vector<16xf32>,
      %reduce_sum3A_759 = arith.constant true
      %reduce_sum3A_760 = vector.broadcast %reduce_sum3A_759 : i1 to vector<16xi1>
      %reduce_sum3A_761 = tpu.scan <sum>, %parallel_loop3A_562#4 masked %reduce_sum3A_760 : vector<16xf32>, vector<16xi1> -> vector<16xf32>
      %reduce_sum3A_762 = vector.extract %reduce_sum3A_761[15] : f32 from vector<16xf32>
      %reduce_sum3A_763 = arith.constant true
      %reduce_sum3A_764 = vector.broadcast %reduce_sum3A_763 : i1 to vector<16xi1>
      %reduce_sum3A_765 = tpu.scan <sum>, %parallel_loop3A_562#12 masked %reduce_sum3A_764 : vector<16xf32>, vector<16xi1> -> vector<16xf32>
      %reduce_sum3A_766 = vector.extract %reduce_sum3A_765[15] : f32 from vector<16xf32>
      %mul3A_767 = arith.constant 0.00130208337 : f32
      %mul3A_768 = arith.mulf %reduce_sum3A_762, %mul3A_767 : f32
      %mul3A_769 = arith.constant 0.00130208337 : f32
      %mul3A_770 = arith.mulf %reduce_sum3A_766, %mul3A_769 : f32
      %mul3A_771 = arith.mulf %mul3A_768, %mul3A_768 : f32
      %sub3A_772 = arith.subf %mul3A_770, %mul3A_771 : f32
      %add3A_773 = arith.constant 9.99999996E-13 : f32
      %add3A_774 = arith.addf %sub3A_772, %add3A_773 : f32
      %broadcast_in_dim3A_775 = vector.broadcast %add3A_774 : f32 to vector<16xf32>
      %bitcast_convert_type3A_776 = tpu.bitcast %broadcast_in_dim3A_775 : vector<16xf32> -> vector<16xi32>
      %shift_right_arithmetic3A_777 = arith.constant 1 : i32
      %shift_right_arithmetic3A_778 = vector.broadcast %shift_right_arithmetic3A_777 : i32 to vector<16xi32>
      %shift_right_arithmetic3A_779 = arith.shrsi %bitcast_convert_type3A_776, %shift_right_arithmetic3A_778 : vector<16xi32>
      %sub3A_780 = arith.constant 1597463007 : i32
      %sub3A_781 = vector.broadcast %sub3A_780 : i32 to vector<16xi32>
      %sub3A_782 = arith.subi %sub3A_781, %shift_right_arithmetic3A_779 : vector<16xi32>
      %bitcast_convert_type3A_783 = tpu.bitcast %sub3A_782 : vector<16xi32> -> vector<16xf32>
      %mul3A_784 = arith.constant 5.000000e-01 : f32
      %mul3A_785 = vector.broadcast %mul3A_784 : f32 to vector<16xf32>
      %mul3A_786 = arith.mulf %broadcast_in_dim3A_775, %mul3A_785 : vector<16xf32>
      %mul3A_787 = arith.mulf %mul3A_786, %bitcast_convert_type3A_783 : vector<16xf32>
      %mul3A_788 = arith.mulf %mul3A_787, %bitcast_convert_type3A_783 : vector<16xf32>
      %sub3A_789 = arith.constant 1.500000e+00 : f32
      %sub3A_790 = vector.broadcast %sub3A_789 : f32 to vector<16xf32>
      %sub3A_791 = arith.subf %sub3A_790, %mul3A_788 : vector<16xf32>
      %mul3A_792 = arith.mulf %bitcast_convert_type3A_783, %sub3A_791 : vector<16xf32>
      %mul3A_793 = arith.mulf %mul3A_786, %mul3A_792 : vector<16xf32>
      %mul3A_794 = arith.mulf %mul3A_793, %mul3A_792 : vector<16xf32>
      %sub3A_795 = arith.constant 1.500000e+00 : f32
      %sub3A_796 = vector.broadcast %sub3A_795 : f32 to vector<16xf32>
      %sub3A_797 = arith.subf %sub3A_796, %mul3A_794 : vector<16xf32>
      %mul3A_798 = arith.mulf %mul3A_792, %sub3A_797 : vector<16xf32>
      %broadcast_in_dim3A_799 = vector.broadcast %mul3A_768 : f32 to vector<16xf32>
      %swap3A_800 = arith.constant 12 : i32
      %swap3A_801 = arith.index_cast %swap3A_800 : i32 to index
      %swap3A_802 = arith.constant 0 : index
      %swap3A_803 = tpu.vector_load %arg24[%swap3A_801, %swap3A_802] {strides = array<i32>} : memref<16x16xf32, #tpu.memory_space<vmem>>, vector<16xf32>,
      tpu.vector_store %arg24[%swap3A_801, %swap3A_802], %broadcast_in_dim3A_799 {strides = array<i32>} : memref<16x16xf32, #tpu.memory_space<vmem>>, vector<16xf32>,
      %swap3A_804 = arith.constant 12 : i32
      %swap3A_805 = arith.index_cast %swap3A_804 : i32 to index
      %swap3A_806 = arith.constant 0 : index
      %swap3A_807 = tpu.vector_load %arg25[%swap3A_805, %swap3A_806] {strides = array<i32>} : memref<16x16xf32, #tpu.memory_space<vmem>>, vector<16xf32>,
      tpu.vector_store %arg25[%swap3A_805, %swap3A_806], %mul3A_798 {strides = array<i32>} : memref<16x16xf32, #tpu.memory_space<vmem>>, vector<16xf32>,
      %reduce_sum3A_808 = arith.constant true
      %reduce_sum3A_809 = vector.broadcast %reduce_sum3A_808 : i1 to vector<16xi1>
      %reduce_sum3A_810 = tpu.scan <sum>, %parallel_loop3A_562#5 masked %reduce_sum3A_809 : vector<16xf32>, vector<16xi1> -> vector<16xf32>
      %reduce_sum3A_811 = vector.extract %reduce_sum3A_810[15] : f32 from vector<16xf32>
      %reduce_sum3A_812 = arith.constant true
      %reduce_sum3A_813 = vector.broadcast %reduce_sum3A_812 : i1 to vector<16xi1>
      %reduce_sum3A_814 = tpu.scan <sum>, %parallel_loop3A_562#13 masked %reduce_sum3A_813 : vector<16xf32>, vector<16xi1> -> vector<16xf32>
      %reduce_sum3A_815 = vector.extract %reduce_sum3A_814[15] : f32 from vector<16xf32>
      %mul3A_816 = arith.constant 0.00130208337 : f32
      %mul3A_817 = arith.mulf %reduce_sum3A_811, %mul3A_816 : f32
      %mul3A_818 = arith.constant 0.00130208337 : f32
      %mul3A_819 = arith.mulf %reduce_sum3A_815, %mul3A_818 : f32
      %mul3A_820 = arith.mulf %mul3A_817, %mul3A_817 : f32
      %sub3A_821 = arith.subf %mul3A_819, %mul3A_820 : f32
      %add3A_822 = arith.constant 9.99999996E-13 : f32
      %add3A_823 = arith.addf %sub3A_821, %add3A_822 : f32
      %broadcast_in_dim3A_824 = vector.broadcast %add3A_823 : f32 to vector<16xf32>
      %bitcast_convert_type3A_825 = tpu.bitcast %broadcast_in_dim3A_824 : vector<16xf32> -> vector<16xi32>
      %shift_right_arithmetic3A_826 = arith.constant 1 : i32
      %shift_right_arithmetic3A_827 = vector.broadcast %shift_right_arithmetic3A_826 : i32 to vector<16xi32>
      %shift_right_arithmetic3A_828 = arith.shrsi %bitcast_convert_type3A_825, %shift_right_arithmetic3A_827 : vector<16xi32>
      %sub3A_829 = arith.constant 1597463007 : i32
      %sub3A_830 = vector.broadcast %sub3A_829 : i32 to vector<16xi32>
      %sub3A_831 = arith.subi %sub3A_830, %shift_right_arithmetic3A_828 : vector<16xi32>
      %bitcast_convert_type3A_832 = tpu.bitcast %sub3A_831 : vector<16xi32> -> vector<16xf32>
      %mul3A_833 = arith.constant 5.000000e-01 : f32
      %mul3A_834 = vector.broadcast %mul3A_833 : f32 to vector<16xf32>
      %mul3A_835 = arith.mulf %broadcast_in_dim3A_824, %mul3A_834 : vector<16xf32>
      %mul3A_836 = arith.mulf %mul3A_835, %bitcast_convert_type3A_832 : vector<16xf32>
      %mul3A_837 = arith.mulf %mul3A_836, %bitcast_convert_type3A_832 : vector<16xf32>
      %sub3A_838 = arith.constant 1.500000e+00 : f32
      %sub3A_839 = vector.broadcast %sub3A_838 : f32 to vector<16xf32>
      %sub3A_840 = arith.subf %sub3A_839, %mul3A_837 : vector<16xf32>
      %mul3A_841 = arith.mulf %bitcast_convert_type3A_832, %sub3A_840 : vector<16xf32>
      %mul3A_842 = arith.mulf %mul3A_835, %mul3A_841 : vector<16xf32>
      %mul3A_843 = arith.mulf %mul3A_842, %mul3A_841 : vector<16xf32>
      %sub3A_844 = arith.constant 1.500000e+00 : f32
      %sub3A_845 = vector.broadcast %sub3A_844 : f32 to vector<16xf32>
      %sub3A_846 = arith.subf %sub3A_845, %mul3A_843 : vector<16xf32>
      %mul3A_847 = arith.mulf %mul3A_841, %sub3A_846 : vector<16xf32>
      %broadcast_in_dim3A_848 = vector.broadcast %mul3A_817 : f32 to vector<16xf32>
      %swap3A_849 = arith.constant 13 : i32
      %swap3A_850 = arith.index_cast %swap3A_849 : i32 to index
      %swap3A_851 = arith.constant 0 : index
      %swap3A_852 = tpu.vector_load %arg24[%swap3A_850, %swap3A_851] {strides = array<i32>} : memref<16x16xf32, #tpu.memory_space<vmem>>, vector<16xf32>,
      tpu.vector_store %arg24[%swap3A_850, %swap3A_851], %broadcast_in_dim3A_848 {strides = array<i32>} : memref<16x16xf32, #tpu.memory_space<vmem>>, vector<16xf32>,
      %swap3A_853 = arith.constant 13 : i32
      %swap3A_854 = arith.index_cast %swap3A_853 : i32 to index
      %swap3A_855 = arith.constant 0 : index
      %swap3A_856 = tpu.vector_load %arg25[%swap3A_854, %swap3A_855] {strides = array<i32>} : memref<16x16xf32, #tpu.memory_space<vmem>>, vector<16xf32>,
      tpu.vector_store %arg25[%swap3A_854, %swap3A_855], %mul3A_847 {strides = array<i32>} : memref<16x16xf32, #tpu.memory_space<vmem>>, vector<16xf32>,
      %reduce_sum3A_857 = arith.constant true
      %reduce_sum3A_858 = vector.broadcast %reduce_sum3A_857 : i1 to vector<16xi1>
      %reduce_sum3A_859 = tpu.scan <sum>, %parallel_loop3A_562#6 masked %reduce_sum3A_858 : vector<16xf32>, vector<16xi1> -> vector<16xf32>
      %reduce_sum3A_860 = vector.extract %reduce_sum3A_859[15] : f32 from vector<16xf32>
      %reduce_sum3A_861 = arith.constant true
      %reduce_sum3A_862 = vector.broadcast %reduce_sum3A_861 : i1 to vector<16xi1>
      %reduce_sum3A_863 = tpu.scan <sum>, %parallel_loop3A_562#14 masked %reduce_sum3A_862 : vector<16xf32>, vector<16xi1> -> vector<16xf32>
      %reduce_sum3A_864 = vector.extract %reduce_sum3A_863[15] : f32 from vector<16xf32>
      %mul3A_865 = arith.constant 0.00130208337 : f32
      %mul3A_866 = arith.mulf %reduce_sum3A_860, %mul3A_865 : f32
      %mul3A_867 = arith.constant 0.00130208337 : f32
      %mul3A_868 = arith.mulf %reduce_sum3A_864, %mul3A_867 : f32
      %mul3A_869 = arith.mulf %mul3A_866, %mul3A_866 : f32
      %sub3A_870 = arith.subf %mul3A_868, %mul3A_869 : f32
      %add3A_871 = arith.constant 9.99999996E-13 : f32
      %add3A_872 = arith.addf %sub3A_870, %add3A_871 : f32
      %broadcast_in_dim3A_873 = vector.broadcast %add3A_872 : f32 to vector<16xf32>
      %bitcast_convert_type3A_874 = tpu.bitcast %broadcast_in_dim3A_873 : vector<16xf32> -> vector<16xi32>
      %shift_right_arithmetic3A_875 = arith.constant 1 : i32
      %shift_right_arithmetic3A_876 = vector.broadcast %shift_right_arithmetic3A_875 : i32 to vector<16xi32>
      %shift_right_arithmetic3A_877 = arith.shrsi %bitcast_convert_type3A_874, %shift_right_arithmetic3A_876 : vector<16xi32>
      %sub3A_878 = arith.constant 1597463007 : i32
      %sub3A_879 = vector.broadcast %sub3A_878 : i32 to vector<16xi32>
      %sub3A_880 = arith.subi %sub3A_879, %shift_right_arithmetic3A_877 : vector<16xi32>
      %bitcast_convert_type3A_881 = tpu.bitcast %sub3A_880 : vector<16xi32> -> vector<16xf32>
      %mul3A_882 = arith.constant 5.000000e-01 : f32
      %mul3A_883 = vector.broadcast %mul3A_882 : f32 to vector<16xf32>
      %mul3A_884 = arith.mulf %broadcast_in_dim3A_873, %mul3A_883 : vector<16xf32>
      %mul3A_885 = arith.mulf %mul3A_884, %bitcast_convert_type3A_881 : vector<16xf32>
      %mul3A_886 = arith.mulf %mul3A_885, %bitcast_convert_type3A_881 : vector<16xf32>
      %sub3A_887 = arith.constant 1.500000e+00 : f32
      %sub3A_888 = vector.broadcast %sub3A_887 : f32 to vector<16xf32>
      %sub3A_889 = arith.subf %sub3A_888, %mul3A_886 : vector<16xf32>
      %mul3A_890 = arith.mulf %bitcast_convert_type3A_881, %sub3A_889 : vector<16xf32>
      %mul3A_891 = arith.mulf %mul3A_884, %mul3A_890 : vector<16xf32>
      %mul3A_892 = arith.mulf %mul3A_891, %mul3A_890 : vector<16xf32>
      %sub3A_893 = arith.constant 1.500000e+00 : f32
      %sub3A_894 = vector.broadcast %sub3A_893 : f32 to vector<16xf32>
      %sub3A_895 = arith.subf %sub3A_894, %mul3A_892 : vector<16xf32>
      %mul3A_896 = arith.mulf %mul3A_890, %sub3A_895 : vector<16xf32>
      %broadcast_in_dim3A_897 = vector.broadcast %mul3A_866 : f32 to vector<16xf32>
      %swap3A_898 = arith.constant 14 : i32
      %swap3A_899 = arith.index_cast %swap3A_898 : i32 to index
      %swap3A_900 = arith.constant 0 : index
      %swap3A_901 = tpu.vector_load %arg24[%swap3A_899, %swap3A_900] {strides = array<i32>} : memref<16x16xf32, #tpu.memory_space<vmem>>, vector<16xf32>,
      tpu.vector_store %arg24[%swap3A_899, %swap3A_900], %broadcast_in_dim3A_897 {strides = array<i32>} : memref<16x16xf32, #tpu.memory_space<vmem>>, vector<16xf32>,
      %swap3A_902 = arith.constant 14 : i32
      %swap3A_903 = arith.index_cast %swap3A_902 : i32 to index
      %swap3A_904 = arith.constant 0 : index
      %swap3A_905 = tpu.vector_load %arg25[%swap3A_903, %swap3A_904] {strides = array<i32>} : memref<16x16xf32, #tpu.memory_space<vmem>>, vector<16xf32>,
      tpu.vector_store %arg25[%swap3A_903, %swap3A_904], %mul3A_896 {strides = array<i32>} : memref<16x16xf32, #tpu.memory_space<vmem>>, vector<16xf32>,
      %reduce_sum3A_906 = arith.constant true
      %reduce_sum3A_907 = vector.broadcast %reduce_sum3A_906 : i1 to vector<16xi1>
      %reduce_sum3A_908 = tpu.scan <sum>, %parallel_loop3A_562#7 masked %reduce_sum3A_907 : vector<16xf32>, vector<16xi1> -> vector<16xf32>
      %reduce_sum3A_909 = vector.extract %reduce_sum3A_908[15] : f32 from vector<16xf32>
      %reduce_sum3A_910 = arith.constant true
      %reduce_sum3A_911 = vector.broadcast %reduce_sum3A_910 : i1 to vector<16xi1>
      %reduce_sum3A_912 = tpu.scan <sum>, %parallel_loop3A_562#15 masked %reduce_sum3A_911 : vector<16xf32>, vector<16xi1> -> vector<16xf32>
      %reduce_sum3A_913 = vector.extract %reduce_sum3A_912[15] : f32 from vector<16xf32>
      %mul3A_914 = arith.constant 0.00130208337 : f32
      %mul3A_915 = arith.mulf %reduce_sum3A_909, %mul3A_914 : f32
      %mul3A_916 = arith.constant 0.00130208337 : f32
      %mul3A_917 = arith.mulf %reduce_sum3A_913, %mul3A_916 : f32
      %mul3A_918 = arith.mulf %mul3A_915, %mul3A_915 : f32
      %sub3A_919 = arith.subf %mul3A_917, %mul3A_918 : f32
      %add3A_920 = arith.constant 9.99999996E-13 : f32
      %add3A_921 = arith.addf %sub3A_919, %add3A_920 : f32
      %broadcast_in_dim3A_922 = vector.broadcast %add3A_921 : f32 to vector<16xf32>
      %bitcast_convert_type3A_923 = tpu.bitcast %broadcast_in_dim3A_922 : vector<16xf32> -> vector<16xi32>
      %shift_right_arithmetic3A_924 = arith.constant 1 : i32
      %shift_right_arithmetic3A_925 = vector.broadcast %shift_right_arithmetic3A_924 : i32 to vector<16xi32>
      %shift_right_arithmetic3A_926 = arith.shrsi %bitcast_convert_type3A_923, %shift_right_arithmetic3A_925 : vector<16xi32>
      %sub3A_927 = arith.constant 1597463007 : i32
      %sub3A_928 = vector.broadcast %sub3A_927 : i32 to vector<16xi32>
      %sub3A_929 = arith.subi %sub3A_928, %shift_right_arithmetic3A_926 : vector<16xi32>
      %bitcast_convert_type3A_930 = tpu.bitcast %sub3A_929 : vector<16xi32> -> vector<16xf32>
      %mul3A_931 = arith.constant 5.000000e-01 : f32
      %mul3A_932 = vector.broadcast %mul3A_931 : f32 to vector<16xf32>
      %mul3A_933 = arith.mulf %broadcast_in_dim3A_922, %mul3A_932 : vector<16xf32>
      %mul3A_934 = arith.mulf %mul3A_933, %bitcast_convert_type3A_930 : vector<16xf32>
      %mul3A_935 = arith.mulf %mul3A_934, %bitcast_convert_type3A_930 : vector<16xf32>
      %sub3A_936 = arith.constant 1.500000e+00 : f32
      %sub3A_937 = vector.broadcast %sub3A_936 : f32 to vector<16xf32>
      %sub3A_938 = arith.subf %sub3A_937, %mul3A_935 : vector<16xf32>
      %mul3A_939 = arith.mulf %bitcast_convert_type3A_930, %sub3A_938 : vector<16xf32>
      %mul3A_940 = arith.mulf %mul3A_933, %mul3A_939 : vector<16xf32>
      %mul3A_941 = arith.mulf %mul3A_940, %mul3A_939 : vector<16xf32>
      %sub3A_942 = arith.constant 1.500000e+00 : f32
      %sub3A_943 = vector.broadcast %sub3A_942 : f32 to vector<16xf32>
      %sub3A_944 = arith.subf %sub3A_943, %mul3A_941 : vector<16xf32>
      %mul3A_945 = arith.mulf %mul3A_939, %sub3A_944 : vector<16xf32>
      %broadcast_in_dim3A_946 = vector.broadcast %mul3A_915 : f32 to vector<16xf32>
      %swap3A_947 = arith.constant 15 : i32
      %swap3A_948 = arith.index_cast %swap3A_947 : i32 to index
      %swap3A_949 = arith.constant 0 : index
      %swap3A_950 = tpu.vector_load %arg24[%swap3A_948, %swap3A_949] {strides = array<i32>} : memref<16x16xf32, #tpu.memory_space<vmem>>, vector<16xf32>,
      tpu.vector_store %arg24[%swap3A_948, %swap3A_949], %broadcast_in_dim3A_946 {strides = array<i32>} : memref<16x16xf32, #tpu.memory_space<vmem>>, vector<16xf32>,
      %swap3A_951 = arith.constant 15 : i32
      %swap3A_952 = arith.index_cast %swap3A_951 : i32 to index
      %swap3A_953 = arith.constant 0 : index
      %swap3A_954 = tpu.vector_load %arg25[%swap3A_952, %swap3A_953] {strides = array<i32>} : memref<16x16xf32, #tpu.memory_space<vmem>>, vector<16xf32>,
      tpu.vector_store %arg25[%swap3A_952, %swap3A_953], %mul3A_945 {strides = array<i32>} : memref<16x16xf32, #tpu.memory_space<vmem>>, vector<16xf32>,
      %add3A_955 = arith.constant 2 : i32
      %add3A_956 = arith.addi %add3A_44, %add3A_955 : i32
      %lt3A = arith.constant 16 : i32
      %lt3A_957 = arith.cmpi slt, %add3A_956, %lt3A : i32
      %convert_element_type3A = arith.extui %lt3A_957 : i1 to i32
      %cond3A = arith.constant 0 : i32
      %cond3A_958 = arith.cmpi ne, %convert_element_type3A, %cond3A : i32
      scf.if %cond3A_958 {
        %add3A_2173 = arith.constant 2 : i32
        %add3A_2174 = arith.addi %add3A_44, %add3A_2173 : i32
        %mul3A_2175 = arith.constant 16 : i32
        %mul3A_2176 = arith.muli %add3A_2174, %mul3A_2175 : i32
        %add3A_2177 = arith.addi %mul3A_2, %mul3A_2176 : i32
        %mul3A_2178 = arith.constant 16 : i32
        %mul3A_2179 = arith.muli %add3A_2174, %mul3A_2178 : i32
        %add3A_2180 = arith.addi %rem3A_3, %mul3A_2179 : i32
        "tpu.region"() ({
          %run_scoped3A = tpu.sem_alloc : memref<!tpu.dma_semaphore, #tpu.memory_space<semaphore_mem>>
          %dma_start3A_2188 = tpu.memref_slice %arg2[%add3A_2177] : memref<8192xi32, #tpu.memory_space<hbm>> -> memref<16xi32, #tpu.memory_space<hbm>>
          %dma_start3A_2189 = tpu.memref_slice %arg2[%add3A_2177] : memref<8192xi32, #tpu.memory_space<hbm>> -> memref<16xi32, #tpu.memory_space<hbm>>
          tpu.enqueue_dma source(%dma_start3A_2189 : memref<16xi32, #tpu.memory_space<hbm>>) target(%arg10 : memref<16xi32, #tpu.memory_space<vmem>>) target_semaphore(%run_scoped3A : memref<!tpu.dma_semaphore, #tpu.memory_space<semaphore_mem>>)
          %dma_wait3A_2190 = tpu.memref_slice %arg2[%add3A_2177] : memref<8192xi32, #tpu.memory_space<hbm>> -> memref<16xi32, #tpu.memory_space<hbm>>
          %dma_wait3A_2191 = tpu.memref_slice %arg2[%add3A_2177] : memref<8192xi32, #tpu.memory_space<hbm>> -> memref<16xi32, #tpu.memory_space<hbm>>
          tpu.wait_dma2 semaphore(%run_scoped3A : memref<!tpu.dma_semaphore, #tpu.memory_space<semaphore_mem>>) src(%dma_wait3A_2191 : memref<16xi32, #tpu.memory_space<hbm>>) dst(%arg10 : memref<16xi32, #tpu.memory_space<vmem>>)
          tpu.yield
        }) : () -> ()
        "tpu.region"() ({
          %run_scoped3A = tpu.sem_alloc : memref<!tpu.dma_semaphore, #tpu.memory_space<semaphore_mem>>
          %dma_start3A_2188 = tpu.memref_slice %arg3[%add3A_2177] : memref<8192xi32, #tpu.memory_space<hbm>> -> memref<16xi32, #tpu.memory_space<hbm>>
          %dma_start3A_2189 = tpu.memref_slice %arg3[%add3A_2177] : memref<8192xi32, #tpu.memory_space<hbm>> -> memref<16xi32, #tpu.memory_space<hbm>>
          tpu.enqueue_dma source(%dma_start3A_2189 : memref<16xi32, #tpu.memory_space<hbm>>) target(%arg12 : memref<16xi32, #tpu.memory_space<vmem>>) target_semaphore(%run_scoped3A : memref<!tpu.dma_semaphore, #tpu.memory_space<semaphore_mem>>)
          %dma_wait3A_2190 = tpu.memref_slice %arg3[%add3A_2177] : memref<8192xi32, #tpu.memory_space<hbm>> -> memref<16xi32, #tpu.memory_space<hbm>>
          %dma_wait3A_2191 = tpu.memref_slice %arg3[%add3A_2177] : memref<8192xi32, #tpu.memory_space<hbm>> -> memref<16xi32, #tpu.memory_space<hbm>>
          tpu.wait_dma2 semaphore(%run_scoped3A : memref<!tpu.dma_semaphore, #tpu.memory_space<semaphore_mem>>) src(%dma_wait3A_2191 : memref<16xi32, #tpu.memory_space<hbm>>) dst(%arg12 : memref<16xi32, #tpu.memory_space<vmem>>)
          tpu.yield
        }) : () -> ()
        %dma_start3A_2181 = arith.constant 0 : i32
        %dma_start3A_2182 = arith.constant 0 : i32
        %dma_start3A_2183 = tpu.memref_slice %arg4[%dma_start3A_2181, %dma_start3A_2182] : memref<30528x768xf32, #tpu.memory_space<hbm>> -> memref<30528x768xf32, #tpu.memory_space<hbm>>
        tpu.enqueue_indirect_dma source(%dma_start3A_2183 : memref<30528x768xf32, #tpu.memory_space<hbm>>) target(%arg14 : memref<16x768xf32, #tpu.memory_space<vmem>>) offsets(%arg10 : memref<16xi32, #tpu.memory_space<vmem>>) semaphore(%arg26 : memref<!tpu.dma_semaphore, #tpu.memory_space<semaphore_mem>>)
        %dma_start3A_2184 = arith.constant 0 : i32
        %dma_start3A_2185 = tpu.memref_slice %arg5[%add3A_2180, %dma_start3A_2184] : memref<2048x768xf32, #tpu.memory_space<hbm>> -> memref<16x768xf32, #tpu.memory_space<hbm>>
        %dma_start3A_2186 = arith.constant 0 : i32
        %dma_start3A_2187 = tpu.memref_slice %arg5[%add3A_2180, %dma_start3A_2186] : memref<2048x768xf32, #tpu.memory_space<hbm>> -> memref<16x768xf32, #tpu.memory_space<hbm>>
        tpu.enqueue_dma source(%dma_start3A_2187 : memref<16x768xf32, #tpu.memory_space<hbm>>) target(%arg16 : memref<16x768xf32, #tpu.memory_space<vmem>>) target_semaphore(%arg28 : memref<!tpu.dma_semaphore, #tpu.memory_space<semaphore_mem>>)
      } else {
      }
      %ge3A = arith.constant 2 : i32
      %ge3A_959 = arith.cmpi sge, %add3A_44, %ge3A : i32
      %convert_element_type3A_960 = arith.extui %ge3A_959 : i1 to i32
      %cond3A_961 = arith.constant 0 : i32
      %cond3A_962 = arith.cmpi ne, %convert_element_type3A_960, %cond3A_961 : i32
      scf.if %cond3A_962 {
        %dma_wait3A_2173 = arith.constant 0 : i32
        %dma_wait3A_2174 = tpu.memref_slice %arg9[%add3A_47, %dma_wait3A_2173] : memref<8192x768xf32, #tpu.memory_space<hbm>> -> memref<16x768xf32, #tpu.memory_space<hbm>>
        %dma_wait3A_2175 = arith.constant 0 : i32
        %dma_wait3A_2176 = tpu.memref_slice %arg9[%add3A_47, %dma_wait3A_2175] : memref<8192x768xf32, #tpu.memory_space<hbm>> -> memref<16x768xf32, #tpu.memory_space<hbm>>
        tpu.wait_dma2 semaphore(%arg30 : memref<!tpu.dma_semaphore, #tpu.memory_space<semaphore_mem>>) src(%arg19 : memref<16x768xf32, #tpu.memory_space<vmem>>) dst(%dma_wait3A_2176 : memref<16x768xf32, #tpu.memory_space<hbm>>)
      } else {
      }
      %get3A_963 = arith.constant 0 : i32
      %get3A_964 = arith.index_cast %get3A_963 : i32 to index
      %get3A_965 = arith.constant 0 : index
      %get3A_966 = tpu.vector_load %arg24[%get3A_964, %get3A_965] {strides = array<i32>} : memref<16x16xf32, #tpu.memory_space<vmem>>, vector<16xf32>,
      %get3A_967 = arith.constant 1 : i32
      %get3A_968 = arith.index_cast %get3A_967 : i32 to index
      %get3A_969 = arith.constant 0 : index
      %get3A_970 = tpu.vector_load %arg24[%get3A_968, %get3A_969] {strides = array<i32>} : memref<16x16xf32, #tpu.memory_space<vmem>>, vector<16xf32>,
      %get3A_971 = arith.constant 2 : i32
      %get3A_972 = arith.index_cast %get3A_971 : i32 to index
      %get3A_973 = arith.constant 0 : index
      %get3A_974 = tpu.vector_load %arg24[%get3A_972, %get3A_973] {strides = array<i32>} : memref<16x16xf32, #tpu.memory_space<vmem>>, vector<16xf32>,
      %get3A_975 = arith.constant 3 : i32
      %get3A_976 = arith.index_cast %get3A_975 : i32 to index
      %get3A_977 = arith.constant 0 : index
      %get3A_978 = tpu.vector_load %arg24[%get3A_976, %get3A_977] {strides = array<i32>} : memref<16x16xf32, #tpu.memory_space<vmem>>, vector<16xf32>,
      %get3A_979 = arith.constant 4 : i32
      %get3A_980 = arith.index_cast %get3A_979 : i32 to index
      %get3A_981 = arith.constant 0 : index
      %get3A_982 = tpu.vector_load %arg24[%get3A_980, %get3A_981] {strides = array<i32>} : memref<16x16xf32, #tpu.memory_space<vmem>>, vector<16xf32>,
      %get3A_983 = arith.constant 5 : i32
      %get3A_984 = arith.index_cast %get3A_983 : i32 to index
      %get3A_985 = arith.constant 0 : index
      %get3A_986 = tpu.vector_load %arg24[%get3A_984, %get3A_985] {strides = array<i32>} : memref<16x16xf32, #tpu.memory_space<vmem>>, vector<16xf32>,
      %get3A_987 = arith.constant 6 : i32
      %get3A_988 = arith.index_cast %get3A_987 : i32 to index
      %get3A_989 = arith.constant 0 : index
      %get3A_990 = tpu.vector_load %arg24[%get3A_988, %get3A_989] {strides = array<i32>} : memref<16x16xf32, #tpu.memory_space<vmem>>, vector<16xf32>,
      %get3A_991 = arith.constant 7 : i32
      %get3A_992 = arith.index_cast %get3A_991 : i32 to index
      %get3A_993 = arith.constant 0 : index
      %get3A_994 = tpu.vector_load %arg24[%get3A_992, %get3A_993] {strides = array<i32>} : memref<16x16xf32, #tpu.memory_space<vmem>>, vector<16xf32>,
      %get3A_995 = arith.constant 0 : i32
      %get3A_996 = arith.index_cast %get3A_995 : i32 to index
      %get3A_997 = arith.constant 0 : index
      %get3A_998 = tpu.vector_load %arg25[%get3A_996, %get3A_997] {strides = array<i32>} : memref<16x16xf32, #tpu.memory_space<vmem>>, vector<16xf32>,
      %get3A_999 = arith.constant 1 : i32
      %get3A_1000 = arith.index_cast %get3A_999 : i32 to index
      %get3A_1001 = arith.constant 0 : index
      %get3A_1002 = tpu.vector_load %arg25[%get3A_1000, %get3A_1001] {strides = array<i32>} : memref<16x16xf32, #tpu.memory_space<vmem>>, vector<16xf32>,
      %get3A_1003 = arith.constant 2 : i32
      %get3A_1004 = arith.index_cast %get3A_1003 : i32 to index
      %get3A_1005 = arith.constant 0 : index
      %get3A_1006 = tpu.vector_load %arg25[%get3A_1004, %get3A_1005] {strides = array<i32>} : memref<16x16xf32, #tpu.memory_space<vmem>>, vector<16xf32>,
      %get3A_1007 = arith.constant 3 : i32
      %get3A_1008 = arith.index_cast %get3A_1007 : i32 to index
      %get3A_1009 = arith.constant 0 : index
      %get3A_1010 = tpu.vector_load %arg25[%get3A_1008, %get3A_1009] {strides = array<i32>} : memref<16x16xf32, #tpu.memory_space<vmem>>, vector<16xf32>,
      %get3A_1011 = arith.constant 4 : i32
      %get3A_1012 = arith.index_cast %get3A_1011 : i32 to index
      %get3A_1013 = arith.constant 0 : index
      %get3A_1014 = tpu.vector_load %arg25[%get3A_1012, %get3A_1013] {strides = array<i32>} : memref<16x16xf32, #tpu.memory_space<vmem>>, vector<16xf32>,
      %get3A_1015 = arith.constant 5 : i32
      %get3A_1016 = arith.index_cast %get3A_1015 : i32 to index
      %get3A_1017 = arith.constant 0 : index
      %get3A_1018 = tpu.vector_load %arg25[%get3A_1016, %get3A_1017] {strides = array<i32>} : memref<16x16xf32, #tpu.memory_space<vmem>>, vector<16xf32>,
      %get3A_1019 = arith.constant 6 : i32
      %get3A_1020 = arith.index_cast %get3A_1019 : i32 to index
      %get3A_1021 = arith.constant 0 : index
      %get3A_1022 = tpu.vector_load %arg25[%get3A_1020, %get3A_1021] {strides = array<i32>} : memref<16x16xf32, #tpu.memory_space<vmem>>, vector<16xf32>,
      %get3A_1023 = arith.constant 7 : i32
      %get3A_1024 = arith.index_cast %get3A_1023 : i32 to index
      %get3A_1025 = arith.constant 0 : index
      %get3A_1026 = tpu.vector_load %arg25[%get3A_1024, %get3A_1025] {strides = array<i32>} : memref<16x16xf32, #tpu.memory_space<vmem>>, vector<16xf32>,
      %parallel_loop3A_1027 = arith.constant 0 : i32
      %parallel_loop3A_1028 = arith.constant 48 : i32
      %parallel_loop3A_1029 = arith.constant 1 : i32
      scf.for %parallel_loop3A_2173 = %parallel_loop3A_1027 to %parallel_loop3A_1028 step %parallel_loop3A_1029  : i32 {
        %parallel_loop3A_2174 = arith.constant 16 : i32
        %parallel_loop3A_2175 = arith.muli %parallel_loop3A_2173, %parallel_loop3A_2174 : i32
        %parallel_loop3A_2176 = arith.index_cast %parallel_loop3A_2175 : i32 to index
        %parallel_loop3A_2177 = tpu.vector_load %arg22[%parallel_loop3A_2176] {strides = array<i32>} : memref<768xf32, #tpu.memory_space<vmem>>, vector<16xf32>,
        %parallel_loop3A_2178 = arith.index_cast %parallel_loop3A_2175 : i32 to index
        %parallel_loop3A_2179 = tpu.vector_load %arg23[%parallel_loop3A_2178] {strides = array<i32>} : memref<768xf32, #tpu.memory_space<vmem>>, vector<16xf32>,
        %parallel_loop3A_2180 = arith.constant 0 : i32
        %parallel_loop3A_2181 = arith.index_cast %parallel_loop3A_2180 : i32 to index
        %parallel_loop3A_2182 = arith.index_cast %parallel_loop3A_2175 : i32 to index
        %parallel_loop3A_2183 = tpu.vector_load %arg18[%parallel_loop3A_2181, %parallel_loop3A_2182] {strides = array<i32>} : memref<16x768xf32, #tpu.memory_space<vmem>>, vector<16xf32>,
        %parallel_loop3A_2184 = arith.subf %parallel_loop3A_2183, %get3A_966 : vector<16xf32>
        %parallel_loop3A_2185 = arith.mulf %parallel_loop3A_2184, %get3A_998 : vector<16xf32>
        %parallel_loop3A_2186 = arith.mulf %parallel_loop3A_2185, %parallel_loop3A_2177 : vector<16xf32>
        %parallel_loop3A_2187 = arith.addf %parallel_loop3A_2186, %parallel_loop3A_2179 : vector<16xf32>
        %parallel_loop3A_2188 = arith.constant 0 : i32
        %parallel_loop3A_2189 = arith.index_cast %parallel_loop3A_2188 : i32 to index
        %parallel_loop3A_2190 = arith.index_cast %parallel_loop3A_2175 : i32 to index
        %parallel_loop3A_2191 = tpu.vector_load %arg19[%parallel_loop3A_2189, %parallel_loop3A_2190] {strides = array<i32>} : memref<16x768xf32, #tpu.memory_space<vmem>>, vector<16xf32>,
        tpu.vector_store %arg19[%parallel_loop3A_2189, %parallel_loop3A_2190], %parallel_loop3A_2187 {strides = array<i32>} : memref<16x768xf32, #tpu.memory_space<vmem>>, vector<16xf32>,
        %parallel_loop3A_2192 = arith.constant 1 : i32
        %parallel_loop3A_2193 = arith.index_cast %parallel_loop3A_2192 : i32 to index
        %parallel_loop3A_2194 = arith.index_cast %parallel_loop3A_2175 : i32 to index
        %parallel_loop3A_2195 = tpu.vector_load %arg18[%parallel_loop3A_2193, %parallel_loop3A_2194] {strides = array<i32>} : memref<16x768xf32, #tpu.memory_space<vmem>>, vector<16xf32>,
        %parallel_loop3A_2196 = arith.subf %parallel_loop3A_2195, %get3A_970 : vector<16xf32>
        %parallel_loop3A_2197 = arith.mulf %parallel_loop3A_2196, %get3A_1002 : vector<16xf32>
        %parallel_loop3A_2198 = arith.mulf %parallel_loop3A_2197, %parallel_loop3A_2177 : vector<16xf32>
        %parallel_loop3A_2199 = arith.addf %parallel_loop3A_2198, %parallel_loop3A_2179 : vector<16xf32>
        %parallel_loop3A_2200 = arith.constant 1 : i32
        %parallel_loop3A_2201 = arith.index_cast %parallel_loop3A_2200 : i32 to index
        %parallel_loop3A_2202 = arith.index_cast %parallel_loop3A_2175 : i32 to index
        %parallel_loop3A_2203 = tpu.vector_load %arg19[%parallel_loop3A_2201, %parallel_loop3A_2202] {strides = array<i32>} : memref<16x768xf32, #tpu.memory_space<vmem>>, vector<16xf32>,
        tpu.vector_store %arg19[%parallel_loop3A_2201, %parallel_loop3A_2202], %parallel_loop3A_2199 {strides = array<i32>} : memref<16x768xf32, #tpu.memory_space<vmem>>, vector<16xf32>,
        %parallel_loop3A_2204 = arith.constant 2 : i32
        %parallel_loop3A_2205 = arith.index_cast %parallel_loop3A_2204 : i32 to index
        %parallel_loop3A_2206 = arith.index_cast %parallel_loop3A_2175 : i32 to index
        %parallel_loop3A_2207 = tpu.vector_load %arg18[%parallel_loop3A_2205, %parallel_loop3A_2206] {strides = array<i32>} : memref<16x768xf32, #tpu.memory_space<vmem>>, vector<16xf32>,
        %parallel_loop3A_2208 = arith.subf %parallel_loop3A_2207, %get3A_974 : vector<16xf32>
        %parallel_loop3A_2209 = arith.mulf %parallel_loop3A_2208, %get3A_1006 : vector<16xf32>
        %parallel_loop3A_2210 = arith.mulf %parallel_loop3A_2209, %parallel_loop3A_2177 : vector<16xf32>
        %parallel_loop3A_2211 = arith.addf %parallel_loop3A_2210, %parallel_loop3A_2179 : vector<16xf32>
        %parallel_loop3A_2212 = arith.constant 2 : i32
        %parallel_loop3A_2213 = arith.index_cast %parallel_loop3A_2212 : i32 to index
        %parallel_loop3A_2214 = arith.index_cast %parallel_loop3A_2175 : i32 to index
        %parallel_loop3A_2215 = tpu.vector_load %arg19[%parallel_loop3A_2213, %parallel_loop3A_2214] {strides = array<i32>} : memref<16x768xf32, #tpu.memory_space<vmem>>, vector<16xf32>,
        tpu.vector_store %arg19[%parallel_loop3A_2213, %parallel_loop3A_2214], %parallel_loop3A_2211 {strides = array<i32>} : memref<16x768xf32, #tpu.memory_space<vmem>>, vector<16xf32>,
        %parallel_loop3A_2216 = arith.constant 3 : i32
        %parallel_loop3A_2217 = arith.index_cast %parallel_loop3A_2216 : i32 to index
        %parallel_loop3A_2218 = arith.index_cast %parallel_loop3A_2175 : i32 to index
        %parallel_loop3A_2219 = tpu.vector_load %arg18[%parallel_loop3A_2217, %parallel_loop3A_2218] {strides = array<i32>} : memref<16x768xf32, #tpu.memory_space<vmem>>, vector<16xf32>,
        %parallel_loop3A_2220 = arith.subf %parallel_loop3A_2219, %get3A_978 : vector<16xf32>
        %parallel_loop3A_2221 = arith.mulf %parallel_loop3A_2220, %get3A_1010 : vector<16xf32>
        %parallel_loop3A_2222 = arith.mulf %parallel_loop3A_2221, %parallel_loop3A_2177 : vector<16xf32>
        %parallel_loop3A_2223 = arith.addf %parallel_loop3A_2222, %parallel_loop3A_2179 : vector<16xf32>
        %parallel_loop3A_2224 = arith.constant 3 : i32
        %parallel_loop3A_2225 = arith.index_cast %parallel_loop3A_2224 : i32 to index
        %parallel_loop3A_2226 = arith.index_cast %parallel_loop3A_2175 : i32 to index
        %parallel_loop3A_2227 = tpu.vector_load %arg19[%parallel_loop3A_2225, %parallel_loop3A_2226] {strides = array<i32>} : memref<16x768xf32, #tpu.memory_space<vmem>>, vector<16xf32>,
        tpu.vector_store %arg19[%parallel_loop3A_2225, %parallel_loop3A_2226], %parallel_loop3A_2223 {strides = array<i32>} : memref<16x768xf32, #tpu.memory_space<vmem>>, vector<16xf32>,
        %parallel_loop3A_2228 = arith.constant 4 : i32
        %parallel_loop3A_2229 = arith.index_cast %parallel_loop3A_2228 : i32 to index
        %parallel_loop3A_2230 = arith.index_cast %parallel_loop3A_2175 : i32 to index
        %parallel_loop3A_2231 = tpu.vector_load %arg18[%parallel_loop3A_2229, %parallel_loop3A_2230] {strides = array<i32>} : memref<16x768xf32, #tpu.memory_space<vmem>>, vector<16xf32>,
        %parallel_loop3A_2232 = arith.subf %parallel_loop3A_2231, %get3A_982 : vector<16xf32>
        %parallel_loop3A_2233 = arith.mulf %parallel_loop3A_2232, %get3A_1014 : vector<16xf32>
        %parallel_loop3A_2234 = arith.mulf %parallel_loop3A_2233, %parallel_loop3A_2177 : vector<16xf32>
        %parallel_loop3A_2235 = arith.addf %parallel_loop3A_2234, %parallel_loop3A_2179 : vector<16xf32>
        %parallel_loop3A_2236 = arith.constant 4 : i32
        %parallel_loop3A_2237 = arith.index_cast %parallel_loop3A_2236 : i32 to index
        %parallel_loop3A_2238 = arith.index_cast %parallel_loop3A_2175 : i32 to index
        %parallel_loop3A_2239 = tpu.vector_load %arg19[%parallel_loop3A_2237, %parallel_loop3A_2238] {strides = array<i32>} : memref<16x768xf32, #tpu.memory_space<vmem>>, vector<16xf32>,
        tpu.vector_store %arg19[%parallel_loop3A_2237, %parallel_loop3A_2238], %parallel_loop3A_2235 {strides = array<i32>} : memref<16x768xf32, #tpu.memory_space<vmem>>, vector<16xf32>,
        %parallel_loop3A_2240 = arith.constant 5 : i32
        %parallel_loop3A_2241 = arith.index_cast %parallel_loop3A_2240 : i32 to index
        %parallel_loop3A_2242 = arith.index_cast %parallel_loop3A_2175 : i32 to index
        %parallel_loop3A_2243 = tpu.vector_load %arg18[%parallel_loop3A_2241, %parallel_loop3A_2242] {strides = array<i32>} : memref<16x768xf32, #tpu.memory_space<vmem>>, vector<16xf32>,
        %parallel_loop3A_2244 = arith.subf %parallel_loop3A_2243, %get3A_986 : vector<16xf32>
        %parallel_loop3A_2245 = arith.mulf %parallel_loop3A_2244, %get3A_1018 : vector<16xf32>
        %parallel_loop3A_2246 = arith.mulf %parallel_loop3A_2245, %parallel_loop3A_2177 : vector<16xf32>
        %parallel_loop3A_2247 = arith.addf %parallel_loop3A_2246, %parallel_loop3A_2179 : vector<16xf32>
        %parallel_loop3A_2248 = arith.constant 5 : i32
        %parallel_loop3A_2249 = arith.index_cast %parallel_loop3A_2248 : i32 to index
        %parallel_loop3A_2250 = arith.index_cast %parallel_loop3A_2175 : i32 to index
        %parallel_loop3A_2251 = tpu.vector_load %arg19[%parallel_loop3A_2249, %parallel_loop3A_2250] {strides = array<i32>} : memref<16x768xf32, #tpu.memory_space<vmem>>, vector<16xf32>,
        tpu.vector_store %arg19[%parallel_loop3A_2249, %parallel_loop3A_2250], %parallel_loop3A_2247 {strides = array<i32>} : memref<16x768xf32, #tpu.memory_space<vmem>>, vector<16xf32>,
        %parallel_loop3A_2252 = arith.constant 6 : i32
        %parallel_loop3A_2253 = arith.index_cast %parallel_loop3A_2252 : i32 to index
        %parallel_loop3A_2254 = arith.index_cast %parallel_loop3A_2175 : i32 to index
        %parallel_loop3A_2255 = tpu.vector_load %arg18[%parallel_loop3A_2253, %parallel_loop3A_2254] {strides = array<i32>} : memref<16x768xf32, #tpu.memory_space<vmem>>, vector<16xf32>,
        %parallel_loop3A_2256 = arith.subf %parallel_loop3A_2255, %get3A_990 : vector<16xf32>
        %parallel_loop3A_2257 = arith.mulf %parallel_loop3A_2256, %get3A_1022 : vector<16xf32>
        %parallel_loop3A_2258 = arith.mulf %parallel_loop3A_2257, %parallel_loop3A_2177 : vector<16xf32>
        %parallel_loop3A_2259 = arith.addf %parallel_loop3A_2258, %parallel_loop3A_2179 : vector<16xf32>
        %parallel_loop3A_2260 = arith.constant 6 : i32
        %parallel_loop3A_2261 = arith.index_cast %parallel_loop3A_2260 : i32 to index
        %parallel_loop3A_2262 = arith.index_cast %parallel_loop3A_2175 : i32 to index
        %parallel_loop3A_2263 = tpu.vector_load %arg19[%parallel_loop3A_2261, %parallel_loop3A_2262] {strides = array<i32>} : memref<16x768xf32, #tpu.memory_space<vmem>>, vector<16xf32>,
        tpu.vector_store %arg19[%parallel_loop3A_2261, %parallel_loop3A_2262], %parallel_loop3A_2259 {strides = array<i32>} : memref<16x768xf32, #tpu.memory_space<vmem>>, vector<16xf32>,
        %parallel_loop3A_2264 = arith.constant 7 : i32
        %parallel_loop3A_2265 = arith.index_cast %parallel_loop3A_2264 : i32 to index
        %parallel_loop3A_2266 = arith.index_cast %parallel_loop3A_2175 : i32 to index
        %parallel_loop3A_2267 = tpu.vector_load %arg18[%parallel_loop3A_2265, %parallel_loop3A_2266] {strides = array<i32>} : memref<16x768xf32, #tpu.memory_space<vmem>>, vector<16xf32>,
        %parallel_loop3A_2268 = arith.subf %parallel_loop3A_2267, %get3A_994 : vector<16xf32>
        %parallel_loop3A_2269 = arith.mulf %parallel_loop3A_2268, %get3A_1026 : vector<16xf32>
        %parallel_loop3A_2270 = arith.mulf %parallel_loop3A_2269, %parallel_loop3A_2177 : vector<16xf32>
        %parallel_loop3A_2271 = arith.addf %parallel_loop3A_2270, %parallel_loop3A_2179 : vector<16xf32>
        %parallel_loop3A_2272 = arith.constant 7 : i32
        %parallel_loop3A_2273 = arith.index_cast %parallel_loop3A_2272 : i32 to index
        %parallel_loop3A_2274 = arith.index_cast %parallel_loop3A_2175 : i32 to index
        %parallel_loop3A_2275 = tpu.vector_load %arg19[%parallel_loop3A_2273, %parallel_loop3A_2274] {strides = array<i32>} : memref<16x768xf32, #tpu.memory_space<vmem>>, vector<16xf32>,
        tpu.vector_store %arg19[%parallel_loop3A_2273, %parallel_loop3A_2274], %parallel_loop3A_2271 {strides = array<i32>} : memref<16x768xf32, #tpu.memory_space<vmem>>, vector<16xf32>,
      } {sc.loop_unroll_factor = 1 : i64, sc.parallel_access}
      %get3A_1030 = arith.constant 8 : i32
      %get3A_1031 = arith.index_cast %get3A_1030 : i32 to index
      %get3A_1032 = arith.constant 0 : index
      %get3A_1033 = tpu.vector_load %arg24[%get3A_1031, %get3A_1032] {strides = array<i32>} : memref<16x16xf32, #tpu.memory_space<vmem>>, vector<16xf32>,
      %get3A_1034 = arith.constant 9 : i32
      %get3A_1035 = arith.index_cast %get3A_1034 : i32 to index
      %get3A_1036 = arith.constant 0 : index
      %get3A_1037 = tpu.vector_load %arg24[%get3A_1035, %get3A_1036] {strides = array<i32>} : memref<16x16xf32, #tpu.memory_space<vmem>>, vector<16xf32>,
      %get3A_1038 = arith.constant 10 : i32
      %get3A_1039 = arith.index_cast %get3A_1038 : i32 to index
      %get3A_1040 = arith.constant 0 : index
      %get3A_1041 = tpu.vector_load %arg24[%get3A_1039, %get3A_1040] {strides = array<i32>} : memref<16x16xf32, #tpu.memory_space<vmem>>, vector<16xf32>,
      %get3A_1042 = arith.constant 11 : i32
      %get3A_1043 = arith.index_cast %get3A_1042 : i32 to index
      %get3A_1044 = arith.constant 0 : index
      %get3A_1045 = tpu.vector_load %arg24[%get3A_1043, %get3A_1044] {strides = array<i32>} : memref<16x16xf32, #tpu.memory_space<vmem>>, vector<16xf32>,
      %get3A_1046 = arith.constant 12 : i32
      %get3A_1047 = arith.index_cast %get3A_1046 : i32 to index
      %get3A_1048 = arith.constant 0 : index
      %get3A_1049 = tpu.vector_load %arg24[%get3A_1047, %get3A_1048] {strides = array<i32>} : memref<16x16xf32, #tpu.memory_space<vmem>>, vector<16xf32>,
      %get3A_1050 = arith.constant 13 : i32
      %get3A_1051 = arith.index_cast %get3A_1050 : i32 to index
      %get3A_1052 = arith.constant 0 : index
      %get3A_1053 = tpu.vector_load %arg24[%get3A_1051, %get3A_1052] {strides = array<i32>} : memref<16x16xf32, #tpu.memory_space<vmem>>, vector<16xf32>,
      %get3A_1054 = arith.constant 14 : i32
      %get3A_1055 = arith.index_cast %get3A_1054 : i32 to index
      %get3A_1056 = arith.constant 0 : index
      %get3A_1057 = tpu.vector_load %arg24[%get3A_1055, %get3A_1056] {strides = array<i32>} : memref<16x16xf32, #tpu.memory_space<vmem>>, vector<16xf32>,
      %get3A_1058 = arith.constant 15 : i32
      %get3A_1059 = arith.index_cast %get3A_1058 : i32 to index
      %get3A_1060 = arith.constant 0 : index
      %get3A_1061 = tpu.vector_load %arg24[%get3A_1059, %get3A_1060] {strides = array<i32>} : memref<16x16xf32, #tpu.memory_space<vmem>>, vector<16xf32>,
      %get3A_1062 = arith.constant 8 : i32
      %get3A_1063 = arith.index_cast %get3A_1062 : i32 to index
      %get3A_1064 = arith.constant 0 : index
      %get3A_1065 = tpu.vector_load %arg25[%get3A_1063, %get3A_1064] {strides = array<i32>} : memref<16x16xf32, #tpu.memory_space<vmem>>, vector<16xf32>,
      %get3A_1066 = arith.constant 9 : i32
      %get3A_1067 = arith.index_cast %get3A_1066 : i32 to index
      %get3A_1068 = arith.constant 0 : index
      %get3A_1069 = tpu.vector_load %arg25[%get3A_1067, %get3A_1068] {strides = array<i32>} : memref<16x16xf32, #tpu.memory_space<vmem>>, vector<16xf32>,
      %get3A_1070 = arith.constant 10 : i32
      %get3A_1071 = arith.index_cast %get3A_1070 : i32 to index
      %get3A_1072 = arith.constant 0 : index
      %get3A_1073 = tpu.vector_load %arg25[%get3A_1071, %get3A_1072] {strides = array<i32>} : memref<16x16xf32, #tpu.memory_space<vmem>>, vector<16xf32>,
      %get3A_1074 = arith.constant 11 : i32
      %get3A_1075 = arith.index_cast %get3A_1074 : i32 to index
      %get3A_1076 = arith.constant 0 : index
      %get3A_1077 = tpu.vector_load %arg25[%get3A_1075, %get3A_1076] {strides = array<i32>} : memref<16x16xf32, #tpu.memory_space<vmem>>, vector<16xf32>,
      %get3A_1078 = arith.constant 12 : i32
      %get3A_1079 = arith.index_cast %get3A_1078 : i32 to index
      %get3A_1080 = arith.constant 0 : index
      %get3A_1081 = tpu.vector_load %arg25[%get3A_1079, %get3A_1080] {strides = array<i32>} : memref<16x16xf32, #tpu.memory_space<vmem>>, vector<16xf32>,
      %get3A_1082 = arith.constant 13 : i32
      %get3A_1083 = arith.index_cast %get3A_1082 : i32 to index
      %get3A_1084 = arith.constant 0 : index
      %get3A_1085 = tpu.vector_load %arg25[%get3A_1083, %get3A_1084] {strides = array<i32>} : memref<16x16xf32, #tpu.memory_space<vmem>>, vector<16xf32>,
      %get3A_1086 = arith.constant 14 : i32
      %get3A_1087 = arith.index_cast %get3A_1086 : i32 to index
      %get3A_1088 = arith.constant 0 : index
      %get3A_1089 = tpu.vector_load %arg25[%get3A_1087, %get3A_1088] {strides = array<i32>} : memref<16x16xf32, #tpu.memory_space<vmem>>, vector<16xf32>,
      %get3A_1090 = arith.constant 15 : i32
      %get3A_1091 = arith.index_cast %get3A_1090 : i32 to index
      %get3A_1092 = arith.constant 0 : index
      %get3A_1093 = tpu.vector_load %arg25[%get3A_1091, %get3A_1092] {strides = array<i32>} : memref<16x16xf32, #tpu.memory_space<vmem>>, vector<16xf32>,
      %parallel_loop3A_1094 = arith.constant 0 : i32
      %parallel_loop3A_1095 = arith.constant 48 : i32
      %parallel_loop3A_1096 = arith.constant 1 : i32
      scf.for %parallel_loop3A_2173 = %parallel_loop3A_1094 to %parallel_loop3A_1095 step %parallel_loop3A_1096  : i32 {
        %parallel_loop3A_2174 = arith.constant 16 : i32
        %parallel_loop3A_2175 = arith.muli %parallel_loop3A_2173, %parallel_loop3A_2174 : i32
        %parallel_loop3A_2176 = arith.index_cast %parallel_loop3A_2175 : i32 to index
        %parallel_loop3A_2177 = tpu.vector_load %arg22[%parallel_loop3A_2176] {strides = array<i32>} : memref<768xf32, #tpu.memory_space<vmem>>, vector<16xf32>,
        %parallel_loop3A_2178 = arith.index_cast %parallel_loop3A_2175 : i32 to index
        %parallel_loop3A_2179 = tpu.vector_load %arg23[%parallel_loop3A_2178] {strides = array<i32>} : memref<768xf32, #tpu.memory_space<vmem>>, vector<16xf32>,
        %parallel_loop3A_2180 = arith.constant 8 : i32
        %parallel_loop3A_2181 = arith.index_cast %parallel_loop3A_2180 : i32 to index
        %parallel_loop3A_2182 = arith.index_cast %parallel_loop3A_2175 : i32 to index
        %parallel_loop3A_2183 = tpu.vector_load %arg18[%parallel_loop3A_2181, %parallel_loop3A_2182] {strides = array<i32>} : memref<16x768xf32, #tpu.memory_space<vmem>>, vector<16xf32>,
        %parallel_loop3A_2184 = arith.subf %parallel_loop3A_2183, %get3A_1033 : vector<16xf32>
        %parallel_loop3A_2185 = arith.mulf %parallel_loop3A_2184, %get3A_1065 : vector<16xf32>
        %parallel_loop3A_2186 = arith.mulf %parallel_loop3A_2185, %parallel_loop3A_2177 : vector<16xf32>
        %parallel_loop3A_2187 = arith.addf %parallel_loop3A_2186, %parallel_loop3A_2179 : vector<16xf32>
        %parallel_loop3A_2188 = arith.constant 8 : i32
        %parallel_loop3A_2189 = arith.index_cast %parallel_loop3A_2188 : i32 to index
        %parallel_loop3A_2190 = arith.index_cast %parallel_loop3A_2175 : i32 to index
        %parallel_loop3A_2191 = tpu.vector_load %arg19[%parallel_loop3A_2189, %parallel_loop3A_2190] {strides = array<i32>} : memref<16x768xf32, #tpu.memory_space<vmem>>, vector<16xf32>,
        tpu.vector_store %arg19[%parallel_loop3A_2189, %parallel_loop3A_2190], %parallel_loop3A_2187 {strides = array<i32>} : memref<16x768xf32, #tpu.memory_space<vmem>>, vector<16xf32>,
        %parallel_loop3A_2192 = arith.constant 9 : i32
        %parallel_loop3A_2193 = arith.index_cast %parallel_loop3A_2192 : i32 to index
        %parallel_loop3A_2194 = arith.index_cast %parallel_loop3A_2175 : i32 to index
        %parallel_loop3A_2195 = tpu.vector_load %arg18[%parallel_loop3A_2193, %parallel_loop3A_2194] {strides = array<i32>} : memref<16x768xf32, #tpu.memory_space<vmem>>, vector<16xf32>,
        %parallel_loop3A_2196 = arith.subf %parallel_loop3A_2195, %get3A_1037 : vector<16xf32>
        %parallel_loop3A_2197 = arith.mulf %parallel_loop3A_2196, %get3A_1069 : vector<16xf32>
        %parallel_loop3A_2198 = arith.mulf %parallel_loop3A_2197, %parallel_loop3A_2177 : vector<16xf32>
        %parallel_loop3A_2199 = arith.addf %parallel_loop3A_2198, %parallel_loop3A_2179 : vector<16xf32>
        %parallel_loop3A_2200 = arith.constant 9 : i32
        %parallel_loop3A_2201 = arith.index_cast %parallel_loop3A_2200 : i32 to index
        %parallel_loop3A_2202 = arith.index_cast %parallel_loop3A_2175 : i32 to index
        %parallel_loop3A_2203 = tpu.vector_load %arg19[%parallel_loop3A_2201, %parallel_loop3A_2202] {strides = array<i32>} : memref<16x768xf32, #tpu.memory_space<vmem>>, vector<16xf32>,
        tpu.vector_store %arg19[%parallel_loop3A_2201, %parallel_loop3A_2202], %parallel_loop3A_2199 {strides = array<i32>} : memref<16x768xf32, #tpu.memory_space<vmem>>, vector<16xf32>,
        %parallel_loop3A_2204 = arith.constant 10 : i32
        %parallel_loop3A_2205 = arith.index_cast %parallel_loop3A_2204 : i32 to index
        %parallel_loop3A_2206 = arith.index_cast %parallel_loop3A_2175 : i32 to index
        %parallel_loop3A_2207 = tpu.vector_load %arg18[%parallel_loop3A_2205, %parallel_loop3A_2206] {strides = array<i32>} : memref<16x768xf32, #tpu.memory_space<vmem>>, vector<16xf32>,
        %parallel_loop3A_2208 = arith.subf %parallel_loop3A_2207, %get3A_1041 : vector<16xf32>
        %parallel_loop3A_2209 = arith.mulf %parallel_loop3A_2208, %get3A_1073 : vector<16xf32>
        %parallel_loop3A_2210 = arith.mulf %parallel_loop3A_2209, %parallel_loop3A_2177 : vector<16xf32>
        %parallel_loop3A_2211 = arith.addf %parallel_loop3A_2210, %parallel_loop3A_2179 : vector<16xf32>
        %parallel_loop3A_2212 = arith.constant 10 : i32
        %parallel_loop3A_2213 = arith.index_cast %parallel_loop3A_2212 : i32 to index
        %parallel_loop3A_2214 = arith.index_cast %parallel_loop3A_2175 : i32 to index
        %parallel_loop3A_2215 = tpu.vector_load %arg19[%parallel_loop3A_2213, %parallel_loop3A_2214] {strides = array<i32>} : memref<16x768xf32, #tpu.memory_space<vmem>>, vector<16xf32>,
        tpu.vector_store %arg19[%parallel_loop3A_2213, %parallel_loop3A_2214], %parallel_loop3A_2211 {strides = array<i32>} : memref<16x768xf32, #tpu.memory_space<vmem>>, vector<16xf32>,
        %parallel_loop3A_2216 = arith.constant 11 : i32
        %parallel_loop3A_2217 = arith.index_cast %parallel_loop3A_2216 : i32 to index
        %parallel_loop3A_2218 = arith.index_cast %parallel_loop3A_2175 : i32 to index
        %parallel_loop3A_2219 = tpu.vector_load %arg18[%parallel_loop3A_2217, %parallel_loop3A_2218] {strides = array<i32>} : memref<16x768xf32, #tpu.memory_space<vmem>>, vector<16xf32>,
        %parallel_loop3A_2220 = arith.subf %parallel_loop3A_2219, %get3A_1045 : vector<16xf32>
        %parallel_loop3A_2221 = arith.mulf %parallel_loop3A_2220, %get3A_1077 : vector<16xf32>
        %parallel_loop3A_2222 = arith.mulf %parallel_loop3A_2221, %parallel_loop3A_2177 : vector<16xf32>
        %parallel_loop3A_2223 = arith.addf %parallel_loop3A_2222, %parallel_loop3A_2179 : vector<16xf32>
        %parallel_loop3A_2224 = arith.constant 11 : i32
        %parallel_loop3A_2225 = arith.index_cast %parallel_loop3A_2224 : i32 to index
        %parallel_loop3A_2226 = arith.index_cast %parallel_loop3A_2175 : i32 to index
        %parallel_loop3A_2227 = tpu.vector_load %arg19[%parallel_loop3A_2225, %parallel_loop3A_2226] {strides = array<i32>} : memref<16x768xf32, #tpu.memory_space<vmem>>, vector<16xf32>,
        tpu.vector_store %arg19[%parallel_loop3A_2225, %parallel_loop3A_2226], %parallel_loop3A_2223 {strides = array<i32>} : memref<16x768xf32, #tpu.memory_space<vmem>>, vector<16xf32>,
        %parallel_loop3A_2228 = arith.constant 12 : i32
        %parallel_loop3A_2229 = arith.index_cast %parallel_loop3A_2228 : i32 to index
        %parallel_loop3A_2230 = arith.index_cast %parallel_loop3A_2175 : i32 to index
        %parallel_loop3A_2231 = tpu.vector_load %arg18[%parallel_loop3A_2229, %parallel_loop3A_2230] {strides = array<i32>} : memref<16x768xf32, #tpu.memory_space<vmem>>, vector<16xf32>,
        %parallel_loop3A_2232 = arith.subf %parallel_loop3A_2231, %get3A_1049 : vector<16xf32>
        %parallel_loop3A_2233 = arith.mulf %parallel_loop3A_2232, %get3A_1081 : vector<16xf32>
        %parallel_loop3A_2234 = arith.mulf %parallel_loop3A_2233, %parallel_loop3A_2177 : vector<16xf32>
        %parallel_loop3A_2235 = arith.addf %parallel_loop3A_2234, %parallel_loop3A_2179 : vector<16xf32>
        %parallel_loop3A_2236 = arith.constant 12 : i32
        %parallel_loop3A_2237 = arith.index_cast %parallel_loop3A_2236 : i32 to index
        %parallel_loop3A_2238 = arith.index_cast %parallel_loop3A_2175 : i32 to index
        %parallel_loop3A_2239 = tpu.vector_load %arg19[%parallel_loop3A_2237, %parallel_loop3A_2238] {strides = array<i32>} : memref<16x768xf32, #tpu.memory_space<vmem>>, vector<16xf32>,
        tpu.vector_store %arg19[%parallel_loop3A_2237, %parallel_loop3A_2238], %parallel_loop3A_2235 {strides = array<i32>} : memref<16x768xf32, #tpu.memory_space<vmem>>, vector<16xf32>,
        %parallel_loop3A_2240 = arith.constant 13 : i32
        %parallel_loop3A_2241 = arith.index_cast %parallel_loop3A_2240 : i32 to index
        %parallel_loop3A_2242 = arith.index_cast %parallel_loop3A_2175 : i32 to index
        %parallel_loop3A_2243 = tpu.vector_load %arg18[%parallel_loop3A_2241, %parallel_loop3A_2242] {strides = array<i32>} : memref<16x768xf32, #tpu.memory_space<vmem>>, vector<16xf32>,
        %parallel_loop3A_2244 = arith.subf %parallel_loop3A_2243, %get3A_1053 : vector<16xf32>
        %parallel_loop3A_2245 = arith.mulf %parallel_loop3A_2244, %get3A_1085 : vector<16xf32>
        %parallel_loop3A_2246 = arith.mulf %parallel_loop3A_2245, %parallel_loop3A_2177 : vector<16xf32>
        %parallel_loop3A_2247 = arith.addf %parallel_loop3A_2246, %parallel_loop3A_2179 : vector<16xf32>
        %parallel_loop3A_2248 = arith.constant 13 : i32
        %parallel_loop3A_2249 = arith.index_cast %parallel_loop3A_2248 : i32 to index
        %parallel_loop3A_2250 = arith.index_cast %parallel_loop3A_2175 : i32 to index
        %parallel_loop3A_2251 = tpu.vector_load %arg19[%parallel_loop3A_2249, %parallel_loop3A_2250] {strides = array<i32>} : memref<16x768xf32, #tpu.memory_space<vmem>>, vector<16xf32>,
        tpu.vector_store %arg19[%parallel_loop3A_2249, %parallel_loop3A_2250], %parallel_loop3A_2247 {strides = array<i32>} : memref<16x768xf32, #tpu.memory_space<vmem>>, vector<16xf32>,
        %parallel_loop3A_2252 = arith.constant 14 : i32
        %parallel_loop3A_2253 = arith.index_cast %parallel_loop3A_2252 : i32 to index
        %parallel_loop3A_2254 = arith.index_cast %parallel_loop3A_2175 : i32 to index
        %parallel_loop3A_2255 = tpu.vector_load %arg18[%parallel_loop3A_2253, %parallel_loop3A_2254] {strides = array<i32>} : memref<16x768xf32, #tpu.memory_space<vmem>>, vector<16xf32>,
        %parallel_loop3A_2256 = arith.subf %parallel_loop3A_2255, %get3A_1057 : vector<16xf32>
        %parallel_loop3A_2257 = arith.mulf %parallel_loop3A_2256, %get3A_1089 : vector<16xf32>
        %parallel_loop3A_2258 = arith.mulf %parallel_loop3A_2257, %parallel_loop3A_2177 : vector<16xf32>
        %parallel_loop3A_2259 = arith.addf %parallel_loop3A_2258, %parallel_loop3A_2179 : vector<16xf32>
        %parallel_loop3A_2260 = arith.constant 14 : i32
        %parallel_loop3A_2261 = arith.index_cast %parallel_loop3A_2260 : i32 to index
        %parallel_loop3A_2262 = arith.index_cast %parallel_loop3A_2175 : i32 to index
        %parallel_loop3A_2263 = tpu.vector_load %arg19[%parallel_loop3A_2261, %parallel_loop3A_2262] {strides = array<i32>} : memref<16x768xf32, #tpu.memory_space<vmem>>, vector<16xf32>,
        tpu.vector_store %arg19[%parallel_loop3A_2261, %parallel_loop3A_2262], %parallel_loop3A_2259 {strides = array<i32>} : memref<16x768xf32, #tpu.memory_space<vmem>>, vector<16xf32>,
        %parallel_loop3A_2264 = arith.constant 15 : i32
        %parallel_loop3A_2265 = arith.index_cast %parallel_loop3A_2264 : i32 to index
        %parallel_loop3A_2266 = arith.index_cast %parallel_loop3A_2175 : i32 to index
        %parallel_loop3A_2267 = tpu.vector_load %arg18[%parallel_loop3A_2265, %parallel_loop3A_2266] {strides = array<i32>} : memref<16x768xf32, #tpu.memory_space<vmem>>, vector<16xf32>,
        %parallel_loop3A_2268 = arith.subf %parallel_loop3A_2267, %get3A_1061 : vector<16xf32>
        %parallel_loop3A_2269 = arith.mulf %parallel_loop3A_2268, %get3A_1093 : vector<16xf32>
        %parallel_loop3A_2270 = arith.mulf %parallel_loop3A_2269, %parallel_loop3A_2177 : vector<16xf32>
        %parallel_loop3A_2271 = arith.addf %parallel_loop3A_2270, %parallel_loop3A_2179 : vector<16xf32>
        %parallel_loop3A_2272 = arith.constant 15 : i32
        %parallel_loop3A_2273 = arith.index_cast %parallel_loop3A_2272 : i32 to index
        %parallel_loop3A_2274 = arith.index_cast %parallel_loop3A_2175 : i32 to index
        %parallel_loop3A_2275 = tpu.vector_load %arg19[%parallel_loop3A_2273, %parallel_loop3A_2274] {strides = array<i32>} : memref<16x768xf32, #tpu.memory_space<vmem>>, vector<16xf32>,
        tpu.vector_store %arg19[%parallel_loop3A_2273, %parallel_loop3A_2274], %parallel_loop3A_2271 {strides = array<i32>} : memref<16x768xf32, #tpu.memory_space<vmem>>, vector<16xf32>,
      } {sc.loop_unroll_factor = 1 : i64, sc.parallel_access}
      %dma_start3A_1097 = arith.constant 0 : i32
      %dma_start3A_1098 = tpu.memref_slice %arg9[%add3A_47, %dma_start3A_1097] : memref<8192x768xf32, #tpu.memory_space<hbm>> -> memref<16x768xf32, #tpu.memory_space<hbm>>
      %dma_start3A_1099 = arith.constant 0 : i32
      %dma_start3A_1100 = tpu.memref_slice %arg9[%add3A_47, %dma_start3A_1099] : memref<8192x768xf32, #tpu.memory_space<hbm>> -> memref<16x768xf32, #tpu.memory_space<hbm>>
      tpu.enqueue_dma source(%arg19 : memref<16x768xf32, #tpu.memory_space<vmem>>) target(%dma_start3A_1100 : memref<16x768xf32, #tpu.memory_space<hbm>>) target_semaphore(%arg30 : memref<!tpu.dma_semaphore, #tpu.memory_space<semaphore_mem>>)
      %add3A_1101 = arith.constant 1 : i32
      %add3A_1102 = arith.addi %add3A_44, %add3A_1101 : i32
      %mul3A_1103 = arith.constant 16 : i32
      %mul3A_1104 = arith.muli %add3A_1102, %mul3A_1103 : i32
      %add3A_1105 = arith.addi %mul3A_2, %mul3A_1104 : i32
      %dma_wait3A_1106 = arith.constant 0 : i32
      %dma_wait3A_1107 = arith.constant 0 : i32
      %dma_wait3A_1108 = tpu.memref_slice %arg4[%dma_wait3A_1106, %dma_wait3A_1107] : memref<30528x768xf32, #tpu.memory_space<hbm>> -> memref<30528x768xf32, #tpu.memory_space<hbm>>
      tpu.wait_indirect_dma semaphore(%arg27 : memref<!tpu.dma_semaphore, #tpu.memory_space<semaphore_mem>>) src(%dma_wait3A_1108 : memref<30528x768xf32, #tpu.memory_space<hbm>>) dst(%arg15 : memref<16x768xf32, #tpu.memory_space<vmem>>)
      %dma_wait3A_1109 = arith.constant 0 : i32
      %dma_wait3A_1110 = tpu.memref_slice %arg5[%rem3A_3, %dma_wait3A_1109] : memref<2048x768xf32, #tpu.memory_space<hbm>> -> memref<16x768xf32, #tpu.memory_space<hbm>>
      %dma_wait3A_1111 = arith.constant 0 : i32
      %dma_wait3A_1112 = tpu.memref_slice %arg5[%rem3A_3, %dma_wait3A_1111] : memref<2048x768xf32, #tpu.memory_space<hbm>> -> memref<16x768xf32, #tpu.memory_space<hbm>>
      tpu.wait_dma2 semaphore(%arg29 : memref<!tpu.dma_semaphore, #tpu.memory_space<semaphore_mem>>) src(%dma_wait3A_1112 : memref<16x768xf32, #tpu.memory_space<hbm>>) dst(%arg17 : memref<16x768xf32, #tpu.memory_space<vmem>>)
      %get3A_1113 = arith.constant 0 : index
      %get3A_1114 = tpu.vector_load %arg13[%get3A_1113] {strides = array<i32>} : memref<16xi32, #tpu.memory_space<vmem>>, vector<16xi32>,
      %broadcast_in_dim3A_1115 = arith.constant 0 : i32
      %broadcast_in_dim3A_1116 = vector.broadcast %broadcast_in_dim3A_1115 : i32 to vector<16x1xi32>
      %gather3A_1117 = vector.shape_cast %broadcast_in_dim3A_1116 : vector<16x1xi32> to vector<16xi32>
      %gather3A_1118 = tpu.dynamic_gather %get3A_1114[%gather3A_1117] in [0] : vector<16xi32>, vector<16xi32> -> vector<16xi32>
      %gt3A_1119 = arith.constant 0 : i32
      %gt3A_1120 = vector.broadcast %gt3A_1119 : i32 to vector<16xi32>
      %gt3A_1121 = arith.cmpi sgt, %gather3A_1118, %gt3A_1120 : vector<16xi32>
      %broadcast_in_dim3A_1122 = arith.constant 1 : i32
      %broadcast_in_dim3A_1123 = vector.broadcast %broadcast_in_dim3A_1122 : i32 to vector<16x1xi32>
      %gather3A_1124 = vector.shape_cast %broadcast_in_dim3A_1123 : vector<16x1xi32> to vector<16xi32>
      %gather3A_1125 = tpu.dynamic_gather %get3A_1114[%gather3A_1124] in [0] : vector<16xi32>, vector<16xi32> -> vector<16xi32>
      %gt3A_1126 = arith.constant 0 : i32
      %gt3A_1127 = vector.broadcast %gt3A_1126 : i32 to vector<16xi32>
      %gt3A_1128 = arith.cmpi sgt, %gather3A_1125, %gt3A_1127 : vector<16xi32>
      %broadcast_in_dim3A_1129 = arith.constant 2 : i32
      %broadcast_in_dim3A_1130 = vector.broadcast %broadcast_in_dim3A_1129 : i32 to vector<16x1xi32>
      %gather3A_1131 = vector.shape_cast %broadcast_in_dim3A_1130 : vector<16x1xi32> to vector<16xi32>
      %gather3A_1132 = tpu.dynamic_gather %get3A_1114[%gather3A_1131] in [0] : vector<16xi32>, vector<16xi32> -> vector<16xi32>
      %gt3A_1133 = arith.constant 0 : i32
      %gt3A_1134 = vector.broadcast %gt3A_1133 : i32 to vector<16xi32>
      %gt3A_1135 = arith.cmpi sgt, %gather3A_1132, %gt3A_1134 : vector<16xi32>
      %broadcast_in_dim3A_1136 = arith.constant 3 : i32
      %broadcast_in_dim3A_1137 = vector.broadcast %broadcast_in_dim3A_1136 : i32 to vector<16x1xi32>
      %gather3A_1138 = vector.shape_cast %broadcast_in_dim3A_1137 : vector<16x1xi32> to vector<16xi32>
      %gather3A_1139 = tpu.dynamic_gather %get3A_1114[%gather3A_1138] in [0] : vector<16xi32>, vector<16xi32> -> vector<16xi32>
      %gt3A_1140 = arith.constant 0 : i32
      %gt3A_1141 = vector.broadcast %gt3A_1140 : i32 to vector<16xi32>
      %gt3A_1142 = arith.cmpi sgt, %gather3A_1139, %gt3A_1141 : vector<16xi32>
      %broadcast_in_dim3A_1143 = arith.constant 4 : i32
      %broadcast_in_dim3A_1144 = vector.broadcast %broadcast_in_dim3A_1143 : i32 to vector<16x1xi32>
      %gather3A_1145 = vector.shape_cast %broadcast_in_dim3A_1144 : vector<16x1xi32> to vector<16xi32>
      %gather3A_1146 = tpu.dynamic_gather %get3A_1114[%gather3A_1145] in [0] : vector<16xi32>, vector<16xi32> -> vector<16xi32>
      %gt3A_1147 = arith.constant 0 : i32
      %gt3A_1148 = vector.broadcast %gt3A_1147 : i32 to vector<16xi32>
      %gt3A_1149 = arith.cmpi sgt, %gather3A_1146, %gt3A_1148 : vector<16xi32>
      %broadcast_in_dim3A_1150 = arith.constant 5 : i32
      %broadcast_in_dim3A_1151 = vector.broadcast %broadcast_in_dim3A_1150 : i32 to vector<16x1xi32>
      %gather3A_1152 = vector.shape_cast %broadcast_in_dim3A_1151 : vector<16x1xi32> to vector<16xi32>
      %gather3A_1153 = tpu.dynamic_gather %get3A_1114[%gather3A_1152] in [0] : vector<16xi32>, vector<16xi32> -> vector<16xi32>
      %gt3A_1154 = arith.constant 0 : i32
      %gt3A_1155 = vector.broadcast %gt3A_1154 : i32 to vector<16xi32>
      %gt3A_1156 = arith.cmpi sgt, %gather3A_1153, %gt3A_1155 : vector<16xi32>
      %broadcast_in_dim3A_1157 = arith.constant 6 : i32
      %broadcast_in_dim3A_1158 = vector.broadcast %broadcast_in_dim3A_1157 : i32 to vector<16x1xi32>
      %gather3A_1159 = vector.shape_cast %broadcast_in_dim3A_1158 : vector<16x1xi32> to vector<16xi32>
      %gather3A_1160 = tpu.dynamic_gather %get3A_1114[%gather3A_1159] in [0] : vector<16xi32>, vector<16xi32> -> vector<16xi32>
      %gt3A_1161 = arith.constant 0 : i32
      %gt3A_1162 = vector.broadcast %gt3A_1161 : i32 to vector<16xi32>
      %gt3A_1163 = arith.cmpi sgt, %gather3A_1160, %gt3A_1162 : vector<16xi32>
      %broadcast_in_dim3A_1164 = arith.constant 7 : i32
      %broadcast_in_dim3A_1165 = vector.broadcast %broadcast_in_dim3A_1164 : i32 to vector<16x1xi32>
      %gather3A_1166 = vector.shape_cast %broadcast_in_dim3A_1165 : vector<16x1xi32> to vector<16xi32>
      %gather3A_1167 = tpu.dynamic_gather %get3A_1114[%gather3A_1166] in [0] : vector<16xi32>, vector<16xi32> -> vector<16xi32>
      %gt3A_1168 = arith.constant 0 : i32
      %gt3A_1169 = vector.broadcast %gt3A_1168 : i32 to vector<16xi32>
      %gt3A_1170 = arith.cmpi sgt, %gather3A_1167, %gt3A_1169 : vector<16xi32>
      %broadcast_in_dim3A_1171 = arith.constant 0.000000e+00 : f32
      %broadcast_in_dim3A_1172 = vector.broadcast %broadcast_in_dim3A_1171 : f32 to vector<16xf32>
      %parallel_loop3A_1173 = arith.constant 0 : i32
      %parallel_loop3A_1174 = arith.constant 48 : i32
      %parallel_loop3A_1175 = arith.constant 1 : i32
      %parallel_loop3A_1176:16 = scf.for %parallel_loop3A_2173 = %parallel_loop3A_1173 to %parallel_loop3A_1174 step %parallel_loop3A_1175 iter_args(%parallel_loop3A_2174 = %broadcast_in_dim3A_1172, %parallel_loop3A_2175 = %broadcast_in_dim3A_1172, %parallel_loop3A_2176 = %broadcast_in_dim3A_1172, %parallel_loop3A_2177 = %broadcast_in_dim3A_1172, %parallel_loop3A_2178 = %broadcast_in_dim3A_1172, %parallel_loop3A_2179 = %broadcast_in_dim3A_1172, %parallel_loop3A_2180 = %broadcast_in_dim3A_1172, %parallel_loop3A_2181 = %broadcast_in_dim3A_1172, %parallel_loop3A_2182 = %broadcast_in_dim3A_1172, %parallel_loop3A_2183 = %broadcast_in_dim3A_1172, %parallel_loop3A_2184 = %broadcast_in_dim3A_1172, %parallel_loop3A_2185 = %broadcast_in_dim3A_1172, %parallel_loop3A_2186 = %broadcast_in_dim3A_1172, %parallel_loop3A_2187 = %broadcast_in_dim3A_1172, %parallel_loop3A_2188 = %broadcast_in_dim3A_1172, %parallel_loop3A_2189 = %broadcast_in_dim3A_1172) -> (vector<16xf32>, vector<16xf32>, vector<16xf32>, vector<16xf32>, vector<16xf32>, vector<16xf32>, vector<16xf32>, vector<16xf32>, vector<16xf32>, vector<16xf32>, vector<16xf32>, vector<16xf32>, vector<16xf32>, vector<16xf32>, vector<16xf32>, vector<16xf32>)  : i32 {
        %parallel_loop3A_2190 = arith.constant 16 : i32
        %parallel_loop3A_2191 = arith.muli %parallel_loop3A_2173, %parallel_loop3A_2190 : i32
        %parallel_loop3A_2192 = arith.constant 0 : i32
        %parallel_loop3A_2193 = arith.index_cast %parallel_loop3A_2192 : i32 to index
        %parallel_loop3A_2194 = arith.index_cast %parallel_loop3A_2191 : i32 to index
        %parallel_loop3A_2195 = tpu.vector_load %arg21[%parallel_loop3A_2193, %parallel_loop3A_2194] {strides = array<i32>} : memref<2x768xf32, #tpu.memory_space<vmem>>, vector<16xf32>,
        %parallel_loop3A_2196 = arith.constant 1 : i32
        %parallel_loop3A_2197 = arith.index_cast %parallel_loop3A_2196 : i32 to index
        %parallel_loop3A_2198 = arith.index_cast %parallel_loop3A_2191 : i32 to index
        %parallel_loop3A_2199 = tpu.vector_load %arg21[%parallel_loop3A_2197, %parallel_loop3A_2198] {strides = array<i32>} : memref<2x768xf32, #tpu.memory_space<vmem>>, vector<16xf32>,
        %parallel_loop3A_2200 = arith.constant 0 : i32
        %parallel_loop3A_2201 = arith.index_cast %parallel_loop3A_2200 : i32 to index
        %parallel_loop3A_2202 = arith.index_cast %parallel_loop3A_2191 : i32 to index
        %parallel_loop3A_2203 = tpu.vector_load %arg15[%parallel_loop3A_2201, %parallel_loop3A_2202] {strides = array<i32>} : memref<16x768xf32, #tpu.memory_space<vmem>>, vector<16xf32>,
        %parallel_loop3A_2204 = arith.constant 0 : i32
        %parallel_loop3A_2205 = arith.index_cast %parallel_loop3A_2204 : i32 to index
        %parallel_loop3A_2206 = arith.index_cast %parallel_loop3A_2191 : i32 to index
        %parallel_loop3A_2207 = tpu.vector_load %arg17[%parallel_loop3A_2205, %parallel_loop3A_2206] {strides = array<i32>} : memref<16x768xf32, #tpu.memory_space<vmem>>, vector<16xf32>,
        %parallel_loop3A_2208 = arith.select %gt3A_1121, %parallel_loop3A_2199, %parallel_loop3A_2195 : vector<16xi1>, vector<16xf32>
        %parallel_loop3A_2209 = arith.addf %parallel_loop3A_2207, %parallel_loop3A_2208 : vector<16xf32>
        %parallel_loop3A_2210 = arith.addf %parallel_loop3A_2203, %parallel_loop3A_2209 : vector<16xf32>
        %parallel_loop3A_2211 = arith.constant 0 : i32
        %parallel_loop3A_2212 = arith.index_cast %parallel_loop3A_2211 : i32 to index
        %parallel_loop3A_2213 = arith.index_cast %parallel_loop3A_2191 : i32 to index
        %parallel_loop3A_2214 = tpu.vector_load %arg18[%parallel_loop3A_2212, %parallel_loop3A_2213] {strides = array<i32>} : memref<16x768xf32, #tpu.memory_space<vmem>>, vector<16xf32>,
        tpu.vector_store %arg18[%parallel_loop3A_2212, %parallel_loop3A_2213], %parallel_loop3A_2210 {strides = array<i32>} : memref<16x768xf32, #tpu.memory_space<vmem>>, vector<16xf32>,
        %parallel_loop3A_2215 = arith.addf %parallel_loop3A_2174, %parallel_loop3A_2210 : vector<16xf32>
        %parallel_loop3A_2216 = arith.mulf %parallel_loop3A_2210, %parallel_loop3A_2210 : vector<16xf32>
        %parallel_loop3A_2217 = arith.addf %parallel_loop3A_2182, %parallel_loop3A_2216 : vector<16xf32>
        %parallel_loop3A_2218 = arith.constant 1 : i32
        %parallel_loop3A_2219 = arith.index_cast %parallel_loop3A_2218 : i32 to index
        %parallel_loop3A_2220 = arith.index_cast %parallel_loop3A_2191 : i32 to index
        %parallel_loop3A_2221 = tpu.vector_load %arg15[%parallel_loop3A_2219, %parallel_loop3A_2220] {strides = array<i32>} : memref<16x768xf32, #tpu.memory_space<vmem>>, vector<16xf32>,
        %parallel_loop3A_2222 = arith.constant 1 : i32
        %parallel_loop3A_2223 = arith.index_cast %parallel_loop3A_2222 : i32 to index
        %parallel_loop3A_2224 = arith.index_cast %parallel_loop3A_2191 : i32 to index
        %parallel_loop3A_2225 = tpu.vector_load %arg17[%parallel_loop3A_2223, %parallel_loop3A_2224] {strides = array<i32>} : memref<16x768xf32, #tpu.memory_space<vmem>>, vector<16xf32>,
        %parallel_loop3A_2226 = arith.select %gt3A_1128, %parallel_loop3A_2199, %parallel_loop3A_2195 : vector<16xi1>, vector<16xf32>
        %parallel_loop3A_2227 = arith.addf %parallel_loop3A_2225, %parallel_loop3A_2226 : vector<16xf32>
        %parallel_loop3A_2228 = arith.addf %parallel_loop3A_2221, %parallel_loop3A_2227 : vector<16xf32>
        %parallel_loop3A_2229 = arith.constant 1 : i32
        %parallel_loop3A_2230 = arith.index_cast %parallel_loop3A_2229 : i32 to index
        %parallel_loop3A_2231 = arith.index_cast %parallel_loop3A_2191 : i32 to index
        %parallel_loop3A_2232 = tpu.vector_load %arg18[%parallel_loop3A_2230, %parallel_loop3A_2231] {strides = array<i32>} : memref<16x768xf32, #tpu.memory_space<vmem>>, vector<16xf32>,
        tpu.vector_store %arg18[%parallel_loop3A_2230, %parallel_loop3A_2231], %parallel_loop3A_2228 {strides = array<i32>} : memref<16x768xf32, #tpu.memory_space<vmem>>, vector<16xf32>,
        %parallel_loop3A_2233 = arith.addf %parallel_loop3A_2175, %parallel_loop3A_2228 : vector<16xf32>
        %parallel_loop3A_2234 = arith.mulf %parallel_loop3A_2228, %parallel_loop3A_2228 : vector<16xf32>
        %parallel_loop3A_2235 = arith.addf %parallel_loop3A_2183, %parallel_loop3A_2234 : vector<16xf32>
        %parallel_loop3A_2236 = arith.constant 2 : i32
        %parallel_loop3A_2237 = arith.index_cast %parallel_loop3A_2236 : i32 to index
        %parallel_loop3A_2238 = arith.index_cast %parallel_loop3A_2191 : i32 to index
        %parallel_loop3A_2239 = tpu.vector_load %arg15[%parallel_loop3A_2237, %parallel_loop3A_2238] {strides = array<i32>} : memref<16x768xf32, #tpu.memory_space<vmem>>, vector<16xf32>,
        %parallel_loop3A_2240 = arith.constant 2 : i32
        %parallel_loop3A_2241 = arith.index_cast %parallel_loop3A_2240 : i32 to index
        %parallel_loop3A_2242 = arith.index_cast %parallel_loop3A_2191 : i32 to index
        %parallel_loop3A_2243 = tpu.vector_load %arg17[%parallel_loop3A_2241, %parallel_loop3A_2242] {strides = array<i32>} : memref<16x768xf32, #tpu.memory_space<vmem>>, vector<16xf32>,
        %parallel_loop3A_2244 = arith.select %gt3A_1135, %parallel_loop3A_2199, %parallel_loop3A_2195 : vector<16xi1>, vector<16xf32>
        %parallel_loop3A_2245 = arith.addf %parallel_loop3A_2243, %parallel_loop3A_2244 : vector<16xf32>
        %parallel_loop3A_2246 = arith.addf %parallel_loop3A_2239, %parallel_loop3A_2245 : vector<16xf32>
        %parallel_loop3A_2247 = arith.constant 2 : i32
        %parallel_loop3A_2248 = arith.index_cast %parallel_loop3A_2247 : i32 to index
        %parallel_loop3A_2249 = arith.index_cast %parallel_loop3A_2191 : i32 to index
        %parallel_loop3A_2250 = tpu.vector_load %arg18[%parallel_loop3A_2248, %parallel_loop3A_2249] {strides = array<i32>} : memref<16x768xf32, #tpu.memory_space<vmem>>, vector<16xf32>,
        tpu.vector_store %arg18[%parallel_loop3A_2248, %parallel_loop3A_2249], %parallel_loop3A_2246 {strides = array<i32>} : memref<16x768xf32, #tpu.memory_space<vmem>>, vector<16xf32>,
        %parallel_loop3A_2251 = arith.addf %parallel_loop3A_2176, %parallel_loop3A_2246 : vector<16xf32>
        %parallel_loop3A_2252 = arith.mulf %parallel_loop3A_2246, %parallel_loop3A_2246 : vector<16xf32>
        %parallel_loop3A_2253 = arith.addf %parallel_loop3A_2184, %parallel_loop3A_2252 : vector<16xf32>
        %parallel_loop3A_2254 = arith.constant 3 : i32
        %parallel_loop3A_2255 = arith.index_cast %parallel_loop3A_2254 : i32 to index
        %parallel_loop3A_2256 = arith.index_cast %parallel_loop3A_2191 : i32 to index
        %parallel_loop3A_2257 = tpu.vector_load %arg15[%parallel_loop3A_2255, %parallel_loop3A_2256] {strides = array<i32>} : memref<16x768xf32, #tpu.memory_space<vmem>>, vector<16xf32>,
        %parallel_loop3A_2258 = arith.constant 3 : i32
        %parallel_loop3A_2259 = arith.index_cast %parallel_loop3A_2258 : i32 to index
        %parallel_loop3A_2260 = arith.index_cast %parallel_loop3A_2191 : i32 to index
        %parallel_loop3A_2261 = tpu.vector_load %arg17[%parallel_loop3A_2259, %parallel_loop3A_2260] {strides = array<i32>} : memref<16x768xf32, #tpu.memory_space<vmem>>, vector<16xf32>,
        %parallel_loop3A_2262 = arith.select %gt3A_1142, %parallel_loop3A_2199, %parallel_loop3A_2195 : vector<16xi1>, vector<16xf32>
        %parallel_loop3A_2263 = arith.addf %parallel_loop3A_2261, %parallel_loop3A_2262 : vector<16xf32>
        %parallel_loop3A_2264 = arith.addf %parallel_loop3A_2257, %parallel_loop3A_2263 : vector<16xf32>
        %parallel_loop3A_2265 = arith.constant 3 : i32
        %parallel_loop3A_2266 = arith.index_cast %parallel_loop3A_2265 : i32 to index
        %parallel_loop3A_2267 = arith.index_cast %parallel_loop3A_2191 : i32 to index
        %parallel_loop3A_2268 = tpu.vector_load %arg18[%parallel_loop3A_2266, %parallel_loop3A_2267] {strides = array<i32>} : memref<16x768xf32, #tpu.memory_space<vmem>>, vector<16xf32>,
        tpu.vector_store %arg18[%parallel_loop3A_2266, %parallel_loop3A_2267], %parallel_loop3A_2264 {strides = array<i32>} : memref<16x768xf32, #tpu.memory_space<vmem>>, vector<16xf32>,
        %parallel_loop3A_2269 = arith.addf %parallel_loop3A_2177, %parallel_loop3A_2264 : vector<16xf32>
        %parallel_loop3A_2270 = arith.mulf %parallel_loop3A_2264, %parallel_loop3A_2264 : vector<16xf32>
        %parallel_loop3A_2271 = arith.addf %parallel_loop3A_2185, %parallel_loop3A_2270 : vector<16xf32>
        %parallel_loop3A_2272 = arith.constant 4 : i32
        %parallel_loop3A_2273 = arith.index_cast %parallel_loop3A_2272 : i32 to index
        %parallel_loop3A_2274 = arith.index_cast %parallel_loop3A_2191 : i32 to index
        %parallel_loop3A_2275 = tpu.vector_load %arg15[%parallel_loop3A_2273, %parallel_loop3A_2274] {strides = array<i32>} : memref<16x768xf32, #tpu.memory_space<vmem>>, vector<16xf32>,
        %parallel_loop3A_2276 = arith.constant 4 : i32
        %parallel_loop3A_2277 = arith.index_cast %parallel_loop3A_2276 : i32 to index
        %parallel_loop3A_2278 = arith.index_cast %parallel_loop3A_2191 : i32 to index
        %parallel_loop3A_2279 = tpu.vector_load %arg17[%parallel_loop3A_2277, %parallel_loop3A_2278] {strides = array<i32>} : memref<16x768xf32, #tpu.memory_space<vmem>>, vector<16xf32>,
        %parallel_loop3A_2280 = arith.select %gt3A_1149, %parallel_loop3A_2199, %parallel_loop3A_2195 : vector<16xi1>, vector<16xf32>
        %parallel_loop3A_2281 = arith.addf %parallel_loop3A_2279, %parallel_loop3A_2280 : vector<16xf32>
        %parallel_loop3A_2282 = arith.addf %parallel_loop3A_2275, %parallel_loop3A_2281 : vector<16xf32>
        %parallel_loop3A_2283 = arith.constant 4 : i32
        %parallel_loop3A_2284 = arith.index_cast %parallel_loop3A_2283 : i32 to index
        %parallel_loop3A_2285 = arith.index_cast %parallel_loop3A_2191 : i32 to index
        %parallel_loop3A_2286 = tpu.vector_load %arg18[%parallel_loop3A_2284, %parallel_loop3A_2285] {strides = array<i32>} : memref<16x768xf32, #tpu.memory_space<vmem>>, vector<16xf32>,
        tpu.vector_store %arg18[%parallel_loop3A_2284, %parallel_loop3A_2285], %parallel_loop3A_2282 {strides = array<i32>} : memref<16x768xf32, #tpu.memory_space<vmem>>, vector<16xf32>,
        %parallel_loop3A_2287 = arith.addf %parallel_loop3A_2178, %parallel_loop3A_2282 : vector<16xf32>
        %parallel_loop3A_2288 = arith.mulf %parallel_loop3A_2282, %parallel_loop3A_2282 : vector<16xf32>
        %parallel_loop3A_2289 = arith.addf %parallel_loop3A_2186, %parallel_loop3A_2288 : vector<16xf32>
        %parallel_loop3A_2290 = arith.constant 5 : i32
        %parallel_loop3A_2291 = arith.index_cast %parallel_loop3A_2290 : i32 to index
        %parallel_loop3A_2292 = arith.index_cast %parallel_loop3A_2191 : i32 to index
        %parallel_loop3A_2293 = tpu.vector_load %arg15[%parallel_loop3A_2291, %parallel_loop3A_2292] {strides = array<i32>} : memref<16x768xf32, #tpu.memory_space<vmem>>, vector<16xf32>,
        %parallel_loop3A_2294 = arith.constant 5 : i32
        %parallel_loop3A_2295 = arith.index_cast %parallel_loop3A_2294 : i32 to index
        %parallel_loop3A_2296 = arith.index_cast %parallel_loop3A_2191 : i32 to index
        %parallel_loop3A_2297 = tpu.vector_load %arg17[%parallel_loop3A_2295, %parallel_loop3A_2296] {strides = array<i32>} : memref<16x768xf32, #tpu.memory_space<vmem>>, vector<16xf32>,
        %parallel_loop3A_2298 = arith.select %gt3A_1156, %parallel_loop3A_2199, %parallel_loop3A_2195 : vector<16xi1>, vector<16xf32>
        %parallel_loop3A_2299 = arith.addf %parallel_loop3A_2297, %parallel_loop3A_2298 : vector<16xf32>
        %parallel_loop3A_2300 = arith.addf %parallel_loop3A_2293, %parallel_loop3A_2299 : vector<16xf32>
        %parallel_loop3A_2301 = arith.constant 5 : i32
        %parallel_loop3A_2302 = arith.index_cast %parallel_loop3A_2301 : i32 to index
        %parallel_loop3A_2303 = arith.index_cast %parallel_loop3A_2191 : i32 to index
        %parallel_loop3A_2304 = tpu.vector_load %arg18[%parallel_loop3A_2302, %parallel_loop3A_2303] {strides = array<i32>} : memref<16x768xf32, #tpu.memory_space<vmem>>, vector<16xf32>,
        tpu.vector_store %arg18[%parallel_loop3A_2302, %parallel_loop3A_2303], %parallel_loop3A_2300 {strides = array<i32>} : memref<16x768xf32, #tpu.memory_space<vmem>>, vector<16xf32>,
        %parallel_loop3A_2305 = arith.addf %parallel_loop3A_2179, %parallel_loop3A_2300 : vector<16xf32>
        %parallel_loop3A_2306 = arith.mulf %parallel_loop3A_2300, %parallel_loop3A_2300 : vector<16xf32>
        %parallel_loop3A_2307 = arith.addf %parallel_loop3A_2187, %parallel_loop3A_2306 : vector<16xf32>
        %parallel_loop3A_2308 = arith.constant 6 : i32
        %parallel_loop3A_2309 = arith.index_cast %parallel_loop3A_2308 : i32 to index
        %parallel_loop3A_2310 = arith.index_cast %parallel_loop3A_2191 : i32 to index
        %parallel_loop3A_2311 = tpu.vector_load %arg15[%parallel_loop3A_2309, %parallel_loop3A_2310] {strides = array<i32>} : memref<16x768xf32, #tpu.memory_space<vmem>>, vector<16xf32>,
        %parallel_loop3A_2312 = arith.constant 6 : i32
        %parallel_loop3A_2313 = arith.index_cast %parallel_loop3A_2312 : i32 to index
        %parallel_loop3A_2314 = arith.index_cast %parallel_loop3A_2191 : i32 to index
        %parallel_loop3A_2315 = tpu.vector_load %arg17[%parallel_loop3A_2313, %parallel_loop3A_2314] {strides = array<i32>} : memref<16x768xf32, #tpu.memory_space<vmem>>, vector<16xf32>,
        %parallel_loop3A_2316 = arith.select %gt3A_1163, %parallel_loop3A_2199, %parallel_loop3A_2195 : vector<16xi1>, vector<16xf32>
        %parallel_loop3A_2317 = arith.addf %parallel_loop3A_2315, %parallel_loop3A_2316 : vector<16xf32>
        %parallel_loop3A_2318 = arith.addf %parallel_loop3A_2311, %parallel_loop3A_2317 : vector<16xf32>
        %parallel_loop3A_2319 = arith.constant 6 : i32
        %parallel_loop3A_2320 = arith.index_cast %parallel_loop3A_2319 : i32 to index
        %parallel_loop3A_2321 = arith.index_cast %parallel_loop3A_2191 : i32 to index
        %parallel_loop3A_2322 = tpu.vector_load %arg18[%parallel_loop3A_2320, %parallel_loop3A_2321] {strides = array<i32>} : memref<16x768xf32, #tpu.memory_space<vmem>>, vector<16xf32>,
        tpu.vector_store %arg18[%parallel_loop3A_2320, %parallel_loop3A_2321], %parallel_loop3A_2318 {strides = array<i32>} : memref<16x768xf32, #tpu.memory_space<vmem>>, vector<16xf32>,
        %parallel_loop3A_2323 = arith.addf %parallel_loop3A_2180, %parallel_loop3A_2318 : vector<16xf32>
        %parallel_loop3A_2324 = arith.mulf %parallel_loop3A_2318, %parallel_loop3A_2318 : vector<16xf32>
        %parallel_loop3A_2325 = arith.addf %parallel_loop3A_2188, %parallel_loop3A_2324 : vector<16xf32>
        %parallel_loop3A_2326 = arith.constant 7 : i32
        %parallel_loop3A_2327 = arith.index_cast %parallel_loop3A_2326 : i32 to index
        %parallel_loop3A_2328 = arith.index_cast %parallel_loop3A_2191 : i32 to index
        %parallel_loop3A_2329 = tpu.vector_load %arg15[%parallel_loop3A_2327, %parallel_loop3A_2328] {strides = array<i32>} : memref<16x768xf32, #tpu.memory_space<vmem>>, vector<16xf32>,
        %parallel_loop3A_2330 = arith.constant 7 : i32
        %parallel_loop3A_2331 = arith.index_cast %parallel_loop3A_2330 : i32 to index
        %parallel_loop3A_2332 = arith.index_cast %parallel_loop3A_2191 : i32 to index
        %parallel_loop3A_2333 = tpu.vector_load %arg17[%parallel_loop3A_2331, %parallel_loop3A_2332] {strides = array<i32>} : memref<16x768xf32, #tpu.memory_space<vmem>>, vector<16xf32>,
        %parallel_loop3A_2334 = arith.select %gt3A_1170, %parallel_loop3A_2199, %parallel_loop3A_2195 : vector<16xi1>, vector<16xf32>
        %parallel_loop3A_2335 = arith.addf %parallel_loop3A_2333, %parallel_loop3A_2334 : vector<16xf32>
        %parallel_loop3A_2336 = arith.addf %parallel_loop3A_2329, %parallel_loop3A_2335 : vector<16xf32>
        %parallel_loop3A_2337 = arith.constant 7 : i32
        %parallel_loop3A_2338 = arith.index_cast %parallel_loop3A_2337 : i32 to index
        %parallel_loop3A_2339 = arith.index_cast %parallel_loop3A_2191 : i32 to index
        %parallel_loop3A_2340 = tpu.vector_load %arg18[%parallel_loop3A_2338, %parallel_loop3A_2339] {strides = array<i32>} : memref<16x768xf32, #tpu.memory_space<vmem>>, vector<16xf32>,
        tpu.vector_store %arg18[%parallel_loop3A_2338, %parallel_loop3A_2339], %parallel_loop3A_2336 {strides = array<i32>} : memref<16x768xf32, #tpu.memory_space<vmem>>, vector<16xf32>,
        %parallel_loop3A_2341 = arith.addf %parallel_loop3A_2181, %parallel_loop3A_2336 : vector<16xf32>
        %parallel_loop3A_2342 = arith.mulf %parallel_loop3A_2336, %parallel_loop3A_2336 : vector<16xf32>
        %parallel_loop3A_2343 = arith.addf %parallel_loop3A_2189, %parallel_loop3A_2342 : vector<16xf32>
        scf.yield %parallel_loop3A_2215, %parallel_loop3A_2233, %parallel_loop3A_2251, %parallel_loop3A_2269, %parallel_loop3A_2287, %parallel_loop3A_2305, %parallel_loop3A_2323, %parallel_loop3A_2341, %parallel_loop3A_2217, %parallel_loop3A_2235, %parallel_loop3A_2253, %parallel_loop3A_2271, %parallel_loop3A_2289, %parallel_loop3A_2307, %parallel_loop3A_2325, %parallel_loop3A_2343 : vector<16xf32>, vector<16xf32>, vector<16xf32>, vector<16xf32>, vector<16xf32>, vector<16xf32>, vector<16xf32>, vector<16xf32>, vector<16xf32>, vector<16xf32>, vector<16xf32>, vector<16xf32>, vector<16xf32>, vector<16xf32>, vector<16xf32>, vector<16xf32>
      } {sc.loop_unroll_factor = 1 : i64, sc.parallel_access}
      %reduce_sum3A_1177 = arith.constant true
      %reduce_sum3A_1178 = vector.broadcast %reduce_sum3A_1177 : i1 to vector<16xi1>
      %reduce_sum3A_1179 = tpu.scan <sum>, %parallel_loop3A_1176#0 masked %reduce_sum3A_1178 : vector<16xf32>, vector<16xi1> -> vector<16xf32>
      %reduce_sum3A_1180 = vector.extract %reduce_sum3A_1179[15] : f32 from vector<16xf32>
      %reduce_sum3A_1181 = arith.constant true
      %reduce_sum3A_1182 = vector.broadcast %reduce_sum3A_1181 : i1 to vector<16xi1>
      %reduce_sum3A_1183 = tpu.scan <sum>, %parallel_loop3A_1176#8 masked %reduce_sum3A_1182 : vector<16xf32>, vector<16xi1> -> vector<16xf32>
      %reduce_sum3A_1184 = vector.extract %reduce_sum3A_1183[15] : f32 from vector<16xf32>
      %mul3A_1185 = arith.constant 0.00130208337 : f32
      %mul3A_1186 = arith.mulf %reduce_sum3A_1180, %mul3A_1185 : f32
      %mul3A_1187 = arith.constant 0.00130208337 : f32
      %mul3A_1188 = arith.mulf %reduce_sum3A_1184, %mul3A_1187 : f32
      %mul3A_1189 = arith.mulf %mul3A_1186, %mul3A_1186 : f32
      %sub3A_1190 = arith.subf %mul3A_1188, %mul3A_1189 : f32
      %add3A_1191 = arith.constant 9.99999996E-13 : f32
      %add3A_1192 = arith.addf %sub3A_1190, %add3A_1191 : f32
      %broadcast_in_dim3A_1193 = vector.broadcast %add3A_1192 : f32 to vector<16xf32>
      %bitcast_convert_type3A_1194 = tpu.bitcast %broadcast_in_dim3A_1193 : vector<16xf32> -> vector<16xi32>
      %shift_right_arithmetic3A_1195 = arith.constant 1 : i32
      %shift_right_arithmetic3A_1196 = vector.broadcast %shift_right_arithmetic3A_1195 : i32 to vector<16xi32>
      %shift_right_arithmetic3A_1197 = arith.shrsi %bitcast_convert_type3A_1194, %shift_right_arithmetic3A_1196 : vector<16xi32>
      %sub3A_1198 = arith.constant 1597463007 : i32
      %sub3A_1199 = vector.broadcast %sub3A_1198 : i32 to vector<16xi32>
      %sub3A_1200 = arith.subi %sub3A_1199, %shift_right_arithmetic3A_1197 : vector<16xi32>
      %bitcast_convert_type3A_1201 = tpu.bitcast %sub3A_1200 : vector<16xi32> -> vector<16xf32>
      %mul3A_1202 = arith.constant 5.000000e-01 : f32
      %mul3A_1203 = vector.broadcast %mul3A_1202 : f32 to vector<16xf32>
      %mul3A_1204 = arith.mulf %broadcast_in_dim3A_1193, %mul3A_1203 : vector<16xf32>
      %mul3A_1205 = arith.mulf %mul3A_1204, %bitcast_convert_type3A_1201 : vector<16xf32>
      %mul3A_1206 = arith.mulf %mul3A_1205, %bitcast_convert_type3A_1201 : vector<16xf32>
      %sub3A_1207 = arith.constant 1.500000e+00 : f32
      %sub3A_1208 = vector.broadcast %sub3A_1207 : f32 to vector<16xf32>
      %sub3A_1209 = arith.subf %sub3A_1208, %mul3A_1206 : vector<16xf32>
      %mul3A_1210 = arith.mulf %bitcast_convert_type3A_1201, %sub3A_1209 : vector<16xf32>
      %mul3A_1211 = arith.mulf %mul3A_1204, %mul3A_1210 : vector<16xf32>
      %mul3A_1212 = arith.mulf %mul3A_1211, %mul3A_1210 : vector<16xf32>
      %sub3A_1213 = arith.constant 1.500000e+00 : f32
      %sub3A_1214 = vector.broadcast %sub3A_1213 : f32 to vector<16xf32>
      %sub3A_1215 = arith.subf %sub3A_1214, %mul3A_1212 : vector<16xf32>
      %mul3A_1216 = arith.mulf %mul3A_1210, %sub3A_1215 : vector<16xf32>
      %broadcast_in_dim3A_1217 = vector.broadcast %mul3A_1186 : f32 to vector<16xf32>
      %swap3A_1218 = arith.constant 0 : i32
      %swap3A_1219 = arith.index_cast %swap3A_1218 : i32 to index
      %swap3A_1220 = arith.constant 0 : index
      %swap3A_1221 = tpu.vector_load %arg24[%swap3A_1219, %swap3A_1220] {strides = array<i32>} : memref<16x16xf32, #tpu.memory_space<vmem>>, vector<16xf32>,
      tpu.vector_store %arg24[%swap3A_1219, %swap3A_1220], %broadcast_in_dim3A_1217 {strides = array<i32>} : memref<16x16xf32, #tpu.memory_space<vmem>>, vector<16xf32>,
      %swap3A_1222 = arith.constant 0 : i32
      %swap3A_1223 = arith.index_cast %swap3A_1222 : i32 to index
      %swap3A_1224 = arith.constant 0 : index
      %swap3A_1225 = tpu.vector_load %arg25[%swap3A_1223, %swap3A_1224] {strides = array<i32>} : memref<16x16xf32, #tpu.memory_space<vmem>>, vector<16xf32>,
      tpu.vector_store %arg25[%swap3A_1223, %swap3A_1224], %mul3A_1216 {strides = array<i32>} : memref<16x16xf32, #tpu.memory_space<vmem>>, vector<16xf32>,
      %reduce_sum3A_1226 = arith.constant true
      %reduce_sum3A_1227 = vector.broadcast %reduce_sum3A_1226 : i1 to vector<16xi1>
      %reduce_sum3A_1228 = tpu.scan <sum>, %parallel_loop3A_1176#1 masked %reduce_sum3A_1227 : vector<16xf32>, vector<16xi1> -> vector<16xf32>
      %reduce_sum3A_1229 = vector.extract %reduce_sum3A_1228[15] : f32 from vector<16xf32>
      %reduce_sum3A_1230 = arith.constant true
      %reduce_sum3A_1231 = vector.broadcast %reduce_sum3A_1230 : i1 to vector<16xi1>
      %reduce_sum3A_1232 = tpu.scan <sum>, %parallel_loop3A_1176#9 masked %reduce_sum3A_1231 : vector<16xf32>, vector<16xi1> -> vector<16xf32>
      %reduce_sum3A_1233 = vector.extract %reduce_sum3A_1232[15] : f32 from vector<16xf32>
      %mul3A_1234 = arith.constant 0.00130208337 : f32
      %mul3A_1235 = arith.mulf %reduce_sum3A_1229, %mul3A_1234 : f32
      %mul3A_1236 = arith.constant 0.00130208337 : f32
      %mul3A_1237 = arith.mulf %reduce_sum3A_1233, %mul3A_1236 : f32
      %mul3A_1238 = arith.mulf %mul3A_1235, %mul3A_1235 : f32
      %sub3A_1239 = arith.subf %mul3A_1237, %mul3A_1238 : f32
      %add3A_1240 = arith.constant 9.99999996E-13 : f32
      %add3A_1241 = arith.addf %sub3A_1239, %add3A_1240 : f32
      %broadcast_in_dim3A_1242 = vector.broadcast %add3A_1241 : f32 to vector<16xf32>
      %bitcast_convert_type3A_1243 = tpu.bitcast %broadcast_in_dim3A_1242 : vector<16xf32> -> vector<16xi32>
      %shift_right_arithmetic3A_1244 = arith.constant 1 : i32
      %shift_right_arithmetic3A_1245 = vector.broadcast %shift_right_arithmetic3A_1244 : i32 to vector<16xi32>
      %shift_right_arithmetic3A_1246 = arith.shrsi %bitcast_convert_type3A_1243, %shift_right_arithmetic3A_1245 : vector<16xi32>
      %sub3A_1247 = arith.constant 1597463007 : i32
      %sub3A_1248 = vector.broadcast %sub3A_1247 : i32 to vector<16xi32>
      %sub3A_1249 = arith.subi %sub3A_1248, %shift_right_arithmetic3A_1246 : vector<16xi32>
      %bitcast_convert_type3A_1250 = tpu.bitcast %sub3A_1249 : vector<16xi32> -> vector<16xf32>
      %mul3A_1251 = arith.constant 5.000000e-01 : f32
      %mul3A_1252 = vector.broadcast %mul3A_1251 : f32 to vector<16xf32>
      %mul3A_1253 = arith.mulf %broadcast_in_dim3A_1242, %mul3A_1252 : vector<16xf32>
      %mul3A_1254 = arith.mulf %mul3A_1253, %bitcast_convert_type3A_1250 : vector<16xf32>
      %mul3A_1255 = arith.mulf %mul3A_1254, %bitcast_convert_type3A_1250 : vector<16xf32>
      %sub3A_1256 = arith.constant 1.500000e+00 : f32
      %sub3A_1257 = vector.broadcast %sub3A_1256 : f32 to vector<16xf32>
      %sub3A_1258 = arith.subf %sub3A_1257, %mul3A_1255 : vector<16xf32>
      %mul3A_1259 = arith.mulf %bitcast_convert_type3A_1250, %sub3A_1258 : vector<16xf32>
      %mul3A_1260 = arith.mulf %mul3A_1253, %mul3A_1259 : vector<16xf32>
      %mul3A_1261 = arith.mulf %mul3A_1260, %mul3A_1259 : vector<16xf32>
      %sub3A_1262 = arith.constant 1.500000e+00 : f32
      %sub3A_1263 = vector.broadcast %sub3A_1262 : f32 to vector<16xf32>
      %sub3A_1264 = arith.subf %sub3A_1263, %mul3A_1261 : vector<16xf32>
      %mul3A_1265 = arith.mulf %mul3A_1259, %sub3A_1264 : vector<16xf32>
      %broadcast_in_dim3A_1266 = vector.broadcast %mul3A_1235 : f32 to vector<16xf32>
      %swap3A_1267 = arith.constant 1 : i32
      %swap3A_1268 = arith.index_cast %swap3A_1267 : i32 to index
      %swap3A_1269 = arith.constant 0 : index
      %swap3A_1270 = tpu.vector_load %arg24[%swap3A_1268, %swap3A_1269] {strides = array<i32>} : memref<16x16xf32, #tpu.memory_space<vmem>>, vector<16xf32>,
      tpu.vector_store %arg24[%swap3A_1268, %swap3A_1269], %broadcast_in_dim3A_1266 {strides = array<i32>} : memref<16x16xf32, #tpu.memory_space<vmem>>, vector<16xf32>,
      %swap3A_1271 = arith.constant 1 : i32
      %swap3A_1272 = arith.index_cast %swap3A_1271 : i32 to index
      %swap3A_1273 = arith.constant 0 : index
      %swap3A_1274 = tpu.vector_load %arg25[%swap3A_1272, %swap3A_1273] {strides = array<i32>} : memref<16x16xf32, #tpu.memory_space<vmem>>, vector<16xf32>,
      tpu.vector_store %arg25[%swap3A_1272, %swap3A_1273], %mul3A_1265 {strides = array<i32>} : memref<16x16xf32, #tpu.memory_space<vmem>>, vector<16xf32>,
      %reduce_sum3A_1275 = arith.constant true
      %reduce_sum3A_1276 = vector.broadcast %reduce_sum3A_1275 : i1 to vector<16xi1>
      %reduce_sum3A_1277 = tpu.scan <sum>, %parallel_loop3A_1176#2 masked %reduce_sum3A_1276 : vector<16xf32>, vector<16xi1> -> vector<16xf32>
      %reduce_sum3A_1278 = vector.extract %reduce_sum3A_1277[15] : f32 from vector<16xf32>
      %reduce_sum3A_1279 = arith.constant true
      %reduce_sum3A_1280 = vector.broadcast %reduce_sum3A_1279 : i1 to vector<16xi1>
      %reduce_sum3A_1281 = tpu.scan <sum>, %parallel_loop3A_1176#10 masked %reduce_sum3A_1280 : vector<16xf32>, vector<16xi1> -> vector<16xf32>
      %reduce_sum3A_1282 = vector.extract %reduce_sum3A_1281[15] : f32 from vector<16xf32>
      %mul3A_1283 = arith.constant 0.00130208337 : f32
      %mul3A_1284 = arith.mulf %reduce_sum3A_1278, %mul3A_1283 : f32
      %mul3A_1285 = arith.constant 0.00130208337 : f32
      %mul3A_1286 = arith.mulf %reduce_sum3A_1282, %mul3A_1285 : f32
      %mul3A_1287 = arith.mulf %mul3A_1284, %mul3A_1284 : f32
      %sub3A_1288 = arith.subf %mul3A_1286, %mul3A_1287 : f32
      %add3A_1289 = arith.constant 9.99999996E-13 : f32
      %add3A_1290 = arith.addf %sub3A_1288, %add3A_1289 : f32
      %broadcast_in_dim3A_1291 = vector.broadcast %add3A_1290 : f32 to vector<16xf32>
      %bitcast_convert_type3A_1292 = tpu.bitcast %broadcast_in_dim3A_1291 : vector<16xf32> -> vector<16xi32>
      %shift_right_arithmetic3A_1293 = arith.constant 1 : i32
      %shift_right_arithmetic3A_1294 = vector.broadcast %shift_right_arithmetic3A_1293 : i32 to vector<16xi32>
      %shift_right_arithmetic3A_1295 = arith.shrsi %bitcast_convert_type3A_1292, %shift_right_arithmetic3A_1294 : vector<16xi32>
      %sub3A_1296 = arith.constant 1597463007 : i32
      %sub3A_1297 = vector.broadcast %sub3A_1296 : i32 to vector<16xi32>
      %sub3A_1298 = arith.subi %sub3A_1297, %shift_right_arithmetic3A_1295 : vector<16xi32>
      %bitcast_convert_type3A_1299 = tpu.bitcast %sub3A_1298 : vector<16xi32> -> vector<16xf32>
      %mul3A_1300 = arith.constant 5.000000e-01 : f32
      %mul3A_1301 = vector.broadcast %mul3A_1300 : f32 to vector<16xf32>
      %mul3A_1302 = arith.mulf %broadcast_in_dim3A_1291, %mul3A_1301 : vector<16xf32>
      %mul3A_1303 = arith.mulf %mul3A_1302, %bitcast_convert_type3A_1299 : vector<16xf32>
      %mul3A_1304 = arith.mulf %mul3A_1303, %bitcast_convert_type3A_1299 : vector<16xf32>
      %sub3A_1305 = arith.constant 1.500000e+00 : f32
      %sub3A_1306 = vector.broadcast %sub3A_1305 : f32 to vector<16xf32>
      %sub3A_1307 = arith.subf %sub3A_1306, %mul3A_1304 : vector<16xf32>
      %mul3A_1308 = arith.mulf %bitcast_convert_type3A_1299, %sub3A_1307 : vector<16xf32>
      %mul3A_1309 = arith.mulf %mul3A_1302, %mul3A_1308 : vector<16xf32>
      %mul3A_1310 = arith.mulf %mul3A_1309, %mul3A_1308 : vector<16xf32>
      %sub3A_1311 = arith.constant 1.500000e+00 : f32
      %sub3A_1312 = vector.broadcast %sub3A_1311 : f32 to vector<16xf32>
      %sub3A_1313 = arith.subf %sub3A_1312, %mul3A_1310 : vector<16xf32>
      %mul3A_1314 = arith.mulf %mul3A_1308, %sub3A_1313 : vector<16xf32>
      %broadcast_in_dim3A_1315 = vector.broadcast %mul3A_1284 : f32 to vector<16xf32>
      %swap3A_1316 = arith.constant 2 : i32
      %swap3A_1317 = arith.index_cast %swap3A_1316 : i32 to index
      %swap3A_1318 = arith.constant 0 : index
      %swap3A_1319 = tpu.vector_load %arg24[%swap3A_1317, %swap3A_1318] {strides = array<i32>} : memref<16x16xf32, #tpu.memory_space<vmem>>, vector<16xf32>,
      tpu.vector_store %arg24[%swap3A_1317, %swap3A_1318], %broadcast_in_dim3A_1315 {strides = array<i32>} : memref<16x16xf32, #tpu.memory_space<vmem>>, vector<16xf32>,
      %swap3A_1320 = arith.constant 2 : i32
      %swap3A_1321 = arith.index_cast %swap3A_1320 : i32 to index
      %swap3A_1322 = arith.constant 0 : index
      %swap3A_1323 = tpu.vector_load %arg25[%swap3A_1321, %swap3A_1322] {strides = array<i32>} : memref<16x16xf32, #tpu.memory_space<vmem>>, vector<16xf32>,
      tpu.vector_store %arg25[%swap3A_1321, %swap3A_1322], %mul3A_1314 {strides = array<i32>} : memref<16x16xf32, #tpu.memory_space<vmem>>, vector<16xf32>,
      %reduce_sum3A_1324 = arith.constant true
      %reduce_sum3A_1325 = vector.broadcast %reduce_sum3A_1324 : i1 to vector<16xi1>
      %reduce_sum3A_1326 = tpu.scan <sum>, %parallel_loop3A_1176#3 masked %reduce_sum3A_1325 : vector<16xf32>, vector<16xi1> -> vector<16xf32>
      %reduce_sum3A_1327 = vector.extract %reduce_sum3A_1326[15] : f32 from vector<16xf32>
      %reduce_sum3A_1328 = arith.constant true
      %reduce_sum3A_1329 = vector.broadcast %reduce_sum3A_1328 : i1 to vector<16xi1>
      %reduce_sum3A_1330 = tpu.scan <sum>, %parallel_loop3A_1176#11 masked %reduce_sum3A_1329 : vector<16xf32>, vector<16xi1> -> vector<16xf32>
      %reduce_sum3A_1331 = vector.extract %reduce_sum3A_1330[15] : f32 from vector<16xf32>
      %mul3A_1332 = arith.constant 0.00130208337 : f32
      %mul3A_1333 = arith.mulf %reduce_sum3A_1327, %mul3A_1332 : f32
      %mul3A_1334 = arith.constant 0.00130208337 : f32
      %mul3A_1335 = arith.mulf %reduce_sum3A_1331, %mul3A_1334 : f32
      %mul3A_1336 = arith.mulf %mul3A_1333, %mul3A_1333 : f32
      %sub3A_1337 = arith.subf %mul3A_1335, %mul3A_1336 : f32
      %add3A_1338 = arith.constant 9.99999996E-13 : f32
      %add3A_1339 = arith.addf %sub3A_1337, %add3A_1338 : f32
      %broadcast_in_dim3A_1340 = vector.broadcast %add3A_1339 : f32 to vector<16xf32>
      %bitcast_convert_type3A_1341 = tpu.bitcast %broadcast_in_dim3A_1340 : vector<16xf32> -> vector<16xi32>
      %shift_right_arithmetic3A_1342 = arith.constant 1 : i32
      %shift_right_arithmetic3A_1343 = vector.broadcast %shift_right_arithmetic3A_1342 : i32 to vector<16xi32>
      %shift_right_arithmetic3A_1344 = arith.shrsi %bitcast_convert_type3A_1341, %shift_right_arithmetic3A_1343 : vector<16xi32>
      %sub3A_1345 = arith.constant 1597463007 : i32
      %sub3A_1346 = vector.broadcast %sub3A_1345 : i32 to vector<16xi32>
      %sub3A_1347 = arith.subi %sub3A_1346, %shift_right_arithmetic3A_1344 : vector<16xi32>
      %bitcast_convert_type3A_1348 = tpu.bitcast %sub3A_1347 : vector<16xi32> -> vector<16xf32>
      %mul3A_1349 = arith.constant 5.000000e-01 : f32
      %mul3A_1350 = vector.broadcast %mul3A_1349 : f32 to vector<16xf32>
      %mul3A_1351 = arith.mulf %broadcast_in_dim3A_1340, %mul3A_1350 : vector<16xf32>
      %mul3A_1352 = arith.mulf %mul3A_1351, %bitcast_convert_type3A_1348 : vector<16xf32>
      %mul3A_1353 = arith.mulf %mul3A_1352, %bitcast_convert_type3A_1348 : vector<16xf32>
      %sub3A_1354 = arith.constant 1.500000e+00 : f32
      %sub3A_1355 = vector.broadcast %sub3A_1354 : f32 to vector<16xf32>
      %sub3A_1356 = arith.subf %sub3A_1355, %mul3A_1353 : vector<16xf32>
      %mul3A_1357 = arith.mulf %bitcast_convert_type3A_1348, %sub3A_1356 : vector<16xf32>
      %mul3A_1358 = arith.mulf %mul3A_1351, %mul3A_1357 : vector<16xf32>
      %mul3A_1359 = arith.mulf %mul3A_1358, %mul3A_1357 : vector<16xf32>
      %sub3A_1360 = arith.constant 1.500000e+00 : f32
      %sub3A_1361 = vector.broadcast %sub3A_1360 : f32 to vector<16xf32>
      %sub3A_1362 = arith.subf %sub3A_1361, %mul3A_1359 : vector<16xf32>
      %mul3A_1363 = arith.mulf %mul3A_1357, %sub3A_1362 : vector<16xf32>
      %broadcast_in_dim3A_1364 = vector.broadcast %mul3A_1333 : f32 to vector<16xf32>
      %swap3A_1365 = arith.constant 3 : i32
      %swap3A_1366 = arith.index_cast %swap3A_1365 : i32 to index
      %swap3A_1367 = arith.constant 0 : index
      %swap3A_1368 = tpu.vector_load %arg24[%swap3A_1366, %swap3A_1367] {strides = array<i32>} : memref<16x16xf32, #tpu.memory_space<vmem>>, vector<16xf32>,
      tpu.vector_store %arg24[%swap3A_1366, %swap3A_1367], %broadcast_in_dim3A_1364 {strides = array<i32>} : memref<16x16xf32, #tpu.memory_space<vmem>>, vector<16xf32>,
      %swap3A_1369 = arith.constant 3 : i32
      %swap3A_1370 = arith.index_cast %swap3A_1369 : i32 to index
      %swap3A_1371 = arith.constant 0 : index
      %swap3A_1372 = tpu.vector_load %arg25[%swap3A_1370, %swap3A_1371] {strides = array<i32>} : memref<16x16xf32, #tpu.memory_space<vmem>>, vector<16xf32>,
      tpu.vector_store %arg25[%swap3A_1370, %swap3A_1371], %mul3A_1363 {strides = array<i32>} : memref<16x16xf32, #tpu.memory_space<vmem>>, vector<16xf32>,
      %reduce_sum3A_1373 = arith.constant true
      %reduce_sum3A_1374 = vector.broadcast %reduce_sum3A_1373 : i1 to vector<16xi1>
      %reduce_sum3A_1375 = tpu.scan <sum>, %parallel_loop3A_1176#4 masked %reduce_sum3A_1374 : vector<16xf32>, vector<16xi1> -> vector<16xf32>
      %reduce_sum3A_1376 = vector.extract %reduce_sum3A_1375[15] : f32 from vector<16xf32>
      %reduce_sum3A_1377 = arith.constant true
      %reduce_sum3A_1378 = vector.broadcast %reduce_sum3A_1377 : i1 to vector<16xi1>
      %reduce_sum3A_1379 = tpu.scan <sum>, %parallel_loop3A_1176#12 masked %reduce_sum3A_1378 : vector<16xf32>, vector<16xi1> -> vector<16xf32>
      %reduce_sum3A_1380 = vector.extract %reduce_sum3A_1379[15] : f32 from vector<16xf32>
      %mul3A_1381 = arith.constant 0.00130208337 : f32
      %mul3A_1382 = arith.mulf %reduce_sum3A_1376, %mul3A_1381 : f32
      %mul3A_1383 = arith.constant 0.00130208337 : f32
      %mul3A_1384 = arith.mulf %reduce_sum3A_1380, %mul3A_1383 : f32
      %mul3A_1385 = arith.mulf %mul3A_1382, %mul3A_1382 : f32
      %sub3A_1386 = arith.subf %mul3A_1384, %mul3A_1385 : f32
      %add3A_1387 = arith.constant 9.99999996E-13 : f32
      %add3A_1388 = arith.addf %sub3A_1386, %add3A_1387 : f32
      %broadcast_in_dim3A_1389 = vector.broadcast %add3A_1388 : f32 to vector<16xf32>
      %bitcast_convert_type3A_1390 = tpu.bitcast %broadcast_in_dim3A_1389 : vector<16xf32> -> vector<16xi32>
      %shift_right_arithmetic3A_1391 = arith.constant 1 : i32
      %shift_right_arithmetic3A_1392 = vector.broadcast %shift_right_arithmetic3A_1391 : i32 to vector<16xi32>
      %shift_right_arithmetic3A_1393 = arith.shrsi %bitcast_convert_type3A_1390, %shift_right_arithmetic3A_1392 : vector<16xi32>
      %sub3A_1394 = arith.constant 1597463007 : i32
      %sub3A_1395 = vector.broadcast %sub3A_1394 : i32 to vector<16xi32>
      %sub3A_1396 = arith.subi %sub3A_1395, %shift_right_arithmetic3A_1393 : vector<16xi32>
      %bitcast_convert_type3A_1397 = tpu.bitcast %sub3A_1396 : vector<16xi32> -> vector<16xf32>
      %mul3A_1398 = arith.constant 5.000000e-01 : f32
      %mul3A_1399 = vector.broadcast %mul3A_1398 : f32 to vector<16xf32>
      %mul3A_1400 = arith.mulf %broadcast_in_dim3A_1389, %mul3A_1399 : vector<16xf32>
      %mul3A_1401 = arith.mulf %mul3A_1400, %bitcast_convert_type3A_1397 : vector<16xf32>
      %mul3A_1402 = arith.mulf %mul3A_1401, %bitcast_convert_type3A_1397 : vector<16xf32>
      %sub3A_1403 = arith.constant 1.500000e+00 : f32
      %sub3A_1404 = vector.broadcast %sub3A_1403 : f32 to vector<16xf32>
      %sub3A_1405 = arith.subf %sub3A_1404, %mul3A_1402 : vector<16xf32>
      %mul3A_1406 = arith.mulf %bitcast_convert_type3A_1397, %sub3A_1405 : vector<16xf32>
      %mul3A_1407 = arith.mulf %mul3A_1400, %mul3A_1406 : vector<16xf32>
      %mul3A_1408 = arith.mulf %mul3A_1407, %mul3A_1406 : vector<16xf32>
      %sub3A_1409 = arith.constant 1.500000e+00 : f32
      %sub3A_1410 = vector.broadcast %sub3A_1409 : f32 to vector<16xf32>
      %sub3A_1411 = arith.subf %sub3A_1410, %mul3A_1408 : vector<16xf32>
      %mul3A_1412 = arith.mulf %mul3A_1406, %sub3A_1411 : vector<16xf32>
      %broadcast_in_dim3A_1413 = vector.broadcast %mul3A_1382 : f32 to vector<16xf32>
      %swap3A_1414 = arith.constant 4 : i32
      %swap3A_1415 = arith.index_cast %swap3A_1414 : i32 to index
      %swap3A_1416 = arith.constant 0 : index
      %swap3A_1417 = tpu.vector_load %arg24[%swap3A_1415, %swap3A_1416] {strides = array<i32>} : memref<16x16xf32, #tpu.memory_space<vmem>>, vector<16xf32>,
      tpu.vector_store %arg24[%swap3A_1415, %swap3A_1416], %broadcast_in_dim3A_1413 {strides = array<i32>} : memref<16x16xf32, #tpu.memory_space<vmem>>, vector<16xf32>,
      %swap3A_1418 = arith.constant 4 : i32
      %swap3A_1419 = arith.index_cast %swap3A_1418 : i32 to index
      %swap3A_1420 = arith.constant 0 : index
      %swap3A_1421 = tpu.vector_load %arg25[%swap3A_1419, %swap3A_1420] {strides = array<i32>} : memref<16x16xf32, #tpu.memory_space<vmem>>, vector<16xf32>,
      tpu.vector_store %arg25[%swap3A_1419, %swap3A_1420], %mul3A_1412 {strides = array<i32>} : memref<16x16xf32, #tpu.memory_space<vmem>>, vector<16xf32>,
      %reduce_sum3A_1422 = arith.constant true
      %reduce_sum3A_1423 = vector.broadcast %reduce_sum3A_1422 : i1 to vector<16xi1>
      %reduce_sum3A_1424 = tpu.scan <sum>, %parallel_loop3A_1176#5 masked %reduce_sum3A_1423 : vector<16xf32>, vector<16xi1> -> vector<16xf32>
      %reduce_sum3A_1425 = vector.extract %reduce_sum3A_1424[15] : f32 from vector<16xf32>
      %reduce_sum3A_1426 = arith.constant true
      %reduce_sum3A_1427 = vector.broadcast %reduce_sum3A_1426 : i1 to vector<16xi1>
      %reduce_sum3A_1428 = tpu.scan <sum>, %parallel_loop3A_1176#13 masked %reduce_sum3A_1427 : vector<16xf32>, vector<16xi1> -> vector<16xf32>
      %reduce_sum3A_1429 = vector.extract %reduce_sum3A_1428[15] : f32 from vector<16xf32>
      %mul3A_1430 = arith.constant 0.00130208337 : f32
      %mul3A_1431 = arith.mulf %reduce_sum3A_1425, %mul3A_1430 : f32
      %mul3A_1432 = arith.constant 0.00130208337 : f32
      %mul3A_1433 = arith.mulf %reduce_sum3A_1429, %mul3A_1432 : f32
      %mul3A_1434 = arith.mulf %mul3A_1431, %mul3A_1431 : f32
      %sub3A_1435 = arith.subf %mul3A_1433, %mul3A_1434 : f32
      %add3A_1436 = arith.constant 9.99999996E-13 : f32
      %add3A_1437 = arith.addf %sub3A_1435, %add3A_1436 : f32
      %broadcast_in_dim3A_1438 = vector.broadcast %add3A_1437 : f32 to vector<16xf32>
      %bitcast_convert_type3A_1439 = tpu.bitcast %broadcast_in_dim3A_1438 : vector<16xf32> -> vector<16xi32>
      %shift_right_arithmetic3A_1440 = arith.constant 1 : i32
      %shift_right_arithmetic3A_1441 = vector.broadcast %shift_right_arithmetic3A_1440 : i32 to vector<16xi32>
      %shift_right_arithmetic3A_1442 = arith.shrsi %bitcast_convert_type3A_1439, %shift_right_arithmetic3A_1441 : vector<16xi32>
      %sub3A_1443 = arith.constant 1597463007 : i32
      %sub3A_1444 = vector.broadcast %sub3A_1443 : i32 to vector<16xi32>
      %sub3A_1445 = arith.subi %sub3A_1444, %shift_right_arithmetic3A_1442 : vector<16xi32>
      %bitcast_convert_type3A_1446 = tpu.bitcast %sub3A_1445 : vector<16xi32> -> vector<16xf32>
      %mul3A_1447 = arith.constant 5.000000e-01 : f32
      %mul3A_1448 = vector.broadcast %mul3A_1447 : f32 to vector<16xf32>
      %mul3A_1449 = arith.mulf %broadcast_in_dim3A_1438, %mul3A_1448 : vector<16xf32>
      %mul3A_1450 = arith.mulf %mul3A_1449, %bitcast_convert_type3A_1446 : vector<16xf32>
      %mul3A_1451 = arith.mulf %mul3A_1450, %bitcast_convert_type3A_1446 : vector<16xf32>
      %sub3A_1452 = arith.constant 1.500000e+00 : f32
      %sub3A_1453 = vector.broadcast %sub3A_1452 : f32 to vector<16xf32>
      %sub3A_1454 = arith.subf %sub3A_1453, %mul3A_1451 : vector<16xf32>
      %mul3A_1455 = arith.mulf %bitcast_convert_type3A_1446, %sub3A_1454 : vector<16xf32>
      %mul3A_1456 = arith.mulf %mul3A_1449, %mul3A_1455 : vector<16xf32>
      %mul3A_1457 = arith.mulf %mul3A_1456, %mul3A_1455 : vector<16xf32>
      %sub3A_1458 = arith.constant 1.500000e+00 : f32
      %sub3A_1459 = vector.broadcast %sub3A_1458 : f32 to vector<16xf32>
      %sub3A_1460 = arith.subf %sub3A_1459, %mul3A_1457 : vector<16xf32>
      %mul3A_1461 = arith.mulf %mul3A_1455, %sub3A_1460 : vector<16xf32>
      %broadcast_in_dim3A_1462 = vector.broadcast %mul3A_1431 : f32 to vector<16xf32>
      %swap3A_1463 = arith.constant 5 : i32
      %swap3A_1464 = arith.index_cast %swap3A_1463 : i32 to index
      %swap3A_1465 = arith.constant 0 : index
      %swap3A_1466 = tpu.vector_load %arg24[%swap3A_1464, %swap3A_1465] {strides = array<i32>} : memref<16x16xf32, #tpu.memory_space<vmem>>, vector<16xf32>,
      tpu.vector_store %arg24[%swap3A_1464, %swap3A_1465], %broadcast_in_dim3A_1462 {strides = array<i32>} : memref<16x16xf32, #tpu.memory_space<vmem>>, vector<16xf32>,
      %swap3A_1467 = arith.constant 5 : i32
      %swap3A_1468 = arith.index_cast %swap3A_1467 : i32 to index
      %swap3A_1469 = arith.constant 0 : index
      %swap3A_1470 = tpu.vector_load %arg25[%swap3A_1468, %swap3A_1469] {strides = array<i32>} : memref<16x16xf32, #tpu.memory_space<vmem>>, vector<16xf32>,
      tpu.vector_store %arg25[%swap3A_1468, %swap3A_1469], %mul3A_1461 {strides = array<i32>} : memref<16x16xf32, #tpu.memory_space<vmem>>, vector<16xf32>,
      %reduce_sum3A_1471 = arith.constant true
      %reduce_sum3A_1472 = vector.broadcast %reduce_sum3A_1471 : i1 to vector<16xi1>
      %reduce_sum3A_1473 = tpu.scan <sum>, %parallel_loop3A_1176#6 masked %reduce_sum3A_1472 : vector<16xf32>, vector<16xi1> -> vector<16xf32>
      %reduce_sum3A_1474 = vector.extract %reduce_sum3A_1473[15] : f32 from vector<16xf32>
      %reduce_sum3A_1475 = arith.constant true
      %reduce_sum3A_1476 = vector.broadcast %reduce_sum3A_1475 : i1 to vector<16xi1>
      %reduce_sum3A_1477 = tpu.scan <sum>, %parallel_loop3A_1176#14 masked %reduce_sum3A_1476 : vector<16xf32>, vector<16xi1> -> vector<16xf32>
      %reduce_sum3A_1478 = vector.extract %reduce_sum3A_1477[15] : f32 from vector<16xf32>
      %mul3A_1479 = arith.constant 0.00130208337 : f32
      %mul3A_1480 = arith.mulf %reduce_sum3A_1474, %mul3A_1479 : f32
      %mul3A_1481 = arith.constant 0.00130208337 : f32
      %mul3A_1482 = arith.mulf %reduce_sum3A_1478, %mul3A_1481 : f32
      %mul3A_1483 = arith.mulf %mul3A_1480, %mul3A_1480 : f32
      %sub3A_1484 = arith.subf %mul3A_1482, %mul3A_1483 : f32
      %add3A_1485 = arith.constant 9.99999996E-13 : f32
      %add3A_1486 = arith.addf %sub3A_1484, %add3A_1485 : f32
      %broadcast_in_dim3A_1487 = vector.broadcast %add3A_1486 : f32 to vector<16xf32>
      %bitcast_convert_type3A_1488 = tpu.bitcast %broadcast_in_dim3A_1487 : vector<16xf32> -> vector<16xi32>
      %shift_right_arithmetic3A_1489 = arith.constant 1 : i32
      %shift_right_arithmetic3A_1490 = vector.broadcast %shift_right_arithmetic3A_1489 : i32 to vector<16xi32>
      %shift_right_arithmetic3A_1491 = arith.shrsi %bitcast_convert_type3A_1488, %shift_right_arithmetic3A_1490 : vector<16xi32>
      %sub3A_1492 = arith.constant 1597463007 : i32
      %sub3A_1493 = vector.broadcast %sub3A_1492 : i32 to vector<16xi32>
      %sub3A_1494 = arith.subi %sub3A_1493, %shift_right_arithmetic3A_1491 : vector<16xi32>
      %bitcast_convert_type3A_1495 = tpu.bitcast %sub3A_1494 : vector<16xi32> -> vector<16xf32>
      %mul3A_1496 = arith.constant 5.000000e-01 : f32
      %mul3A_1497 = vector.broadcast %mul3A_1496 : f32 to vector<16xf32>
      %mul3A_1498 = arith.mulf %broadcast_in_dim3A_1487, %mul3A_1497 : vector<16xf32>
      %mul3A_1499 = arith.mulf %mul3A_1498, %bitcast_convert_type3A_1495 : vector<16xf32>
      %mul3A_1500 = arith.mulf %mul3A_1499, %bitcast_convert_type3A_1495 : vector<16xf32>
      %sub3A_1501 = arith.constant 1.500000e+00 : f32
      %sub3A_1502 = vector.broadcast %sub3A_1501 : f32 to vector<16xf32>
      %sub3A_1503 = arith.subf %sub3A_1502, %mul3A_1500 : vector<16xf32>
      %mul3A_1504 = arith.mulf %bitcast_convert_type3A_1495, %sub3A_1503 : vector<16xf32>
      %mul3A_1505 = arith.mulf %mul3A_1498, %mul3A_1504 : vector<16xf32>
      %mul3A_1506 = arith.mulf %mul3A_1505, %mul3A_1504 : vector<16xf32>
      %sub3A_1507 = arith.constant 1.500000e+00 : f32
      %sub3A_1508 = vector.broadcast %sub3A_1507 : f32 to vector<16xf32>
      %sub3A_1509 = arith.subf %sub3A_1508, %mul3A_1506 : vector<16xf32>
      %mul3A_1510 = arith.mulf %mul3A_1504, %sub3A_1509 : vector<16xf32>
      %broadcast_in_dim3A_1511 = vector.broadcast %mul3A_1480 : f32 to vector<16xf32>
      %swap3A_1512 = arith.constant 6 : i32
      %swap3A_1513 = arith.index_cast %swap3A_1512 : i32 to index
      %swap3A_1514 = arith.constant 0 : index
      %swap3A_1515 = tpu.vector_load %arg24[%swap3A_1513, %swap3A_1514] {strides = array<i32>} : memref<16x16xf32, #tpu.memory_space<vmem>>, vector<16xf32>,
      tpu.vector_store %arg24[%swap3A_1513, %swap3A_1514], %broadcast_in_dim3A_1511 {strides = array<i32>} : memref<16x16xf32, #tpu.memory_space<vmem>>, vector<16xf32>,
      %swap3A_1516 = arith.constant 6 : i32
      %swap3A_1517 = arith.index_cast %swap3A_1516 : i32 to index
      %swap3A_1518 = arith.constant 0 : index
      %swap3A_1519 = tpu.vector_load %arg25[%swap3A_1517, %swap3A_1518] {strides = array<i32>} : memref<16x16xf32, #tpu.memory_space<vmem>>, vector<16xf32>,
      tpu.vector_store %arg25[%swap3A_1517, %swap3A_1518], %mul3A_1510 {strides = array<i32>} : memref<16x16xf32, #tpu.memory_space<vmem>>, vector<16xf32>,
      %reduce_sum3A_1520 = arith.constant true
      %reduce_sum3A_1521 = vector.broadcast %reduce_sum3A_1520 : i1 to vector<16xi1>
      %reduce_sum3A_1522 = tpu.scan <sum>, %parallel_loop3A_1176#7 masked %reduce_sum3A_1521 : vector<16xf32>, vector<16xi1> -> vector<16xf32>
      %reduce_sum3A_1523 = vector.extract %reduce_sum3A_1522[15] : f32 from vector<16xf32>
      %reduce_sum3A_1524 = arith.constant true
      %reduce_sum3A_1525 = vector.broadcast %reduce_sum3A_1524 : i1 to vector<16xi1>
      %reduce_sum3A_1526 = tpu.scan <sum>, %parallel_loop3A_1176#15 masked %reduce_sum3A_1525 : vector<16xf32>, vector<16xi1> -> vector<16xf32>
      %reduce_sum3A_1527 = vector.extract %reduce_sum3A_1526[15] : f32 from vector<16xf32>
      %mul3A_1528 = arith.constant 0.00130208337 : f32
      %mul3A_1529 = arith.mulf %reduce_sum3A_1523, %mul3A_1528 : f32
      %mul3A_1530 = arith.constant 0.00130208337 : f32
      %mul3A_1531 = arith.mulf %reduce_sum3A_1527, %mul3A_1530 : f32
      %mul3A_1532 = arith.mulf %mul3A_1529, %mul3A_1529 : f32
      %sub3A_1533 = arith.subf %mul3A_1531, %mul3A_1532 : f32
      %add3A_1534 = arith.constant 9.99999996E-13 : f32
      %add3A_1535 = arith.addf %sub3A_1533, %add3A_1534 : f32
      %broadcast_in_dim3A_1536 = vector.broadcast %add3A_1535 : f32 to vector<16xf32>
      %bitcast_convert_type3A_1537 = tpu.bitcast %broadcast_in_dim3A_1536 : vector<16xf32> -> vector<16xi32>
      %shift_right_arithmetic3A_1538 = arith.constant 1 : i32
      %shift_right_arithmetic3A_1539 = vector.broadcast %shift_right_arithmetic3A_1538 : i32 to vector<16xi32>
      %shift_right_arithmetic3A_1540 = arith.shrsi %bitcast_convert_type3A_1537, %shift_right_arithmetic3A_1539 : vector<16xi32>
      %sub3A_1541 = arith.constant 1597463007 : i32
      %sub3A_1542 = vector.broadcast %sub3A_1541 : i32 to vector<16xi32>
      %sub3A_1543 = arith.subi %sub3A_1542, %shift_right_arithmetic3A_1540 : vector<16xi32>
      %bitcast_convert_type3A_1544 = tpu.bitcast %sub3A_1543 : vector<16xi32> -> vector<16xf32>
      %mul3A_1545 = arith.constant 5.000000e-01 : f32
      %mul3A_1546 = vector.broadcast %mul3A_1545 : f32 to vector<16xf32>
      %mul3A_1547 = arith.mulf %broadcast_in_dim3A_1536, %mul3A_1546 : vector<16xf32>
      %mul3A_1548 = arith.mulf %mul3A_1547, %bitcast_convert_type3A_1544 : vector<16xf32>
      %mul3A_1549 = arith.mulf %mul3A_1548, %bitcast_convert_type3A_1544 : vector<16xf32>
      %sub3A_1550 = arith.constant 1.500000e+00 : f32
      %sub3A_1551 = vector.broadcast %sub3A_1550 : f32 to vector<16xf32>
      %sub3A_1552 = arith.subf %sub3A_1551, %mul3A_1549 : vector<16xf32>
      %mul3A_1553 = arith.mulf %bitcast_convert_type3A_1544, %sub3A_1552 : vector<16xf32>
      %mul3A_1554 = arith.mulf %mul3A_1547, %mul3A_1553 : vector<16xf32>
      %mul3A_1555 = arith.mulf %mul3A_1554, %mul3A_1553 : vector<16xf32>
      %sub3A_1556 = arith.constant 1.500000e+00 : f32
      %sub3A_1557 = vector.broadcast %sub3A_1556 : f32 to vector<16xf32>
      %sub3A_1558 = arith.subf %sub3A_1557, %mul3A_1555 : vector<16xf32>
      %mul3A_1559 = arith.mulf %mul3A_1553, %sub3A_1558 : vector<16xf32>
      %broadcast_in_dim3A_1560 = vector.broadcast %mul3A_1529 : f32 to vector<16xf32>
      %swap3A_1561 = arith.constant 7 : i32
      %swap3A_1562 = arith.index_cast %swap3A_1561 : i32 to index
      %swap3A_1563 = arith.constant 0 : index
      %swap3A_1564 = tpu.vector_load %arg24[%swap3A_1562, %swap3A_1563] {strides = array<i32>} : memref<16x16xf32, #tpu.memory_space<vmem>>, vector<16xf32>,
      tpu.vector_store %arg24[%swap3A_1562, %swap3A_1563], %broadcast_in_dim3A_1560 {strides = array<i32>} : memref<16x16xf32, #tpu.memory_space<vmem>>, vector<16xf32>,
      %swap3A_1565 = arith.constant 7 : i32
      %swap3A_1566 = arith.index_cast %swap3A_1565 : i32 to index
      %swap3A_1567 = arith.constant 0 : index
      %swap3A_1568 = tpu.vector_load %arg25[%swap3A_1566, %swap3A_1567] {strides = array<i32>} : memref<16x16xf32, #tpu.memory_space<vmem>>, vector<16xf32>,
      tpu.vector_store %arg25[%swap3A_1566, %swap3A_1567], %mul3A_1559 {strides = array<i32>} : memref<16x16xf32, #tpu.memory_space<vmem>>, vector<16xf32>,
      %broadcast_in_dim3A_1569 = arith.constant 8 : i32
      %broadcast_in_dim3A_1570 = vector.broadcast %broadcast_in_dim3A_1569 : i32 to vector<16x1xi32>
      %gather3A_1571 = vector.shape_cast %broadcast_in_dim3A_1570 : vector<16x1xi32> to vector<16xi32>
      %gather3A_1572 = tpu.dynamic_gather %get3A_1114[%gather3A_1571] in [0] : vector<16xi32>, vector<16xi32> -> vector<16xi32>
      %gt3A_1573 = arith.constant 0 : i32
      %gt3A_1574 = vector.broadcast %gt3A_1573 : i32 to vector<16xi32>
      %gt3A_1575 = arith.cmpi sgt, %gather3A_1572, %gt3A_1574 : vector<16xi32>
      %broadcast_in_dim3A_1576 = arith.constant 9 : i32
      %broadcast_in_dim3A_1577 = vector.broadcast %broadcast_in_dim3A_1576 : i32 to vector<16x1xi32>
      %gather3A_1578 = vector.shape_cast %broadcast_in_dim3A_1577 : vector<16x1xi32> to vector<16xi32>
      %gather3A_1579 = tpu.dynamic_gather %get3A_1114[%gather3A_1578] in [0] : vector<16xi32>, vector<16xi32> -> vector<16xi32>
      %gt3A_1580 = arith.constant 0 : i32
      %gt3A_1581 = vector.broadcast %gt3A_1580 : i32 to vector<16xi32>
      %gt3A_1582 = arith.cmpi sgt, %gather3A_1579, %gt3A_1581 : vector<16xi32>
      %broadcast_in_dim3A_1583 = arith.constant 10 : i32
      %broadcast_in_dim3A_1584 = vector.broadcast %broadcast_in_dim3A_1583 : i32 to vector<16x1xi32>
      %gather3A_1585 = vector.shape_cast %broadcast_in_dim3A_1584 : vector<16x1xi32> to vector<16xi32>
      %gather3A_1586 = tpu.dynamic_gather %get3A_1114[%gather3A_1585] in [0] : vector<16xi32>, vector<16xi32> -> vector<16xi32>
      %gt3A_1587 = arith.constant 0 : i32
      %gt3A_1588 = vector.broadcast %gt3A_1587 : i32 to vector<16xi32>
      %gt3A_1589 = arith.cmpi sgt, %gather3A_1586, %gt3A_1588 : vector<16xi32>
      %broadcast_in_dim3A_1590 = arith.constant 11 : i32
      %broadcast_in_dim3A_1591 = vector.broadcast %broadcast_in_dim3A_1590 : i32 to vector<16x1xi32>
      %gather3A_1592 = vector.shape_cast %broadcast_in_dim3A_1591 : vector<16x1xi32> to vector<16xi32>
      %gather3A_1593 = tpu.dynamic_gather %get3A_1114[%gather3A_1592] in [0] : vector<16xi32>, vector<16xi32> -> vector<16xi32>
      %gt3A_1594 = arith.constant 0 : i32
      %gt3A_1595 = vector.broadcast %gt3A_1594 : i32 to vector<16xi32>
      %gt3A_1596 = arith.cmpi sgt, %gather3A_1593, %gt3A_1595 : vector<16xi32>
      %broadcast_in_dim3A_1597 = arith.constant 12 : i32
      %broadcast_in_dim3A_1598 = vector.broadcast %broadcast_in_dim3A_1597 : i32 to vector<16x1xi32>
      %gather3A_1599 = vector.shape_cast %broadcast_in_dim3A_1598 : vector<16x1xi32> to vector<16xi32>
      %gather3A_1600 = tpu.dynamic_gather %get3A_1114[%gather3A_1599] in [0] : vector<16xi32>, vector<16xi32> -> vector<16xi32>
      %gt3A_1601 = arith.constant 0 : i32
      %gt3A_1602 = vector.broadcast %gt3A_1601 : i32 to vector<16xi32>
      %gt3A_1603 = arith.cmpi sgt, %gather3A_1600, %gt3A_1602 : vector<16xi32>
      %broadcast_in_dim3A_1604 = arith.constant 13 : i32
      %broadcast_in_dim3A_1605 = vector.broadcast %broadcast_in_dim3A_1604 : i32 to vector<16x1xi32>
      %gather3A_1606 = vector.shape_cast %broadcast_in_dim3A_1605 : vector<16x1xi32> to vector<16xi32>
      %gather3A_1607 = tpu.dynamic_gather %get3A_1114[%gather3A_1606] in [0] : vector<16xi32>, vector<16xi32> -> vector<16xi32>
      %gt3A_1608 = arith.constant 0 : i32
      %gt3A_1609 = vector.broadcast %gt3A_1608 : i32 to vector<16xi32>
      %gt3A_1610 = arith.cmpi sgt, %gather3A_1607, %gt3A_1609 : vector<16xi32>
      %broadcast_in_dim3A_1611 = arith.constant 14 : i32
      %broadcast_in_dim3A_1612 = vector.broadcast %broadcast_in_dim3A_1611 : i32 to vector<16x1xi32>
      %gather3A_1613 = vector.shape_cast %broadcast_in_dim3A_1612 : vector<16x1xi32> to vector<16xi32>
      %gather3A_1614 = tpu.dynamic_gather %get3A_1114[%gather3A_1613] in [0] : vector<16xi32>, vector<16xi32> -> vector<16xi32>
      %gt3A_1615 = arith.constant 0 : i32
      %gt3A_1616 = vector.broadcast %gt3A_1615 : i32 to vector<16xi32>
      %gt3A_1617 = arith.cmpi sgt, %gather3A_1614, %gt3A_1616 : vector<16xi32>
      %broadcast_in_dim3A_1618 = arith.constant 15 : i32
      %broadcast_in_dim3A_1619 = vector.broadcast %broadcast_in_dim3A_1618 : i32 to vector<16x1xi32>
      %gather3A_1620 = vector.shape_cast %broadcast_in_dim3A_1619 : vector<16x1xi32> to vector<16xi32>
      %gather3A_1621 = tpu.dynamic_gather %get3A_1114[%gather3A_1620] in [0] : vector<16xi32>, vector<16xi32> -> vector<16xi32>
      %gt3A_1622 = arith.constant 0 : i32
      %gt3A_1623 = vector.broadcast %gt3A_1622 : i32 to vector<16xi32>
      %gt3A_1624 = arith.cmpi sgt, %gather3A_1621, %gt3A_1623 : vector<16xi32>
      %broadcast_in_dim3A_1625 = arith.constant 0.000000e+00 : f32
      %broadcast_in_dim3A_1626 = vector.broadcast %broadcast_in_dim3A_1625 : f32 to vector<16xf32>
      %parallel_loop3A_1627 = arith.constant 0 : i32
      %parallel_loop3A_1628 = arith.constant 48 : i32
      %parallel_loop3A_1629 = arith.constant 1 : i32
      %parallel_loop3A_1630:16 = scf.for %parallel_loop3A_2173 = %parallel_loop3A_1627 to %parallel_loop3A_1628 step %parallel_loop3A_1629 iter_args(%parallel_loop3A_2174 = %broadcast_in_dim3A_1626, %parallel_loop3A_2175 = %broadcast_in_dim3A_1626, %parallel_loop3A_2176 = %broadcast_in_dim3A_1626, %parallel_loop3A_2177 = %broadcast_in_dim3A_1626, %parallel_loop3A_2178 = %broadcast_in_dim3A_1626, %parallel_loop3A_2179 = %broadcast_in_dim3A_1626, %parallel_loop3A_2180 = %broadcast_in_dim3A_1626, %parallel_loop3A_2181 = %broadcast_in_dim3A_1626, %parallel_loop3A_2182 = %broadcast_in_dim3A_1626, %parallel_loop3A_2183 = %broadcast_in_dim3A_1626, %parallel_loop3A_2184 = %broadcast_in_dim3A_1626, %parallel_loop3A_2185 = %broadcast_in_dim3A_1626, %parallel_loop3A_2186 = %broadcast_in_dim3A_1626, %parallel_loop3A_2187 = %broadcast_in_dim3A_1626, %parallel_loop3A_2188 = %broadcast_in_dim3A_1626, %parallel_loop3A_2189 = %broadcast_in_dim3A_1626) -> (vector<16xf32>, vector<16xf32>, vector<16xf32>, vector<16xf32>, vector<16xf32>, vector<16xf32>, vector<16xf32>, vector<16xf32>, vector<16xf32>, vector<16xf32>, vector<16xf32>, vector<16xf32>, vector<16xf32>, vector<16xf32>, vector<16xf32>, vector<16xf32>)  : i32 {
        %parallel_loop3A_2190 = arith.constant 16 : i32
        %parallel_loop3A_2191 = arith.muli %parallel_loop3A_2173, %parallel_loop3A_2190 : i32
        %parallel_loop3A_2192 = arith.constant 0 : i32
        %parallel_loop3A_2193 = arith.index_cast %parallel_loop3A_2192 : i32 to index
        %parallel_loop3A_2194 = arith.index_cast %parallel_loop3A_2191 : i32 to index
        %parallel_loop3A_2195 = tpu.vector_load %arg21[%parallel_loop3A_2193, %parallel_loop3A_2194] {strides = array<i32>} : memref<2x768xf32, #tpu.memory_space<vmem>>, vector<16xf32>,
        %parallel_loop3A_2196 = arith.constant 1 : i32
        %parallel_loop3A_2197 = arith.index_cast %parallel_loop3A_2196 : i32 to index
        %parallel_loop3A_2198 = arith.index_cast %parallel_loop3A_2191 : i32 to index
        %parallel_loop3A_2199 = tpu.vector_load %arg21[%parallel_loop3A_2197, %parallel_loop3A_2198] {strides = array<i32>} : memref<2x768xf32, #tpu.memory_space<vmem>>, vector<16xf32>,
        %parallel_loop3A_2200 = arith.constant 8 : i32
        %parallel_loop3A_2201 = arith.index_cast %parallel_loop3A_2200 : i32 to index
        %parallel_loop3A_2202 = arith.index_cast %parallel_loop3A_2191 : i32 to index
        %parallel_loop3A_2203 = tpu.vector_load %arg15[%parallel_loop3A_2201, %parallel_loop3A_2202] {strides = array<i32>} : memref<16x768xf32, #tpu.memory_space<vmem>>, vector<16xf32>,
        %parallel_loop3A_2204 = arith.constant 8 : i32
        %parallel_loop3A_2205 = arith.index_cast %parallel_loop3A_2204 : i32 to index
        %parallel_loop3A_2206 = arith.index_cast %parallel_loop3A_2191 : i32 to index
        %parallel_loop3A_2207 = tpu.vector_load %arg17[%parallel_loop3A_2205, %parallel_loop3A_2206] {strides = array<i32>} : memref<16x768xf32, #tpu.memory_space<vmem>>, vector<16xf32>,
        %parallel_loop3A_2208 = arith.select %gt3A_1575, %parallel_loop3A_2199, %parallel_loop3A_2195 : vector<16xi1>, vector<16xf32>
        %parallel_loop3A_2209 = arith.addf %parallel_loop3A_2207, %parallel_loop3A_2208 : vector<16xf32>
        %parallel_loop3A_2210 = arith.addf %parallel_loop3A_2203, %parallel_loop3A_2209 : vector<16xf32>
        %parallel_loop3A_2211 = arith.constant 8 : i32
        %parallel_loop3A_2212 = arith.index_cast %parallel_loop3A_2211 : i32 to index
        %parallel_loop3A_2213 = arith.index_cast %parallel_loop3A_2191 : i32 to index
        %parallel_loop3A_2214 = tpu.vector_load %arg18[%parallel_loop3A_2212, %parallel_loop3A_2213] {strides = array<i32>} : memref<16x768xf32, #tpu.memory_space<vmem>>, vector<16xf32>,
        tpu.vector_store %arg18[%parallel_loop3A_2212, %parallel_loop3A_2213], %parallel_loop3A_2210 {strides = array<i32>} : memref<16x768xf32, #tpu.memory_space<vmem>>, vector<16xf32>,
        %parallel_loop3A_2215 = arith.addf %parallel_loop3A_2174, %parallel_loop3A_2210 : vector<16xf32>
        %parallel_loop3A_2216 = arith.mulf %parallel_loop3A_2210, %parallel_loop3A_2210 : vector<16xf32>
        %parallel_loop3A_2217 = arith.addf %parallel_loop3A_2182, %parallel_loop3A_2216 : vector<16xf32>
        %parallel_loop3A_2218 = arith.constant 9 : i32
        %parallel_loop3A_2219 = arith.index_cast %parallel_loop3A_2218 : i32 to index
        %parallel_loop3A_2220 = arith.index_cast %parallel_loop3A_2191 : i32 to index
        %parallel_loop3A_2221 = tpu.vector_load %arg15[%parallel_loop3A_2219, %parallel_loop3A_2220] {strides = array<i32>} : memref<16x768xf32, #tpu.memory_space<vmem>>, vector<16xf32>,
        %parallel_loop3A_2222 = arith.constant 9 : i32
        %parallel_loop3A_2223 = arith.index_cast %parallel_loop3A_2222 : i32 to index
        %parallel_loop3A_2224 = arith.index_cast %parallel_loop3A_2191 : i32 to index
        %parallel_loop3A_2225 = tpu.vector_load %arg17[%parallel_loop3A_2223, %parallel_loop3A_2224] {strides = array<i32>} : memref<16x768xf32, #tpu.memory_space<vmem>>, vector<16xf32>,
        %parallel_loop3A_2226 = arith.select %gt3A_1582, %parallel_loop3A_2199, %parallel_loop3A_2195 : vector<16xi1>, vector<16xf32>
        %parallel_loop3A_2227 = arith.addf %parallel_loop3A_2225, %parallel_loop3A_2226 : vector<16xf32>
        %parallel_loop3A_2228 = arith.addf %parallel_loop3A_2221, %parallel_loop3A_2227 : vector<16xf32>
        %parallel_loop3A_2229 = arith.constant 9 : i32
        %parallel_loop3A_2230 = arith.index_cast %parallel_loop3A_2229 : i32 to index
        %parallel_loop3A_2231 = arith.index_cast %parallel_loop3A_2191 : i32 to index
        %parallel_loop3A_2232 = tpu.vector_load %arg18[%parallel_loop3A_2230, %parallel_loop3A_2231] {strides = array<i32>} : memref<16x768xf32, #tpu.memory_space<vmem>>, vector<16xf32>,
        tpu.vector_store %arg18[%parallel_loop3A_2230, %parallel_loop3A_2231], %parallel_loop3A_2228 {strides = array<i32>} : memref<16x768xf32, #tpu.memory_space<vmem>>, vector<16xf32>,
        %parallel_loop3A_2233 = arith.addf %parallel_loop3A_2175, %parallel_loop3A_2228 : vector<16xf32>
        %parallel_loop3A_2234 = arith.mulf %parallel_loop3A_2228, %parallel_loop3A_2228 : vector<16xf32>
        %parallel_loop3A_2235 = arith.addf %parallel_loop3A_2183, %parallel_loop3A_2234 : vector<16xf32>
        %parallel_loop3A_2236 = arith.constant 10 : i32
        %parallel_loop3A_2237 = arith.index_cast %parallel_loop3A_2236 : i32 to index
        %parallel_loop3A_2238 = arith.index_cast %parallel_loop3A_2191 : i32 to index
        %parallel_loop3A_2239 = tpu.vector_load %arg15[%parallel_loop3A_2237, %parallel_loop3A_2238] {strides = array<i32>} : memref<16x768xf32, #tpu.memory_space<vmem>>, vector<16xf32>,
        %parallel_loop3A_2240 = arith.constant 10 : i32
        %parallel_loop3A_2241 = arith.index_cast %parallel_loop3A_2240 : i32 to index
        %parallel_loop3A_2242 = arith.index_cast %parallel_loop3A_2191 : i32 to index
        %parallel_loop3A_2243 = tpu.vector_load %arg17[%parallel_loop3A_2241, %parallel_loop3A_2242] {strides = array<i32>} : memref<16x768xf32, #tpu.memory_space<vmem>>, vector<16xf32>,
        %parallel_loop3A_2244 = arith.select %gt3A_1589, %parallel_loop3A_2199, %parallel_loop3A_2195 : vector<16xi1>, vector<16xf32>
        %parallel_loop3A_2245 = arith.addf %parallel_loop3A_2243, %parallel_loop3A_2244 : vector<16xf32>
        %parallel_loop3A_2246 = arith.addf %parallel_loop3A_2239, %parallel_loop3A_2245 : vector<16xf32>
        %parallel_loop3A_2247 = arith.constant 10 : i32
        %parallel_loop3A_2248 = arith.index_cast %parallel_loop3A_2247 : i32 to index
        %parallel_loop3A_2249 = arith.index_cast %parallel_loop3A_2191 : i32 to index
        %parallel_loop3A_2250 = tpu.vector_load %arg18[%parallel_loop3A_2248, %parallel_loop3A_2249] {strides = array<i32>} : memref<16x768xf32, #tpu.memory_space<vmem>>, vector<16xf32>,
        tpu.vector_store %arg18[%parallel_loop3A_2248, %parallel_loop3A_2249], %parallel_loop3A_2246 {strides = array<i32>} : memref<16x768xf32, #tpu.memory_space<vmem>>, vector<16xf32>,
        %parallel_loop3A_2251 = arith.addf %parallel_loop3A_2176, %parallel_loop3A_2246 : vector<16xf32>
        %parallel_loop3A_2252 = arith.mulf %parallel_loop3A_2246, %parallel_loop3A_2246 : vector<16xf32>
        %parallel_loop3A_2253 = arith.addf %parallel_loop3A_2184, %parallel_loop3A_2252 : vector<16xf32>
        %parallel_loop3A_2254 = arith.constant 11 : i32
        %parallel_loop3A_2255 = arith.index_cast %parallel_loop3A_2254 : i32 to index
        %parallel_loop3A_2256 = arith.index_cast %parallel_loop3A_2191 : i32 to index
        %parallel_loop3A_2257 = tpu.vector_load %arg15[%parallel_loop3A_2255, %parallel_loop3A_2256] {strides = array<i32>} : memref<16x768xf32, #tpu.memory_space<vmem>>, vector<16xf32>,
        %parallel_loop3A_2258 = arith.constant 11 : i32
        %parallel_loop3A_2259 = arith.index_cast %parallel_loop3A_2258 : i32 to index
        %parallel_loop3A_2260 = arith.index_cast %parallel_loop3A_2191 : i32 to index
        %parallel_loop3A_2261 = tpu.vector_load %arg17[%parallel_loop3A_2259, %parallel_loop3A_2260] {strides = array<i32>} : memref<16x768xf32, #tpu.memory_space<vmem>>, vector<16xf32>,
        %parallel_loop3A_2262 = arith.select %gt3A_1596, %parallel_loop3A_2199, %parallel_loop3A_2195 : vector<16xi1>, vector<16xf32>
        %parallel_loop3A_2263 = arith.addf %parallel_loop3A_2261, %parallel_loop3A_2262 : vector<16xf32>
        %parallel_loop3A_2264 = arith.addf %parallel_loop3A_2257, %parallel_loop3A_2263 : vector<16xf32>
        %parallel_loop3A_2265 = arith.constant 11 : i32
        %parallel_loop3A_2266 = arith.index_cast %parallel_loop3A_2265 : i32 to index
        %parallel_loop3A_2267 = arith.index_cast %parallel_loop3A_2191 : i32 to index
        %parallel_loop3A_2268 = tpu.vector_load %arg18[%parallel_loop3A_2266, %parallel_loop3A_2267] {strides = array<i32>} : memref<16x768xf32, #tpu.memory_space<vmem>>, vector<16xf32>,
        tpu.vector_store %arg18[%parallel_loop3A_2266, %parallel_loop3A_2267], %parallel_loop3A_2264 {strides = array<i32>} : memref<16x768xf32, #tpu.memory_space<vmem>>, vector<16xf32>,
        %parallel_loop3A_2269 = arith.addf %parallel_loop3A_2177, %parallel_loop3A_2264 : vector<16xf32>
        %parallel_loop3A_2270 = arith.mulf %parallel_loop3A_2264, %parallel_loop3A_2264 : vector<16xf32>
        %parallel_loop3A_2271 = arith.addf %parallel_loop3A_2185, %parallel_loop3A_2270 : vector<16xf32>
        %parallel_loop3A_2272 = arith.constant 12 : i32
        %parallel_loop3A_2273 = arith.index_cast %parallel_loop3A_2272 : i32 to index
        %parallel_loop3A_2274 = arith.index_cast %parallel_loop3A_2191 : i32 to index
        %parallel_loop3A_2275 = tpu.vector_load %arg15[%parallel_loop3A_2273, %parallel_loop3A_2274] {strides = array<i32>} : memref<16x768xf32, #tpu.memory_space<vmem>>, vector<16xf32>,
        %parallel_loop3A_2276 = arith.constant 12 : i32
        %parallel_loop3A_2277 = arith.index_cast %parallel_loop3A_2276 : i32 to index
        %parallel_loop3A_2278 = arith.index_cast %parallel_loop3A_2191 : i32 to index
        %parallel_loop3A_2279 = tpu.vector_load %arg17[%parallel_loop3A_2277, %parallel_loop3A_2278] {strides = array<i32>} : memref<16x768xf32, #tpu.memory_space<vmem>>, vector<16xf32>,
        %parallel_loop3A_2280 = arith.select %gt3A_1603, %parallel_loop3A_2199, %parallel_loop3A_2195 : vector<16xi1>, vector<16xf32>
        %parallel_loop3A_2281 = arith.addf %parallel_loop3A_2279, %parallel_loop3A_2280 : vector<16xf32>
        %parallel_loop3A_2282 = arith.addf %parallel_loop3A_2275, %parallel_loop3A_2281 : vector<16xf32>
        %parallel_loop3A_2283 = arith.constant 12 : i32
        %parallel_loop3A_2284 = arith.index_cast %parallel_loop3A_2283 : i32 to index
        %parallel_loop3A_2285 = arith.index_cast %parallel_loop3A_2191 : i32 to index
        %parallel_loop3A_2286 = tpu.vector_load %arg18[%parallel_loop3A_2284, %parallel_loop3A_2285] {strides = array<i32>} : memref<16x768xf32, #tpu.memory_space<vmem>>, vector<16xf32>,
        tpu.vector_store %arg18[%parallel_loop3A_2284, %parallel_loop3A_2285], %parallel_loop3A_2282 {strides = array<i32>} : memref<16x768xf32, #tpu.memory_space<vmem>>, vector<16xf32>,
        %parallel_loop3A_2287 = arith.addf %parallel_loop3A_2178, %parallel_loop3A_2282 : vector<16xf32>
        %parallel_loop3A_2288 = arith.mulf %parallel_loop3A_2282, %parallel_loop3A_2282 : vector<16xf32>
        %parallel_loop3A_2289 = arith.addf %parallel_loop3A_2186, %parallel_loop3A_2288 : vector<16xf32>
        %parallel_loop3A_2290 = arith.constant 13 : i32
        %parallel_loop3A_2291 = arith.index_cast %parallel_loop3A_2290 : i32 to index
        %parallel_loop3A_2292 = arith.index_cast %parallel_loop3A_2191 : i32 to index
        %parallel_loop3A_2293 = tpu.vector_load %arg15[%parallel_loop3A_2291, %parallel_loop3A_2292] {strides = array<i32>} : memref<16x768xf32, #tpu.memory_space<vmem>>, vector<16xf32>,
        %parallel_loop3A_2294 = arith.constant 13 : i32
        %parallel_loop3A_2295 = arith.index_cast %parallel_loop3A_2294 : i32 to index
        %parallel_loop3A_2296 = arith.index_cast %parallel_loop3A_2191 : i32 to index
        %parallel_loop3A_2297 = tpu.vector_load %arg17[%parallel_loop3A_2295, %parallel_loop3A_2296] {strides = array<i32>} : memref<16x768xf32, #tpu.memory_space<vmem>>, vector<16xf32>,
        %parallel_loop3A_2298 = arith.select %gt3A_1610, %parallel_loop3A_2199, %parallel_loop3A_2195 : vector<16xi1>, vector<16xf32>
        %parallel_loop3A_2299 = arith.addf %parallel_loop3A_2297, %parallel_loop3A_2298 : vector<16xf32>
        %parallel_loop3A_2300 = arith.addf %parallel_loop3A_2293, %parallel_loop3A_2299 : vector<16xf32>
        %parallel_loop3A_2301 = arith.constant 13 : i32
        %parallel_loop3A_2302 = arith.index_cast %parallel_loop3A_2301 : i32 to index
        %parallel_loop3A_2303 = arith.index_cast %parallel_loop3A_2191 : i32 to index
        %parallel_loop3A_2304 = tpu.vector_load %arg18[%parallel_loop3A_2302, %parallel_loop3A_2303] {strides = array<i32>} : memref<16x768xf32, #tpu.memory_space<vmem>>, vector<16xf32>,
        tpu.vector_store %arg18[%parallel_loop3A_2302, %parallel_loop3A_2303], %parallel_loop3A_2300 {strides = array<i32>} : memref<16x768xf32, #tpu.memory_space<vmem>>, vector<16xf32>,
        %parallel_loop3A_2305 = arith.addf %parallel_loop3A_2179, %parallel_loop3A_2300 : vector<16xf32>
        %parallel_loop3A_2306 = arith.mulf %parallel_loop3A_2300, %parallel_loop3A_2300 : vector<16xf32>
        %parallel_loop3A_2307 = arith.addf %parallel_loop3A_2187, %parallel_loop3A_2306 : vector<16xf32>
        %parallel_loop3A_2308 = arith.constant 14 : i32
        %parallel_loop3A_2309 = arith.index_cast %parallel_loop3A_2308 : i32 to index
        %parallel_loop3A_2310 = arith.index_cast %parallel_loop3A_2191 : i32 to index
        %parallel_loop3A_2311 = tpu.vector_load %arg15[%parallel_loop3A_2309, %parallel_loop3A_2310] {strides = array<i32>} : memref<16x768xf32, #tpu.memory_space<vmem>>, vector<16xf32>,
        %parallel_loop3A_2312 = arith.constant 14 : i32
        %parallel_loop3A_2313 = arith.index_cast %parallel_loop3A_2312 : i32 to index
        %parallel_loop3A_2314 = arith.index_cast %parallel_loop3A_2191 : i32 to index
        %parallel_loop3A_2315 = tpu.vector_load %arg17[%parallel_loop3A_2313, %parallel_loop3A_2314] {strides = array<i32>} : memref<16x768xf32, #tpu.memory_space<vmem>>, vector<16xf32>,
        %parallel_loop3A_2316 = arith.select %gt3A_1617, %parallel_loop3A_2199, %parallel_loop3A_2195 : vector<16xi1>, vector<16xf32>
        %parallel_loop3A_2317 = arith.addf %parallel_loop3A_2315, %parallel_loop3A_2316 : vector<16xf32>
        %parallel_loop3A_2318 = arith.addf %parallel_loop3A_2311, %parallel_loop3A_2317 : vector<16xf32>
        %parallel_loop3A_2319 = arith.constant 14 : i32
        %parallel_loop3A_2320 = arith.index_cast %parallel_loop3A_2319 : i32 to index
        %parallel_loop3A_2321 = arith.index_cast %parallel_loop3A_2191 : i32 to index
        %parallel_loop3A_2322 = tpu.vector_load %arg18[%parallel_loop3A_2320, %parallel_loop3A_2321] {strides = array<i32>} : memref<16x768xf32, #tpu.memory_space<vmem>>, vector<16xf32>,
        tpu.vector_store %arg18[%parallel_loop3A_2320, %parallel_loop3A_2321], %parallel_loop3A_2318 {strides = array<i32>} : memref<16x768xf32, #tpu.memory_space<vmem>>, vector<16xf32>,
        %parallel_loop3A_2323 = arith.addf %parallel_loop3A_2180, %parallel_loop3A_2318 : vector<16xf32>
        %parallel_loop3A_2324 = arith.mulf %parallel_loop3A_2318, %parallel_loop3A_2318 : vector<16xf32>
        %parallel_loop3A_2325 = arith.addf %parallel_loop3A_2188, %parallel_loop3A_2324 : vector<16xf32>
        %parallel_loop3A_2326 = arith.constant 15 : i32
        %parallel_loop3A_2327 = arith.index_cast %parallel_loop3A_2326 : i32 to index
        %parallel_loop3A_2328 = arith.index_cast %parallel_loop3A_2191 : i32 to index
        %parallel_loop3A_2329 = tpu.vector_load %arg15[%parallel_loop3A_2327, %parallel_loop3A_2328] {strides = array<i32>} : memref<16x768xf32, #tpu.memory_space<vmem>>, vector<16xf32>,
        %parallel_loop3A_2330 = arith.constant 15 : i32
        %parallel_loop3A_2331 = arith.index_cast %parallel_loop3A_2330 : i32 to index
        %parallel_loop3A_2332 = arith.index_cast %parallel_loop3A_2191 : i32 to index
        %parallel_loop3A_2333 = tpu.vector_load %arg17[%parallel_loop3A_2331, %parallel_loop3A_2332] {strides = array<i32>} : memref<16x768xf32, #tpu.memory_space<vmem>>, vector<16xf32>,
        %parallel_loop3A_2334 = arith.select %gt3A_1624, %parallel_loop3A_2199, %parallel_loop3A_2195 : vector<16xi1>, vector<16xf32>
        %parallel_loop3A_2335 = arith.addf %parallel_loop3A_2333, %parallel_loop3A_2334 : vector<16xf32>
        %parallel_loop3A_2336 = arith.addf %parallel_loop3A_2329, %parallel_loop3A_2335 : vector<16xf32>
        %parallel_loop3A_2337 = arith.constant 15 : i32
        %parallel_loop3A_2338 = arith.index_cast %parallel_loop3A_2337 : i32 to index
        %parallel_loop3A_2339 = arith.index_cast %parallel_loop3A_2191 : i32 to index
        %parallel_loop3A_2340 = tpu.vector_load %arg18[%parallel_loop3A_2338, %parallel_loop3A_2339] {strides = array<i32>} : memref<16x768xf32, #tpu.memory_space<vmem>>, vector<16xf32>,
        tpu.vector_store %arg18[%parallel_loop3A_2338, %parallel_loop3A_2339], %parallel_loop3A_2336 {strides = array<i32>} : memref<16x768xf32, #tpu.memory_space<vmem>>, vector<16xf32>,
        %parallel_loop3A_2341 = arith.addf %parallel_loop3A_2181, %parallel_loop3A_2336 : vector<16xf32>
        %parallel_loop3A_2342 = arith.mulf %parallel_loop3A_2336, %parallel_loop3A_2336 : vector<16xf32>
        %parallel_loop3A_2343 = arith.addf %parallel_loop3A_2189, %parallel_loop3A_2342 : vector<16xf32>
        scf.yield %parallel_loop3A_2215, %parallel_loop3A_2233, %parallel_loop3A_2251, %parallel_loop3A_2269, %parallel_loop3A_2287, %parallel_loop3A_2305, %parallel_loop3A_2323, %parallel_loop3A_2341, %parallel_loop3A_2217, %parallel_loop3A_2235, %parallel_loop3A_2253, %parallel_loop3A_2271, %parallel_loop3A_2289, %parallel_loop3A_2307, %parallel_loop3A_2325, %parallel_loop3A_2343 : vector<16xf32>, vector<16xf32>, vector<16xf32>, vector<16xf32>, vector<16xf32>, vector<16xf32>, vector<16xf32>, vector<16xf32>, vector<16xf32>, vector<16xf32>, vector<16xf32>, vector<16xf32>, vector<16xf32>, vector<16xf32>, vector<16xf32>, vector<16xf32>
      } {sc.loop_unroll_factor = 1 : i64, sc.parallel_access}
      %reduce_sum3A_1631 = arith.constant true
      %reduce_sum3A_1632 = vector.broadcast %reduce_sum3A_1631 : i1 to vector<16xi1>
      %reduce_sum3A_1633 = tpu.scan <sum>, %parallel_loop3A_1630#0 masked %reduce_sum3A_1632 : vector<16xf32>, vector<16xi1> -> vector<16xf32>
      %reduce_sum3A_1634 = vector.extract %reduce_sum3A_1633[15] : f32 from vector<16xf32>
      %reduce_sum3A_1635 = arith.constant true
      %reduce_sum3A_1636 = vector.broadcast %reduce_sum3A_1635 : i1 to vector<16xi1>
      %reduce_sum3A_1637 = tpu.scan <sum>, %parallel_loop3A_1630#8 masked %reduce_sum3A_1636 : vector<16xf32>, vector<16xi1> -> vector<16xf32>
      %reduce_sum3A_1638 = vector.extract %reduce_sum3A_1637[15] : f32 from vector<16xf32>
      %mul3A_1639 = arith.constant 0.00130208337 : f32
      %mul3A_1640 = arith.mulf %reduce_sum3A_1634, %mul3A_1639 : f32
      %mul3A_1641 = arith.constant 0.00130208337 : f32
      %mul3A_1642 = arith.mulf %reduce_sum3A_1638, %mul3A_1641 : f32
      %mul3A_1643 = arith.mulf %mul3A_1640, %mul3A_1640 : f32
      %sub3A_1644 = arith.subf %mul3A_1642, %mul3A_1643 : f32
      %add3A_1645 = arith.constant 9.99999996E-13 : f32
      %add3A_1646 = arith.addf %sub3A_1644, %add3A_1645 : f32
      %broadcast_in_dim3A_1647 = vector.broadcast %add3A_1646 : f32 to vector<16xf32>
      %bitcast_convert_type3A_1648 = tpu.bitcast %broadcast_in_dim3A_1647 : vector<16xf32> -> vector<16xi32>
      %shift_right_arithmetic3A_1649 = arith.constant 1 : i32
      %shift_right_arithmetic3A_1650 = vector.broadcast %shift_right_arithmetic3A_1649 : i32 to vector<16xi32>
      %shift_right_arithmetic3A_1651 = arith.shrsi %bitcast_convert_type3A_1648, %shift_right_arithmetic3A_1650 : vector<16xi32>
      %sub3A_1652 = arith.constant 1597463007 : i32
      %sub3A_1653 = vector.broadcast %sub3A_1652 : i32 to vector<16xi32>
      %sub3A_1654 = arith.subi %sub3A_1653, %shift_right_arithmetic3A_1651 : vector<16xi32>
      %bitcast_convert_type3A_1655 = tpu.bitcast %sub3A_1654 : vector<16xi32> -> vector<16xf32>
      %mul3A_1656 = arith.constant 5.000000e-01 : f32
      %mul3A_1657 = vector.broadcast %mul3A_1656 : f32 to vector<16xf32>
      %mul3A_1658 = arith.mulf %broadcast_in_dim3A_1647, %mul3A_1657 : vector<16xf32>
      %mul3A_1659 = arith.mulf %mul3A_1658, %bitcast_convert_type3A_1655 : vector<16xf32>
      %mul3A_1660 = arith.mulf %mul3A_1659, %bitcast_convert_type3A_1655 : vector<16xf32>
      %sub3A_1661 = arith.constant 1.500000e+00 : f32
      %sub3A_1662 = vector.broadcast %sub3A_1661 : f32 to vector<16xf32>
      %sub3A_1663 = arith.subf %sub3A_1662, %mul3A_1660 : vector<16xf32>
      %mul3A_1664 = arith.mulf %bitcast_convert_type3A_1655, %sub3A_1663 : vector<16xf32>
      %mul3A_1665 = arith.mulf %mul3A_1658, %mul3A_1664 : vector<16xf32>
      %mul3A_1666 = arith.mulf %mul3A_1665, %mul3A_1664 : vector<16xf32>
      %sub3A_1667 = arith.constant 1.500000e+00 : f32
      %sub3A_1668 = vector.broadcast %sub3A_1667 : f32 to vector<16xf32>
      %sub3A_1669 = arith.subf %sub3A_1668, %mul3A_1666 : vector<16xf32>
      %mul3A_1670 = arith.mulf %mul3A_1664, %sub3A_1669 : vector<16xf32>
      %broadcast_in_dim3A_1671 = vector.broadcast %mul3A_1640 : f32 to vector<16xf32>
      %swap3A_1672 = arith.constant 8 : i32
      %swap3A_1673 = arith.index_cast %swap3A_1672 : i32 to index
      %swap3A_1674 = arith.constant 0 : index
      %swap3A_1675 = tpu.vector_load %arg24[%swap3A_1673, %swap3A_1674] {strides = array<i32>} : memref<16x16xf32, #tpu.memory_space<vmem>>, vector<16xf32>,
      tpu.vector_store %arg24[%swap3A_1673, %swap3A_1674], %broadcast_in_dim3A_1671 {strides = array<i32>} : memref<16x16xf32, #tpu.memory_space<vmem>>, vector<16xf32>,
      %swap3A_1676 = arith.constant 8 : i32
      %swap3A_1677 = arith.index_cast %swap3A_1676 : i32 to index
      %swap3A_1678 = arith.constant 0 : index
      %swap3A_1679 = tpu.vector_load %arg25[%swap3A_1677, %swap3A_1678] {strides = array<i32>} : memref<16x16xf32, #tpu.memory_space<vmem>>, vector<16xf32>,
      tpu.vector_store %arg25[%swap3A_1677, %swap3A_1678], %mul3A_1670 {strides = array<i32>} : memref<16x16xf32, #tpu.memory_space<vmem>>, vector<16xf32>,
      %reduce_sum3A_1680 = arith.constant true
      %reduce_sum3A_1681 = vector.broadcast %reduce_sum3A_1680 : i1 to vector<16xi1>
      %reduce_sum3A_1682 = tpu.scan <sum>, %parallel_loop3A_1630#1 masked %reduce_sum3A_1681 : vector<16xf32>, vector<16xi1> -> vector<16xf32>
      %reduce_sum3A_1683 = vector.extract %reduce_sum3A_1682[15] : f32 from vector<16xf32>
      %reduce_sum3A_1684 = arith.constant true
      %reduce_sum3A_1685 = vector.broadcast %reduce_sum3A_1684 : i1 to vector<16xi1>
      %reduce_sum3A_1686 = tpu.scan <sum>, %parallel_loop3A_1630#9 masked %reduce_sum3A_1685 : vector<16xf32>, vector<16xi1> -> vector<16xf32>
      %reduce_sum3A_1687 = vector.extract %reduce_sum3A_1686[15] : f32 from vector<16xf32>
      %mul3A_1688 = arith.constant 0.00130208337 : f32
      %mul3A_1689 = arith.mulf %reduce_sum3A_1683, %mul3A_1688 : f32
      %mul3A_1690 = arith.constant 0.00130208337 : f32
      %mul3A_1691 = arith.mulf %reduce_sum3A_1687, %mul3A_1690 : f32
      %mul3A_1692 = arith.mulf %mul3A_1689, %mul3A_1689 : f32
      %sub3A_1693 = arith.subf %mul3A_1691, %mul3A_1692 : f32
      %add3A_1694 = arith.constant 9.99999996E-13 : f32
      %add3A_1695 = arith.addf %sub3A_1693, %add3A_1694 : f32
      %broadcast_in_dim3A_1696 = vector.broadcast %add3A_1695 : f32 to vector<16xf32>
      %bitcast_convert_type3A_1697 = tpu.bitcast %broadcast_in_dim3A_1696 : vector<16xf32> -> vector<16xi32>
      %shift_right_arithmetic3A_1698 = arith.constant 1 : i32
      %shift_right_arithmetic3A_1699 = vector.broadcast %shift_right_arithmetic3A_1698 : i32 to vector<16xi32>
      %shift_right_arithmetic3A_1700 = arith.shrsi %bitcast_convert_type3A_1697, %shift_right_arithmetic3A_1699 : vector<16xi32>
      %sub3A_1701 = arith.constant 1597463007 : i32
      %sub3A_1702 = vector.broadcast %sub3A_1701 : i32 to vector<16xi32>
      %sub3A_1703 = arith.subi %sub3A_1702, %shift_right_arithmetic3A_1700 : vector<16xi32>
      %bitcast_convert_type3A_1704 = tpu.bitcast %sub3A_1703 : vector<16xi32> -> vector<16xf32>
      %mul3A_1705 = arith.constant 5.000000e-01 : f32
      %mul3A_1706 = vector.broadcast %mul3A_1705 : f32 to vector<16xf32>
      %mul3A_1707 = arith.mulf %broadcast_in_dim3A_1696, %mul3A_1706 : vector<16xf32>
      %mul3A_1708 = arith.mulf %mul3A_1707, %bitcast_convert_type3A_1704 : vector<16xf32>
      %mul3A_1709 = arith.mulf %mul3A_1708, %bitcast_convert_type3A_1704 : vector<16xf32>
      %sub3A_1710 = arith.constant 1.500000e+00 : f32
      %sub3A_1711 = vector.broadcast %sub3A_1710 : f32 to vector<16xf32>
      %sub3A_1712 = arith.subf %sub3A_1711, %mul3A_1709 : vector<16xf32>
      %mul3A_1713 = arith.mulf %bitcast_convert_type3A_1704, %sub3A_1712 : vector<16xf32>
      %mul3A_1714 = arith.mulf %mul3A_1707, %mul3A_1713 : vector<16xf32>
      %mul3A_1715 = arith.mulf %mul3A_1714, %mul3A_1713 : vector<16xf32>
      %sub3A_1716 = arith.constant 1.500000e+00 : f32
      %sub3A_1717 = vector.broadcast %sub3A_1716 : f32 to vector<16xf32>
      %sub3A_1718 = arith.subf %sub3A_1717, %mul3A_1715 : vector<16xf32>
      %mul3A_1719 = arith.mulf %mul3A_1713, %sub3A_1718 : vector<16xf32>
      %broadcast_in_dim3A_1720 = vector.broadcast %mul3A_1689 : f32 to vector<16xf32>
      %swap3A_1721 = arith.constant 9 : i32
      %swap3A_1722 = arith.index_cast %swap3A_1721 : i32 to index
      %swap3A_1723 = arith.constant 0 : index
      %swap3A_1724 = tpu.vector_load %arg24[%swap3A_1722, %swap3A_1723] {strides = array<i32>} : memref<16x16xf32, #tpu.memory_space<vmem>>, vector<16xf32>,
      tpu.vector_store %arg24[%swap3A_1722, %swap3A_1723], %broadcast_in_dim3A_1720 {strides = array<i32>} : memref<16x16xf32, #tpu.memory_space<vmem>>, vector<16xf32>,
      %swap3A_1725 = arith.constant 9 : i32
      %swap3A_1726 = arith.index_cast %swap3A_1725 : i32 to index
      %swap3A_1727 = arith.constant 0 : index
      %swap3A_1728 = tpu.vector_load %arg25[%swap3A_1726, %swap3A_1727] {strides = array<i32>} : memref<16x16xf32, #tpu.memory_space<vmem>>, vector<16xf32>,
      tpu.vector_store %arg25[%swap3A_1726, %swap3A_1727], %mul3A_1719 {strides = array<i32>} : memref<16x16xf32, #tpu.memory_space<vmem>>, vector<16xf32>,
      %reduce_sum3A_1729 = arith.constant true
      %reduce_sum3A_1730 = vector.broadcast %reduce_sum3A_1729 : i1 to vector<16xi1>
      %reduce_sum3A_1731 = tpu.scan <sum>, %parallel_loop3A_1630#2 masked %reduce_sum3A_1730 : vector<16xf32>, vector<16xi1> -> vector<16xf32>
      %reduce_sum3A_1732 = vector.extract %reduce_sum3A_1731[15] : f32 from vector<16xf32>
      %reduce_sum3A_1733 = arith.constant true
      %reduce_sum3A_1734 = vector.broadcast %reduce_sum3A_1733 : i1 to vector<16xi1>
      %reduce_sum3A_1735 = tpu.scan <sum>, %parallel_loop3A_1630#10 masked %reduce_sum3A_1734 : vector<16xf32>, vector<16xi1> -> vector<16xf32>
      %reduce_sum3A_1736 = vector.extract %reduce_sum3A_1735[15] : f32 from vector<16xf32>
      %mul3A_1737 = arith.constant 0.00130208337 : f32
      %mul3A_1738 = arith.mulf %reduce_sum3A_1732, %mul3A_1737 : f32
      %mul3A_1739 = arith.constant 0.00130208337 : f32
      %mul3A_1740 = arith.mulf %reduce_sum3A_1736, %mul3A_1739 : f32
      %mul3A_1741 = arith.mulf %mul3A_1738, %mul3A_1738 : f32
      %sub3A_1742 = arith.subf %mul3A_1740, %mul3A_1741 : f32
      %add3A_1743 = arith.constant 9.99999996E-13 : f32
      %add3A_1744 = arith.addf %sub3A_1742, %add3A_1743 : f32
      %broadcast_in_dim3A_1745 = vector.broadcast %add3A_1744 : f32 to vector<16xf32>
      %bitcast_convert_type3A_1746 = tpu.bitcast %broadcast_in_dim3A_1745 : vector<16xf32> -> vector<16xi32>
      %shift_right_arithmetic3A_1747 = arith.constant 1 : i32
      %shift_right_arithmetic3A_1748 = vector.broadcast %shift_right_arithmetic3A_1747 : i32 to vector<16xi32>
      %shift_right_arithmetic3A_1749 = arith.shrsi %bitcast_convert_type3A_1746, %shift_right_arithmetic3A_1748 : vector<16xi32>
      %sub3A_1750 = arith.constant 1597463007 : i32
      %sub3A_1751 = vector.broadcast %sub3A_1750 : i32 to vector<16xi32>
      %sub3A_1752 = arith.subi %sub3A_1751, %shift_right_arithmetic3A_1749 : vector<16xi32>
      %bitcast_convert_type3A_1753 = tpu.bitcast %sub3A_1752 : vector<16xi32> -> vector<16xf32>
      %mul3A_1754 = arith.constant 5.000000e-01 : f32
      %mul3A_1755 = vector.broadcast %mul3A_1754 : f32 to vector<16xf32>
      %mul3A_1756 = arith.mulf %broadcast_in_dim3A_1745, %mul3A_1755 : vector<16xf32>
      %mul3A_1757 = arith.mulf %mul3A_1756, %bitcast_convert_type3A_1753 : vector<16xf32>
      %mul3A_1758 = arith.mulf %mul3A_1757, %bitcast_convert_type3A_1753 : vector<16xf32>
      %sub3A_1759 = arith.constant 1.500000e+00 : f32
      %sub3A_1760 = vector.broadcast %sub3A_1759 : f32 to vector<16xf32>
      %sub3A_1761 = arith.subf %sub3A_1760, %mul3A_1758 : vector<16xf32>
      %mul3A_1762 = arith.mulf %bitcast_convert_type3A_1753, %sub3A_1761 : vector<16xf32>
      %mul3A_1763 = arith.mulf %mul3A_1756, %mul3A_1762 : vector<16xf32>
      %mul3A_1764 = arith.mulf %mul3A_1763, %mul3A_1762 : vector<16xf32>
      %sub3A_1765 = arith.constant 1.500000e+00 : f32
      %sub3A_1766 = vector.broadcast %sub3A_1765 : f32 to vector<16xf32>
      %sub3A_1767 = arith.subf %sub3A_1766, %mul3A_1764 : vector<16xf32>
      %mul3A_1768 = arith.mulf %mul3A_1762, %sub3A_1767 : vector<16xf32>
      %broadcast_in_dim3A_1769 = vector.broadcast %mul3A_1738 : f32 to vector<16xf32>
      %swap3A_1770 = arith.constant 10 : i32
      %swap3A_1771 = arith.index_cast %swap3A_1770 : i32 to index
      %swap3A_1772 = arith.constant 0 : index
      %swap3A_1773 = tpu.vector_load %arg24[%swap3A_1771, %swap3A_1772] {strides = array<i32>} : memref<16x16xf32, #tpu.memory_space<vmem>>, vector<16xf32>,
      tpu.vector_store %arg24[%swap3A_1771, %swap3A_1772], %broadcast_in_dim3A_1769 {strides = array<i32>} : memref<16x16xf32, #tpu.memory_space<vmem>>, vector<16xf32>,
      %swap3A_1774 = arith.constant 10 : i32
      %swap3A_1775 = arith.index_cast %swap3A_1774 : i32 to index
      %swap3A_1776 = arith.constant 0 : index
      %swap3A_1777 = tpu.vector_load %arg25[%swap3A_1775, %swap3A_1776] {strides = array<i32>} : memref<16x16xf32, #tpu.memory_space<vmem>>, vector<16xf32>,
      tpu.vector_store %arg25[%swap3A_1775, %swap3A_1776], %mul3A_1768 {strides = array<i32>} : memref<16x16xf32, #tpu.memory_space<vmem>>, vector<16xf32>,
      %reduce_sum3A_1778 = arith.constant true
      %reduce_sum3A_1779 = vector.broadcast %reduce_sum3A_1778 : i1 to vector<16xi1>
      %reduce_sum3A_1780 = tpu.scan <sum>, %parallel_loop3A_1630#3 masked %reduce_sum3A_1779 : vector<16xf32>, vector<16xi1> -> vector<16xf32>
      %reduce_sum3A_1781 = vector.extract %reduce_sum3A_1780[15] : f32 from vector<16xf32>
      %reduce_sum3A_1782 = arith.constant true
      %reduce_sum3A_1783 = vector.broadcast %reduce_sum3A_1782 : i1 to vector<16xi1>
      %reduce_sum3A_1784 = tpu.scan <sum>, %parallel_loop3A_1630#11 masked %reduce_sum3A_1783 : vector<16xf32>, vector<16xi1> -> vector<16xf32>
      %reduce_sum3A_1785 = vector.extract %reduce_sum3A_1784[15] : f32 from vector<16xf32>
      %mul3A_1786 = arith.constant 0.00130208337 : f32
      %mul3A_1787 = arith.mulf %reduce_sum3A_1781, %mul3A_1786 : f32
      %mul3A_1788 = arith.constant 0.00130208337 : f32
      %mul3A_1789 = arith.mulf %reduce_sum3A_1785, %mul3A_1788 : f32
      %mul3A_1790 = arith.mulf %mul3A_1787, %mul3A_1787 : f32
      %sub3A_1791 = arith.subf %mul3A_1789, %mul3A_1790 : f32
      %add3A_1792 = arith.constant 9.99999996E-13 : f32
      %add3A_1793 = arith.addf %sub3A_1791, %add3A_1792 : f32
      %broadcast_in_dim3A_1794 = vector.broadcast %add3A_1793 : f32 to vector<16xf32>
      %bitcast_convert_type3A_1795 = tpu.bitcast %broadcast_in_dim3A_1794 : vector<16xf32> -> vector<16xi32>
      %shift_right_arithmetic3A_1796 = arith.constant 1 : i32
      %shift_right_arithmetic3A_1797 = vector.broadcast %shift_right_arithmetic3A_1796 : i32 to vector<16xi32>
      %shift_right_arithmetic3A_1798 = arith.shrsi %bitcast_convert_type3A_1795, %shift_right_arithmetic3A_1797 : vector<16xi32>
      %sub3A_1799 = arith.constant 1597463007 : i32
      %sub3A_1800 = vector.broadcast %sub3A_1799 : i32 to vector<16xi32>
      %sub3A_1801 = arith.subi %sub3A_1800, %shift_right_arithmetic3A_1798 : vector<16xi32>
      %bitcast_convert_type3A_1802 = tpu.bitcast %sub3A_1801 : vector<16xi32> -> vector<16xf32>
      %mul3A_1803 = arith.constant 5.000000e-01 : f32
      %mul3A_1804 = vector.broadcast %mul3A_1803 : f32 to vector<16xf32>
      %mul3A_1805 = arith.mulf %broadcast_in_dim3A_1794, %mul3A_1804 : vector<16xf32>
      %mul3A_1806 = arith.mulf %mul3A_1805, %bitcast_convert_type3A_1802 : vector<16xf32>
      %mul3A_1807 = arith.mulf %mul3A_1806, %bitcast_convert_type3A_1802 : vector<16xf32>
      %sub3A_1808 = arith.constant 1.500000e+00 : f32
      %sub3A_1809 = vector.broadcast %sub3A_1808 : f32 to vector<16xf32>
      %sub3A_1810 = arith.subf %sub3A_1809, %mul3A_1807 : vector<16xf32>
      %mul3A_1811 = arith.mulf %bitcast_convert_type3A_1802, %sub3A_1810 : vector<16xf32>
      %mul3A_1812 = arith.mulf %mul3A_1805, %mul3A_1811 : vector<16xf32>
      %mul3A_1813 = arith.mulf %mul3A_1812, %mul3A_1811 : vector<16xf32>
      %sub3A_1814 = arith.constant 1.500000e+00 : f32
      %sub3A_1815 = vector.broadcast %sub3A_1814 : f32 to vector<16xf32>
      %sub3A_1816 = arith.subf %sub3A_1815, %mul3A_1813 : vector<16xf32>
      %mul3A_1817 = arith.mulf %mul3A_1811, %sub3A_1816 : vector<16xf32>
      %broadcast_in_dim3A_1818 = vector.broadcast %mul3A_1787 : f32 to vector<16xf32>
      %swap3A_1819 = arith.constant 11 : i32
      %swap3A_1820 = arith.index_cast %swap3A_1819 : i32 to index
      %swap3A_1821 = arith.constant 0 : index
      %swap3A_1822 = tpu.vector_load %arg24[%swap3A_1820, %swap3A_1821] {strides = array<i32>} : memref<16x16xf32, #tpu.memory_space<vmem>>, vector<16xf32>,
      tpu.vector_store %arg24[%swap3A_1820, %swap3A_1821], %broadcast_in_dim3A_1818 {strides = array<i32>} : memref<16x16xf32, #tpu.memory_space<vmem>>, vector<16xf32>,
      %swap3A_1823 = arith.constant 11 : i32
      %swap3A_1824 = arith.index_cast %swap3A_1823 : i32 to index
      %swap3A_1825 = arith.constant 0 : index
      %swap3A_1826 = tpu.vector_load %arg25[%swap3A_1824, %swap3A_1825] {strides = array<i32>} : memref<16x16xf32, #tpu.memory_space<vmem>>, vector<16xf32>,
      tpu.vector_store %arg25[%swap3A_1824, %swap3A_1825], %mul3A_1817 {strides = array<i32>} : memref<16x16xf32, #tpu.memory_space<vmem>>, vector<16xf32>,
      %reduce_sum3A_1827 = arith.constant true
      %reduce_sum3A_1828 = vector.broadcast %reduce_sum3A_1827 : i1 to vector<16xi1>
      %reduce_sum3A_1829 = tpu.scan <sum>, %parallel_loop3A_1630#4 masked %reduce_sum3A_1828 : vector<16xf32>, vector<16xi1> -> vector<16xf32>
      %reduce_sum3A_1830 = vector.extract %reduce_sum3A_1829[15] : f32 from vector<16xf32>
      %reduce_sum3A_1831 = arith.constant true
      %reduce_sum3A_1832 = vector.broadcast %reduce_sum3A_1831 : i1 to vector<16xi1>
      %reduce_sum3A_1833 = tpu.scan <sum>, %parallel_loop3A_1630#12 masked %reduce_sum3A_1832 : vector<16xf32>, vector<16xi1> -> vector<16xf32>
      %reduce_sum3A_1834 = vector.extract %reduce_sum3A_1833[15] : f32 from vector<16xf32>
      %mul3A_1835 = arith.constant 0.00130208337 : f32
      %mul3A_1836 = arith.mulf %reduce_sum3A_1830, %mul3A_1835 : f32
      %mul3A_1837 = arith.constant 0.00130208337 : f32
      %mul3A_1838 = arith.mulf %reduce_sum3A_1834, %mul3A_1837 : f32
      %mul3A_1839 = arith.mulf %mul3A_1836, %mul3A_1836 : f32
      %sub3A_1840 = arith.subf %mul3A_1838, %mul3A_1839 : f32
      %add3A_1841 = arith.constant 9.99999996E-13 : f32
      %add3A_1842 = arith.addf %sub3A_1840, %add3A_1841 : f32
      %broadcast_in_dim3A_1843 = vector.broadcast %add3A_1842 : f32 to vector<16xf32>
      %bitcast_convert_type3A_1844 = tpu.bitcast %broadcast_in_dim3A_1843 : vector<16xf32> -> vector<16xi32>
      %shift_right_arithmetic3A_1845 = arith.constant 1 : i32
      %shift_right_arithmetic3A_1846 = vector.broadcast %shift_right_arithmetic3A_1845 : i32 to vector<16xi32>
      %shift_right_arithmetic3A_1847 = arith.shrsi %bitcast_convert_type3A_1844, %shift_right_arithmetic3A_1846 : vector<16xi32>
      %sub3A_1848 = arith.constant 1597463007 : i32
      %sub3A_1849 = vector.broadcast %sub3A_1848 : i32 to vector<16xi32>
      %sub3A_1850 = arith.subi %sub3A_1849, %shift_right_arithmetic3A_1847 : vector<16xi32>
      %bitcast_convert_type3A_1851 = tpu.bitcast %sub3A_1850 : vector<16xi32> -> vector<16xf32>
      %mul3A_1852 = arith.constant 5.000000e-01 : f32
      %mul3A_1853 = vector.broadcast %mul3A_1852 : f32 to vector<16xf32>
      %mul3A_1854 = arith.mulf %broadcast_in_dim3A_1843, %mul3A_1853 : vector<16xf32>
      %mul3A_1855 = arith.mulf %mul3A_1854, %bitcast_convert_type3A_1851 : vector<16xf32>
      %mul3A_1856 = arith.mulf %mul3A_1855, %bitcast_convert_type3A_1851 : vector<16xf32>
      %sub3A_1857 = arith.constant 1.500000e+00 : f32
      %sub3A_1858 = vector.broadcast %sub3A_1857 : f32 to vector<16xf32>
      %sub3A_1859 = arith.subf %sub3A_1858, %mul3A_1856 : vector<16xf32>
      %mul3A_1860 = arith.mulf %bitcast_convert_type3A_1851, %sub3A_1859 : vector<16xf32>
      %mul3A_1861 = arith.mulf %mul3A_1854, %mul3A_1860 : vector<16xf32>
      %mul3A_1862 = arith.mulf %mul3A_1861, %mul3A_1860 : vector<16xf32>
      %sub3A_1863 = arith.constant 1.500000e+00 : f32
      %sub3A_1864 = vector.broadcast %sub3A_1863 : f32 to vector<16xf32>
      %sub3A_1865 = arith.subf %sub3A_1864, %mul3A_1862 : vector<16xf32>
      %mul3A_1866 = arith.mulf %mul3A_1860, %sub3A_1865 : vector<16xf32>
      %broadcast_in_dim3A_1867 = vector.broadcast %mul3A_1836 : f32 to vector<16xf32>
      %swap3A_1868 = arith.constant 12 : i32
      %swap3A_1869 = arith.index_cast %swap3A_1868 : i32 to index
      %swap3A_1870 = arith.constant 0 : index
      %swap3A_1871 = tpu.vector_load %arg24[%swap3A_1869, %swap3A_1870] {strides = array<i32>} : memref<16x16xf32, #tpu.memory_space<vmem>>, vector<16xf32>,
      tpu.vector_store %arg24[%swap3A_1869, %swap3A_1870], %broadcast_in_dim3A_1867 {strides = array<i32>} : memref<16x16xf32, #tpu.memory_space<vmem>>, vector<16xf32>,
      %swap3A_1872 = arith.constant 12 : i32
      %swap3A_1873 = arith.index_cast %swap3A_1872 : i32 to index
      %swap3A_1874 = arith.constant 0 : index
      %swap3A_1875 = tpu.vector_load %arg25[%swap3A_1873, %swap3A_1874] {strides = array<i32>} : memref<16x16xf32, #tpu.memory_space<vmem>>, vector<16xf32>,
      tpu.vector_store %arg25[%swap3A_1873, %swap3A_1874], %mul3A_1866 {strides = array<i32>} : memref<16x16xf32, #tpu.memory_space<vmem>>, vector<16xf32>,
      %reduce_sum3A_1876 = arith.constant true
      %reduce_sum3A_1877 = vector.broadcast %reduce_sum3A_1876 : i1 to vector<16xi1>
      %reduce_sum3A_1878 = tpu.scan <sum>, %parallel_loop3A_1630#5 masked %reduce_sum3A_1877 : vector<16xf32>, vector<16xi1> -> vector<16xf32>
      %reduce_sum3A_1879 = vector.extract %reduce_sum3A_1878[15] : f32 from vector<16xf32>
      %reduce_sum3A_1880 = arith.constant true
      %reduce_sum3A_1881 = vector.broadcast %reduce_sum3A_1880 : i1 to vector<16xi1>
      %reduce_sum3A_1882 = tpu.scan <sum>, %parallel_loop3A_1630#13 masked %reduce_sum3A_1881 : vector<16xf32>, vector<16xi1> -> vector<16xf32>
      %reduce_sum3A_1883 = vector.extract %reduce_sum3A_1882[15] : f32 from vector<16xf32>
      %mul3A_1884 = arith.constant 0.00130208337 : f32
      %mul3A_1885 = arith.mulf %reduce_sum3A_1879, %mul3A_1884 : f32
      %mul3A_1886 = arith.constant 0.00130208337 : f32
      %mul3A_1887 = arith.mulf %reduce_sum3A_1883, %mul3A_1886 : f32
      %mul3A_1888 = arith.mulf %mul3A_1885, %mul3A_1885 : f32
      %sub3A_1889 = arith.subf %mul3A_1887, %mul3A_1888 : f32
      %add3A_1890 = arith.constant 9.99999996E-13 : f32
      %add3A_1891 = arith.addf %sub3A_1889, %add3A_1890 : f32
      %broadcast_in_dim3A_1892 = vector.broadcast %add3A_1891 : f32 to vector<16xf32>
      %bitcast_convert_type3A_1893 = tpu.bitcast %broadcast_in_dim3A_1892 : vector<16xf32> -> vector<16xi32>
      %shift_right_arithmetic3A_1894 = arith.constant 1 : i32
      %shift_right_arithmetic3A_1895 = vector.broadcast %shift_right_arithmetic3A_1894 : i32 to vector<16xi32>
      %shift_right_arithmetic3A_1896 = arith.shrsi %bitcast_convert_type3A_1893, %shift_right_arithmetic3A_1895 : vector<16xi32>
      %sub3A_1897 = arith.constant 1597463007 : i32
      %sub3A_1898 = vector.broadcast %sub3A_1897 : i32 to vector<16xi32>
      %sub3A_1899 = arith.subi %sub3A_1898, %shift_right_arithmetic3A_1896 : vector<16xi32>
      %bitcast_convert_type3A_1900 = tpu.bitcast %sub3A_1899 : vector<16xi32> -> vector<16xf32>
      %mul3A_1901 = arith.constant 5.000000e-01 : f32
      %mul3A_1902 = vector.broadcast %mul3A_1901 : f32 to vector<16xf32>
      %mul3A_1903 = arith.mulf %broadcast_in_dim3A_1892, %mul3A_1902 : vector<16xf32>
      %mul3A_1904 = arith.mulf %mul3A_1903, %bitcast_convert_type3A_1900 : vector<16xf32>
      %mul3A_1905 = arith.mulf %mul3A_1904, %bitcast_convert_type3A_1900 : vector<16xf32>
      %sub3A_1906 = arith.constant 1.500000e+00 : f32
      %sub3A_1907 = vector.broadcast %sub3A_1906 : f32 to vector<16xf32>
      %sub3A_1908 = arith.subf %sub3A_1907, %mul3A_1905 : vector<16xf32>
      %mul3A_1909 = arith.mulf %bitcast_convert_type3A_1900, %sub3A_1908 : vector<16xf32>
      %mul3A_1910 = arith.mulf %mul3A_1903, %mul3A_1909 : vector<16xf32>
      %mul3A_1911 = arith.mulf %mul3A_1910, %mul3A_1909 : vector<16xf32>
      %sub3A_1912 = arith.constant 1.500000e+00 : f32
      %sub3A_1913 = vector.broadcast %sub3A_1912 : f32 to vector<16xf32>
      %sub3A_1914 = arith.subf %sub3A_1913, %mul3A_1911 : vector<16xf32>
      %mul3A_1915 = arith.mulf %mul3A_1909, %sub3A_1914 : vector<16xf32>
      %broadcast_in_dim3A_1916 = vector.broadcast %mul3A_1885 : f32 to vector<16xf32>
      %swap3A_1917 = arith.constant 13 : i32
      %swap3A_1918 = arith.index_cast %swap3A_1917 : i32 to index
      %swap3A_1919 = arith.constant 0 : index
      %swap3A_1920 = tpu.vector_load %arg24[%swap3A_1918, %swap3A_1919] {strides = array<i32>} : memref<16x16xf32, #tpu.memory_space<vmem>>, vector<16xf32>,
      tpu.vector_store %arg24[%swap3A_1918, %swap3A_1919], %broadcast_in_dim3A_1916 {strides = array<i32>} : memref<16x16xf32, #tpu.memory_space<vmem>>, vector<16xf32>,
      %swap3A_1921 = arith.constant 13 : i32
      %swap3A_1922 = arith.index_cast %swap3A_1921 : i32 to index
      %swap3A_1923 = arith.constant 0 : index
      %swap3A_1924 = tpu.vector_load %arg25[%swap3A_1922, %swap3A_1923] {strides = array<i32>} : memref<16x16xf32, #tpu.memory_space<vmem>>, vector<16xf32>,
      tpu.vector_store %arg25[%swap3A_1922, %swap3A_1923], %mul3A_1915 {strides = array<i32>} : memref<16x16xf32, #tpu.memory_space<vmem>>, vector<16xf32>,
      %reduce_sum3A_1925 = arith.constant true
      %reduce_sum3A_1926 = vector.broadcast %reduce_sum3A_1925 : i1 to vector<16xi1>
      %reduce_sum3A_1927 = tpu.scan <sum>, %parallel_loop3A_1630#6 masked %reduce_sum3A_1926 : vector<16xf32>, vector<16xi1> -> vector<16xf32>
      %reduce_sum3A_1928 = vector.extract %reduce_sum3A_1927[15] : f32 from vector<16xf32>
      %reduce_sum3A_1929 = arith.constant true
      %reduce_sum3A_1930 = vector.broadcast %reduce_sum3A_1929 : i1 to vector<16xi1>
      %reduce_sum3A_1931 = tpu.scan <sum>, %parallel_loop3A_1630#14 masked %reduce_sum3A_1930 : vector<16xf32>, vector<16xi1> -> vector<16xf32>
      %reduce_sum3A_1932 = vector.extract %reduce_sum3A_1931[15] : f32 from vector<16xf32>
      %mul3A_1933 = arith.constant 0.00130208337 : f32
      %mul3A_1934 = arith.mulf %reduce_sum3A_1928, %mul3A_1933 : f32
      %mul3A_1935 = arith.constant 0.00130208337 : f32
      %mul3A_1936 = arith.mulf %reduce_sum3A_1932, %mul3A_1935 : f32
      %mul3A_1937 = arith.mulf %mul3A_1934, %mul3A_1934 : f32
      %sub3A_1938 = arith.subf %mul3A_1936, %mul3A_1937 : f32
      %add3A_1939 = arith.constant 9.99999996E-13 : f32
      %add3A_1940 = arith.addf %sub3A_1938, %add3A_1939 : f32
      %broadcast_in_dim3A_1941 = vector.broadcast %add3A_1940 : f32 to vector<16xf32>
      %bitcast_convert_type3A_1942 = tpu.bitcast %broadcast_in_dim3A_1941 : vector<16xf32> -> vector<16xi32>
      %shift_right_arithmetic3A_1943 = arith.constant 1 : i32
      %shift_right_arithmetic3A_1944 = vector.broadcast %shift_right_arithmetic3A_1943 : i32 to vector<16xi32>
      %shift_right_arithmetic3A_1945 = arith.shrsi %bitcast_convert_type3A_1942, %shift_right_arithmetic3A_1944 : vector<16xi32>
      %sub3A_1946 = arith.constant 1597463007 : i32
      %sub3A_1947 = vector.broadcast %sub3A_1946 : i32 to vector<16xi32>
      %sub3A_1948 = arith.subi %sub3A_1947, %shift_right_arithmetic3A_1945 : vector<16xi32>
      %bitcast_convert_type3A_1949 = tpu.bitcast %sub3A_1948 : vector<16xi32> -> vector<16xf32>
      %mul3A_1950 = arith.constant 5.000000e-01 : f32
      %mul3A_1951 = vector.broadcast %mul3A_1950 : f32 to vector<16xf32>
      %mul3A_1952 = arith.mulf %broadcast_in_dim3A_1941, %mul3A_1951 : vector<16xf32>
      %mul3A_1953 = arith.mulf %mul3A_1952, %bitcast_convert_type3A_1949 : vector<16xf32>
      %mul3A_1954 = arith.mulf %mul3A_1953, %bitcast_convert_type3A_1949 : vector<16xf32>
      %sub3A_1955 = arith.constant 1.500000e+00 : f32
      %sub3A_1956 = vector.broadcast %sub3A_1955 : f32 to vector<16xf32>
      %sub3A_1957 = arith.subf %sub3A_1956, %mul3A_1954 : vector<16xf32>
      %mul3A_1958 = arith.mulf %bitcast_convert_type3A_1949, %sub3A_1957 : vector<16xf32>
      %mul3A_1959 = arith.mulf %mul3A_1952, %mul3A_1958 : vector<16xf32>
      %mul3A_1960 = arith.mulf %mul3A_1959, %mul3A_1958 : vector<16xf32>
      %sub3A_1961 = arith.constant 1.500000e+00 : f32
      %sub3A_1962 = vector.broadcast %sub3A_1961 : f32 to vector<16xf32>
      %sub3A_1963 = arith.subf %sub3A_1962, %mul3A_1960 : vector<16xf32>
      %mul3A_1964 = arith.mulf %mul3A_1958, %sub3A_1963 : vector<16xf32>
      %broadcast_in_dim3A_1965 = vector.broadcast %mul3A_1934 : f32 to vector<16xf32>
      %swap3A_1966 = arith.constant 14 : i32
      %swap3A_1967 = arith.index_cast %swap3A_1966 : i32 to index
      %swap3A_1968 = arith.constant 0 : index
      %swap3A_1969 = tpu.vector_load %arg24[%swap3A_1967, %swap3A_1968] {strides = array<i32>} : memref<16x16xf32, #tpu.memory_space<vmem>>, vector<16xf32>,
      tpu.vector_store %arg24[%swap3A_1967, %swap3A_1968], %broadcast_in_dim3A_1965 {strides = array<i32>} : memref<16x16xf32, #tpu.memory_space<vmem>>, vector<16xf32>,
      %swap3A_1970 = arith.constant 14 : i32
      %swap3A_1971 = arith.index_cast %swap3A_1970 : i32 to index
      %swap3A_1972 = arith.constant 0 : index
      %swap3A_1973 = tpu.vector_load %arg25[%swap3A_1971, %swap3A_1972] {strides = array<i32>} : memref<16x16xf32, #tpu.memory_space<vmem>>, vector<16xf32>,
      tpu.vector_store %arg25[%swap3A_1971, %swap3A_1972], %mul3A_1964 {strides = array<i32>} : memref<16x16xf32, #tpu.memory_space<vmem>>, vector<16xf32>,
      %reduce_sum3A_1974 = arith.constant true
      %reduce_sum3A_1975 = vector.broadcast %reduce_sum3A_1974 : i1 to vector<16xi1>
      %reduce_sum3A_1976 = tpu.scan <sum>, %parallel_loop3A_1630#7 masked %reduce_sum3A_1975 : vector<16xf32>, vector<16xi1> -> vector<16xf32>
      %reduce_sum3A_1977 = vector.extract %reduce_sum3A_1976[15] : f32 from vector<16xf32>
      %reduce_sum3A_1978 = arith.constant true
      %reduce_sum3A_1979 = vector.broadcast %reduce_sum3A_1978 : i1 to vector<16xi1>
      %reduce_sum3A_1980 = tpu.scan <sum>, %parallel_loop3A_1630#15 masked %reduce_sum3A_1979 : vector<16xf32>, vector<16xi1> -> vector<16xf32>
      %reduce_sum3A_1981 = vector.extract %reduce_sum3A_1980[15] : f32 from vector<16xf32>
      %mul3A_1982 = arith.constant 0.00130208337 : f32
      %mul3A_1983 = arith.mulf %reduce_sum3A_1977, %mul3A_1982 : f32
      %mul3A_1984 = arith.constant 0.00130208337 : f32
      %mul3A_1985 = arith.mulf %reduce_sum3A_1981, %mul3A_1984 : f32
      %mul3A_1986 = arith.mulf %mul3A_1983, %mul3A_1983 : f32
      %sub3A_1987 = arith.subf %mul3A_1985, %mul3A_1986 : f32
      %add3A_1988 = arith.constant 9.99999996E-13 : f32
      %add3A_1989 = arith.addf %sub3A_1987, %add3A_1988 : f32
      %broadcast_in_dim3A_1990 = vector.broadcast %add3A_1989 : f32 to vector<16xf32>
      %bitcast_convert_type3A_1991 = tpu.bitcast %broadcast_in_dim3A_1990 : vector<16xf32> -> vector<16xi32>
      %shift_right_arithmetic3A_1992 = arith.constant 1 : i32
      %shift_right_arithmetic3A_1993 = vector.broadcast %shift_right_arithmetic3A_1992 : i32 to vector<16xi32>
      %shift_right_arithmetic3A_1994 = arith.shrsi %bitcast_convert_type3A_1991, %shift_right_arithmetic3A_1993 : vector<16xi32>
      %sub3A_1995 = arith.constant 1597463007 : i32
      %sub3A_1996 = vector.broadcast %sub3A_1995 : i32 to vector<16xi32>
      %sub3A_1997 = arith.subi %sub3A_1996, %shift_right_arithmetic3A_1994 : vector<16xi32>
      %bitcast_convert_type3A_1998 = tpu.bitcast %sub3A_1997 : vector<16xi32> -> vector<16xf32>
      %mul3A_1999 = arith.constant 5.000000e-01 : f32
      %mul3A_2000 = vector.broadcast %mul3A_1999 : f32 to vector<16xf32>
      %mul3A_2001 = arith.mulf %broadcast_in_dim3A_1990, %mul3A_2000 : vector<16xf32>
      %mul3A_2002 = arith.mulf %mul3A_2001, %bitcast_convert_type3A_1998 : vector<16xf32>
      %mul3A_2003 = arith.mulf %mul3A_2002, %bitcast_convert_type3A_1998 : vector<16xf32>
      %sub3A_2004 = arith.constant 1.500000e+00 : f32
      %sub3A_2005 = vector.broadcast %sub3A_2004 : f32 to vector<16xf32>
      %sub3A_2006 = arith.subf %sub3A_2005, %mul3A_2003 : vector<16xf32>
      %mul3A_2007 = arith.mulf %bitcast_convert_type3A_1998, %sub3A_2006 : vector<16xf32>
      %mul3A_2008 = arith.mulf %mul3A_2001, %mul3A_2007 : vector<16xf32>
      %mul3A_2009 = arith.mulf %mul3A_2008, %mul3A_2007 : vector<16xf32>
      %sub3A_2010 = arith.constant 1.500000e+00 : f32
      %sub3A_2011 = vector.broadcast %sub3A_2010 : f32 to vector<16xf32>
      %sub3A_2012 = arith.subf %sub3A_2011, %mul3A_2009 : vector<16xf32>
      %mul3A_2013 = arith.mulf %mul3A_2007, %sub3A_2012 : vector<16xf32>
      %broadcast_in_dim3A_2014 = vector.broadcast %mul3A_1983 : f32 to vector<16xf32>
      %swap3A_2015 = arith.constant 15 : i32
      %swap3A_2016 = arith.index_cast %swap3A_2015 : i32 to index
      %swap3A_2017 = arith.constant 0 : index
      %swap3A_2018 = tpu.vector_load %arg24[%swap3A_2016, %swap3A_2017] {strides = array<i32>} : memref<16x16xf32, #tpu.memory_space<vmem>>, vector<16xf32>,
      tpu.vector_store %arg24[%swap3A_2016, %swap3A_2017], %broadcast_in_dim3A_2014 {strides = array<i32>} : memref<16x16xf32, #tpu.memory_space<vmem>>, vector<16xf32>,
      %swap3A_2019 = arith.constant 15 : i32
      %swap3A_2020 = arith.index_cast %swap3A_2019 : i32 to index
      %swap3A_2021 = arith.constant 0 : index
      %swap3A_2022 = tpu.vector_load %arg25[%swap3A_2020, %swap3A_2021] {strides = array<i32>} : memref<16x16xf32, #tpu.memory_space<vmem>>, vector<16xf32>,
      tpu.vector_store %arg25[%swap3A_2020, %swap3A_2021], %mul3A_2013 {strides = array<i32>} : memref<16x16xf32, #tpu.memory_space<vmem>>, vector<16xf32>,
      %add3A_2023 = arith.constant 2 : i32
      %add3A_2024 = arith.addi %add3A_1102, %add3A_2023 : i32
      %lt3A_2025 = arith.constant 16 : i32
      %lt3A_2026 = arith.cmpi slt, %add3A_2024, %lt3A_2025 : i32
      %convert_element_type3A_2027 = arith.extui %lt3A_2026 : i1 to i32
      %cond3A_2028 = arith.constant 0 : i32
      %cond3A_2029 = arith.cmpi ne, %convert_element_type3A_2027, %cond3A_2028 : i32
      scf.if %cond3A_2029 {
        %add3A_2173 = arith.constant 2 : i32
        %add3A_2174 = arith.addi %add3A_1102, %add3A_2173 : i32
        %mul3A_2175 = arith.constant 16 : i32
        %mul3A_2176 = arith.muli %add3A_2174, %mul3A_2175 : i32
        %add3A_2177 = arith.addi %mul3A_2, %mul3A_2176 : i32
        %mul3A_2178 = arith.constant 16 : i32
        %mul3A_2179 = arith.muli %add3A_2174, %mul3A_2178 : i32
        %add3A_2180 = arith.addi %rem3A_3, %mul3A_2179 : i32
        "tpu.region"() ({
          %run_scoped3A = tpu.sem_alloc : memref<!tpu.dma_semaphore, #tpu.memory_space<semaphore_mem>>
          %dma_start3A_2188 = tpu.memref_slice %arg2[%add3A_2177] : memref<8192xi32, #tpu.memory_space<hbm>> -> memref<16xi32, #tpu.memory_space<hbm>>
          %dma_start3A_2189 = tpu.memref_slice %arg2[%add3A_2177] : memref<8192xi32, #tpu.memory_space<hbm>> -> memref<16xi32, #tpu.memory_space<hbm>>
          tpu.enqueue_dma source(%dma_start3A_2189 : memref<16xi32, #tpu.memory_space<hbm>>) target(%arg11 : memref<16xi32, #tpu.memory_space<vmem>>) target_semaphore(%run_scoped3A : memref<!tpu.dma_semaphore, #tpu.memory_space<semaphore_mem>>)
          %dma_wait3A_2190 = tpu.memref_slice %arg2[%add3A_2177] : memref<8192xi32, #tpu.memory_space<hbm>> -> memref<16xi32, #tpu.memory_space<hbm>>
          %dma_wait3A_2191 = tpu.memref_slice %arg2[%add3A_2177] : memref<8192xi32, #tpu.memory_space<hbm>> -> memref<16xi32, #tpu.memory_space<hbm>>
          tpu.wait_dma2 semaphore(%run_scoped3A : memref<!tpu.dma_semaphore, #tpu.memory_space<semaphore_mem>>) src(%dma_wait3A_2191 : memref<16xi32, #tpu.memory_space<hbm>>) dst(%arg11 : memref<16xi32, #tpu.memory_space<vmem>>)
          tpu.yield
        }) : () -> ()
        "tpu.region"() ({
          %run_scoped3A = tpu.sem_alloc : memref<!tpu.dma_semaphore, #tpu.memory_space<semaphore_mem>>
          %dma_start3A_2188 = tpu.memref_slice %arg3[%add3A_2177] : memref<8192xi32, #tpu.memory_space<hbm>> -> memref<16xi32, #tpu.memory_space<hbm>>
          %dma_start3A_2189 = tpu.memref_slice %arg3[%add3A_2177] : memref<8192xi32, #tpu.memory_space<hbm>> -> memref<16xi32, #tpu.memory_space<hbm>>
          tpu.enqueue_dma source(%dma_start3A_2189 : memref<16xi32, #tpu.memory_space<hbm>>) target(%arg13 : memref<16xi32, #tpu.memory_space<vmem>>) target_semaphore(%run_scoped3A : memref<!tpu.dma_semaphore, #tpu.memory_space<semaphore_mem>>)
          %dma_wait3A_2190 = tpu.memref_slice %arg3[%add3A_2177] : memref<8192xi32, #tpu.memory_space<hbm>> -> memref<16xi32, #tpu.memory_space<hbm>>
          %dma_wait3A_2191 = tpu.memref_slice %arg3[%add3A_2177] : memref<8192xi32, #tpu.memory_space<hbm>> -> memref<16xi32, #tpu.memory_space<hbm>>
          tpu.wait_dma2 semaphore(%run_scoped3A : memref<!tpu.dma_semaphore, #tpu.memory_space<semaphore_mem>>) src(%dma_wait3A_2191 : memref<16xi32, #tpu.memory_space<hbm>>) dst(%arg13 : memref<16xi32, #tpu.memory_space<vmem>>)
          tpu.yield
        }) : () -> ()
        %dma_start3A_2181 = arith.constant 0 : i32
        %dma_start3A_2182 = arith.constant 0 : i32
        %dma_start3A_2183 = tpu.memref_slice %arg4[%dma_start3A_2181, %dma_start3A_2182] : memref<30528x768xf32, #tpu.memory_space<hbm>> -> memref<30528x768xf32, #tpu.memory_space<hbm>>
        tpu.enqueue_indirect_dma source(%dma_start3A_2183 : memref<30528x768xf32, #tpu.memory_space<hbm>>) target(%arg15 : memref<16x768xf32, #tpu.memory_space<vmem>>) offsets(%arg11 : memref<16xi32, #tpu.memory_space<vmem>>) semaphore(%arg27 : memref<!tpu.dma_semaphore, #tpu.memory_space<semaphore_mem>>)
        %dma_start3A_2184 = arith.constant 0 : i32
        %dma_start3A_2185 = tpu.memref_slice %arg5[%add3A_2180, %dma_start3A_2184] : memref<2048x768xf32, #tpu.memory_space<hbm>> -> memref<16x768xf32, #tpu.memory_space<hbm>>
        %dma_start3A_2186 = arith.constant 0 : i32
        %dma_start3A_2187 = tpu.memref_slice %arg5[%add3A_2180, %dma_start3A_2186] : memref<2048x768xf32, #tpu.memory_space<hbm>> -> memref<16x768xf32, #tpu.memory_space<hbm>>
        tpu.enqueue_dma source(%dma_start3A_2187 : memref<16x768xf32, #tpu.memory_space<hbm>>) target(%arg17 : memref<16x768xf32, #tpu.memory_space<vmem>>) target_semaphore(%arg29 : memref<!tpu.dma_semaphore, #tpu.memory_space<semaphore_mem>>)
      } else {
      }
      %ge3A_2030 = arith.constant 2 : i32
      %ge3A_2031 = arith.cmpi sge, %add3A_1102, %ge3A_2030 : i32
      %convert_element_type3A_2032 = arith.extui %ge3A_2031 : i1 to i32
      %cond3A_2033 = arith.constant 0 : i32
      %cond3A_2034 = arith.cmpi ne, %convert_element_type3A_2032, %cond3A_2033 : i32
      scf.if %cond3A_2034 {
        %dma_wait3A_2173 = arith.constant 0 : i32
        %dma_wait3A_2174 = tpu.memref_slice %arg9[%add3A_1105, %dma_wait3A_2173] : memref<8192x768xf32, #tpu.memory_space<hbm>> -> memref<16x768xf32, #tpu.memory_space<hbm>>
        %dma_wait3A_2175 = arith.constant 0 : i32
        %dma_wait3A_2176 = tpu.memref_slice %arg9[%add3A_1105, %dma_wait3A_2175] : memref<8192x768xf32, #tpu.memory_space<hbm>> -> memref<16x768xf32, #tpu.memory_space<hbm>>
        tpu.wait_dma2 semaphore(%arg31 : memref<!tpu.dma_semaphore, #tpu.memory_space<semaphore_mem>>) src(%arg20 : memref<16x768xf32, #tpu.memory_space<vmem>>) dst(%dma_wait3A_2176 : memref<16x768xf32, #tpu.memory_space<hbm>>)
      } else {
      }
      %get3A_2035 = arith.constant 0 : i32
      %get3A_2036 = arith.index_cast %get3A_2035 : i32 to index
      %get3A_2037 = arith.constant 0 : index
      %get3A_2038 = tpu.vector_load %arg24[%get3A_2036, %get3A_2037] {strides = array<i32>} : memref<16x16xf32, #tpu.memory_space<vmem>>, vector<16xf32>,
      %get3A_2039 = arith.constant 1 : i32
      %get3A_2040 = arith.index_cast %get3A_2039 : i32 to index
      %get3A_2041 = arith.constant 0 : index
      %get3A_2042 = tpu.vector_load %arg24[%get3A_2040, %get3A_2041] {strides = array<i32>} : memref<16x16xf32, #tpu.memory_space<vmem>>, vector<16xf32>,
      %get3A_2043 = arith.constant 2 : i32
      %get3A_2044 = arith.index_cast %get3A_2043 : i32 to index
      %get3A_2045 = arith.constant 0 : index
      %get3A_2046 = tpu.vector_load %arg24[%get3A_2044, %get3A_2045] {strides = array<i32>} : memref<16x16xf32, #tpu.memory_space<vmem>>, vector<16xf32>,
      %get3A_2047 = arith.constant 3 : i32
      %get3A_2048 = arith.index_cast %get3A_2047 : i32 to index
      %get3A_2049 = arith.constant 0 : index
      %get3A_2050 = tpu.vector_load %arg24[%get3A_2048, %get3A_2049] {strides = array<i32>} : memref<16x16xf32, #tpu.memory_space<vmem>>, vector<16xf32>,
      %get3A_2051 = arith.constant 4 : i32
      %get3A_2052 = arith.index_cast %get3A_2051 : i32 to index
      %get3A_2053 = arith.constant 0 : index
      %get3A_2054 = tpu.vector_load %arg24[%get3A_2052, %get3A_2053] {strides = array<i32>} : memref<16x16xf32, #tpu.memory_space<vmem>>, vector<16xf32>,
      %get3A_2055 = arith.constant 5 : i32
      %get3A_2056 = arith.index_cast %get3A_2055 : i32 to index
      %get3A_2057 = arith.constant 0 : index
      %get3A_2058 = tpu.vector_load %arg24[%get3A_2056, %get3A_2057] {strides = array<i32>} : memref<16x16xf32, #tpu.memory_space<vmem>>, vector<16xf32>,
      %get3A_2059 = arith.constant 6 : i32
      %get3A_2060 = arith.index_cast %get3A_2059 : i32 to index
      %get3A_2061 = arith.constant 0 : index
      %get3A_2062 = tpu.vector_load %arg24[%get3A_2060, %get3A_2061] {strides = array<i32>} : memref<16x16xf32, #tpu.memory_space<vmem>>, vector<16xf32>,
      %get3A_2063 = arith.constant 7 : i32
      %get3A_2064 = arith.index_cast %get3A_2063 : i32 to index
      %get3A_2065 = arith.constant 0 : index
      %get3A_2066 = tpu.vector_load %arg24[%get3A_2064, %get3A_2065] {strides = array<i32>} : memref<16x16xf32, #tpu.memory_space<vmem>>, vector<16xf32>,
      %get3A_2067 = arith.constant 0 : i32
      %get3A_2068 = arith.index_cast %get3A_2067 : i32 to index
      %get3A_2069 = arith.constant 0 : index
      %get3A_2070 = tpu.vector_load %arg25[%get3A_2068, %get3A_2069] {strides = array<i32>} : memref<16x16xf32, #tpu.memory_space<vmem>>, vector<16xf32>,
      %get3A_2071 = arith.constant 1 : i32
      %get3A_2072 = arith.index_cast %get3A_2071 : i32 to index
      %get3A_2073 = arith.constant 0 : index
      %get3A_2074 = tpu.vector_load %arg25[%get3A_2072, %get3A_2073] {strides = array<i32>} : memref<16x16xf32, #tpu.memory_space<vmem>>, vector<16xf32>,
      %get3A_2075 = arith.constant 2 : i32
      %get3A_2076 = arith.index_cast %get3A_2075 : i32 to index
      %get3A_2077 = arith.constant 0 : index
      %get3A_2078 = tpu.vector_load %arg25[%get3A_2076, %get3A_2077] {strides = array<i32>} : memref<16x16xf32, #tpu.memory_space<vmem>>, vector<16xf32>,
      %get3A_2079 = arith.constant 3 : i32
      %get3A_2080 = arith.index_cast %get3A_2079 : i32 to index
      %get3A_2081 = arith.constant 0 : index
      %get3A_2082 = tpu.vector_load %arg25[%get3A_2080, %get3A_2081] {strides = array<i32>} : memref<16x16xf32, #tpu.memory_space<vmem>>, vector<16xf32>,
      %get3A_2083 = arith.constant 4 : i32
      %get3A_2084 = arith.index_cast %get3A_2083 : i32 to index
      %get3A_2085 = arith.constant 0 : index
      %get3A_2086 = tpu.vector_load %arg25[%get3A_2084, %get3A_2085] {strides = array<i32>} : memref<16x16xf32, #tpu.memory_space<vmem>>, vector<16xf32>,
      %get3A_2087 = arith.constant 5 : i32
      %get3A_2088 = arith.index_cast %get3A_2087 : i32 to index
      %get3A_2089 = arith.constant 0 : index
      %get3A_2090 = tpu.vector_load %arg25[%get3A_2088, %get3A_2089] {strides = array<i32>} : memref<16x16xf32, #tpu.memory_space<vmem>>, vector<16xf32>,
      %get3A_2091 = arith.constant 6 : i32
      %get3A_2092 = arith.index_cast %get3A_2091 : i32 to index
      %get3A_2093 = arith.constant 0 : index
      %get3A_2094 = tpu.vector_load %arg25[%get3A_2092, %get3A_2093] {strides = array<i32>} : memref<16x16xf32, #tpu.memory_space<vmem>>, vector<16xf32>,
      %get3A_2095 = arith.constant 7 : i32
      %get3A_2096 = arith.index_cast %get3A_2095 : i32 to index
      %get3A_2097 = arith.constant 0 : index
      %get3A_2098 = tpu.vector_load %arg25[%get3A_2096, %get3A_2097] {strides = array<i32>} : memref<16x16xf32, #tpu.memory_space<vmem>>, vector<16xf32>,
      %parallel_loop3A_2099 = arith.constant 0 : i32
      %parallel_loop3A_2100 = arith.constant 48 : i32
      %parallel_loop3A_2101 = arith.constant 1 : i32
      scf.for %parallel_loop3A_2173 = %parallel_loop3A_2099 to %parallel_loop3A_2100 step %parallel_loop3A_2101  : i32 {
        %parallel_loop3A_2174 = arith.constant 16 : i32
        %parallel_loop3A_2175 = arith.muli %parallel_loop3A_2173, %parallel_loop3A_2174 : i32
        %parallel_loop3A_2176 = arith.index_cast %parallel_loop3A_2175 : i32 to index
        %parallel_loop3A_2177 = tpu.vector_load %arg22[%parallel_loop3A_2176] {strides = array<i32>} : memref<768xf32, #tpu.memory_space<vmem>>, vector<16xf32>,
        %parallel_loop3A_2178 = arith.index_cast %parallel_loop3A_2175 : i32 to index
        %parallel_loop3A_2179 = tpu.vector_load %arg23[%parallel_loop3A_2178] {strides = array<i32>} : memref<768xf32, #tpu.memory_space<vmem>>, vector<16xf32>,
        %parallel_loop3A_2180 = arith.constant 0 : i32
        %parallel_loop3A_2181 = arith.index_cast %parallel_loop3A_2180 : i32 to index
        %parallel_loop3A_2182 = arith.index_cast %parallel_loop3A_2175 : i32 to index
        %parallel_loop3A_2183 = tpu.vector_load %arg18[%parallel_loop3A_2181, %parallel_loop3A_2182] {strides = array<i32>} : memref<16x768xf32, #tpu.memory_space<vmem>>, vector<16xf32>,
        %parallel_loop3A_2184 = arith.subf %parallel_loop3A_2183, %get3A_2038 : vector<16xf32>
        %parallel_loop3A_2185 = arith.mulf %parallel_loop3A_2184, %get3A_2070 : vector<16xf32>
        %parallel_loop3A_2186 = arith.mulf %parallel_loop3A_2185, %parallel_loop3A_2177 : vector<16xf32>
        %parallel_loop3A_2187 = arith.addf %parallel_loop3A_2186, %parallel_loop3A_2179 : vector<16xf32>
        %parallel_loop3A_2188 = arith.constant 0 : i32
        %parallel_loop3A_2189 = arith.index_cast %parallel_loop3A_2188 : i32 to index
        %parallel_loop3A_2190 = arith.index_cast %parallel_loop3A_2175 : i32 to index
        %parallel_loop3A_2191 = tpu.vector_load %arg20[%parallel_loop3A_2189, %parallel_loop3A_2190] {strides = array<i32>} : memref<16x768xf32, #tpu.memory_space<vmem>>, vector<16xf32>,
        tpu.vector_store %arg20[%parallel_loop3A_2189, %parallel_loop3A_2190], %parallel_loop3A_2187 {strides = array<i32>} : memref<16x768xf32, #tpu.memory_space<vmem>>, vector<16xf32>,
        %parallel_loop3A_2192 = arith.constant 1 : i32
        %parallel_loop3A_2193 = arith.index_cast %parallel_loop3A_2192 : i32 to index
        %parallel_loop3A_2194 = arith.index_cast %parallel_loop3A_2175 : i32 to index
        %parallel_loop3A_2195 = tpu.vector_load %arg18[%parallel_loop3A_2193, %parallel_loop3A_2194] {strides = array<i32>} : memref<16x768xf32, #tpu.memory_space<vmem>>, vector<16xf32>,
        %parallel_loop3A_2196 = arith.subf %parallel_loop3A_2195, %get3A_2042 : vector<16xf32>
        %parallel_loop3A_2197 = arith.mulf %parallel_loop3A_2196, %get3A_2074 : vector<16xf32>
        %parallel_loop3A_2198 = arith.mulf %parallel_loop3A_2197, %parallel_loop3A_2177 : vector<16xf32>
        %parallel_loop3A_2199 = arith.addf %parallel_loop3A_2198, %parallel_loop3A_2179 : vector<16xf32>
        %parallel_loop3A_2200 = arith.constant 1 : i32
        %parallel_loop3A_2201 = arith.index_cast %parallel_loop3A_2200 : i32 to index
        %parallel_loop3A_2202 = arith.index_cast %parallel_loop3A_2175 : i32 to index
        %parallel_loop3A_2203 = tpu.vector_load %arg20[%parallel_loop3A_2201, %parallel_loop3A_2202] {strides = array<i32>} : memref<16x768xf32, #tpu.memory_space<vmem>>, vector<16xf32>,
        tpu.vector_store %arg20[%parallel_loop3A_2201, %parallel_loop3A_2202], %parallel_loop3A_2199 {strides = array<i32>} : memref<16x768xf32, #tpu.memory_space<vmem>>, vector<16xf32>,
        %parallel_loop3A_2204 = arith.constant 2 : i32
        %parallel_loop3A_2205 = arith.index_cast %parallel_loop3A_2204 : i32 to index
        %parallel_loop3A_2206 = arith.index_cast %parallel_loop3A_2175 : i32 to index
        %parallel_loop3A_2207 = tpu.vector_load %arg18[%parallel_loop3A_2205, %parallel_loop3A_2206] {strides = array<i32>} : memref<16x768xf32, #tpu.memory_space<vmem>>, vector<16xf32>,
        %parallel_loop3A_2208 = arith.subf %parallel_loop3A_2207, %get3A_2046 : vector<16xf32>
        %parallel_loop3A_2209 = arith.mulf %parallel_loop3A_2208, %get3A_2078 : vector<16xf32>
        %parallel_loop3A_2210 = arith.mulf %parallel_loop3A_2209, %parallel_loop3A_2177 : vector<16xf32>
        %parallel_loop3A_2211 = arith.addf %parallel_loop3A_2210, %parallel_loop3A_2179 : vector<16xf32>
        %parallel_loop3A_2212 = arith.constant 2 : i32
        %parallel_loop3A_2213 = arith.index_cast %parallel_loop3A_2212 : i32 to index
        %parallel_loop3A_2214 = arith.index_cast %parallel_loop3A_2175 : i32 to index
        %parallel_loop3A_2215 = tpu.vector_load %arg20[%parallel_loop3A_2213, %parallel_loop3A_2214] {strides = array<i32>} : memref<16x768xf32, #tpu.memory_space<vmem>>, vector<16xf32>,
        tpu.vector_store %arg20[%parallel_loop3A_2213, %parallel_loop3A_2214], %parallel_loop3A_2211 {strides = array<i32>} : memref<16x768xf32, #tpu.memory_space<vmem>>, vector<16xf32>,
        %parallel_loop3A_2216 = arith.constant 3 : i32
        %parallel_loop3A_2217 = arith.index_cast %parallel_loop3A_2216 : i32 to index
        %parallel_loop3A_2218 = arith.index_cast %parallel_loop3A_2175 : i32 to index
        %parallel_loop3A_2219 = tpu.vector_load %arg18[%parallel_loop3A_2217, %parallel_loop3A_2218] {strides = array<i32>} : memref<16x768xf32, #tpu.memory_space<vmem>>, vector<16xf32>,
        %parallel_loop3A_2220 = arith.subf %parallel_loop3A_2219, %get3A_2050 : vector<16xf32>
        %parallel_loop3A_2221 = arith.mulf %parallel_loop3A_2220, %get3A_2082 : vector<16xf32>
        %parallel_loop3A_2222 = arith.mulf %parallel_loop3A_2221, %parallel_loop3A_2177 : vector<16xf32>
        %parallel_loop3A_2223 = arith.addf %parallel_loop3A_2222, %parallel_loop3A_2179 : vector<16xf32>
        %parallel_loop3A_2224 = arith.constant 3 : i32
        %parallel_loop3A_2225 = arith.index_cast %parallel_loop3A_2224 : i32 to index
        %parallel_loop3A_2226 = arith.index_cast %parallel_loop3A_2175 : i32 to index
        %parallel_loop3A_2227 = tpu.vector_load %arg20[%parallel_loop3A_2225, %parallel_loop3A_2226] {strides = array<i32>} : memref<16x768xf32, #tpu.memory_space<vmem>>, vector<16xf32>,
        tpu.vector_store %arg20[%parallel_loop3A_2225, %parallel_loop3A_2226], %parallel_loop3A_2223 {strides = array<i32>} : memref<16x768xf32, #tpu.memory_space<vmem>>, vector<16xf32>,
        %parallel_loop3A_2228 = arith.constant 4 : i32
        %parallel_loop3A_2229 = arith.index_cast %parallel_loop3A_2228 : i32 to index
        %parallel_loop3A_2230 = arith.index_cast %parallel_loop3A_2175 : i32 to index
        %parallel_loop3A_2231 = tpu.vector_load %arg18[%parallel_loop3A_2229, %parallel_loop3A_2230] {strides = array<i32>} : memref<16x768xf32, #tpu.memory_space<vmem>>, vector<16xf32>,
        %parallel_loop3A_2232 = arith.subf %parallel_loop3A_2231, %get3A_2054 : vector<16xf32>
        %parallel_loop3A_2233 = arith.mulf %parallel_loop3A_2232, %get3A_2086 : vector<16xf32>
        %parallel_loop3A_2234 = arith.mulf %parallel_loop3A_2233, %parallel_loop3A_2177 : vector<16xf32>
        %parallel_loop3A_2235 = arith.addf %parallel_loop3A_2234, %parallel_loop3A_2179 : vector<16xf32>
        %parallel_loop3A_2236 = arith.constant 4 : i32
        %parallel_loop3A_2237 = arith.index_cast %parallel_loop3A_2236 : i32 to index
        %parallel_loop3A_2238 = arith.index_cast %parallel_loop3A_2175 : i32 to index
        %parallel_loop3A_2239 = tpu.vector_load %arg20[%parallel_loop3A_2237, %parallel_loop3A_2238] {strides = array<i32>} : memref<16x768xf32, #tpu.memory_space<vmem>>, vector<16xf32>,
        tpu.vector_store %arg20[%parallel_loop3A_2237, %parallel_loop3A_2238], %parallel_loop3A_2235 {strides = array<i32>} : memref<16x768xf32, #tpu.memory_space<vmem>>, vector<16xf32>,
        %parallel_loop3A_2240 = arith.constant 5 : i32
        %parallel_loop3A_2241 = arith.index_cast %parallel_loop3A_2240 : i32 to index
        %parallel_loop3A_2242 = arith.index_cast %parallel_loop3A_2175 : i32 to index
        %parallel_loop3A_2243 = tpu.vector_load %arg18[%parallel_loop3A_2241, %parallel_loop3A_2242] {strides = array<i32>} : memref<16x768xf32, #tpu.memory_space<vmem>>, vector<16xf32>,
        %parallel_loop3A_2244 = arith.subf %parallel_loop3A_2243, %get3A_2058 : vector<16xf32>
        %parallel_loop3A_2245 = arith.mulf %parallel_loop3A_2244, %get3A_2090 : vector<16xf32>
        %parallel_loop3A_2246 = arith.mulf %parallel_loop3A_2245, %parallel_loop3A_2177 : vector<16xf32>
        %parallel_loop3A_2247 = arith.addf %parallel_loop3A_2246, %parallel_loop3A_2179 : vector<16xf32>
        %parallel_loop3A_2248 = arith.constant 5 : i32
        %parallel_loop3A_2249 = arith.index_cast %parallel_loop3A_2248 : i32 to index
        %parallel_loop3A_2250 = arith.index_cast %parallel_loop3A_2175 : i32 to index
        %parallel_loop3A_2251 = tpu.vector_load %arg20[%parallel_loop3A_2249, %parallel_loop3A_2250] {strides = array<i32>} : memref<16x768xf32, #tpu.memory_space<vmem>>, vector<16xf32>,
        tpu.vector_store %arg20[%parallel_loop3A_2249, %parallel_loop3A_2250], %parallel_loop3A_2247 {strides = array<i32>} : memref<16x768xf32, #tpu.memory_space<vmem>>, vector<16xf32>,
        %parallel_loop3A_2252 = arith.constant 6 : i32
        %parallel_loop3A_2253 = arith.index_cast %parallel_loop3A_2252 : i32 to index
        %parallel_loop3A_2254 = arith.index_cast %parallel_loop3A_2175 : i32 to index
        %parallel_loop3A_2255 = tpu.vector_load %arg18[%parallel_loop3A_2253, %parallel_loop3A_2254] {strides = array<i32>} : memref<16x768xf32, #tpu.memory_space<vmem>>, vector<16xf32>,
        %parallel_loop3A_2256 = arith.subf %parallel_loop3A_2255, %get3A_2062 : vector<16xf32>
        %parallel_loop3A_2257 = arith.mulf %parallel_loop3A_2256, %get3A_2094 : vector<16xf32>
        %parallel_loop3A_2258 = arith.mulf %parallel_loop3A_2257, %parallel_loop3A_2177 : vector<16xf32>
        %parallel_loop3A_2259 = arith.addf %parallel_loop3A_2258, %parallel_loop3A_2179 : vector<16xf32>
        %parallel_loop3A_2260 = arith.constant 6 : i32
        %parallel_loop3A_2261 = arith.index_cast %parallel_loop3A_2260 : i32 to index
        %parallel_loop3A_2262 = arith.index_cast %parallel_loop3A_2175 : i32 to index
        %parallel_loop3A_2263 = tpu.vector_load %arg20[%parallel_loop3A_2261, %parallel_loop3A_2262] {strides = array<i32>} : memref<16x768xf32, #tpu.memory_space<vmem>>, vector<16xf32>,
        tpu.vector_store %arg20[%parallel_loop3A_2261, %parallel_loop3A_2262], %parallel_loop3A_2259 {strides = array<i32>} : memref<16x768xf32, #tpu.memory_space<vmem>>, vector<16xf32>,
        %parallel_loop3A_2264 = arith.constant 7 : i32
        %parallel_loop3A_2265 = arith.index_cast %parallel_loop3A_2264 : i32 to index
        %parallel_loop3A_2266 = arith.index_cast %parallel_loop3A_2175 : i32 to index
        %parallel_loop3A_2267 = tpu.vector_load %arg18[%parallel_loop3A_2265, %parallel_loop3A_2266] {strides = array<i32>} : memref<16x768xf32, #tpu.memory_space<vmem>>, vector<16xf32>,
        %parallel_loop3A_2268 = arith.subf %parallel_loop3A_2267, %get3A_2066 : vector<16xf32>
        %parallel_loop3A_2269 = arith.mulf %parallel_loop3A_2268, %get3A_2098 : vector<16xf32>
        %parallel_loop3A_2270 = arith.mulf %parallel_loop3A_2269, %parallel_loop3A_2177 : vector<16xf32>
        %parallel_loop3A_2271 = arith.addf %parallel_loop3A_2270, %parallel_loop3A_2179 : vector<16xf32>
        %parallel_loop3A_2272 = arith.constant 7 : i32
        %parallel_loop3A_2273 = arith.index_cast %parallel_loop3A_2272 : i32 to index
        %parallel_loop3A_2274 = arith.index_cast %parallel_loop3A_2175 : i32 to index
        %parallel_loop3A_2275 = tpu.vector_load %arg20[%parallel_loop3A_2273, %parallel_loop3A_2274] {strides = array<i32>} : memref<16x768xf32, #tpu.memory_space<vmem>>, vector<16xf32>,
        tpu.vector_store %arg20[%parallel_loop3A_2273, %parallel_loop3A_2274], %parallel_loop3A_2271 {strides = array<i32>} : memref<16x768xf32, #tpu.memory_space<vmem>>, vector<16xf32>,
      } {sc.loop_unroll_factor = 1 : i64, sc.parallel_access}
      %get3A_2102 = arith.constant 8 : i32
      %get3A_2103 = arith.index_cast %get3A_2102 : i32 to index
      %get3A_2104 = arith.constant 0 : index
      %get3A_2105 = tpu.vector_load %arg24[%get3A_2103, %get3A_2104] {strides = array<i32>} : memref<16x16xf32, #tpu.memory_space<vmem>>, vector<16xf32>,
      %get3A_2106 = arith.constant 9 : i32
      %get3A_2107 = arith.index_cast %get3A_2106 : i32 to index
      %get3A_2108 = arith.constant 0 : index
      %get3A_2109 = tpu.vector_load %arg24[%get3A_2107, %get3A_2108] {strides = array<i32>} : memref<16x16xf32, #tpu.memory_space<vmem>>, vector<16xf32>,
      %get3A_2110 = arith.constant 10 : i32
      %get3A_2111 = arith.index_cast %get3A_2110 : i32 to index
      %get3A_2112 = arith.constant 0 : index
      %get3A_2113 = tpu.vector_load %arg24[%get3A_2111, %get3A_2112] {strides = array<i32>} : memref<16x16xf32, #tpu.memory_space<vmem>>, vector<16xf32>,
      %get3A_2114 = arith.constant 11 : i32
      %get3A_2115 = arith.index_cast %get3A_2114 : i32 to index
      %get3A_2116 = arith.constant 0 : index
      %get3A_2117 = tpu.vector_load %arg24[%get3A_2115, %get3A_2116] {strides = array<i32>} : memref<16x16xf32, #tpu.memory_space<vmem>>, vector<16xf32>,
      %get3A_2118 = arith.constant 12 : i32
      %get3A_2119 = arith.index_cast %get3A_2118 : i32 to index
      %get3A_2120 = arith.constant 0 : index
      %get3A_2121 = tpu.vector_load %arg24[%get3A_2119, %get3A_2120] {strides = array<i32>} : memref<16x16xf32, #tpu.memory_space<vmem>>, vector<16xf32>,
      %get3A_2122 = arith.constant 13 : i32
      %get3A_2123 = arith.index_cast %get3A_2122 : i32 to index
      %get3A_2124 = arith.constant 0 : index
      %get3A_2125 = tpu.vector_load %arg24[%get3A_2123, %get3A_2124] {strides = array<i32>} : memref<16x16xf32, #tpu.memory_space<vmem>>, vector<16xf32>,
      %get3A_2126 = arith.constant 14 : i32
      %get3A_2127 = arith.index_cast %get3A_2126 : i32 to index
      %get3A_2128 = arith.constant 0 : index
      %get3A_2129 = tpu.vector_load %arg24[%get3A_2127, %get3A_2128] {strides = array<i32>} : memref<16x16xf32, #tpu.memory_space<vmem>>, vector<16xf32>,
      %get3A_2130 = arith.constant 15 : i32
      %get3A_2131 = arith.index_cast %get3A_2130 : i32 to index
      %get3A_2132 = arith.constant 0 : index
      %get3A_2133 = tpu.vector_load %arg24[%get3A_2131, %get3A_2132] {strides = array<i32>} : memref<16x16xf32, #tpu.memory_space<vmem>>, vector<16xf32>,
      %get3A_2134 = arith.constant 8 : i32
      %get3A_2135 = arith.index_cast %get3A_2134 : i32 to index
      %get3A_2136 = arith.constant 0 : index
      %get3A_2137 = tpu.vector_load %arg25[%get3A_2135, %get3A_2136] {strides = array<i32>} : memref<16x16xf32, #tpu.memory_space<vmem>>, vector<16xf32>,
      %get3A_2138 = arith.constant 9 : i32
      %get3A_2139 = arith.index_cast %get3A_2138 : i32 to index
      %get3A_2140 = arith.constant 0 : index
      %get3A_2141 = tpu.vector_load %arg25[%get3A_2139, %get3A_2140] {strides = array<i32>} : memref<16x16xf32, #tpu.memory_space<vmem>>, vector<16xf32>,
      %get3A_2142 = arith.constant 10 : i32
      %get3A_2143 = arith.index_cast %get3A_2142 : i32 to index
      %get3A_2144 = arith.constant 0 : index
      %get3A_2145 = tpu.vector_load %arg25[%get3A_2143, %get3A_2144] {strides = array<i32>} : memref<16x16xf32, #tpu.memory_space<vmem>>, vector<16xf32>,
      %get3A_2146 = arith.constant 11 : i32
      %get3A_2147 = arith.index_cast %get3A_2146 : i32 to index
      %get3A_2148 = arith.constant 0 : index
      %get3A_2149 = tpu.vector_load %arg25[%get3A_2147, %get3A_2148] {strides = array<i32>} : memref<16x16xf32, #tpu.memory_space<vmem>>, vector<16xf32>,
      %get3A_2150 = arith.constant 12 : i32
      %get3A_2151 = arith.index_cast %get3A_2150 : i32 to index
      %get3A_2152 = arith.constant 0 : index
      %get3A_2153 = tpu.vector_load %arg25[%get3A_2151, %get3A_2152] {strides = array<i32>} : memref<16x16xf32, #tpu.memory_space<vmem>>, vector<16xf32>,
      %get3A_2154 = arith.constant 13 : i32
      %get3A_2155 = arith.index_cast %get3A_2154 : i32 to index
      %get3A_2156 = arith.constant 0 : index
      %get3A_2157 = tpu.vector_load %arg25[%get3A_2155, %get3A_2156] {strides = array<i32>} : memref<16x16xf32, #tpu.memory_space<vmem>>, vector<16xf32>,
      %get3A_2158 = arith.constant 14 : i32
      %get3A_2159 = arith.index_cast %get3A_2158 : i32 to index
      %get3A_2160 = arith.constant 0 : index
      %get3A_2161 = tpu.vector_load %arg25[%get3A_2159, %get3A_2160] {strides = array<i32>} : memref<16x16xf32, #tpu.memory_space<vmem>>, vector<16xf32>,
      %get3A_2162 = arith.constant 15 : i32
      %get3A_2163 = arith.index_cast %get3A_2162 : i32 to index
      %get3A_2164 = arith.constant 0 : index
      %get3A_2165 = tpu.vector_load %arg25[%get3A_2163, %get3A_2164] {strides = array<i32>} : memref<16x16xf32, #tpu.memory_space<vmem>>, vector<16xf32>,
      %parallel_loop3A_2166 = arith.constant 0 : i32
      %parallel_loop3A_2167 = arith.constant 48 : i32
      %parallel_loop3A_2168 = arith.constant 1 : i32
      scf.for %parallel_loop3A_2173 = %parallel_loop3A_2166 to %parallel_loop3A_2167 step %parallel_loop3A_2168  : i32 {
        %parallel_loop3A_2174 = arith.constant 16 : i32
        %parallel_loop3A_2175 = arith.muli %parallel_loop3A_2173, %parallel_loop3A_2174 : i32
        %parallel_loop3A_2176 = arith.index_cast %parallel_loop3A_2175 : i32 to index
        %parallel_loop3A_2177 = tpu.vector_load %arg22[%parallel_loop3A_2176] {strides = array<i32>} : memref<768xf32, #tpu.memory_space<vmem>>, vector<16xf32>,
        %parallel_loop3A_2178 = arith.index_cast %parallel_loop3A_2175 : i32 to index
        %parallel_loop3A_2179 = tpu.vector_load %arg23[%parallel_loop3A_2178] {strides = array<i32>} : memref<768xf32, #tpu.memory_space<vmem>>, vector<16xf32>,
        %parallel_loop3A_2180 = arith.constant 8 : i32
        %parallel_loop3A_2181 = arith.index_cast %parallel_loop3A_2180 : i32 to index
        %parallel_loop3A_2182 = arith.index_cast %parallel_loop3A_2175 : i32 to index
        %parallel_loop3A_2183 = tpu.vector_load %arg18[%parallel_loop3A_2181, %parallel_loop3A_2182] {strides = array<i32>} : memref<16x768xf32, #tpu.memory_space<vmem>>, vector<16xf32>,
        %parallel_loop3A_2184 = arith.subf %parallel_loop3A_2183, %get3A_2105 : vector<16xf32>
        %parallel_loop3A_2185 = arith.mulf %parallel_loop3A_2184, %get3A_2137 : vector<16xf32>
        %parallel_loop3A_2186 = arith.mulf %parallel_loop3A_2185, %parallel_loop3A_2177 : vector<16xf32>
        %parallel_loop3A_2187 = arith.addf %parallel_loop3A_2186, %parallel_loop3A_2179 : vector<16xf32>
        %parallel_loop3A_2188 = arith.constant 8 : i32
        %parallel_loop3A_2189 = arith.index_cast %parallel_loop3A_2188 : i32 to index
        %parallel_loop3A_2190 = arith.index_cast %parallel_loop3A_2175 : i32 to index
        %parallel_loop3A_2191 = tpu.vector_load %arg20[%parallel_loop3A_2189, %parallel_loop3A_2190] {strides = array<i32>} : memref<16x768xf32, #tpu.memory_space<vmem>>, vector<16xf32>,
        tpu.vector_store %arg20[%parallel_loop3A_2189, %parallel_loop3A_2190], %parallel_loop3A_2187 {strides = array<i32>} : memref<16x768xf32, #tpu.memory_space<vmem>>, vector<16xf32>,
        %parallel_loop3A_2192 = arith.constant 9 : i32
        %parallel_loop3A_2193 = arith.index_cast %parallel_loop3A_2192 : i32 to index
        %parallel_loop3A_2194 = arith.index_cast %parallel_loop3A_2175 : i32 to index
        %parallel_loop3A_2195 = tpu.vector_load %arg18[%parallel_loop3A_2193, %parallel_loop3A_2194] {strides = array<i32>} : memref<16x768xf32, #tpu.memory_space<vmem>>, vector<16xf32>,
        %parallel_loop3A_2196 = arith.subf %parallel_loop3A_2195, %get3A_2109 : vector<16xf32>
        %parallel_loop3A_2197 = arith.mulf %parallel_loop3A_2196, %get3A_2141 : vector<16xf32>
        %parallel_loop3A_2198 = arith.mulf %parallel_loop3A_2197, %parallel_loop3A_2177 : vector<16xf32>
        %parallel_loop3A_2199 = arith.addf %parallel_loop3A_2198, %parallel_loop3A_2179 : vector<16xf32>
        %parallel_loop3A_2200 = arith.constant 9 : i32
        %parallel_loop3A_2201 = arith.index_cast %parallel_loop3A_2200 : i32 to index
        %parallel_loop3A_2202 = arith.index_cast %parallel_loop3A_2175 : i32 to index
        %parallel_loop3A_2203 = tpu.vector_load %arg20[%parallel_loop3A_2201, %parallel_loop3A_2202] {strides = array<i32>} : memref<16x768xf32, #tpu.memory_space<vmem>>, vector<16xf32>,
        tpu.vector_store %arg20[%parallel_loop3A_2201, %parallel_loop3A_2202], %parallel_loop3A_2199 {strides = array<i32>} : memref<16x768xf32, #tpu.memory_space<vmem>>, vector<16xf32>,
        %parallel_loop3A_2204 = arith.constant 10 : i32
        %parallel_loop3A_2205 = arith.index_cast %parallel_loop3A_2204 : i32 to index
        %parallel_loop3A_2206 = arith.index_cast %parallel_loop3A_2175 : i32 to index
        %parallel_loop3A_2207 = tpu.vector_load %arg18[%parallel_loop3A_2205, %parallel_loop3A_2206] {strides = array<i32>} : memref<16x768xf32, #tpu.memory_space<vmem>>, vector<16xf32>,
        %parallel_loop3A_2208 = arith.subf %parallel_loop3A_2207, %get3A_2113 : vector<16xf32>
        %parallel_loop3A_2209 = arith.mulf %parallel_loop3A_2208, %get3A_2145 : vector<16xf32>
        %parallel_loop3A_2210 = arith.mulf %parallel_loop3A_2209, %parallel_loop3A_2177 : vector<16xf32>
        %parallel_loop3A_2211 = arith.addf %parallel_loop3A_2210, %parallel_loop3A_2179 : vector<16xf32>
        %parallel_loop3A_2212 = arith.constant 10 : i32
        %parallel_loop3A_2213 = arith.index_cast %parallel_loop3A_2212 : i32 to index
        %parallel_loop3A_2214 = arith.index_cast %parallel_loop3A_2175 : i32 to index
        %parallel_loop3A_2215 = tpu.vector_load %arg20[%parallel_loop3A_2213, %parallel_loop3A_2214] {strides = array<i32>} : memref<16x768xf32, #tpu.memory_space<vmem>>, vector<16xf32>,
        tpu.vector_store %arg20[%parallel_loop3A_2213, %parallel_loop3A_2214], %parallel_loop3A_2211 {strides = array<i32>} : memref<16x768xf32, #tpu.memory_space<vmem>>, vector<16xf32>,
        %parallel_loop3A_2216 = arith.constant 11 : i32
        %parallel_loop3A_2217 = arith.index_cast %parallel_loop3A_2216 : i32 to index
        %parallel_loop3A_2218 = arith.index_cast %parallel_loop3A_2175 : i32 to index
        %parallel_loop3A_2219 = tpu.vector_load %arg18[%parallel_loop3A_2217, %parallel_loop3A_2218] {strides = array<i32>} : memref<16x768xf32, #tpu.memory_space<vmem>>, vector<16xf32>,
        %parallel_loop3A_2220 = arith.subf %parallel_loop3A_2219, %get3A_2117 : vector<16xf32>
        %parallel_loop3A_2221 = arith.mulf %parallel_loop3A_2220, %get3A_2149 : vector<16xf32>
        %parallel_loop3A_2222 = arith.mulf %parallel_loop3A_2221, %parallel_loop3A_2177 : vector<16xf32>
        %parallel_loop3A_2223 = arith.addf %parallel_loop3A_2222, %parallel_loop3A_2179 : vector<16xf32>
        %parallel_loop3A_2224 = arith.constant 11 : i32
        %parallel_loop3A_2225 = arith.index_cast %parallel_loop3A_2224 : i32 to index
        %parallel_loop3A_2226 = arith.index_cast %parallel_loop3A_2175 : i32 to index
        %parallel_loop3A_2227 = tpu.vector_load %arg20[%parallel_loop3A_2225, %parallel_loop3A_2226] {strides = array<i32>} : memref<16x768xf32, #tpu.memory_space<vmem>>, vector<16xf32>,
        tpu.vector_store %arg20[%parallel_loop3A_2225, %parallel_loop3A_2226], %parallel_loop3A_2223 {strides = array<i32>} : memref<16x768xf32, #tpu.memory_space<vmem>>, vector<16xf32>,
        %parallel_loop3A_2228 = arith.constant 12 : i32
        %parallel_loop3A_2229 = arith.index_cast %parallel_loop3A_2228 : i32 to index
        %parallel_loop3A_2230 = arith.index_cast %parallel_loop3A_2175 : i32 to index
        %parallel_loop3A_2231 = tpu.vector_load %arg18[%parallel_loop3A_2229, %parallel_loop3A_2230] {strides = array<i32>} : memref<16x768xf32, #tpu.memory_space<vmem>>, vector<16xf32>,
        %parallel_loop3A_2232 = arith.subf %parallel_loop3A_2231, %get3A_2121 : vector<16xf32>
        %parallel_loop3A_2233 = arith.mulf %parallel_loop3A_2232, %get3A_2153 : vector<16xf32>
        %parallel_loop3A_2234 = arith.mulf %parallel_loop3A_2233, %parallel_loop3A_2177 : vector<16xf32>
        %parallel_loop3A_2235 = arith.addf %parallel_loop3A_2234, %parallel_loop3A_2179 : vector<16xf32>
        %parallel_loop3A_2236 = arith.constant 12 : i32
        %parallel_loop3A_2237 = arith.index_cast %parallel_loop3A_2236 : i32 to index
        %parallel_loop3A_2238 = arith.index_cast %parallel_loop3A_2175 : i32 to index
        %parallel_loop3A_2239 = tpu.vector_load %arg20[%parallel_loop3A_2237, %parallel_loop3A_2238] {strides = array<i32>} : memref<16x768xf32, #tpu.memory_space<vmem>>, vector<16xf32>,
        tpu.vector_store %arg20[%parallel_loop3A_2237, %parallel_loop3A_2238], %parallel_loop3A_2235 {strides = array<i32>} : memref<16x768xf32, #tpu.memory_space<vmem>>, vector<16xf32>,
        %parallel_loop3A_2240 = arith.constant 13 : i32
        %parallel_loop3A_2241 = arith.index_cast %parallel_loop3A_2240 : i32 to index
        %parallel_loop3A_2242 = arith.index_cast %parallel_loop3A_2175 : i32 to index
        %parallel_loop3A_2243 = tpu.vector_load %arg18[%parallel_loop3A_2241, %parallel_loop3A_2242] {strides = array<i32>} : memref<16x768xf32, #tpu.memory_space<vmem>>, vector<16xf32>,
        %parallel_loop3A_2244 = arith.subf %parallel_loop3A_2243, %get3A_2125 : vector<16xf32>
        %parallel_loop3A_2245 = arith.mulf %parallel_loop3A_2244, %get3A_2157 : vector<16xf32>
        %parallel_loop3A_2246 = arith.mulf %parallel_loop3A_2245, %parallel_loop3A_2177 : vector<16xf32>
        %parallel_loop3A_2247 = arith.addf %parallel_loop3A_2246, %parallel_loop3A_2179 : vector<16xf32>
        %parallel_loop3A_2248 = arith.constant 13 : i32
        %parallel_loop3A_2249 = arith.index_cast %parallel_loop3A_2248 : i32 to index
        %parallel_loop3A_2250 = arith.index_cast %parallel_loop3A_2175 : i32 to index
        %parallel_loop3A_2251 = tpu.vector_load %arg20[%parallel_loop3A_2249, %parallel_loop3A_2250] {strides = array<i32>} : memref<16x768xf32, #tpu.memory_space<vmem>>, vector<16xf32>,
        tpu.vector_store %arg20[%parallel_loop3A_2249, %parallel_loop3A_2250], %parallel_loop3A_2247 {strides = array<i32>} : memref<16x768xf32, #tpu.memory_space<vmem>>, vector<16xf32>,
        %parallel_loop3A_2252 = arith.constant 14 : i32
        %parallel_loop3A_2253 = arith.index_cast %parallel_loop3A_2252 : i32 to index
        %parallel_loop3A_2254 = arith.index_cast %parallel_loop3A_2175 : i32 to index
        %parallel_loop3A_2255 = tpu.vector_load %arg18[%parallel_loop3A_2253, %parallel_loop3A_2254] {strides = array<i32>} : memref<16x768xf32, #tpu.memory_space<vmem>>, vector<16xf32>,
        %parallel_loop3A_2256 = arith.subf %parallel_loop3A_2255, %get3A_2129 : vector<16xf32>
        %parallel_loop3A_2257 = arith.mulf %parallel_loop3A_2256, %get3A_2161 : vector<16xf32>
        %parallel_loop3A_2258 = arith.mulf %parallel_loop3A_2257, %parallel_loop3A_2177 : vector<16xf32>
        %parallel_loop3A_2259 = arith.addf %parallel_loop3A_2258, %parallel_loop3A_2179 : vector<16xf32>
        %parallel_loop3A_2260 = arith.constant 14 : i32
        %parallel_loop3A_2261 = arith.index_cast %parallel_loop3A_2260 : i32 to index
        %parallel_loop3A_2262 = arith.index_cast %parallel_loop3A_2175 : i32 to index
        %parallel_loop3A_2263 = tpu.vector_load %arg20[%parallel_loop3A_2261, %parallel_loop3A_2262] {strides = array<i32>} : memref<16x768xf32, #tpu.memory_space<vmem>>, vector<16xf32>,
        tpu.vector_store %arg20[%parallel_loop3A_2261, %parallel_loop3A_2262], %parallel_loop3A_2259 {strides = array<i32>} : memref<16x768xf32, #tpu.memory_space<vmem>>, vector<16xf32>,
        %parallel_loop3A_2264 = arith.constant 15 : i32
        %parallel_loop3A_2265 = arith.index_cast %parallel_loop3A_2264 : i32 to index
        %parallel_loop3A_2266 = arith.index_cast %parallel_loop3A_2175 : i32 to index
        %parallel_loop3A_2267 = tpu.vector_load %arg18[%parallel_loop3A_2265, %parallel_loop3A_2266] {strides = array<i32>} : memref<16x768xf32, #tpu.memory_space<vmem>>, vector<16xf32>,
        %parallel_loop3A_2268 = arith.subf %parallel_loop3A_2267, %get3A_2133 : vector<16xf32>
        %parallel_loop3A_2269 = arith.mulf %parallel_loop3A_2268, %get3A_2165 : vector<16xf32>
        %parallel_loop3A_2270 = arith.mulf %parallel_loop3A_2269, %parallel_loop3A_2177 : vector<16xf32>
        %parallel_loop3A_2271 = arith.addf %parallel_loop3A_2270, %parallel_loop3A_2179 : vector<16xf32>
        %parallel_loop3A_2272 = arith.constant 15 : i32
        %parallel_loop3A_2273 = arith.index_cast %parallel_loop3A_2272 : i32 to index
        %parallel_loop3A_2274 = arith.index_cast %parallel_loop3A_2175 : i32 to index
        %parallel_loop3A_2275 = tpu.vector_load %arg20[%parallel_loop3A_2273, %parallel_loop3A_2274] {strides = array<i32>} : memref<16x768xf32, #tpu.memory_space<vmem>>, vector<16xf32>,
        tpu.vector_store %arg20[%parallel_loop3A_2273, %parallel_loop3A_2274], %parallel_loop3A_2271 {strides = array<i32>} : memref<16x768xf32, #tpu.memory_space<vmem>>, vector<16xf32>,
      } {sc.loop_unroll_factor = 1 : i64, sc.parallel_access}
      %dma_start3A_2169 = arith.constant 0 : i32
      %dma_start3A_2170 = tpu.memref_slice %arg9[%add3A_1105, %dma_start3A_2169] : memref<8192x768xf32, #tpu.memory_space<hbm>> -> memref<16x768xf32, #tpu.memory_space<hbm>>
      %dma_start3A_2171 = arith.constant 0 : i32
      %dma_start3A_2172 = tpu.memref_slice %arg9[%add3A_1105, %dma_start3A_2171] : memref<8192x768xf32, #tpu.memory_space<hbm>> -> memref<16x768xf32, #tpu.memory_space<hbm>>
      tpu.enqueue_dma source(%arg20 : memref<16x768xf32, #tpu.memory_space<vmem>>) target(%dma_start3A_2172 : memref<16x768xf32, #tpu.memory_space<hbm>>) target_semaphore(%arg31 : memref<!tpu.dma_semaphore, #tpu.memory_space<semaphore_mem>>)
    }
    %scan3A_28 = arith.constant 8 : i32
    %add3A_29 = arith.constant 224 : i32
    %add3A_30 = arith.addi %mul3A_2, %add3A_29 : i32
    %dma_wait3A = arith.constant 0 : i32
    %dma_wait3A_31 = tpu.memref_slice %arg9[%add3A_30, %dma_wait3A] : memref<8192x768xf32, #tpu.memory_space<hbm>> -> memref<16x768xf32, #tpu.memory_space<hbm>>
    %dma_wait3A_32 = arith.constant 0 : i32
    %dma_wait3A_33 = tpu.memref_slice %arg9[%add3A_30, %dma_wait3A_32] : memref<8192x768xf32, #tpu.memory_space<hbm>> -> memref<16x768xf32, #tpu.memory_space<hbm>>
    tpu.wait_dma2 semaphore(%arg30 : memref<!tpu.dma_semaphore, #tpu.memory_space<semaphore_mem>>) src(%arg19 : memref<16x768xf32, #tpu.memory_space<vmem>>) dst(%dma_wait3A_33 : memref<16x768xf32, #tpu.memory_space<hbm>>)
    %add3A_34 = arith.constant 240 : i32
    %add3A_35 = arith.addi %mul3A_2, %add3A_34 : i32
    %dma_wait3A_36 = arith.constant 0 : i32
    %dma_wait3A_37 = tpu.memref_slice %arg9[%add3A_35, %dma_wait3A_36] : memref<8192x768xf32, #tpu.memory_space<hbm>> -> memref<16x768xf32, #tpu.memory_space<hbm>>
    %dma_wait3A_38 = arith.constant 0 : i32
    %dma_wait3A_39 = tpu.memref_slice %arg9[%add3A_35, %dma_wait3A_38] : memref<8192x768xf32, #tpu.memory_space<hbm>> -> memref<16x768xf32, #tpu.memory_space<hbm>>
    tpu.wait_dma2 semaphore(%arg31 : memref<!tpu.dma_semaphore, #tpu.memory_space<semaphore_mem>>) src(%arg20 : memref<16x768xf32, #tpu.memory_space<vmem>>) dst(%dma_wait3A_39 : memref<16x768xf32, #tpu.memory_space<hbm>>)
    return
  }
}

</mosaic_0001>

<sc_bundles>
// kernel: _run.3.cloned.1.call-start
scs
__scs_entry_jumppad:
0x0: {  	(pc) =	sbr.rel $0x88, $3  }
0x1: {  	(tag) =	ssettag $0x0;
	lr =	simm.s32 $0x1  }
0x2: {  	[smem:$0x3F9A] =	sst lr;
	_ =	strace $0xD0000000  }
0x3: {  	_ = 	snop  }
0x4: {  	_ = 	snop  }
0x5: {  	_ = 	snop  }
0x6: {  	_ = 	snop  }
0x7: {  	_ = 	snop  }
__scs_overlays_trampoline_lowered:
0x8: {  	[smem:$0x3FA9] =	sst s0  }
0x9: {  	[smem:$0x3FAA] =	sst s1  }
0xa: {  	[smem:$0x3FAB] =	sst s2  }
0xb: {  	[smem:$0x3FAC] =	sst s3  }
0xc: {  	[smem:$0x3FAD] =	sst s4  }
0xd: {  	[smem:$0x3FAE] =	sst s5  }
0xe: {  	[smem:$0x3FAF] =	sst s6  }
0xf: {  	[smem:$0x3FB0] =	sst s7  }
0x10: {  	[smem:$0x3FB1] =	sst s8  }
0x11: {  	[smem:$0x3FB2] =	sst s9;
	s0 =	simm.s32 @!p0 $0x0  }
0x12: {  	s1 =	sld [smem:$0x3F98];
	s0 =	simm.s32 @p0 $0x1  }
0x13: {  	[smem:$0x3FB3] =	sst s0;
	s0 =	simm.s32 @!p1 $0x0  }
0x14: {  	s2 =	sld [smem:$0x3F97];
	s0 =	simm.s32 @p1 $0x1  }
0x15: {  	[smem:$0x3FB4] =	sst s0;
	s0 =	simm.s32 @!p2 $0x0  }
0x16: {  	s3 =	sld [smem:$0x3FDB];
	s0 =	simm.s32 @p2 $0x1  }
0x17: {  	s4 =	simm.s32 $0x1BF5;
	[smem:$0x3FB6] =	sst s0  }
0x18: {  	s0 =	sld [smem:$0x3F99];
	_ =	swait.ge [sflag:s4], $0x0  }
0x19: {  	s7 =	sld [smem:$0x3F9A]  }
0x1a: {  	s8 =	sadd.s32 $0xFFFFE003, lr  }
0x1b: {  	s9 =	sadd.s32 $0xFFFFFEF7, lr;
	s5 =	simm.s32 $0xFFFFFFFF;
	p2 =	slt.u32 s8, $0xFFFFF086  }
0x1c: {  	p1 =	slt.u32 s9, $0xF7A;
	s5 =	simm.s32 @!p2 $0x0  }
0x1d: {  	s5 =	simm.s32 @p1 $0x1;
	p0 =	seq.s32 s7, s2  }
0x1e: {  	s7 =	smul.u32 @!p0 $0xF7A, s2;
	p2 =	seq.s32 @!p0 s5, $0x0  }
0x1f: {  	s9 =	smul.u32 $0xF7A, s1;
	s8 =	simm.s32 @!p0 $0x1BF5;
	p2 =	por !p2, p0  }
0x20: {  	[sflag:s8] =	ssyncset.s32 @!p0 $0xFFFFF086;
	s6 =	sadd.s32 @!p0 s3, s7;
	s7 =	simm.s32 @!p0 $0x108  }
0x21: {  	s3 =	sadd.s32 s3, s9;
	s6 =	sadd.s32 @!p0 $0x88, s6;
	s7 =	simm.s32 @p2 $0x1082  }
0x22: {  	[simem:s7], [sflag:s8] =	dma.local @!p0 [hbm:s6], $0xF7A  }
0x23: {  	s9 =	sor.u32 $0xD0000000, s2;
	s6 =	simm.s32 $0x108;
	_ =	swait.ge @!p0 [sflag:s8], $0x0  }
0x24: {  	s3 =	sadd.s32 $0x88, s3;
	s6 =	simm.s32 @!p1 $0x1082;
	[sflag:s4] =	ssyncset.s32 $0xFFFFF086  }
0x25: {  	[simem:s6], [sflag:s4] =	dma.local [hbm:s3], $0xF7A  }
0x26: {  	[smem:$0x3F9A] =	sst s1;
	(tag) =	ssettag s2;
	_ =	strace s9  }
0x27: {  	s1 =	sld [smem:$0x3FAA]  }
0x28: {  	s2 =	sld [smem:$0x3FAB]  }
0x29: {  	s4 =	sld [smem:$0x3FAD]  }
0x2a: {  	p0 =	seq.s32 s5, $0x0;
	s5 =	sld [smem:$0x3FAE]  }
0x2b: {  	s6 =	sld [smem:$0x3FAF]  }
0x2c: {  	s7 =	sld [smem:$0x3FB0]  }
0x2d: {  	s3 =	simm.s32 $0x108;
	s8 =	sld [smem:$0x3FB1]  }
0x2e: {  	s3 =	simm.s32 @!p0 $0x1082;
	s9 =	sld [smem:$0x3FB2]  }
0x2f: {  	lr =	sadd.s32 s0, s3;
	s0 =	sld [smem:$0x3FA9]  }
0x30: {  	s3 =	sld [smem:$0x3FAC]  }
0x31: {  	[smem:$0x3FB5] =	sst s10  }
0x32: {  	s10 =	sld [smem:$0x3FB3];
	_ =	sdelay $0x3  }
0x33: {  	p0 =	seq.s32 s10, $0x1;
	s10 =	sld [smem:$0x3FB5];
	_ =	sdelay $0x3  }
0x34: {  	[smem:$0x3FB5] =	sst s10  }
0x35: {  	s10 =	sld [smem:$0x3FB4];
	_ =	sdelay $0x3  }
0x36: {  	p1 =	seq.s32 s10, $0x1;
	s10 =	sld [smem:$0x3FB5];
	_ =	sdelay $0x3  }
0x37: {  	[smem:$0x3FB5] =	sst s10  }
0x38: {  	s10 =	sld [smem:$0x3FB6]  }
0x39: {  	_ = 	snop;
	(pc) =	sbr.ind lr, $3  }
0x3a: {  	_ = 	snop  }
0x3b: {  	_ = 	snop  }
0x3c: {  	p2 =	seq.s32 s10, $0x1;
	s10 =	sld [smem:$0x3FB5]  }
0x3d: {  	_ =	shalt  }
0x3e: {  	_ =	shalt  }
0x3f: {  	_ =	shalt  }
0x40: {  	_ =	shalt  }
0x41: {  	_ =	shalt  }
0x42: {  	_ =	shalt  }
0x43: {  	_ =	shalt  }
0x44: {  	_ =	shalt  }
0x45: {  	_ =	shalt  }
0x46: {  	_ =	shalt  }
0x47: {  	_ =	shalt  }
0x48: {  	_ =	shalt  }
0x49: {  	_ =	shalt  }
0x4a: {  	_ =	shalt  }
0x4b: {  	_ =	shalt  }
0x4c: {  	_ =	shalt  }
0x4d: {  	_ =	shalt  }
0x4e: {  	_ =	shalt  }
0x4f: {  	_ =	shalt  }
0x50: {  	_ =	shalt  }
0x51: {  	_ =	shalt  }
0x52: {  	_ =	shalt  }
0x53: {  	_ =	shalt  }
0x54: {  	_ =	shalt  }
0x55: {  	_ =	shalt  }
0x56: {  	_ =	shalt  }
0x57: {  	_ =	shalt  }
0x58: {  	_ =	shalt  }
0x59: {  	_ =	shalt  }
0x5a: {  	_ =	shalt  }
0x5b: {  	_ =	shalt  }
0x5c: {  	_ =	shalt  }
0x5d: {  	_ =	shalt  }
0x5e: {  	_ =	shalt  }
0x5f: {  	_ =	shalt  }
0x60: {  	_ =	shalt  }
0x61: {  	_ =	shalt  }
0x62: {  	_ =	shalt  }
0x63: {  	_ =	shalt  }
0x64: {  	_ =	shalt  }
0x65: {  	_ =	shalt  }
0x66: {  	_ =	shalt  }
0x67: {  	_ =	shalt  }
0x68: {  	_ =	shalt  }
0x69: {  	_ =	shalt  }
0x6a: {  	_ =	shalt  }
0x6b: {  	_ =	shalt  }
0x6c: {  	_ =	shalt  }
0x6d: {  	_ =	shalt  }
0x6e: {  	_ =	shalt  }
0x6f: {  	_ =	shalt  }
0x70: {  	_ =	shalt  }
0x71: {  	_ =	shalt  }
0x72: {  	_ =	shalt  }
0x73: {  	_ =	shalt  }
0x74: {  	_ =	shalt  }
0x75: {  	_ =	shalt  }
0x76: {  	_ =	shalt  }
0x77: {  	_ =	shalt  }
0x78: {  	_ =	shalt  }
0x79: {  	_ =	shalt  }
0x7a: {  	_ =	shalt  }
0x7b: {  	_ =	shalt  }
0x7c: {  	_ =	shalt  }
0x7d: {  	_ =	shalt  }
0x7e: {  	_ =	shalt  }
0x7f: {  	_ =	shalt  }
0x80: {  	_ =	shalt  }
0x81: {  	_ =	shalt  }
0x82: {  	_ =	shalt  }
0x83: {  	_ =	shalt  }
0x84: {  	_ =	shalt  }
0x85: {  	_ =	shalt  }
0x86: {  	_ =	shalt  }
0x87: {  	_ =	shalt  }
.Lfunc_end0:
.L_simem_size_0:
called_computation_lowered:
.L_overlay_start_0:
0x88: {  	s2 =	sld [smem:$0x3FD9]  }
0x89: {  	s3 =	sld [smem:$0x3FFE];
	_ =	sdelay $0x1  }
0x8a: {  	s1 =	srdreg.scid  }
0x8b: {  	s0 =	sand.u32 $0x1, s1  }
0x8c: {  	s18 =	sshll.u32 s0, $0xA;
	s2 =	sadd.s32 s3, s2  }
0x8d: {  	s2 =	sadd.s32 s2, s18  }
0x8e: {  	[smem:$0x3FC1] =	sst s2  }
0x8f: {  	_ = 	snop  }
0x90: {  	s2 =	sld [smem:$0x3FC9]  }
0x91: {  	s19 =	sld [smem:$0x3FC8]  }
0x92: {  	s4 =	sld [smem:$0x3FC7]  }
0x93: {  	s5 =	sld [smem:$0x3FC6]  }
0x94: {  	s6 =	sld [smem:$0x3FC5]  }
0x95: {  	s7 =	sld [smem:$0x3FC4]  }
0x96: {  	s8 =	sld [smem:$0x3FC3]  }
0x97: {  	s9 =	sld [smem:$0x3FD0];
	(tm) =	ssettm $0x1  }
0x98: {  	s10 =	sld [smem:$0x3FFB];
	_ =	sdelay $0x3  }
0x99: {  	_ =	strace s10  }
0x9a: {  	s10 =	sld [smem:$0x3FFC];
	_ =	sdelay $0x3  }
0x9b: {  	_ =	strace s10  }
0x9c: {  	s10 =	sld [smem:$0x3FFD];
	_ =	sdelay $0x3  }
0x9d: {  	_ =	strace s10  }
0x9e: {  	_ =	strace $0x8FFFFFFF  }
0x9f: {  	s20 =	sld [smem:$0x3FDB];
	_ =	sdelay $0x1  }
0xa0: {  	s11 =	simm.s32 $_scs_section_size  }
0xa1: {  	s12 =	simm.s32 $_size__tile_overlayer_lowered;
	s13 =	simm.s32 $_tile_overlayer_lowered  }
0xa2: {  	s23 =	simm.s32 $0x1BFF;
	s22 =	sshll.u32 s13, $0x1;
	s10 =	sadd.s32 s11, s20  }
0xa3: {  	s14 =	simm.s32 $0x0;
	s21 =	sshll.u32 s12, $0x1;
	s12 =	sadd.s32 s22, s10  }
0xa4: {  	[timem:s14], [sflag:s23] =	dma.local [hbm:s12], s21  }
0xa5: {  	_ =	swait.ge [sflag:s23], s21  }
0xa6: {  	s11 =	ssub.s32 $0x0, s21;
	[sflag:s23] =	ssyncset.done $0x0  }
0xa7: {  	[sflag:s23] =	ssyncadd.s32 s11;
	_ =	sdelay $0x1  }
0xa8: {  	s24 =	simm.s32 $0x1B8B  }
0xa9: {  	_ =	swait.ge [sflag:s24], $0x1  }
0xaa: {  	[sflag:s24] =	ssyncset.done $0x0  }
0xab: {  	s25 =	simm.s32 $0x1B8E;
	[sflag:s24] =	ssyncadd.s32 $0xFFFFFFFF  }
0xac: {  	s26 =	simm.s32 $execute0_lowered;
	[smem:$0x3FD2] =	sst s25  }
0xad: {  	s11 =	sshll.u32 s26, $0x1;
	_ =	strace $0x80000046;
	[dreg:$0x1] =	wrdreg $0xFFFFFFFF  }
0xae: {  	s28 =	simm.s32 $_size_execute0_lowered;
	s10 =	sadd.s32 s10, s11;
	[dreg:$0x0] =	wrdreg $0x0  }
0xaf: {  	s11 =	sshll.u32 s28, $0x1;
	[dreg:$0x2] =	wrdreg s10  }
0xb0: {  	[dreg:$0x3] =	wrdreg s11  }
0xb1: {  	[dreg:$0x4] =	wrdreg $0xC0  }
0xb2: {  	_ =	task [dreg:s14], $0x5FFFF  }
0xb3: {  	[dreg:$0x1] =	wrdreg $0xFFFFFFFF  }
0xb4: {  	[dreg:$0x0] =	wrdreg $0x60  }
0xb5: {  	[dreg:$0x2] =	wrdreg s2  }
0xb6: {  	[dreg:$0x3] =	wrdreg s19  }
0xb7: {  	[dreg:$0x4] =	wrdreg s4  }
0xb8: {  	[dreg:$0x5] =	wrdreg s5  }
0xb9: {  	[dreg:$0x6] =	wrdreg s6  }
0xba: {  	[dreg:$0x7] =	wrdreg s7  }
0xbb: {  	[dreg:$0x8] =	wrdreg s8  }
0xbc: {  	[dreg:$0x9] =	wrdreg s9  }
0xbd: {  	[dreg:$0xa] =	wrdreg $0x9  }
0xbe: {  	_ =	task.clear_ibuf [dreg:s14], $0xBFFFF;
	_ =	strace $0x90000046  }
0xbf: {  	s29 =	simm.s32 $0x9;
	_ =	strace $0x80000048  }
0xc0: {  	_ =	swait.ge [sflag:s29], $0x1  }
0xc1: {  	[sflag:s29] =	ssyncadd.s32 $0xFFFFFFFF  }
0xc2: {  	_ =	strace $0x90000048  }
0xc3: {  	_ =	sfence  }
0xc4: {  	s30 =	sld [smem:$0x0];
	_ =	sdelay $0x2  }
0xc5: {  	s31 =	sshll.u32 s1, $0xD;
	s1 =	sshrl.u32 s1, $0x2  }
0xc6: {  	s3 =	sand.u32 $0x4000, s31;
	s1 =	sadd.s32 s1, s30  }
0xc7: {  	s0 =	sor.u32 s3, s0;
	s1 =	sshll.u32 s1, $0x11  }
0xc8: {  	s0 =	sor.u32 s1, s0  }
0xc9: {  	s0 =	sadd.s32 $0x8F2B, s0  }
0xca: {  	[sflag:s0] =	ssyncadd.remote.s32 $0x1  }
0xcb: {  	_ =	sfence.sel $0xFFFF  }
0xcc: {  	[dreg:$0x0] =	wrdreg $0xFFFFFFFF;
	(pc) =	sbr.abs _section_cstart, $3  }
0xcd: {  	[dreg:$0x1] =	wrdreg $0xFFFFFFFF  }
0xce: {  	_ =	task.clear_ibuf [dreg:s14], $0x2FFFF;
	_ =	strace $0x9FFFFFFF  }
0xcf: {  	(tm) =	ssettm $0x7FFFFFFF  }
tec
execute0_lowered:
.L_overlay_start_1:
0x0: {  	(tag) =	ssettag $0x1  }
0x1: {  	s0 =	rddreg [dreg:$0x0]  }
0x2: {  	s1 =	rddreg [dreg:$0x1]  }
0x3: {  	s2 =	rddreg [dreg:$0x2]  }
0x4: {  	s4 =	rddreg [dreg:$0x3]  }
0x5: {  	s7 =	rddreg [dreg:$0x7]  }
0x6: {  	s3 =	srdreg.scid;
	s5 =	stileid.u32;
	s8 =	simm.s32 $0x0  }
0x7: {  	s3 =	sand.u32 $0x1, s3;
	s5 =	sshll.u32 s5, $0x9;
	[smem:$0x7FF] =	sst s8  }
0x8: {  	s15 =	sadd.s32 $0x100, s2;
	s16 =	sadd.s32 $0x200, s2;
	s28 =	smov.u32 s0  }
0x9: {  	s31 =	sadd.s32 $0x600, s7;
	s7 =	simm.s32 $0x1;
	s6 =	sshll.u32 s3, $0x8  }
0xa: {  	s3 =	ssub.s32 $0x2, s3;
	_ =	strace $0x80000047;
	s11 =	sor.u32 s6, s5  }
0xb: {  	[dreg:$0x10] =	wrdreg s31;
	s21 =	sshrl.u32 s3, $0x1;
	s22 =	sshrl.u32 s11, $0x3  }
0xc: {  	v2 =	vlaneseq.u32;
	s12 =	sand.u32 $0x700, s11;
	s3 =	ssub.s32 s3, s21;
	s24 =	sadd.s32 s0, s22  }
0xd: {  	vm0 =	vmmov $0xffff;
	v3 =	vimm.s32 $0x0;
	v4 =	vimm.s32 $0x1;
	s23 =	sshrl.u32 s12, $0x3;
	s25 =	sadd.s32 s1, s22;
	[dreg:$0x9] =	wrdreg s24  }
0xe: {  	v5 =	vimm.s32 $0x2;
	v6 =	vimm.s32 $0x3;
	v7 =	vimm.s32 $0x4;
	s5 =	sor.u32 $0x2, s22;
	s30 =	smax.u32 s3, $0x1;
	[dreg:$0xa] =	wrdreg s25  }
0xf: {  	v8 =	vimm.s32 $0x5;
	v9 =	vimm.s32 $0x6;
	v10 =	vimm.s32 $0x7;
	s6 =	smul.u32 $0x300, s23;
	s0 =	sadd.s32 s0, s5;
	[dreg:$0xf] =	wrdreg s30  }
0x10: {  	v11 =	vimm.s32 $0x8;
	v12 =	vimm.s32 $0x9;
	v13 =	vimm.s32 $0xA;
	s8 =	simm.s32 $0x2;
	s26 =	sadd.s32 s1, s5;
	[dreg:$0xc] =	wrdreg s0  }
0x11: {  	v14 =	vimm.s32 $0xB;
	v15 =	vimm.s32 $0xC;
	v16 =	vimm.s32 $0xD;
	s22 =	smov.u32 s1;
	[dreg:$0xd] =	wrdreg s26;
	s4 =	sadd.s32 s4, s6  }
0x12: {  	v17 =	vimm.s32 $0xE;
	v18 =	vimm.s32 $0xF;
	v1 =	vshrl.u32 v2, $0x3;
	s3 =	simm.s32 $0x0;
	[dreg:$0xb] =	wrdreg s4;
	s29 =	sadd.s32 $0x600, s4  }
0x13: {  	v0 =	vand.u32 $0x7, v2;
	v2 =	vor.u32 $0x8, v2;
	v1 =	vmul.u32 $0x8, v1;
	s5 =	simm.s32 $0x3;
	s23 =	simm.s32 $0x4;
	[dreg:$0xe] =	wrdreg s29  }
.LBB2_1:
0x14: {  	[dreg:$0x11] =	wrdreg s3  }
0x15: {  	s0 =	rddreg [dreg:$0x5]  }
0x16: {  	s1 =	simm.s32 $0x0;
	s14 =	simm.s32 $0x15800;
	s3 =	simm.s32 $0x7  }
0x17: {  	[tilespmem:s14], [sflag:$0x7] =	stream.linear.gather [hbm4b:s0+s1], $0x300, $0x38;
	[tilespmem:$0x16E00] =	vst v63  }
0x18: {  	_ =	swait.ge [sflag:s3], $0x300  }
0x19: {  	[sflag:s3] =	ssyncset.done $0x0  }
0x1a: {  	[sflag:s3] =	ssyncadd.s32 $0xFFFFFD00  }
0x1b: {  	s4 =	simm.s32 $0x15B00;
	s17 =	rddreg [dreg:$0x6]  }
0x1c: {  	[tilespmem:s4], [sflag:$0x7] =	stream.linear.gather [hbm4b:s17+s1], $0x300, $0x38;
	[tilespmem:$0x16E00] =	vst v63  }
0x1d: {  	_ =	swait.ge [sflag:s3], $0x300  }
0x1e: {  	[sflag:s3] =	ssyncset.done $0x0  }
0x1f: {  	[sflag:s3] =	ssyncadd.s32 $0xFFFFFD00  }
0x20: {  	s19 =	simm.s32 $0x15200;
	s18 =	rddreg [dreg:$0x4]  }
0x21: {  	[tilespmem:s19], [sflag:$0x7] =	stream.linear.gather [hbm4b:s18+s1], $0x600, $0x38;
	[tilespmem:$0x16E00] =	vst v63  }
0x22: {  	_ =	swait.ge [sflag:s3], $0x600  }
0x23: {  	[sflag:s3] =	ssyncset.done $0x0  }
0x24: {  	s20 =	rddreg [dreg:$0x9];
	[sflag:s3] =	ssyncadd.s32 $0xFFFFFA00  }
0x25: {  	[tilespmem:s1], [sflag:$0x7] =	stream.linear.gather [hbm4b:s20+s1], $0x10, $0x38;
	[tilespmem:$0x16E00] =	vst v63  }
0x26: {  	_ =	swait.ge [sflag:s3], $0x10  }
0x27: {  	[sflag:s3] =	ssyncset.done $0x0  }
0x28: {  	s24 =	simm.s32 $0x100;
	s21 =	rddreg [dreg:$0xa];
	[sflag:s3] =	ssyncadd.s32 $0xFFFFFFF0  }
0x29: {  	[tilespmem:s24], [sflag:$0x7] =	stream.linear.gather [hbm4b:s21+s1], $0x10, $0x38;
	[tilespmem:$0x16E00] =	vst v63  }
0x2a: {  	_ =	swait.ge [sflag:s3], $0x10  }
0x2b: {  	[sflag:s3] =	ssyncset.done $0x0  }
0x2c: {  	[sflag:s3] =	ssyncadd.s32 $0xFFFFFFF0  }
0x2d: {  	v19 =	vld [tilespmem:$0x0];
	_ =	sdelay $0x4  }
0x2e: {  	v20 =	vshrl.u32 v19, $0x3  }
0x2f: {  	v20 =	vmul.u32 $0x30, v20  }
0x30: {  	v19 =	vand.u32 $0x7, v19  }
0x31: {  	v19 =	vor.u32 v19, v20  }
0x32: {  	v20 =	vperm.xlane v19, v0;
	_ =	sdelay $0x1  }
0x33: {  	v20 =	vadd.s32 v1, v20;
	_ =	sdelay $0x3  }
0x34: {  	s25 =	simm.s32 $0x200;
	v19 =	vperm.xlane v19, v2  }
0x35: {  	[tilespmem:s25], [sflag:$0x1] =	stream.indirect_vreg.gather [hbm4b:s2+s1], $0x80, v20, vm0, $0xb8;
	[tilespmem:$0x16E00] =	vst v63  }
0x36: {  	s26 =	simm.s32 $0xA00;
	v19 =	vadd.s32 v1, v19  }
0x37: {  	[tilespmem:s26], [sflag:$0x1] =	stream.indirect_vreg.gather [hbm4b:s15+s1], $0x80, v20, vm0, $0xb8;
	[tilespmem:$0x16E00] =	vst v63  }
0x38: {  	s29 =	simm.s32 $0x1200  }
0x39: {  	[tilespmem:s29], [sflag:$0x1] =	stream.indirect_vreg.gather [hbm4b:s16+s1], $0x80, v20, vm0, $0xb8;
	[tilespmem:$0x16E00] =	vst v63  }
0x3a: {  	s31 =	simm.s32 $0x1A00  }
0x3b: {  	[tilespmem:s31], [sflag:$0x1] =	stream.indirect_vreg.gather [hbm4b:s2+s1], $0x80, v19, vm0, $0xb8;
	[tilespmem:$0x16E00] =	vst v63  }
0x3c: {  	s4 =	simm.s32 $0x2200  }
0x3d: {  	[tilespmem:s4], [sflag:$0x1] =	stream.indirect_vreg.gather [hbm4b:s15+s1], $0x80, v19, vm0, $0xb8;
	[tilespmem:$0x16E00] =	vst v63  }
0x3e: {  	s6 =	simm.s32 $0x2A00  }
0x3f: {  	[tilespmem:s6], [sflag:$0x1] =	stream.indirect_vreg.gather [hbm4b:s16+s1], $0x80, v19, vm0, $0xb8;
	[tilespmem:$0x16E00] =	vst v63  }
0x40: {  	s10 =	simm.s32 $0x6200;
	s9 =	rddreg [dreg:$0xb]  }
0x41: {  	[tilespmem:s10], [sflag:$0x3] =	stream.linear.gather [hbm4b:s9+s1], $0x3000, $0x38;
	[tilespmem:$0x16E00] =	vst v63  }
0x42: {  	s14 =	simm.s32 $0x80;
	s13 =	rddreg [dreg:$0xc]  }
0x43: {  	[tilespmem:s14], [sflag:$0x7] =	stream.linear.gather [hbm4b:s13+s1], $0x10, $0x38;
	[tilespmem:$0x16E00] =	vst v63  }
0x44: {  	_ =	swait.ge [sflag:s3], $0x10  }
0x45: {  	[sflag:s3] =	ssyncset.done $0x0  }
0x46: {  	s18 =	simm.s32 $0x180;
	s17 =	rddreg [dreg:$0xd];
	[sflag:s3] =	ssyncadd.s32 $0xFFFFFFF0  }
0x47: {  	[tilespmem:s18], [sflag:$0x7] =	stream.linear.gather [hbm4b:s17+s1], $0x10, $0x38;
	[tilespmem:$0x16E00] =	vst v63  }
0x48: {  	_ =	swait.ge [sflag:s3], $0x10  }
0x49: {  	[sflag:s3] =	ssyncset.done $0x0  }
0x4a: {  	[sflag:s3] =	ssyncadd.s32 $0xFFFFFFF0  }
0x4b: {  	v19 =	vld [tilespmem:$0x80];
	_ =	sdelay $0x4  }
0x4c: {  	v20 =	vshrl.u32 v19, $0x3  }
0x4d: {  	v20 =	vmul.u32 $0x30, v20  }
0x4e: {  	v19 =	vand.u32 $0x7, v19  }
0x4f: {  	v19 =	vor.u32 v19, v20  }
0x50: {  	v20 =	vperm.xlane v19, v0;
	_ =	sdelay $0x1  }
0x51: {  	v20 =	vadd.s32 v1, v20;
	_ =	sdelay $0x3  }
0x52: {  	s19 =	simm.s32 $0x3200;
	v19 =	vperm.xlane v19, v2  }
0x53: {  	[tilespmem:s19], [sflag:$0x2] =	stream.indirect_vreg.gather [hbm4b:s2+s1], $0x80, v20, vm0, $0xb8;
	[tilespmem:$0x16E00] =	vst v63  }
0x54: {  	s20 =	simm.s32 $0x3A00;
	v19 =	vadd.s32 v1, v19  }
0x55: {  	[tilespmem:s20], [sflag:$0x2] =	stream.indirect_vreg.gather [hbm4b:s15+s1], $0x80, v20, vm0, $0xb8;
	[tilespmem:$0x16E00] =	vst v63  }
0x56: {  	s21 =	simm.s32 $0x4200  }
0x57: {  	[tilespmem:s21], [sflag:$0x2] =	stream.indirect_vreg.gather [hbm4b:s16+s1], $0x80, v20, vm0, $0xb8;
	[tilespmem:$0x16E00] =	vst v63  }
0x58: {  	s24 =	simm.s32 $0x4A00  }
0x59: {  	[tilespmem:s24], [sflag:$0x2] =	stream.indirect_vreg.gather [hbm4b:s2+s1], $0x80, v19, vm0, $0xb8;
	[tilespmem:$0x16E00] =	vst v63  }
0x5a: {  	s25 =	simm.s32 $0x5200  }
0x5b: {  	[tilespmem:s25], [sflag:$0x2] =	stream.indirect_vreg.gather [hbm4b:s15+s1], $0x80, v19, vm0, $0xb8;
	[tilespmem:$0x16E00] =	vst v63  }
0x5c: {  	s26 =	simm.s32 $0x5A00  }
0x5d: {  	[tilespmem:s26], [sflag:$0x2] =	stream.indirect_vreg.gather [hbm4b:s16+s1], $0x80, v19, vm0, $0xb8;
	[tilespmem:$0x16E00] =	vst v63  }
0x5e: {  	s30 =	simm.s32 $0x0;
	s31 =	simm.s32 $0x9200;
	s29 =	rddreg [dreg:$0xe]  }
0x5f: {  	[tilespmem:s31], [sflag:$0x4] =	stream.linear.gather [hbm4b:s29+s1], $0x3000, $0x38;
	[tilespmem:$0x16E00] =	vst v63  }
.LBB2_2:
0x60: {  	_ =	swait.ge [sflag:s7], $0x3000  }
0x61: {  	[sflag:s7] =	ssyncset.done $0x0  }
0x62: {  	[sflag:s7] =	ssyncadd.s32 $0xFFFFD000  }
0x63: {  	_ =	swait.ge [sflag:s5], $0x3000  }
0x64: {  	s6 =	simm.s32 $0x0;
	[sflag:s5] =	ssyncset.done $0x0  }
0x65: {  	s9 =	sand.u32 $0x70, s6;
	s10 =	sand.u32 $0x7FFFFC00, s6;
	[sflag:s5] =	ssyncadd.s32 $0xFFFFD000  }
0x66: {  	s3 =	sor.u32 s9, s10;
	v19 =	vld [tilespmem:$0x100]  }
0x67: {  	v23 =	vld [tilespmem:s3+$0x200]  }
0x68: {  	v24 =	vld [tilespmem:s3+$0x280]  }
0x69: {  	v25 =	vld [tilespmem:s3+$0x300]  }
0x6a: {  	s10 =	sshrl.u32 s10, $0x2;
	v26 =	vld [tilespmem:s3+$0x380]  }
0x6b: {  	s9 =	sor.u32 s9, s10;
	v27 =	vld [tilespmem:s3+$0x6200]  }
0x6c: {  	v20 =	vld [tilespmem:s9+$0x15200];
	s9 =	sadd.s32 $0x15200, s9  }
0x6d: {  	v21 =	vld [tilespmem:s9+$0x80];
	v29 =	vperm.xlane v19, v3;
	v30 =	vperm.xlane v19, v4  }
0x6e: {  	v28 =	vld [tilespmem:s3+$0x6280];
	v31 =	vperm.xlane v19, v5;
	v32 =	vperm.xlane v19, v8  }
0x6f: {  	v34 =	vld [tilespmem:s3+$0x6300];
	v33 =	vperm.xlane v19, v9;
	v35 =	vperm.xlane v19, v6  }
0x70: {  	v22 =	vimm.f32 $0.0e+00;
	v37 =	vld [tilespmem:s3+$0x6380];
	v36 =	vperm.xlane v19, v7;
	v63 =	vperm.xlane v19, v10  }
0x71: {  	v55 =	vld [tilespmem:s3+$0x6400];
	vm1 =	vgt.s32 v33, $0x0;
	vm2 =	vgt.s32 v32, $0x0;
	vm8 =	vgt.s32 v29, $0x0  }
0x72: {  	vm3 =	vgt.s32 v36, $0x0;
	v29 =	vld [tilespmem:s3+$0x400];
	vm7 =	vgt.s32 v30, $0x0;
	v30 =	vsel vm8, v21, v20  }
0x73: {  	vm6 =	vgt.s32 v31, $0x0;
	v31 =	vld [tilespmem:s3+$0x6480];
	v56 =	vsel vm7, v21, v20;
	v27 =	vadd.f32 v27, v30  }
0x74: {  	s14 =	simm.s32 $0x80;
	s17 =	simm.s32 $0x10;
	vm5 =	vgt.s32 v35, $0x0;
	v57 =	vsel vm6, v21, v20;
	v30 =	vld [tilespmem:s3+$0x6500];
	v28 =	vadd.f32 v28, v56  }
0x75: {  	s26 =	sand.u32 $0x70, s17;
	s29 =	sand.u32 $0x7FFFFC00, s14;
	v38 =	vld [tilespmem:s3+$0x480];
	v58 =	vsel vm5, v21, v20;
	v34 =	vadd.f32 v34, v57;
	v23 =	vadd.f32 v27, v23  }
0x76: {  	s13 =	sor.u32 s26, s29;
	v60 =	vld [tilespmem:s3+$0x500];
	v59 =	vsel vm3, v21, v20;
	v27 =	vadd.f32 v37, v58;
	v24 =	vadd.f32 v28, v24  }
0x77: {  	v49 =	vld [tilespmem:s13+$0x6200];
	v61 =	vsel vm2, v21, v20;
	v28 =	vadd.f32 v55, v59;
	v40 =	vadd.f32 v34, v25;
	[tilespmem:s3+$0xC200] =	vst v23  }
0x78: {  	s10 =	sshrl.u32 s29, $0x2;
	v50 =	vld [tilespmem:s13+$0x6280];
	v25 =	vadd.f32 v31, v61;
	v31 =	vsel vm1, v21, v20;
	[tilespmem:s3+$0xC280] =	vst v24;
	v62 =	vadd.f32 v27, v26  }
0x79: {  	v51 =	vld [tilespmem:s13+$0x6300];
	s9 =	sor.u32 s26, s10;
	vm4 =	vgt.s32 v63, $0x0;
	[tilespmem:s3+$0xC300] =	vst v40;
	v44 =	vadd.f32 v28, v29;
	v27 =	vadd.f32 v30, v31  }
0x7a: {  	v39 =	vld [tilespmem:s9+$0x15200];
	s31 =	sadd.s32 $0x15200, s9;
	v32 =	vimm.f32 $0.0e+00;
	v26 =	vmul.f32 v23, v23;
	v43 =	vadd.f32 v25, v38;
	[tilespmem:s3+$0xC380] =	vst v62  }
0x7b: {  	v45 =	vld [tilespmem:s31+$0x80];
	v28 =	vmul.f32 v24, v24;
	v48 =	vadd.f32 v23, v22;
	[tilespmem:s3+$0xC400] =	vst v44;
	v41 =	vadd.f32 v27, v60  }
0x7c: {  	s6 =	sor.u32 s6, s6;
	v33 =	vld [tilespmem:s13+$0x200];
	v42 =	vadd.f32 v24, v22;
	v23 =	vimm.f32 $0.0e+00;
	v25 =	vmul.f32 v40, v40;
	[tilespmem:s3+$0xC480] =	vst v43  }
0x7d: {  	v35 =	vld [tilespmem:s13+$0x300];
	v40 =	vadd.f32 v40, v22;
	v29 =	vmul.f32 v62, v62;
	v37 =	vadd.f32 v26, v22;
	[tilespmem:s3+$0xC500] =	vst v41;
	s3 =	sor.u32 $0x380, s6  }
0x7e: {  	v36 =	vadd.f32 v28, v22;
	v38 =	vadd.f32 v62, v22;
	v27 =	vmul.f32 v44, v44;
	v47 =	vld [tilespmem:s3+$0x6200]  }
0x7f: {  	v34 =	vld [tilespmem:s13+$0x280];
	v26 =	vmul.f32 v43, v43;
	v30 =	vadd.f32 v25, v22;
	v25 =	vmul.f32 v41, v41  }
0x80: {  	v24 =	vimm.f32 $0.0e+00;
	v28 =	vadd.f32 v29, v22;
	v27 =	vadd.f32 v27, v22;
	v46 =	vld [tilespmem:s3+$0x200]  }
0x81: {  	s19 =	simm.s32 $0x100;
	s18 =	simm.s32 $0x10;
	v31 =	vld [tilespmem:s13+$0x380];
	v29 =	vimm.f32 $0.0e+00;
	v26 =	vadd.f32 v26, v22;
	v25 =	vadd.f32 v25, v22  }
.LBB2_3:
0x82: {  	p0 =	sne.s32 s19, $0x1780;
	v52 =	vld [tilespmem:s13+$0x6380];
	v22 =	vadd.f32 v44, v22;
	v32 =	vadd.f32 v43, v32;
	v54 =	vsel vm4, v21, v20;
	v20 =	vmovc v39  }
0x83: {  	v29 =	vadd.f32 v41, v29;
	v39 =	vld [tilespmem:s13+$0x6400];
	v41 =	vadd.f32 v47, v54  }
0x84: {  	v43 =	vsel vm8, v45, v20;
	v44 =	vsel vm7, v45, v20;
	v47 =	vsel vm6, v45, v20;
	v53 =	vld [tilespmem:s13+$0x400];
	v21 =	vmovc v45  }
0x85: {  	v43 =	vadd.f32 v49, v43;
	v45 =	vsel vm5, v21, v20;
	v49 =	vld [tilespmem:s13+$0x6480];
	v46 =	vadd.f32 v41, v46  }
0x86: {  	s17 =	sadd.s32 $0x10, s17;
	v41 =	vadd.f32 v50, v44;
	v44 =	vadd.f32 v51, v47;
	v47 =	vsel vm3, v21, v20;
	v50 =	vld [tilespmem:s13+$0x6500]  }
0x87: {  	s9 =	sand.u32 $0x7FFFFC00, s19;
	s6 =	sand.u32 $0x70, s17;
	v51 =	vadd.f32 v43, v33;
	v43 =	vadd.f32 v52, v45;
	v45 =	vld [tilespmem:s13+$0x480];
	[tilespmem:s3+$0xC200] =	vst v46;
	v52 =	vmul.f32 v46, v46  }
0x88: {  	s10 =	sor.u32 s6, s9;
	v54 =	vadd.f32 v41, v34;
	v39 =	vadd.f32 v39, v47;
	v41 =	vld [tilespmem:s13+$0x500]  }
0x89: {  	v55 =	vadd.f32 v44, v35;
	v35 =	vsel vm2, v21, v20;
	v33 =	vld [tilespmem:s10+$0x200];
	[tilespmem:s13+$0xC200] =	vst v51;
	v23 =	vadd.f32 v52, v23  }
0x8a: {  	v52 =	vadd.f32 v43, v31;
	v31 =	vsel vm1, v21, v20;
	v34 =	vld [tilespmem:s10+$0x280];
	[tilespmem:s13+$0xC280] =	vst v54;
	v43 =	vadd.f32 v49, v35  }
0x8b: {  	v47 =	vmul.f32 v51, v51;
	v44 =	vadd.f32 v39, v53;
	v35 =	vld [tilespmem:s10+$0x300];
	[tilespmem:s13+$0xC300] =	vst v55;
	v39 =	vadd.f32 v50, v31  }
0x8c: {  	v53 =	vmul.f32 v54, v54;
	v56 =	vmul.f32 v55, v55;
	v31 =	vld [tilespmem:s10+$0x380];
	[tilespmem:s13+$0xC380] =	vst v52;
	v43 =	vadd.f32 v43, v45  }
0x8d: {  	s3 =	sshrl.u32 s9, $0x2;
	v45 =	vmul.f32 v52, v52;
	v57 =	vmul.f32 v44, v44;
	v49 =	vld [tilespmem:s10+$0x6200];
	[tilespmem:s13+$0xC400] =	vst v44;
	v41 =	vadd.f32 v39, v41  }
0x8e: {  	v24 =	vadd.f32 v46, v24;
	s6 =	sor.u32 s6, s3;
	s3 =	sor.u32 s14, s18;
	s18 =	smov.u32 s17;
	v37 =	vadd.f32 v47, v37;
	v50 =	vld [tilespmem:s10+$0x6280];
	[tilespmem:s13+$0xC480] =	vst v43;
	v58 =	vmul.f32 v43, v43  }
.Ltmp0:
0x8f: {  	s3 =	sor.u32 $0x380, s3;
	v36 =	vadd.f32 v53, v36;
	v30 =	vadd.f32 v56, v30;
	v39 =	vld [tilespmem:s6+$0x15200];
	[tilespmem:s13+$0xC500] =	vst v41;
	v46 =	vmul.f32 v41, v41;
	s13 =	smov.u32 s10;
	(pc) =	sbr.rel @p0 .LBB2_3-.Ltmp0, $4  }
0x90: {  	s14 =	smov.u32 s19;
	v28 =	vadd.f32 v45, v28;
	v27 =	vadd.f32 v57, v27;
	s6 =	sadd.s32 $0x15200, s6;
	v47 =	vld [tilespmem:s3+$0x6200]  }
0x91: {  	v26 =	vadd.f32 v58, v26;
	v45 =	vld [tilespmem:s6+$0x80];
	v25 =	vadd.f32 v46, v25  }
0x92: {  	v48 =	vadd.f32 v51, v48;
	v42 =	vadd.f32 v54, v42;
	v46 =	vld [tilespmem:s3+$0x200]  }
0x93: {  	s19 =	sadd.s32 $0x80, s19;
	v40 =	vadd.f32 v55, v40;
	v38 =	vadd.f32 v52, v38;
	v51 =	vld [tilespmem:s13+$0x6300]  }
0x94: {  	_ =	sdelay $0x1  }
0x95: {  	v52 =	vsel vm8, v45, v39  }
0x96: {  	v49 =	vadd.f32 v49, v52;
	_ =	sdelay $0x1  }
0x97: {  	v53 =	vld [tilespmem:s13+$0x6380];
	v58 =	vsel vm7, v45, v39;
	v33 =	vadd.f32 v49, v33  }
0x98: {  	v59 =	vsel vm6, v45, v39;
	v50 =	vadd.f32 v50, v58  }
0x99: {  	v49 =	vadd.f32 v51, v59;
	v61 =	vmul.f32 v33, v33  }
0x9a: {  	v34 =	vadd.f32 v50, v34;
	v48 =	vadd.f32 v33, v48  }
0x9b: {  	v60 =	vsel vm5, v45, v39;
	v37 =	vadd.f32 v61, v37  }
0x9c: {  	v63 =	vld [tilespmem:s13+$0x6400];
	v62 =	vadd.f32 v53, v60;
	v35 =	vadd.f32 v49, v35;
	v55 =	vmul.f32 v34, v34;
	(xrf2) =	vadd.scan.msk.f32 $0xffff, v48  }
0x9d: {  	v50 =	vld [tilespmem:s13+$0x400];
	v42 =	vadd.f32 v34, v42;
	(xrf2) =	vadd.scan.msk.f32 $0xffff, v37  }
0x9e: {  	v31 =	vadd.f32 v62, v31;
	v48 =	vld [tilespmem:s13+$0x6480];
	v56 =	vmul.f32 v35, v35;
	v36 =	vadd.f32 v55, v36  }
0x9f: {  	v40 =	vadd.f32 v35, v40;
	(xrf2) =	vadd.scan.msk.f32 $0xffff, v42  }
0xa0: {  	v58 =	vsel vm3, v45, v39;
	v59 =	vld [tilespmem:s13+$0x480];
	v60 =	vmul.f32 v31, v31;
	v30 =	vadd.f32 v56, v30;
	(xrf2) =	vadd.scan.msk.f32 $0xffff, v36  }
0xa1: {  	v57 =	vld [tilespmem:s13+$0x6500];
	v61 =	vadd.f32 v63, v58;
	v38 =	vadd.f32 v31, v38;
	(xrf2) =	vadd.scan.msk.f32 $0xffff, v40  }
0xa2: {  	v22 =	vadd.f32 v44, v22;
	v63 =	vsel vm2, v45, v39;
	v28 =	vadd.f32 v60, v28;
	(xrf2) =	vadd.scan.msk.f32 $0xffff, v30  }
0xa3: {  	v62 =	vld [tilespmem:s13+$0x500];
	v44 =	vadd.f32 v61, v50;
	v30 =	vadd.f32 v48, v63;
	(xrf2) =	vadd.scan.msk.f32 $0xffff, v38  }
0xa4: {  	v32 =	vadd.f32 v43, v32;
	v29 =	vadd.f32 v41, v29;
	[tilespmem:s13+$0xC200] =	vst v33;
	(xrf2) =	vadd.scan.msk.f32 $0xffff, v28  }
0xa5: {  	[tilespmem:s13+$0xC280] =	vst v34;
	v49 =	vmul.f32 v44, v44;
	v48 =	vsel vm1, v45, v39;
	v30 =	vadd.f32 v30, v59  }
0xa6: {  	[tilespmem:s13+$0xC380] =	vst v31;
	v22 =	vadd.f32 v44, v22;
	v28 =	vadd.f32 v57, v48;
	v31, _, _ =	vpop (xrf2)  }
0xa7: {  	[tilespmem:s13+$0xC300] =	vst v35;
	v27 =	vadd.f32 v49, v27;
	v50 =	vmul.f32 v30, v30;
	(v2sf) =	vpush v31, $0xF;
	v31, _, _ =	vpop (xrf2)  }
0xa8: {  	[tilespmem:s13+$0xC400] =	vst v44;
	v28 =	vadd.f32 v28, v62;
	(xrf2) =	vadd.scan.msk.f32 $0xffff, v22;
	(v2sf) =	vpush v31, $0xF  }
0xa9: {  	s6 =	sor.u32 s14, s18;
	[tilespmem:s13+$0xC480] =	vst v30;
	v30 =	vadd.f32 v30, v32;
	v22 =	vadd.f32 v50, v26;
	(xrf2) =	vadd.scan.msk.f32 $0xffff, v27;
	v26, _, _ =	vpop (xrf2)  }
0xaa: {  	[tilespmem:s13+$0xC500] =	vst v28;
	v27 =	vmul.f32 v28, v28;
	s13 =	sor.u32 $0x380, s6;
	(v2sf) =	vpush v26, $0xF;
	v26, _, _ =	vpop (xrf2)  }
0xab: {  	v28 =	vadd.f32 v28, v29;
	(xrf2) =	vadd.scan.msk.f32 $0xffff, v30;
	v29 =	vld [tilespmem:s13+$0x6200];
	(v2sf) =	vpush v26, $0xF;
	v26, _, _ =	vpop (xrf2)  }
0xac: {  	(xrf2) =	vadd.scan.msk.f32 $0xffff, v22;
	v22 =	vadd.f32 v27, v25;
	(v2sf) =	vpush v26, $0xF;
	v25, _, _ =	vpop (xrf2)  }
0xad: {  	v20 =	vsel vm4, v21, v20;
	v27 =	vld [tilespmem:s13+$0x200];
	v26, _, _ =	vpop (xrf2);
	(v2sf) =	vpush v25, $0xF  }
0xae: {  	v20 =	vadd.f32 v47, v20;
	(xrf2) =	vadd.scan.msk.f32 $0xffff, v28;
	(v2sf) =	vpush v26, $0xF;
	v21, _, _ =	vpop (xrf2)  }
0xaf: {  	(xrf2) =	vadd.scan.msk.f32 $0xffff, v22;
	v22 =	vsel vm4, v45, v39;
	(v2sf) =	vpush v21, $0xF  }
0xb0: {  	v21 =	vadd.f32 v20, v46;
	v20 =	vadd.f32 v29, v22;
	_ =	sdelay $0x1  }
0xb1: {  	v22, _, _ =	vpop (xrf2);
	v25 =	vmul.f32 v21, v21;
	v20 =	vadd.f32 v20, v27  }
0xb2: {  	v24 =	vadd.f32 v21, v24;
	(v2sf) =	vpush v22, $0xF;
	v26, _, _ =	vpop (xrf2)  }
0xb3: {  	v23 =	vadd.f32 v25, v23;
	v25 =	vmul.f32 v20, v20;
	(v2sf) =	vpush v26, $0xF  }
0xb4: {  	v22, _, _ =	vpop (xrf2);
	v24 =	vadd.f32 v20, v24  }
0xb5: {  	(v2sf) =	vpush v22, $0xF;
	v22 =	vadd.f32 v25, v23;
	s26 =	spop (v2sf)  }
0xb6: {  	v26, _, _ =	vpop (xrf2);
	(xrf2) =	vadd.scan.msk.f32 $0xffff, v24;
	s6 =	smul.f32 $1.302083370e-03, s26;
	s9 =	spop (v2sf)  }
0xb7: {  	(v2sf) =	vpush v26, $0xF;
	(xrf2) =	vadd.scan.msk.f32 $0xffff, v22;
	s9 =	smul.f32 $1.302083370e-03, s9  }
0xb8: {  	s10 =	spop (v2sf);
	s17 =	smul.f32 s6, s6  }
0xb9: {  	v23, _, _ =	vpop (xrf2);
	s29 =	spop (v2sf);
	s18 =	smul.f32 $1.302083370e-03, s10  }
0xba: {  	(v2sf) =	vpush v23, $0xF;
	v23, _, _ =	vpop (xrf2);
	s19 =	spop (v2sf);
	s14 =	smul.f32 $1.302083370e-03, s29  }
0xbb: {  	(v2sf) =	vpush v23, $0xF;
	s9 =	ssub.f32 s9, s17;
	s31 =	spop (v2sf)  }
0xbc: {  	s20 =	smul.f32 s18, s18;
	s21 =	spop (v2sf)  }
0xbd: {  	s10 =	smul.f32 $1.302083370e-03, s31;
	s24 =	spop (v2sf)  }
0xbe: {  	s14 =	ssub.f32 s14, s20;
	s20 =	smul.f32 $1.302083370e-03, s19  }
0xbf: {  	s9 =	sadd.f32 $9.999999960e-13, s9;
	s26 =	smul.f32 $1.302083370e-03, s24  }
0xc0: {  	v22, _, _ =	vpop (xrf2);
	s0 =	sadd.f32 $9.999999960e-13, s14;
	s19 =	smul.f32 s20, s20  }
0xc1: {  	v23 =	vmov s9;
	s14 =	smul.f32 $1.302083370e-03, s21;
	s4 =	spop (v2sf);
	(v2sf) =	vpush v22, $0xF;
	v22, _, _ =	vpop (xrf2)  }
0xc2: {  	s17 =	smul.f32 $1.302083370e-03, s4;
	s1 =	spop (v2sf);
	(v2sf) =	vpush v22, $0xF;
	v22 =	vshra.s32 v23, $0x1;
	v23 =	vmul.f32 $5.000000000e-01, v23  }
0xc3: {  	s29 =	smul.f32 s14, s14;
	v24 =	vmov s0;
	s10 =	ssub.f32 s10, s19;
	v22 =	vsub.s32 $0x5F3759DF, v22  }
0xc4: {  	s25 =	spop (v2sf);
	v26 =	vshra.s32 v24, $0x1;
	v24 =	vmul.f32 $5.000000000e-01, v24;
	s24 =	smul.f32 $1.302083370e-03, s1;
	v25 =	vmul.f32 v22, v23  }
0xc5: {  	s0 =	smul.f32 s17, s17;
	v26 =	vsub.s32 $0x5F3759DF, v26;
	s9 =	ssub.f32 s26, s29  }
0xc6: {  	s31 =	spop (v2sf);
	s10 =	sadd.f32 $9.999999960e-13, s10;
	v27 =	vmul.f32 v26, v24;
	v25 =	vmul.f32 v22, v25  }
0xc7: {  	s19 =	smul.f32 $1.302083370e-03, s25;
	s0 =	ssub.f32 s24, s0  }
0xc8: {  	s4 =	smul.f32 $1.302083370e-03, s31;
	s9 =	sadd.f32 $9.999999960e-13, s9;
	v27 =	vmul.f32 v26, v27;
	v25 =	vsub.f32 $1.500000000e+00, v25  }
0xc9: {  	s26 =	smul.f32 s19, s19;
	v28 =	vmov s10;
	s21 =	spop (v2sf)  }
0xca: {  	s1 =	spop (v2sf);
	s21 =	smul.f32 $1.302083370e-03, s21;
	v22 =	vmul.f32 v22, v25;
	v25 =	vsub.f32 $1.500000000e+00, v27;
	v27 =	vmov s9  }
0xcb: {  	v29 =	vshra.s32 v28, $0x1;
	v28 =	vmul.f32 $5.000000000e-01, v28;
	s1 =	smul.f32 $1.302083370e-03, s1;
	v30 =	vshra.s32 v27, $0x1  }
0xcc: {  	s0 =	sadd.f32 $9.999999960e-13, s0;
	s31 =	smul.f32 s21, s21;
	v27 =	vmul.f32 $5.000000000e-01, v27;
	v25 =	vmul.f32 v26, v25;
	v26 =	vsub.s32 $0x5F3759DF, v29  }
0xcd: {  	s29 =	ssub.f32 s4, s26;
	v23 =	vmul.f32 v22, v23;
	v30 =	vsub.s32 $0x5F3759DF, v30;
	v29 =	vmul.f32 v26, v28  }
0xce: {  	s1 =	ssub.f32 s1, s31;
	v31 =	vmul.f32 v30, v27;
	v24 =	vmul.f32 v25, v24  }
0xcf: {  	s9 =	sadd.f32 $9.999999960e-13, s29;
	v23 =	vmul.f32 v23, v22;
	v29 =	vmul.f32 v26, v29  }
0xd0: {  	v51 =	vmov s6;
	v52 =	vmov s0;
	s1 =	sadd.f32 $9.999999960e-13, s1;
	v24 =	vmul.f32 v24, v25  }
0xd1: {  	s4 =	spop (v2sf);
	v31 =	vmul.f32 v30, v31;
	v23 =	vsub.f32 $1.500000000e+00, v23;
	v29 =	vsub.f32 $1.500000000e+00, v29  }
0xd2: {  	v53 =	vmov s9;
	s10 =	smul.f32 $1.302083370e-03, s4;
	v54 =	vmov s1;
	s6 =	spop (v2sf);
	v24 =	vsub.f32 $1.500000000e+00, v24  }
0xd3: {  	s0 =	smul.f32 $1.302083370e-03, s6;
	v22 =	vmul.f32 v23, v22;
	v23 =	vmul.f32 v26, v29;
	v26 =	vsub.f32 $1.500000000e+00, v31  }
0xd4: {  	s24 =	smul.f32 s10, s10;
	v29 =	vmul.f32 $5.000000000e-01, v52;
	v24 =	vmul.f32 v24, v25;
	v25 =	vshra.s32 v52, $0x1  }
0xd5: {  	v58 =	vshra.s32 v54, $0x1;
	v35 =	vmul.f32 $5.000000000e-01, v54;
	v25 =	vsub.s32 $0x5F3759DF, v25  }
0xd6: {  	v37 =	vsub.s32 $0x5F3759DF, v58;
	s0 =	ssub.f32 s0, s24;
	v26 =	vmul.f32 v30, v26;
	v30 =	vmul.f32 v25, v29  }
0xd7: {  	v55 =	vmul.f32 $5.000000000e-01, v53;
	v31 =	vshra.s32 v53, $0x1;
	v59 =	vmul.f32 v37, v35  }
0xd8: {  	v31 =	vsub.s32 $0x5F3759DF, v31;
	v28 =	vmul.f32 v23, v28;
	s0 =	sadd.f32 $9.999999960e-13, s0;
	v30 =	vmul.f32 v25, v30  }
0xd9: {  	v57 =	vmul.f32 v31, v55;
	v61 =	vmul.f32 v37, v59  }
0xda: {  	v27 =	vmul.f32 v26, v27;
	v56 =	vmov s0;
	v30 =	vsub.f32 $1.500000000e+00, v30  }
0xdb: {  	v36 =	vmul.f32 v31, v57;
	v60 =	vshra.s32 v56, $0x1;
	v34 =	vmul.f32 $5.000000000e-01, v56  }
0xdc: {  	[tilespmem:s3+$0xC200] =	vst v21;
	v28 =	vmul.f32 v28, v23;
	v21 =	vmul.f32 v25, v30;
	v30 =	vsub.s32 $0x5F3759DF, v60  }
0xdd: {  	[tilespmem:s13+$0xC200] =	vst v20;
	v27 =	vmul.f32 v27, v26;
	v25 =	vsub.f32 $1.500000000e+00, v36;
	v62 =	vmul.f32 v30, v34  }
0xde: {  	[tilespmem:$0x16600] =	vst v22;
	v22 =	vsub.f32 $1.500000000e+00, v28;
	v28 =	vsub.f32 $1.500000000e+00, v61;
	v29 =	vmul.f32 v21, v29  }
0xdf: {  	[tilespmem:$0x15E00] =	vst v51;
	v20 =	vmov s18;
	v25 =	vmul.f32 v31, v25;
	v31 =	vmul.f32 v30, v62  }
0xe0: {  	[tilespmem:$0x15E80] =	vst v20;
	v20 =	vsub.f32 $1.500000000e+00, v27;
	v22 =	vmul.f32 v22, v23;
	v23 =	vmul.f32 v37, v28  }
0xe1: {  	[tilespmem:$0x16680] =	vst v24;
	v27 =	vmul.f32 v29, v21;
	v29 =	vmul.f32 v25, v55;
	v24 =	vsub.f32 $1.500000000e+00, v31  }
0xe2: {  	v63 =	vmov s20;
	v20 =	vmul.f32 v20, v26;
	[tilespmem:$0x16700] =	vst v22;
	v22 =	vmul.f32 v23, v35  }
0xe3: {  	[tilespmem:$0x15F00] =	vst v63;
	v26 =	vsub.f32 $1.500000000e+00, v27;
	v27 =	vmul.f32 v29, v25;
	v24 =	vmul.f32 v30, v24  }
0xe4: {  	v28 =	vmov s14;
	[tilespmem:$0x16780] =	vst v20;
	v20 =	vmov s17;
	v22 =	vmul.f32 v22, v23  }
0xe5: {  	[tilespmem:$0x15F80] =	vst v28;
	v21 =	vmul.f32 v26, v21;
	v26 =	vsub.f32 $1.500000000e+00, v27;
	v27 =	vmul.f32 v24, v34  }
0xe6: {  	[tilespmem:$0x16000] =	vst v20;
	v22 =	vsub.f32 $1.500000000e+00, v22  }
0xe7: {  	v20 =	vmul.f32 v26, v25;
	[tilespmem:$0x16800] =	vst v21;
	v21 =	vmov s19;
	v25 =	vmul.f32 v27, v24  }
0xe8: {  	[tilespmem:$0x16080] =	vst v21  }
0xe9: {  	v21 =	vmov s21;
	[tilespmem:$0x16880] =	vst v20;
	v20 =	vmul.f32 v22, v23;
	v22 =	vsub.f32 $1.500000000e+00, v25  }
0xea: {  	[tilespmem:$0x16100] =	vst v21  }
0xeb: {  	s25 =	simm.s32 $0x0;
	v21 =	vmov s10;
	[tilespmem:$0x16900] =	vst v20;
	v20 =	vmul.f32 v22, v24  }
0xec: {  	s26 =	sand.u32 $0x70, s25;
	s0 =	sand.u32 $0x7FFFFC00, s25;
	[tilespmem:$0x16180] =	vst v21  }
0xed: {  	s29 =	sshrl.u32 s0, $0x2;
	s3 =	sor.u32 s26, s0;
	[tilespmem:$0x16980] =	vst v20  }
0xee: {  	s31 =	sor.u32 s26, s29;
	v22 =	vld [tilespmem:s3+$0x7B00]  }
0xef: {  	v33 =	vimm.f32 $0.0e+00;
	v40 =	vimm.f32 $0.0e+00;
	s1 =	sadd.s32 $0x15200, s31;
	v28 =	vld [tilespmem:s31+$0x15200]  }
0xf0: {  	v38 =	vimm.f32 $0.0e+00;
	v37 =	vimm.f32 $0.0e+00;
	v30 =	vperm.xlane v19, v15;
	v29 =	vld [tilespmem:s1+$0x80]  }
0xf1: {  	v36 =	vimm.f32 $0.0e+00;
	v35 =	vimm.f32 $0.0e+00;
	v21 =	vperm.xlane v19, v12;
	v31 =	vld [tilespmem:s3+$0x7C00]  }
0xf2: {  	vm4 =	vgt.s32 v30, $0x0;
	v34 =	vimm.f32 $0.0e+00;
	v27 =	vperm.xlane v19, v18;
	v32 =	vld [tilespmem:s3+$0x7A00]  }
0xf3: {  	v30 =	vimm.f32 $0.0e+00;
	v26 =	vperm.xlane v19, v17;
	vm7 =	vgt.s32 v21, $0x0;
	v21 =	vld [tilespmem:s3+$0x1B00]  }
0xf4: {  	v25 =	vperm.xlane v19, v14;
	vm1 =	vgt.s32 v27, $0x0;
	v24 =	vperm.xlane v19, v13;
	v27 =	vld [tilespmem:s3+$0x7D00]  }
0xf5: {  	vm2 =	vgt.s32 v26, $0x0;
	v20 =	vperm.xlane v19, v11;
	v19 =	vperm.xlane v19, v16;
	v26 =	vld [tilespmem:s3+$0x1C00]  }
0xf6: {  	v23 =	vimm.f32 $0.0e+00;
	vm5 =	vgt.s32 v25, $0x0;
	vm6 =	vgt.s32 v24, $0x0;
	v46 =	vld [tilespmem:s3+$0x7A80]  }
0xf7: {  	vm3 =	vgt.s32 v19, $0x0;
	v19 =	vld [tilespmem:s3+$0x7B80];
	vm8 =	vgt.s32 v20, $0x0;
	v47 =	vsel vm7, v29, v28  }
0xf8: {  	v44 =	vld [tilespmem:s3+$0x7C80];
	v24 =	vsel vm6, v29, v28;
	v39 =	vsel vm1, v29, v28;
	v25 =	vsel vm8, v29, v28  }
0xf9: {  	v41 =	vld [tilespmem:s3+$0x7D80];
	v45 =	vsel vm3, v29, v28;
	v50 =	vsel vm2, v29, v28;
	v51 =	vadd.f32 v22, v24  }
0xfa: {  	v20 =	vld [tilespmem:s3+$0x1A00];
	v22 =	vsel vm5, v29, v28;
	v24 =	vadd.f32 v32, v25;
	v25 =	vsel vm4, v29, v28  }
0xfb: {  	v49 =	vld [tilespmem:s3+$0x1B80];
	v29 =	vimm.f32 $0.0e+00;
	v32 =	vimm.f32 $0.0e+00;
	v28 =	vimm.f32 $0.0e+00  }
0xfc: {  	v42 =	vld [tilespmem:s3+$0x1D80];
	v48 =	vadd.f32 v19, v22;
	v43 =	vadd.f32 v31, v25;
	v19 =	vimm.f32 $0.0e+00  }
0xfd: {  	s13 =	simm.s32 $0x10;
	s9 =	simm.s32 $0x80;
	v52 =	vld [tilespmem:s3+$0x1A80];
	v22 =	vimm.f32 $0.0e+00;
	v31 =	vimm.f32 $0.0e+00;
	v25 =	vimm.f32 $0.0e+00  }
.LBB2_5:
0xfe: {  	s0 =	sand.u32 $0x70, s13  }
0xff: {  	s1 =	sand.u32 $0x7FFFFC00, s9;
	v24 =	vadd.f32 v24, v20;
	v51 =	vadd.f32 v51, v21;
	v53 =	vld [tilespmem:s3+$0x1D00];
	s6 =	smov.u32 s9;
	s14 =	sadd.s32 $0x80, s9  }
0x100: {  	p0 =	sne.s32 s9, $0x1780;
	v50 =	vadd.f32 v27, v50;
	s10 =	sshrl.u32 s1, $0x2;
	s6 =	sor.u32 s0, s1;
	v54 =	vld [tilespmem:s3+$0x1C80];
	v27 =	vadd.f32 v41, v39  }
0x101: {  	v41 =	vadd.f32 v46, v47;
	s0 =	sor.u32 s0, s10;
	v21 =	vld [tilespmem:s6+$0x1B00];
	[tilespmem:s3+$0xDA00] =	vst v24;
	v39 =	vmul.f32 v24, v24;
	v23 =	vadd.f32 v51, v23  }
0x102: {  	v44 =	vadd.f32 v44, v45;
	v46 =	vmul.f32 v51, v51;
	s1 =	sadd.s32 $0x15200, s0;
	v20 =	vld [tilespmem:s6+$0x1A00];
	[tilespmem:s3+$0xDB00] =	vst v51;
	v42 =	vadd.f32 v27, v42  }
0x103: {  	v45 =	vadd.f32 v48, v49;
	v27 =	vld [tilespmem:s6+$0x7D00];
	v41 =	vadd.f32 v41, v52  }
0x104: {  	v33 =	vadd.f32 v46, v33;
	v48 =	vld [tilespmem:s6+$0x7B00];
	[tilespmem:s3+$0xDD80] =	vst v42;
	v19 =	vadd.f32 v42, v19;
	v42 =	vmul.f32 v42, v42  }
0x105: {  	v55 =	vld [tilespmem:s6+$0x7C00];
	[tilespmem:s3+$0xDA80] =	vst v41;
	v37 =	vadd.f32 v41, v37;
	v41 =	vmul.f32 v41, v41;
	v44 =	vadd.f32 v44, v54  }
0x106: {  	v34 =	vadd.f32 v45, v34;
	v52 =	vld [tilespmem:s6+$0x7A00];
	v22 =	vadd.f32 v42, v22  }
0x107: {  	v54 =	vld [tilespmem:s0+$0x15200];
	v38 =	vadd.f32 v41, v38;
	v41 =	vadd.f32 v43, v26;
	[tilespmem:s3+$0xDC80] =	vst v44;
	v42 =	vmul.f32 v44, v44  }
0x108: {  	v43 =	vmul.f32 v45, v45;
	v31 =	vadd.f32 v44, v31;
	v44 =	vadd.f32 v50, v53;
	v56 =	vld [tilespmem:s1+$0x80]  }
0x109: {  	v25 =	vadd.f32 v24, v25;
	v26 =	vld [tilespmem:s6+$0x1C00];
	[tilespmem:s3+$0xDB80] =	vst v45;
	v24 =	vmul.f32 v41, v41;
	v30 =	vadd.f32 v42, v30  }
0x10a: {  	v36 =	vadd.f32 v43, v36;
	v29 =	vadd.f32 v44, v29;
	v42 =	vmul.f32 v44, v44;
	v46 =	vld [tilespmem:s6+$0x7A80];
	[tilespmem:s3+$0xDD00] =	vst v44  }
0x10b: {  	v40 =	vadd.f32 v39, v40;
	v43 =	vld [tilespmem:s6+$0x7B80];
	[tilespmem:s3+$0xDC00] =	vst v41;
	v32 =	vadd.f32 v24, v32;
	s3 =	smov.u32 s6  }
.Ltmp1:
0x10c: {  	v35 =	vadd.f32 v41, v35;
	v28 =	vadd.f32 v42, v28;
	v44 =	vld [tilespmem:s3+$0x7C80];
	(pc) =	sbr.rel @p0 .LBB2_5-.Ltmp1, $4  }
0x10d: {  	v47 =	vsel vm7, v56, v54;
	v24 =	vsel vm6, v56, v54;
	v41 =	vld [tilespmem:s3+$0x7D80];
	v39 =	vsel vm1, v56, v54  }
0x10e: {  	v42 =	vsel vm8, v56, v54;
	v51 =	vadd.f32 v48, v24;
	v49 =	vld [tilespmem:s3+$0x1B80];
	v48 =	vsel vm5, v56, v54  }
0x10f: {  	v50 =	vsel vm4, v56, v54;
	v45 =	vsel vm3, v56, v54;
	v24 =	vadd.f32 v52, v42;
	v42 =	vld [tilespmem:s3+$0x1D80]  }
0x110: {  	s13 =	sadd.s32 $0x10, s13;
	s9 =	smov.u32 s14;
	v52 =	vld [tilespmem:s3+$0x1A80];
	v48 =	vadd.f32 v43, v48;
	v43 =	vadd.f32 v55, v50;
	v50 =	vsel vm2, v56, v54  }
0x111: {  	_ = 	snop  }
0x112: {  	v24 =	vadd.f32 v24, v20  }
0x113: {  	v20 =	vadd.f32 v46, v47  }
0x114: {  	v58 =	vmul.f32 v24, v24  }
0x115: {  	v59 =	vadd.f32 v24, v25;
	v20 =	vadd.f32 v20, v52  }
0x116: {  	v40 =	vadd.f32 v58, v40  }
0x117: {  	(xrf2) =	vadd.scan.msk.f32 $0xffff, v59;
	v60 =	vmul.f32 v20, v20  }
0x118: {  	v25 =	vadd.f32 v51, v21;
	v37 =	vadd.f32 v20, v37;
	(xrf2) =	vadd.scan.msk.f32 $0xffff, v40  }
0x119: {  	v38 =	vadd.f32 v60, v38  }
0x11a: {  	v61 =	vmul.f32 v25, v25;
	(xrf2) =	vadd.scan.msk.f32 $0xffff, v37  }
0x11b: {  	v62 =	vld [tilespmem:s3+$0x1C80];
	v23 =	vadd.f32 v25, v23;
	(xrf2) =	vadd.scan.msk.f32 $0xffff, v38  }
0x11c: {  	v46 =	vld [tilespmem:s3+$0x1D00];
	v21 =	vadd.f32 v48, v49;
	v33 =	vadd.f32 v61, v33  }
0x11d: {  	(xrf2) =	vadd.scan.msk.f32 $0xffff, v23  }
0x11e: {  	v47 =	vadd.f32 v44, v45;
	v63 =	vmul.f32 v21, v21;
	v34 =	vadd.f32 v21, v34;
	(xrf2) =	vadd.scan.msk.f32 $0xffff, v33  }
0x11f: {  	v27 =	vadd.f32 v27, v50;
	v23 =	vadd.f32 v43, v26  }
0x120: {  	v36 =	vadd.f32 v63, v36;
	v26 =	vadd.f32 v47, v62;
	(xrf2) =	vadd.scan.msk.f32 $0xffff, v34  }
0x121: {  	v27 =	vadd.f32 v27, v46;
	v48 =	vmul.f32 v23, v23;
	v49, _, _ =	vpop (xrf2)  }
0x122: {  	v35 =	vadd.f32 v23, v35;
	v37 =	vmul.f32 v26, v26;
	(xrf2) =	vadd.scan.msk.f32 $0xffff, v36;
	(v2sf) =	vpush v49, $0xF;
	v50, _, _ =	vpop (xrf2)  }
0x123: {  	v31 =	vadd.f32 v26, v31;
	(v2sf) =	vpush v50, $0xF  }
0x124: {  	v32 =	vadd.f32 v48, v32;
	(xrf2) =	vadd.scan.msk.f32 $0xffff, v35;
	v30 =	vadd.f32 v37, v30;
	v51, _, _ =	vpop (xrf2)  }
0x125: {  	(v2sf) =	vpush v51, $0xF;
	v53, _, _ =	vpop (xrf2)  }
0x126: {  	v29 =	vadd.f32 v27, v29;
	(xrf2) =	vadd.scan.msk.f32 $0xffff, v32;
	(v2sf) =	vpush v53, $0xF  }
0x127: {  	(xrf2) =	vadd.scan.msk.f32 $0xffff, v31;
	v31, _, _ =	vpop (xrf2)  }
0x128: {  	v52 =	vmul.f32 v27, v27;
	(xrf2) =	vadd.scan.msk.f32 $0xffff, v30;
	(v2sf) =	vpush v31, $0xF;
	v30, _, _ =	vpop (xrf2)  }
0x129: {  	(v2sf) =	vpush v30, $0xF  }
0x12a: {  	v28 =	vadd.f32 v52, v28;
	(xrf2) =	vadd.scan.msk.f32 $0xffff, v29;
	v29, _, _ =	vpop (xrf2)  }
0x12b: {  	(v2sf) =	vpush v29, $0xF  }
0x12c: {  	(xrf2) =	vadd.scan.msk.f32 $0xffff, v28;
	v28 =	vadd.f32 v41, v39;
	v29, _, _ =	vpop (xrf2)  }
0x12d: {  	(v2sf) =	vpush v29, $0xF  }
0x12e: {  	v28 =	vadd.f32 v28, v42;
	v29, _, _ =	vpop (xrf2)  }
0x12f: {  	(v2sf) =	vpush v29, $0xF  }
0x130: {  	v31 =	vmul.f32 v28, v28;
	v30, _, _ =	vpop (xrf2)  }
0x131: {  	v19 =	vadd.f32 v28, v19;
	v29, _, _ =	vpop (xrf2);
	(v2sf) =	vpush v30, $0xF;
	s0 =	spop (v2sf)  }
0x132: {  	v22 =	vadd.f32 v31, v22;
	(v2sf) =	vpush v29, $0xF;
	s6 =	smul.f32 $1.302083370e-03, s0;
	s1 =	spop (v2sf)  }
0x133: {  	(xrf2) =	vadd.scan.msk.f32 $0xffff, v19;
	s21 =	smul.f32 $1.302083370e-03, s1  }
0x134: {  	v30, _, _ =	vpop (xrf2);
	(xrf2) =	vadd.scan.msk.f32 $0xffff, v22;
	s10 =	smul.f32 s6, s6;
	s24 =	spop (v2sf)  }
0x135: {  	(v2sf) =	vpush v30, $0xF;
	v29, _, _ =	vpop (xrf2);
	s17 =	smul.f32 $1.302083370e-03, s24;
	s9 =	spop (v2sf)  }
0x136: {  	(v2sf) =	vpush v29, $0xF;
	v19, _, _ =	vpop (xrf2);
	s9 =	smul.f32 $1.302083370e-03, s9  }
0x137: {  	(v2sf) =	vpush v19, $0xF;
	s13 =	spop (v2sf);
	s14 =	smul.f32 s17, s17  }
0x138: {  	s0 =	ssub.f32 s21, s10;
	s25 =	spop (v2sf)  }
0x139: {  	s9 =	ssub.f32 s9, s14;
	s14 =	smul.f32 $1.302083370e-03, s13  }
0x13a: {  	s18 =	spop (v2sf);
	s1 =	smul.f32 $1.302083370e-03, s25  }
0x13b: {  	s0 =	sadd.f32 $9.999999960e-13, s0;
	s13 =	smul.f32 $1.302083370e-03, s18  }
0x13c: {  	s19 =	spop (v2sf);
	s10 =	smul.f32 s14, s14  }
0x13d: {  	v19, _, _ =	vpop (xrf2);
	s9 =	sadd.f32 $9.999999960e-13, s9;
	s4 =	smul.f32 $1.302083370e-03, s19  }
0x13e: {  	(v2sf) =	vpush v19, $0xF;
	v22 =	vmov s0;
	v19, _, _ =	vpop (xrf2);
	s26 =	spop (v2sf);
	s21 =	smul.f32 s13, s13  }
0x13f: {  	(v2sf) =	vpush v19, $0xF;
	v19 =	vshra.s32 v22, $0x1;
	v22 =	vmul.f32 $5.000000000e-01, v22;
	s18 =	smul.f32 $1.302083370e-03, s26  }
0x140: {  	v19 =	vsub.s32 $0x5F3759DF, v19;
	s25 =	spop (v2sf);
	v29 =	vmov s9;
	s1 =	ssub.f32 s1, s10  }
0x141: {  	v30 =	vmul.f32 v19, v22;
	s20 =	spop (v2sf);
	v31 =	vshra.s32 v29, $0x1;
	v29 =	vmul.f32 $5.000000000e-01, v29;
	s25 =	smul.f32 $1.302083370e-03, s25  }
0x142: {  	s10 =	smul.f32 s18, s18;
	s0 =	ssub.f32 s4, s21;
	v31 =	vsub.s32 $0x5F3759DF, v31  }
0x143: {  	v30 =	vmul.f32 v19, v30;
	s19 =	smul.f32 $1.302083370e-03, s20;
	s1 =	sadd.f32 $9.999999960e-13, s1;
	v54 =	vmul.f32 v31, v29  }
0x144: {  	s24 =	spop (v2sf);
	s0 =	sadd.f32 $9.999999960e-13, s0  }
0x145: {  	s9 =	spop (v2sf);
	s26 =	smul.f32 $1.302083370e-03, s24;
	v30 =	vsub.f32 $1.500000000e+00, v30;
	v55 =	vmov s1;
	v32 =	vmul.f32 v31, v54  }
0x146: {  	s4 =	smul.f32 s19, s19;
	s29 =	spop (v2sf);
	v56 =	vmov s0;
	v57 =	vshra.s32 v55, $0x1  }
0x147: {  	s20 =	smul.f32 $1.302083370e-03, s9;
	s9 =	ssub.f32 s25, s10;
	v19 =	vmul.f32 v19, v30;
	v58 =	vshra.s32 v56, $0x1;
	v30 =	vsub.f32 $1.500000000e+00, v32  }
0x148: {  	v33 =	vmul.f32 $5.000000000e-01, v55;
	s10 =	smul.f32 $1.302083370e-03, s29;
	s24 =	ssub.f32 s26, s4;
	v32 =	vmul.f32 $5.000000000e-01, v56;
	v35 =	vsub.s32 $0x5F3759DF, v58  }
0x149: {  	s25 =	smul.f32 s20, s20;
	s1 =	sadd.f32 $9.999999960e-13, s9;
	v22 =	vmul.f32 v19, v22;
	v30 =	vmul.f32 v31, v30;
	v31 =	vsub.s32 $0x5F3759DF, v57  }
0x14a: {  	v60 =	vmov s6;
	s0 =	sadd.f32 $9.999999960e-13, s24;
	v59 =	vmul.f32 v35, v32;
	v34 =	vmul.f32 v31, v33  }
0x14b: {  	s9 =	ssub.f32 s10, s25;
	v61 =	vmov s1;
	v22 =	vmul.f32 v22, v19;
	v29 =	vmul.f32 v30, v29  }
0x14c: {  	v62 =	vmov s0;
	v41 =	vmul.f32 $5.000000000e-01, v61;
	v36 =	vmul.f32 v35, v59  }
0x14d: {  	s9 =	sadd.f32 $9.999999960e-13, s9;
	v42 =	vshra.s32 v62, $0x1;
	v43 =	vmul.f32 $5.000000000e-01, v62;
	v29 =	vmul.f32 v29, v30  }
0x14e: {  	s26 =	spop (v2sf);
	v34 =	vmul.f32 v31, v34;
	v22 =	vsub.f32 $1.500000000e+00, v22;
	v44 =	vsub.s32 $0x5F3759DF, v42  }
0x14f: {  	[tilespmem:s3+$0xDD80] =	vst v28;
	s6 =	smul.f32 $1.302083370e-03, s26;
	s4 =	spop (v2sf);
	v63 =	vmov s9;
	v28 =	vmul.f32 v44, v43;
	v29 =	vsub.f32 $1.500000000e+00, v29  }
0x150: {  	v34 =	vsub.f32 $1.500000000e+00, v34;
	s1 =	smul.f32 $1.302083370e-03, s4;
	v19 =	vmul.f32 v22, v19;
	v46 =	vshra.s32 v63, $0x1  }
0x151: {  	s10 =	smul.f32 s6, s6;
	v47 =	vmul.f32 $5.000000000e-01, v63;
	v29 =	vmul.f32 v29, v30;
	v30 =	vshra.s32 v61, $0x1  }
0x152: {  	[tilespmem:s3+$0xDC80] =	vst v26;
	v26 =	vmul.f32 v44, v28;
	v22 =	vmul.f32 v31, v34;
	v30 =	vsub.s32 $0x5F3759DF, v30  }
0x153: {  	[tilespmem:s3+$0xDA00] =	vst v24;
	v28 =	vsub.s32 $0x5F3759DF, v46;
	v31 =	vsub.f32 $1.500000000e+00, v36;
	s0 =	ssub.f32 s1, s10;
	v24 =	vmul.f32 v30, v41  }
0x154: {  	[tilespmem:s3+$0xDB80] =	vst v21;
	v21 =	vmul.f32 v28, v47;
	v26 =	vsub.f32 $1.500000000e+00, v26;
	v33 =	vmul.f32 v22, v33  }
0x155: {  	v31 =	vmul.f32 v35, v31;
	s0 =	sadd.f32 $9.999999960e-13, s0;
	v24 =	vmul.f32 v30, v24  }
0x156: {  	v21 =	vmul.f32 v28, v21;
	v26 =	vmul.f32 v44, v26  }
0x157: {  	[tilespmem:s3+$0xDB00] =	vst v25;
	v25 =	vmul.f32 v33, v22;
	v45 =	vmov s0;
	v24 =	vsub.f32 $1.500000000e+00, v24  }
0x158: {  	[tilespmem:s3+$0xDA80] =	vst v20;
	v32 =	vmul.f32 v31, v32;
	v48 =	vshra.s32 v45, $0x1;
	v35 =	vmul.f32 $5.000000000e-01, v45  }
0x159: {  	[tilespmem:s3+$0xDD00] =	vst v27;
	v21 =	vsub.f32 $1.500000000e+00, v21;
	v27 =	vsub.s32 $0x5F3759DF, v48;
	v24 =	vmul.f32 v30, v24  }
0x15a: {  	[tilespmem:s3+$0xDC00] =	vst v23;
	v20 =	vmul.f32 v32, v31;
	v23 =	vsub.f32 $1.500000000e+00, v25;
	v25 =	vmul.f32 v27, v35  }
0x15b: {  	[tilespmem:$0x16200] =	vst v60;
	v21 =	vmul.f32 v28, v21;
	v49 =	vmul.f32 v24, v41  }
0x15c: {  	[tilespmem:$0x16A00] =	vst v19;
	v19 =	vmul.f32 v23, v22;
	v22 =	vmul.f32 v27, v25  }
0x15d: {  	[tilespmem:$0x16A80] =	vst v29;
	v29 =	vmov s14;
	v25 =	vmul.f32 v26, v43;
	v23 =	vmul.f32 v49, v24  }
0x15e: {  	[tilespmem:$0x16300] =	vst v29;
	v20 =	vsub.f32 $1.500000000e+00, v20;
	v30 =	vmov s17;
	v22 =	vsub.f32 $1.500000000e+00, v22  }
0x15f: {  	v28 =	vmul.f32 v21, v47;
	[tilespmem:$0x16280] =	vst v30;
	v25 =	vmul.f32 v25, v26;
	v23 =	vsub.f32 $1.500000000e+00, v23  }
0x160: {  	v20 =	vmul.f32 v20, v31;
	[tilespmem:$0x16B00] =	vst v19;
	v19 =	vmov s13;
	v22 =	vmul.f32 v27, v22  }
0x161: {  	[tilespmem:$0x16380] =	vst v19;
	v19 =	vmul.f32 v23, v24;
	v23 =	vsub.f32 $1.500000000e+00, v25  }
0x162: {  	[tilespmem:$0x16B80] =	vst v20;
	v20 =	vmov s18;
	v24 =	vmul.f32 v28, v21;
	v25 =	vmul.f32 v22, v35  }
0x163: {  	[tilespmem:$0x16400] =	vst v20;
	v20 =	vmul.f32 v23, v26  }
0x164: {  	[tilespmem:$0x16C00] =	vst v19;
	v19 =	vmov s19;
	v23 =	vsub.f32 $1.500000000e+00, v24;
	v24 =	vmul.f32 v25, v22  }
0x165: {  	[tilespmem:$0x16480] =	vst v19  }
0x166: {  	s31 =	sshll.u32 s30, $0x5;
	p0 =	seq.s32 s30, $0x7;
	[tilespmem:$0x16C80] =	vst v20;
	v19 =	vmul.f32 v23, v21;
	v20 =	vmov s20;
	v21 =	vsub.f32 $1.500000000e+00, v24  }
0x167: {  	s0 =	sadd.s32 @!p0 $0x20, s31;
	[tilespmem:$0x16500] =	vst v20  }
0x168: {  	s1 =	sadd.s32 @!p0 s11, s0;
	v20 =	vmov s6;
	[tilespmem:$0x16D00] =	vst v19;
	v19 =	vmul.f32 v21, v22  }
0x169: {  	s1 =	sshrl.u32 @!p0 s1, $0x3;
	[tilespmem:$0x16580] =	vst v20  }
0x16a: {  	s3 =	sadd.s32 @!p0 s28, s1;
	s6 =	simm.s32 @!p0 $0x0;
	[tilespmem:$0x16D80] =	vst v19  }
0x16b: {  	[tilespmem:s6], [sflag:$0x7] =	stream.linear.gather @!p0 [hbm4b:s3+s6], $0x10, $0x38;
	[tilespmem:$0x16E00] =	vst v63  }
0x16c: {  	s3 =	simm.s32 @!p0 $0x7  }
0x16d: {  	_ =	swait.ge @!p0 [sflag:s3], $0x10  }
0x16e: {  	[sflag:s3] =	ssyncset.done @!p0 $0x0  }
0x16f: {  	s9 =	simm.s32 @!p0 $0x100;
	s1 =	sadd.s32 @!p0 s22, s1;
	[sflag:s3] =	ssyncadd.s32 @!p0 $0xFFFFFFF0  }
0x170: {  	[tilespmem:s9], [sflag:$0x7] =	stream.linear.gather @!p0 [hbm4b:s1+s6], $0x10, $0x38;
	[tilespmem:$0x16E00] =	vst v63  }
0x171: {  	_ =	swait.ge @!p0 [sflag:s3], $0x10  }
0x172: {  	[sflag:s3] =	ssyncset.done @!p0 $0x0  }
0x173: {  	[sflag:s3] =	ssyncadd.s32 @!p0 $0xFFFFFFF0  }
0x174: {  	v19 =	vld @!p0 [tilespmem:$0x0];
	_ =	sdelay $0x4  }
0x175: {  	v20 =	vshrl.u32 @!p0 v19, $0x3  }
0x176: {  	v20 =	vmul.u32 @!p0 $0x30, v20  }
0x177: {  	v21 =	vlaneseq.u32 @!p0;
	v19 =	vand.u32 @!p0 $0x7, v19  }
0x178: {  	v22 =	vshrl.u32 @!p0 v21, $0x3;
	v19 =	vor.u32 @!p0 v19, v20;
	v20 =	vand.u32 @!p0 $0x7, v21  }
0x179: {  	v22 =	vmul.u32 @!p0 $0x8, v22;
	v20 =	vperm.xlane @!p0 v19, v20;
	_ =	sdelay $0x1  }
0x17a: {  	v20 =	vadd.s32 @!p0 v22, v20;
	_ =	sdelay $0x2  }
0x17b: {  	v21 =	vor.u32 @!p0 $0x8, v21  }
0x17c: {  	vm1 =	vmmov @!p0 $0xffff;
	s1 =	simm.s32 @!p0 $0x200;
	v19 =	vperm.xlane @!p0 v19, v21  }
0x17d: {  	[tilespmem:s1], [sflag:$0x1] =	stream.indirect_vreg.gather @!p0 [hbm4b:s2+s6], $0x80, v20, vm1, $0xb8;
	[tilespmem:$0x16E00] =	vst v63  }
0x17e: {  	v19 =	vadd.s32 @!p0 v22, v19;
	s1 =	simm.s32 @!p0 $0xA00  }
0x17f: {  	[tilespmem:s1], [sflag:$0x1] =	stream.indirect_vreg.gather @!p0 [hbm4b:s15+s6], $0x80, v20, vm1, $0xb8;
	[tilespmem:$0x16E00] =	vst v63  }
0x180: {  	s1 =	simm.s32 @!p0 $0x1200  }
0x181: {  	[tilespmem:s1], [sflag:$0x1] =	stream.indirect_vreg.gather @!p0 [hbm4b:s16+s6], $0x80, v20, vm1, $0xb8;
	[tilespmem:$0x16E00] =	vst v63  }
0x182: {  	s0 =	sadd.s32 @!p0 s12, s0;
	s1 =	simm.s32 @!p0 $0x1A00  }
0x183: {  	[tilespmem:s1], [sflag:$0x1] =	stream.indirect_vreg.gather @!p0 [hbm4b:s2+s6], $0x80, v19, vm1, $0xb8;
	[tilespmem:$0x16E00] =	vst v63  }
0x184: {  	s0 =	sshrl.u32 @!p0 s0, $0x3;
	s1 =	simm.s32 @!p0 $0x2200  }
0x185: {  	[tilespmem:s1], [sflag:$0x1] =	stream.indirect_vreg.gather @!p0 [hbm4b:s15+s6], $0x80, v19, vm1, $0xb8;
	[tilespmem:$0x16E00] =	vst v63  }
0x186: {  	s0 =	smul.u32 @!p0 $0x300, s0;
	s1 =	simm.s32 @!p0 $0x2A00  }
0x187: {  	[tilespmem:s1], [sflag:$0x1] =	stream.indirect_vreg.gather @!p0 [hbm4b:s16+s6], $0x80, v19, vm1, $0xb8;
	[tilespmem:$0x16E00] =	vst v63  }
0x188: {  	p1 =	seq.s32 @!p0 s30, $0x0;
	s1 =	rddreg [dreg:$0x3]  }
0x189: {  	p1 =	por p0, !p1;
	s0 =	sadd.s32 @!p0 s1, s0;
	s1 =	simm.s32 @!p0 $0x6200  }
0x18a: {  	[tilespmem:s1], [sflag:$0x3] =	stream.linear.gather @!p0 [hbm4b:s0+s6], $0x3000, $0x38;
	[tilespmem:$0x16E00] =	vst v63  }
0x18b: {  	s0 =	simm.s32 @p1 $0x5  }
0x18c: {  	_ =	swait.ge @p1 [sflag:s0], $0x3000  }
0x18d: {  	[sflag:s0] =	ssyncset.done @p1 $0x0  }
0x18e: {  	[sflag:s0] =	ssyncadd.s32 @p1 $0xFFFFD000  }
0x18f: {  	v28 =	vld [tilespmem:$0x15E00]  }
0x190: {  	v21 =	vld [tilespmem:$0x15E80]  }
0x191: {  	v31 =	vld [tilespmem:$0x15F00]  }
0x192: {  	v34 =	vld [tilespmem:$0x15F80]  }
0x193: {  	v32 =	vld [tilespmem:$0x16000]  }
0x194: {  	v29 =	vld [tilespmem:$0x16080]  }
0x195: {  	v27 =	vld [tilespmem:$0x16100]  }
0x196: {  	v19 =	vld [tilespmem:$0x16180]  }
0x197: {  	v26 =	vld [tilespmem:$0x16600]  }
0x198: {  	v22 =	vld [tilespmem:$0x16680]  }
0x199: {  	v35 =	vld [tilespmem:$0x16700]  }
0x19a: {  	v33 =	vld [tilespmem:$0x16780]  }
0x19b: {  	v36 =	vld [tilespmem:$0x16800]  }
0x19c: {  	s19 =	simm.s32 $0x0;
	v30 =	vld [tilespmem:$0x16880]  }
0x19d: {  	s4 =	sand.u32 $0x70, s19;
	s3 =	simm.s32 $0x15800;
	s6 =	sand.u32 $0x1C00, s19;
	v25 =	vld [tilespmem:$0x16900]  }
0x19e: {  	s9 =	sor.u32 s4, s6;
	v42 =	vld [tilespmem:s3+$0x0]  }
0x19f: {  	v23 =	vld [tilespmem:s9+$0xC380]  }
0x1a0: {  	v24 =	vld [tilespmem:s9+$0xC300]  }
0x1a1: {  	v50 =	vld [tilespmem:s9+$0xC400]  }
0x1a2: {  	v51 =	vld [tilespmem:s9+$0xC200]  }
0x1a3: {  	v52 =	vld [tilespmem:s9+$0xC500]  }
0x1a4: {  	s29 =	simm.s32 $0x80;
	v53 =	vld [tilespmem:s9+$0xC280];
	s3 =	simm.s32 $0x10  }
0x1a5: {  	s10 =	simm.s32 $0x15B00;
	s20 =	sand.u32 $0x1C00, s29;
	v54 =	vld [tilespmem:s9+$0xC480];
	s18 =	sand.u32 $0x70, s3  }
0x1a6: {  	v41 =	vld [tilespmem:s10+$0x0];
	s24 =	sor.u32 s18, s20  }
0x1a7: {  	v61 =	vld [tilespmem:s24+$0xC300];
	v24 =	vsub.f32 v24, v31  }
0x1a8: {  	v62 =	vld [tilespmem:s24+$0xC380];
	v55 =	vsub.f32 v23, v34;
	v37 =	vsub.f32 v50, v32  }
0x1a9: {  	v63 =	vld [tilespmem:s24+$0xC400];
	v38 =	vsub.f32 v51, v28;
	v39 =	vsub.f32 v52, v27  }
0x1aa: {  	v57 =	vld [tilespmem:s24+$0xC200];
	v40 =	vsub.f32 v53, v21;
	v56 =	vmul.f32 v24, v35;
	v44 =	vmul.f32 v55, v33  }
0x1ab: {  	v59 =	vld [tilespmem:s24+$0xC500];
	v43 =	vsub.f32 v54, v29;
	v37 =	vmul.f32 v37, v36;
	v38 =	vmul.f32 v38, v26  }
0x1ac: {  	s13 =	simm.s32 $0x15810;
	v60 =	vld [tilespmem:s24+$0xC280];
	v40 =	vmul.f32 v40, v22;
	v39 =	vmul.f32 v39, v25  }
0x1ad: {  	v23 =	vld [tilespmem:s13+$0x0];
	v43 =	vmul.f32 v43, v30;
	v46 =	vsub.f32 v61, v31;
	v47 =	vsub.f32 v62, v34  }
0x1ae: {  	s14 =	simm.s32 $0x15B10;
	v53 =	vld [tilespmem:s24+$0xC480];
	v48 =	vsub.f32 v63, v32;
	v44 =	vmul.f32 v44, v42;
	v37 =	vmul.f32 v37, v42  }
0x1af: {  	s13 =	simm.s32 $0x20;
	v24 =	vld [tilespmem:s14+$0x0];
	s14 =	simm.s32 $0x100;
	v49 =	vsub.f32 v57, v28;
	v40 =	vmul.f32 v40, v42;
	v39 =	vmul.f32 v39, v42  }
0x1b0: {  	s25 =	simm.s32 $0x15B20;
	v20 =	vld [tilespmem:$0x16980];
	s26 =	sand.u32 $0x70, s13;
	s4 =	sand.u32 $0x1C00, s14;
	v43 =	vmul.f32 v43, v42;
	v45 =	vmul.f32 v56, v42;
	v58 =	vadd.f32 v37, v41  }
0x1b1: {  	v54 =	vmul.f32 v38, v42;
	v38 =	vld [tilespmem:s25+$0x0];
	s18 =	sor.u32 s26, s4;
	v47 =	vmul.f32 v47, v33;
	v44 =	vadd.f32 v44, v41  }
0x1b2: {  	v61 =	vmul.f32 v48, v36;
	v48 =	vsub.f32 v59, v27;
	v63 =	vld [tilespmem:s18+$0xC300];
	v43 =	vadd.f32 v43, v41;
	[tilespmem:s9+$0xF400] =	vst v58  }
0x1b3: {  	v46 =	vmul.f32 v46, v35;
	v57 =	vld [tilespmem:s18+$0xC380];
	v59 =	vsub.f32 v60, v21;
	v45 =	vadd.f32 v45, v41;
	[tilespmem:s9+$0xF380] =	vst v44  }
0x1b4: {  	v60 =	vsub.f32 v53, v29;
	v52 =	vld [tilespmem:s18+$0xC400];
	v62 =	vadd.f32 v54, v41;
	v47 =	vmul.f32 v47, v23;
	[tilespmem:s9+$0xF480] =	vst v43  }
0x1b5: {  	s21 =	simm.s32 $0x15820;
	v53 =	vld [tilespmem:s18+$0xC500];
	v39 =	vadd.f32 v39, v41;
	v48 =	vmul.f32 v48, v25;
	v58 =	vmul.f32 v49, v26;
	[tilespmem:s9+$0xF300] =	vst v45  }
0x1b6: {  	v37 =	vld [tilespmem:s21+$0x0];
	v40 =	vadd.f32 v40, v41;
	v44 =	vmul.f32 v61, v23;
	[tilespmem:s9+$0xF200] =	vst v62;
	v49 =	vmul.f32 v59, v22  }
0x1b7: {  	s6 =	sor.u32 s19, s19;
	v46 =	vmul.f32 v46, v23;
	v61 =	vld [tilespmem:s18+$0xC200];
	v45 =	vmul.f32 v60, v30;
	[tilespmem:s9+$0xF500] =	vst v39;
	v47 =	vadd.f32 v47, v24  }
0x1b8: {  	s19 =	sor.u32 $0x380, s6;
	v54 =	vld [tilespmem:s18+$0xC480];
	[tilespmem:s9+$0xF280] =	vst v40;
	v48 =	vmul.f32 v48, v23;
	v44 =	vadd.f32 v44, v24;
	v55 =	vmul.f32 v49, v23  }
0x1b9: {  	v51 =	vld [tilespmem:s19+$0xC200];
	v62 =	vsub.f32 v63, v31;
	v63 =	vmul.f32 v45, v23;
	v60 =	vsub.f32 v57, v34  }
0x1ba: {  	s17 =	simm.s32 $0x180;
	s10 =	simm.s32 $0x15B30;
	s20 =	simm.s32 $0x30;
	v49 =	vld [tilespmem:s18+$0xC280];
	v43 =	vmul.f32 v58, v23;
	v52 =	vsub.f32 v52, v32;
	v48 =	vadd.f32 v48, v24  }
0x1bb: {  	s25 =	sand.u32 $0x1C00, s17;
	s21 =	sand.u32 $0x70, s20;
	s9 =	simm.s32 $0x15830;
	v40 =	vld [tilespmem:s10+$0x0];
	v56 =	vmul.f32 v62, v35;
	v57 =	vadd.f32 v63, v24;
	v63 =	vsub.f32 v53, v27  }
0x1bc: {  	s21 =	sor.u32 s21, s25;
	v39 =	vld [tilespmem:s9+$0x0];
	[tilespmem:s24+$0xF380] =	vst v47;
	v62 =	vmul.f32 v52, v36;
	v43 =	vadd.f32 v43, v24;
	v50 =	vsub.f32 v61, v28  }
0x1bd: {  	v58 =	vld [tilespmem:s21+$0xC380];
	v45 =	vmul.f32 v60, v33;
	[tilespmem:s24+$0xF400] =	vst v44;
	v55 =	vadd.f32 v55, v24;
	v61 =	vadd.f32 v46, v24  }
0x1be: {  	[tilespmem:s24+$0xF500] =	vst v48;
	v46 =	vmul.f32 v62, v37;
	v51 =	vsub.f32 v51, v19;
	v59 =	vmul.f32 v50, v26;
	v50 =	vld [tilespmem:s21+$0xC300]  }
0x1bf: {  	v47 =	vld [tilespmem:s21+$0xC200];
	v45 =	vmul.f32 v45, v37;
	v60 =	vsub.f32 v49, v21;
	[tilespmem:s24+$0xF300] =	vst v61;
	v61 =	vsub.f32 v54, v29  }
0x1c0: {  	[tilespmem:s24+$0xF480] =	vst v57;
	v52 =	vmul.f32 v63, v25;
	v49 =	vld [tilespmem:s21+$0xC400];
	v57 =	vadd.f32 v46, v38;
	v51 =	vmul.f32 v51, v20  }
0x1c1: {  	v44 =	vld [tilespmem:s21+$0xC480];
	[tilespmem:s24+$0xF200] =	vst v43;
	v62 =	vmul.f32 v60, v22;
	v54 =	vmul.f32 v61, v30;
	v60 =	vadd.f32 v45, v38  }
0x1c2: {  	s26 =	sor.u32 s29, s3;
	v48 =	vld [tilespmem:s21+$0xC280];
	[tilespmem:s24+$0xF280] =	vst v55;
	v45 =	vmul.f32 v52, v37;
	v52 =	vsub.f32 v58, v34;
	v63 =	vmul.f32 v51, v42  }
0x1c3: {  	s6 =	simm.s32 $0x15B40;
	s3 =	sor.u32 s11, s31;
	s24 =	sor.u32 $0x380, s26;
	v46 =	vld [tilespmem:s21+$0xC500];
	[tilespmem:s18+$0xF400] =	vst v57;
	v51 =	vmul.f32 v59, v37;
	v43 =	vmul.f32 v62, v37;
	v53 =	vsub.f32 v50, v31  }
0x1c4: {  	s29 =	simm.s32 $0x200;
	s25 =	simm.s32 $0x40;
	s9 =	simm.s32 $0x15840;
	v42 =	vld [tilespmem:s24+$0xC200];
	v54 =	vmul.f32 v54, v37;
	[tilespmem:s18+$0xF380] =	vst v60;
	v50 =	vmul.f32 v56, v37;
	v41 =	vadd.f32 v63, v41  }
.LBB2_7:
0x1c5: {  	s0 =	sand.u32 $0x70, s25;
	s1 =	sand.u32 $0x1C00, s29;
	v55 =	vmul.f32 v53, v35;
	v49 =	vsub.f32 v49, v32;
	s4 =	smov.u32 s25  }
0x1c6: {  	v53 =	vadd.f32 v54, v38;
	v54 =	vmovc v39;
	v39 =	vld [tilespmem:s9+$0x0];
	v56 =	vmovc v24;
	v24 =	vmov v38;
	v38 =	vmov v40;
	s10 =	sadd.s32 $0x10, s25;
	s26 =	smov.u32 s14;
	s14 =	smov.u32 s17  }
0x1c7: {  	p2 =	sne.s32 s25, $0x2F0;
	v47 =	vsub.f32 v47, v28;
	v40 =	vld [tilespmem:s6+$0x0];
	s0 =	sor.u32 s0, s1;
	v52 =	vmul.f32 v52, v33;
	v50 =	vadd.f32 v50, v24;
	[tilespmem:s19+$0xF200] =	vst v41;
	s19 =	smov.u32 s24  }
0x1c8: {  	s17 =	smov.u32 s29;
	v51 =	vadd.f32 v51, v24;
	v41 =	vld [tilespmem:s0+$0xC380];
	v49 =	vmul.f32 v49, v36;
	v46 =	vsub.f32 v46, v27;
	[tilespmem:s18+$0xF480] =	vst v53  }
0x1c9: {  	v57 =	vmul.f32 v47, v26;
	v53 =	vld [tilespmem:s0+$0xC300];
	v47 =	vsub.f32 v48, v21;
	v48 =	vmul.f32 v52, v54;
	[tilespmem:s18+$0xF300] =	vst v50  }
0x1ca: {  	v52 =	vsub.f32 v44, v29;
	v50 =	vmul.f32 v49, v54;
	v44 =	vld [tilespmem:s0+$0xC480];
	[tilespmem:s18+$0xF200] =	vst v51;
	v42 =	vsub.f32 v42, v19  }
0x1cb: {  	v45 =	vadd.f32 v45, v24;
	v49 =	vld [tilespmem:s0+$0xC400];
	v51 =	vmul.f32 v47, v22;
	v58 =	vadd.f32 v48, v38  }
.Ltmp2:
0x1cc: {  	v47 =	vld [tilespmem:s0+$0xC200];
	v48 =	vadd.f32 v50, v38;
	v50 =	vmul.f32 v46, v25;
	v42 =	vmul.f32 v42, v20;
	(pc) =	sbr.rel @p2 .LBB2_7-.Ltmp2, $4  }
0x1cd: {  	s29 =	sadd.s32 $0x80, s29;
	v59 =	vadd.f32 v43, v24;
	v52 =	vmul.f32 v52, v30;
	v43 =	vmul.f32 v51, v54;
	[tilespmem:s18+$0xF500] =	vst v45  }
0x1ce: {  	s1 =	sor.u32 s26, s13;
	s13 =	smov.u32 s20;
	s20 =	smov.u32 s4;
	v46 =	vld [tilespmem:s0+$0xC500];
	[tilespmem:s21+$0xF400] =	vst v48;
	v45 =	vmul.f32 v50, v54;
	v60 =	vmul.f32 v42, v23;
	v23 =	vmovc v37;
	v37 =	vmov v54  }
0x1cf: {  	s24 =	sor.u32 $0x380, s1;
	v53 =	vsub.f32 v53, v31;
	v48 =	vld [tilespmem:s0+$0xC280];
	v50 =	vmul.f32 v55, v37;
	v54 =	vmul.f32 v52, v37;
	[tilespmem:s18+$0xF280] =	vst v59;
	s18 =	smov.u32 s21;
	s21 =	smov.u32 s0  }
0x1d0: {  	s9 =	sadd.s32 $0x10, s9;
	s6 =	sadd.s32 $0x10, s6;
	s25 =	smov.u32 s10;
	v52 =	vsub.f32 v41, v34;
	v51 =	vmul.f32 v57, v37;
	[tilespmem:s18+$0xF380] =	vst v58;
	v42 =	vld [tilespmem:s24+$0xC200];
	v41 =	vadd.f32 v60, v56  }
0x1d1: {  	v31 =	vsub.f32 v49, v32;
	v49 =	vadd.f32 v54, v38  }
0x1d2: {  	v28 =	vsub.f32 v47, v28;
	v34 =	vmul.f32 v53, v35;
	v33 =	vmul.f32 v52, v33  }
0x1d3: {  	v50 =	vadd.f32 v50, v38;
	v29 =	vsub.f32 v44, v29;
	v31 =	vmul.f32 v31, v36  }
0x1d4: {  	v54 =	vadd.f32 v45, v38;
	[tilespmem:s18+$0xF480] =	vst v49;
	v26 =	vmul.f32 v28, v26;
	v28 =	vmul.f32 v33, v39  }
0x1d5: {  	v53 =	vadd.f32 v51, v38;
	[tilespmem:s18+$0xF300] =	vst v50;
	v29 =	vmul.f32 v29, v30;
	v31 =	vmul.f32 v31, v39  }
0x1d6: {  	v27 =	vsub.f32 v46, v27;
	[tilespmem:s18+$0xF500] =	vst v54;
	v28 =	vadd.f32 v28, v40  }
0x1d7: {  	[tilespmem:s18+$0xF200] =	vst v53;
	v21 =	vsub.f32 v48, v21;
	v29 =	vmul.f32 v29, v39;
	v30 =	vadd.f32 v31, v40  }
0x1d8: {  	v25 =	vmul.f32 v27, v25;
	v27 =	vmul.f32 v34, v39;
	v31 =	vadd.f32 v43, v38;
	[tilespmem:s21+$0xF380] =	vst v28  }
0x1d9: {  	v21 =	vmul.f32 v21, v22;
	v22 =	vmul.f32 v26, v39;
	v26 =	vadd.f32 v29, v40;
	[tilespmem:s21+$0xF400] =	vst v30  }
0x1da: {  	v25 =	vmul.f32 v25, v39;
	v27 =	vadd.f32 v27, v40;
	[tilespmem:s18+$0xF280] =	vst v31  }
0x1db: {  	v21 =	vmul.f32 v21, v39;
	v22 =	vadd.f32 v22, v40;
	[tilespmem:s21+$0xF480] =	vst v26  }
0x1dc: {  	[tilespmem:s21+$0xF300] =	vst v27;
	v25 =	vadd.f32 v25, v40  }
0x1dd: {  	s0 =	sor.u32 s14, s13;
	[tilespmem:s21+$0xF200] =	vst v22;
	v21 =	vadd.f32 v21, v40  }
0x1de: {  	s1 =	sor.u32 s17, s20;
	s0 =	sor.u32 $0x380, s0;
	[tilespmem:s21+$0xF500] =	vst v25  }
0x1df: {  	s1 =	sor.u32 $0x380, s1;
	v22 =	vld [tilespmem:s0+$0xC200];
	[tilespmem:s21+$0xF280] =	vst v21  }
0x1e0: {  	v21 =	vld [tilespmem:s1+$0xC200];
	_ =	sdelay $0x2  }
0x1e1: {  	v25 =	vsub.f32 v42, v19  }
0x1e2: {  	v22 =	vsub.f32 v22, v19  }
0x1e3: {  	v25 =	vmul.f32 v25, v20;
	v19 =	vsub.f32 v21, v19  }
0x1e4: {  	v21 =	vmul.f32 v22, v20  }
0x1e5: {  	v22 =	vmul.f32 v25, v23;
	v19 =	vmul.f32 v19, v20  }
0x1e6: {  	v20 =	vmul.f32 v21, v37  }
0x1e7: {  	v21 =	vadd.f32 v22, v24;
	v19 =	vmul.f32 v19, v39  }
0x1e8: {  	[tilespmem:s19+$0xF200] =	vst v41;
	v20 =	vadd.f32 v20, v38  }
0x1e9: {  	[tilespmem:s24+$0xF200] =	vst v21;
	v19 =	vadd.f32 v19, v40  }
0x1ea: {  	[tilespmem:s0+$0xF200] =	vst v20  }
0x1eb: {  	[tilespmem:s1+$0xF200] =	vst v19  }
0x1ec: {  	v32 =	vld [tilespmem:$0x16200]  }
0x1ed: {  	v29 =	vld [tilespmem:$0x16280]  }
0x1ee: {  	v27 =	vld [tilespmem:$0x16300]  }
0x1ef: {  	v24 =	vld [tilespmem:$0x16380]  }
0x1f0: {  	v22 =	vld [tilespmem:$0x16400]  }
0x1f1: {  	v20 =	vld [tilespmem:$0x16480]  }
0x1f2: {  	v19 =	vld [tilespmem:$0x16500]  }
0x1f3: {  	v34 =	vld [tilespmem:$0x16580]  }
0x1f4: {  	v30 =	vld [tilespmem:$0x16A00]  }
0x1f5: {  	v28 =	vld [tilespmem:$0x16A80]  }
0x1f6: {  	v26 =	vld [tilespmem:$0x16B00]  }
0x1f7: {  	s19 =	simm.s32 $0x0;
	v25 =	vld [tilespmem:$0x16B80]  }
0x1f8: {  	s20 =	sand.u32 $0x70, s19;
	s0 =	sand.u32 $0x1C00, s19;
	v23 =	vld [tilespmem:$0x16C00]  }
0x1f9: {  	s14 =	sor.u32 s20, s0;
	v33 =	vld [tilespmem:$0x16D80]  }
0x1fa: {  	v31 =	vld [tilespmem:s14+$0xDD80]  }
0x1fb: {  	v36 =	vld [tilespmem:s14+$0xDA00]  }
0x1fc: {  	v55 =	vld [tilespmem:s14+$0xDA80]  }
0x1fd: {  	s21 =	simm.s32 $0x15800;
	v56 =	vld [tilespmem:s14+$0xDB00]  }
0x1fe: {  	v40 =	vld [tilespmem:s21+$0x0]  }
0x1ff: {  	v57 =	vld [tilespmem:s14+$0xDB80]  }
0x200: {  	s25 =	simm.s32 $0x10;
	s26 =	simm.s32 $0x80;
	v41 =	vld [tilespmem:s14+$0xDC00]  }
0x201: {  	s0 =	sand.u32 $0x70, s25;
	s1 =	sand.u32 $0x1C00, s26;
	v59 =	vld [tilespmem:s14+$0xDC80]  }
0x202: {  	v60 =	vld [tilespmem:s14+$0xDD00];
	s13 =	sor.u32 s0, s1  }
0x203: {  	v61 =	vld [tilespmem:s13+$0xDD80];
	v31 =	vsub.f32 v31, v34  }
0x204: {  	v62 =	vld [tilespmem:s13+$0xDA00];
	v36 =	vsub.f32 v36, v32;
	v37 =	vsub.f32 v55, v29  }
0x205: {  	s24 =	simm.s32 $0x15B00;
	v63 =	vld [tilespmem:s13+$0xDA80];
	v38 =	vsub.f32 v56, v27;
	v39 =	vsub.f32 v57, v24  }
0x206: {  	v35 =	vld [tilespmem:s24+$0x0];
	v41 =	vsub.f32 v41, v22;
	v43 =	vsub.f32 v59, v20  }
0x207: {  	v21 =	vld [tilespmem:$0x16C80];
	v44 =	vsub.f32 v60, v19;
	v58 =	vmul.f32 v31, v33;
	v36 =	vmul.f32 v36, v30  }
0x208: {  	v59 =	vsub.f32 v61, v34;
	v37 =	vmul.f32 v37, v28;
	v38 =	vmul.f32 v38, v26  }
0x209: {  	v60 =	vsub.f32 v62, v32;
	v31 =	vld [tilespmem:$0x16D00];
	v39 =	vmul.f32 v39, v25;
	v42 =	vmul.f32 v58, v40  }
0x20a: {  	v47 =	vsub.f32 v63, v29;
	v41 =	vmul.f32 v41, v23;
	v36 =	vmul.f32 v36, v40  }
0x20b: {  	s18 =	simm.s32 $0x15810;
	v56 =	vld [tilespmem:s13+$0xDB00];
	v37 =	vmul.f32 v37, v40;
	v38 =	vmul.f32 v38, v40;
	v42 =	vadd.f32 v42, v35  }
0x20c: {  	v43 =	vmul.f32 v43, v21;
	v63 =	vmul.f32 v59, v33;
	v55 =	vadd.f32 v36, v35;
	v36 =	vld [tilespmem:s18+$0x0]  }
0x20d: {  	s17 =	simm.s32 $0x15B10;
	v39 =	vmul.f32 v39, v40;
	v57 =	vadd.f32 v37, v35;
	v58 =	vadd.f32 v38, v35;
	v38 =	vld [tilespmem:s13+$0xDB80];
	[tilespmem:s14+$0x10D80] =	vst v42  }
0x20e: {  	v41 =	vmul.f32 v41, v40;
	v37 =	vld [tilespmem:s17+$0x0];
	v44 =	vmul.f32 v44, v31;
	[tilespmem:s14+$0x10A00] =	vst v55  }
0x20f: {  	v45 =	vmul.f32 v60, v30;
	v62 =	vmul.f32 v43, v40;
	v61 =	vadd.f32 v39, v35;
	v39 =	vld [tilespmem:s13+$0xDC00];
	[tilespmem:s14+$0x10A80] =	vst v57  }
0x210: {  	s29 =	simm.s32 $0x20;
	s6 =	simm.s32 $0x100;
	v46 =	vsub.f32 v56, v27;
	v43 =	vadd.f32 v41, v35;
	[tilespmem:s14+$0x10B00] =	vst v58;
	v42 =	vmul.f32 v44, v40;
	v40 =	vld [tilespmem:s13+$0xDC80]  }
0x211: {  	s9 =	simm.s32 $0x30;
	s10 =	sand.u32 $0x70, s29;
	s19 =	sand.u32 $0x1C00, s6;
	v47 =	vmul.f32 v47, v28;
	v41 =	vld [tilespmem:s13+$0xDD00];
	[tilespmem:s14+$0x10B80] =	vst v61;
	v44 =	vadd.f32 v62, v35;
	v48 =	vmul.f32 v63, v36  }
.LBB2_9:
0x212: {  	p2 =	sne.s32 s9, $0x2F0;
	s0 =	sor.u32 s10, s19;
	v45 =	vmul.f32 v45, v36;
	v46 =	vmul.f32 v46, v26;
	v38 =	vsub.f32 v38, v24;
	[tilespmem:s14+$0x10C00] =	vst v43  }
0x213: {  	v42 =	vadd.f32 v42, v35;
	v43 =	vld [tilespmem:s0+$0xDD80];
	v47 =	vmul.f32 v47, v36;
	v48 =	vadd.f32 v48, v37;
	[tilespmem:s14+$0x10C80] =	vst v44  }
0x214: {  	v35 =	vmovc v37;
	v44 =	vld [tilespmem:s0+$0xDA00];
	v46 =	vmul.f32 v46, v36;
	v38 =	vmul.f32 v38, v25;
	v39 =	vsub.f32 v39, v22  }
0x215: {  	v37 =	vadd.f32 v45, v35;
	v49 =	vld [tilespmem:s0+$0xDA80];
	v40 =	vsub.f32 v40, v20;
	[tilespmem:s13+$0x10D80] =	vst v48  }
0x216: {  	s18 =	sadd.s32 $0x10, s18;
	v48 =	vld [tilespmem:s0+$0xDB00];
	v45 =	vmul.f32 v38, v36;
	v39 =	vmul.f32 v39, v23;
	v41 =	vsub.f32 v41, v19;
	[tilespmem:s14+$0x10D00] =	vst v42;
	s14 =	smov.u32 s13;
	s13 =	smov.u32 s0  }
0x217: {  	v42 =	vadd.f32 v47, v35;
	v46 =	vadd.f32 v46, v35;
	v50 =	vld [tilespmem:s18+$0x0];
	[tilespmem:s14+$0x10A00] =	vst v37;
	v40 =	vmul.f32 v40, v21  }
.Ltmp3:
0x218: {  	s17 =	sadd.s32 $0x10, s17;
	v38 =	vld [tilespmem:s13+$0xDB80];
	v43 =	vsub.f32 v43, v34;
	v47 =	vmul.f32 v39, v36;
	v41 =	vmul.f32 v41, v31;
	(pc) =	sbr.rel @p2 .LBB2_9-.Ltmp3, $4  }
0x219: {  	v51 =	vadd.f32 v45, v35;
	v37 =	vld [tilespmem:s17+$0x0];
	v44 =	vsub.f32 v44, v32;
	[tilespmem:s14+$0x10A80] =	vst v42;
	v52 =	vmul.f32 v40, v36  }
0x21a: {  	v49 =	vsub.f32 v49, v29;
	v39 =	vld [tilespmem:s13+$0xDC00];
	v53 =	vmul.f32 v43, v33;
	[tilespmem:s14+$0x10B00] =	vst v46;
	v42 =	vmul.f32 v41, v36  }
0x21b: {  	s6 =	sadd.s32 $0x80, s6;
	v43 =	vadd.f32 v47, v35;
	v45 =	vmul.f32 v44, v30;
	v46 =	vsub.f32 v48, v27;
	v40 =	vld [tilespmem:s13+$0xDC80];
	[tilespmem:s14+$0x10B80] =	vst v51  }
0x21c: {  	s10 =	sand.u32 $0x70, s9;
	s9 =	sadd.s32 $0x10, s9;
	s19 =	sand.u32 $0x1C00, s6;
	v44 =	vadd.f32 v52, v35;
	v47 =	vmul.f32 v49, v28;
	v41 =	vld [tilespmem:s13+$0xDD00];
	v48 =	vmul.f32 v53, v50;
	v36 =	vmovc v50  }
0x21d: {  	s6 =	sor.u32 s10, s19  }
0x21e: {  	v49 =	vld [tilespmem:s6+$0xDD80]  }
0x21f: {  	v50 =	vld [tilespmem:s6+$0xDA00]  }
0x220: {  	v38 =	vsub.f32 v38, v24;
	v55 =	vld [tilespmem:s6+$0xDA80]  }
0x221: {  	v45 =	vmul.f32 v45, v36;
	v46 =	vmul.f32 v46, v26;
	v35 =	vadd.f32 v42, v35;
	v51 =	vld [tilespmem:s6+$0xDB00]  }
0x222: {  	v47 =	vmul.f32 v47, v36;
	v48 =	vadd.f32 v48, v37;
	v57 =	vld [tilespmem:s6+$0xDB80];
	v38 =	vmul.f32 v38, v25  }
0x223: {  	v61 =	vld [tilespmem:s6+$0xDC00];
	v54 =	vmul.f32 v46, v36;
	v39 =	vsub.f32 v39, v22;
	v45 =	vadd.f32 v45, v37  }
0x224: {  	v63 =	vld [tilespmem:s6+$0xDC80];
	v40 =	vsub.f32 v40, v20;
	v47 =	vadd.f32 v47, v37;
	v38 =	vmul.f32 v38, v36  }
0x225: {  	[tilespmem:s14+$0x10C00] =	vst v43;
	v46 =	vld [tilespmem:s6+$0xDD00];
	v39 =	vmul.f32 v39, v23;
	v41 =	vsub.f32 v41, v19;
	v42 =	vadd.f32 v54, v37  }
0x226: {  	s0 =	sadd.s32 $0x10, s18;
	[tilespmem:s14+$0x10C80] =	vst v44;
	v40 =	vmul.f32 v40, v21;
	v34 =	vsub.f32 v49, v34;
	v32 =	vsub.f32 v50, v32  }
0x227: {  	v56 =	vld [tilespmem:s0+$0x0];
	[tilespmem:s14+$0x10D00] =	vst v35;
	v39 =	vmul.f32 v39, v36;
	v59 =	vadd.f32 v38, v37;
	v29 =	vsub.f32 v55, v29  }
0x228: {  	s10 =	sadd.s32 $0x10, s17;
	[tilespmem:s13+$0x10D80] =	vst v48;
	v41 =	vmul.f32 v41, v31;
	v27 =	vsub.f32 v51, v27;
	v24 =	vsub.f32 v57, v24  }
0x229: {  	v58 =	vld [tilespmem:s10+$0x0];
	[tilespmem:s13+$0x10A00] =	vst v45;
	v22 =	vsub.f32 v61, v22;
	v20 =	vsub.f32 v63, v20;
	v60 =	vmul.f32 v40, v36  }
0x22a: {  	[tilespmem:s13+$0x10A80] =	vst v47;
	v19 =	vsub.f32 v46, v19;
	v33 =	vmul.f32 v34, v33;
	v62 =	vmul.f32 v41, v36  }
0x22b: {  	[tilespmem:s13+$0x10B00] =	vst v42;
	v30 =	vmul.f32 v32, v30;
	v45 =	vadd.f32 v39, v37;
	v28 =	vmul.f32 v29, v28  }
0x22c: {  	[tilespmem:s13+$0x10B80] =	vst v59;
	v26 =	vmul.f32 v27, v26;
	v29 =	vadd.f32 v60, v37;
	v33 =	vmul.f32 v33, v56  }
0x22d: {  	v24 =	vmul.f32 v24, v25;
	v30 =	vmul.f32 v30, v56;
	[tilespmem:s13+$0x10C00] =	vst v45;
	v47 =	vadd.f32 v62, v37  }
0x22e: {  	v22 =	vmul.f32 v22, v23;
	v28 =	vmul.f32 v28, v56;
	[tilespmem:s13+$0x10C80] =	vst v29;
	v27 =	vadd.f32 v33, v58  }
0x22f: {  	v20 =	vmul.f32 v20, v21;
	v26 =	vmul.f32 v26, v56;
	v25 =	vadd.f32 v30, v58;
	[tilespmem:s13+$0x10D00] =	vst v47  }
0x230: {  	v19 =	vmul.f32 v19, v31;
	v23 =	vmul.f32 v24, v56;
	v24 =	vadd.f32 v28, v58;
	[tilespmem:s6+$0x10D80] =	vst v27  }
0x231: {  	v20 =	vmul.f32 v20, v56;
	v21 =	vadd.f32 v26, v58;
	[tilespmem:s6+$0x10A00] =	vst v25  }
0x232: {  	v19 =	vmul.f32 v19, v56;
	v23 =	vadd.f32 v23, v58;
	[tilespmem:s6+$0x10A80] =	vst v24  }
0x233: {  	v22 =	vmul.f32 v22, v56;
	v20 =	vadd.f32 v20, v58;
	[tilespmem:s6+$0x10B00] =	vst v21  }
0x234: {  	s17 =	sshrl.u32 s3, $0x3;
	v19 =	vadd.f32 v19, v58;
	[tilespmem:s6+$0x10B80] =	vst v23  }
0x235: {  	s3 =	smul.u32 $0x300, s17;
	v21 =	vadd.f32 v22, v58;
	[tilespmem:s6+$0x10C80] =	vst v20  }
0x236: {  	s18 =	rddreg [dreg:$0x7];
	[tilespmem:s6+$0x10D00] =	vst v19  }
0x237: {  	s19 =	simm.s32 $0x0;
	s1 =	simm.s32 $0xF200;
	s0 =	sadd.s32 s18, s3;
	[tilespmem:s6+$0x10C00] =	vst v21  }
0x238: {  	[hbm4b:s0+s19] =	stream.linear.scatter [tilespmem:s1], [sflag:$0x5], $0x3000, $0x38;
	[tilespmem:$0x16E00] =	vst v63  }
0x239: {  	_ =	swait.ge [sflag:s8], $0x3000  }
0x23a: {  	[sflag:s8] =	ssyncset.done $0x0  }
0x23b: {  	[sflag:s8] =	ssyncadd.s32 $0xFFFFD000  }
0x23c: {  	_ =	swait.ge [sflag:s23], $0x3000  }
0x23d: {  	[sflag:s23] =	ssyncset.done $0x0  }
0x23e: {  	s20 =	sand.u32 $0x7FFFFC00, s19;
	s21 =	sand.u32 $0x70, s19;
	[sflag:s23] =	ssyncadd.s32 $0xFFFFD000  }
0x23f: {  	s9 =	sor.u32 s21, s20;
	v19 =	vld [tilespmem:$0x180]  }
0x240: {  	v21 =	vld [tilespmem:s9+$0x9400]  }
0x241: {  	s0 =	sshrl.u32 s20, $0x2;
	v22 =	vld [tilespmem:s9+$0x9500]  }
0x242: {  	s0 =	sor.u32 s21, s0;
	v23 =	vld [tilespmem:s9+$0x9380]  }
0x243: {  	s1 =	sadd.s32 $0x15200, s0;
	v24 =	vld [tilespmem:s9+$0x9200]  }
0x244: {  	v28 =	vld [tilespmem:s1+$0x80]  }
0x245: {  	v32 =	vld [tilespmem:s0+$0x15200]  }
0x246: {  	v31 =	vld [tilespmem:s9+$0x9300];
	v26 =	vperm.xlane v19, v3  }
0x247: {  	v51 =	vld [tilespmem:s9+$0x9280];
	v27 =	vperm.xlane v19, v4;
	v29 =	vperm.xlane v19, v5  }
0x248: {  	v55 =	vld [tilespmem:s9+$0x3380];
	v30 =	vperm.xlane v19, v6;
	v50 =	vperm.xlane v19, v9  }
0x249: {  	v20 =	vimm.f32 $0.0e+00;
	v58 =	vld [tilespmem:s9+$0x3200];
	v49 =	vperm.xlane v19, v7;
	v52 =	vperm.xlane v19, v8  }
0x24a: {  	vm2 =	vgt.s32 v26, $0x0;
	v26 =	vld [tilespmem:s9+$0x3500];
	vm3 =	vgt.s32 v50, $0x0;
	vm4 =	vgt.s32 v29, $0x0  }
0x24b: {  	vm5 =	vgt.s32 v27, $0x0;
	v27 =	vld [tilespmem:s9+$0x3280];
	vm6 =	vgt.s32 v30, $0x0;
	vm7 =	vgt.s32 v52, $0x0  }
0x24c: {  	v29 =	vld [tilespmem:s9+$0x9480];
	v30 =	vsel vm2, v28, v32;
	v53 =	vsel vm5, v28, v32;
	v62 =	vsel vm6, v28, v32  }
0x24d: {  	s24 =	simm.s32 $0x80;
	s18 =	simm.s32 $0x10;
	v25 =	vld [tilespmem:s9+$0x3480];
	v34 =	vsel vm3, v28, v32;
	v24 =	vadd.f32 v24, v30;
	v23 =	vadd.f32 v23, v62  }
0x24e: {  	s25 =	sand.u32 $0x7FFFFC00, s24;
	s26 =	sand.u32 $0x70, s18;
	v54 =	vld [tilespmem:s9+$0x3300];
	vm8 =	vgt.s32 v49, $0x0;
	v22 =	vadd.f32 v22, v34;
	v33 =	vadd.f32 v51, v53  }
0x24f: {  	s14 =	sor.u32 s26, s25;
	v63 =	vld [tilespmem:s9+$0x3400];
	v30 =	vsel vm4, v28, v32;
	v23 =	vadd.f32 v23, v55;
	v24 =	vadd.f32 v24, v58  }
0x250: {  	v43 =	vld [tilespmem:s14+$0x9380];
	v56 =	vsel vm7, v28, v32;
	v57 =	vadd.f32 v22, v26;
	v22 =	vadd.f32 v31, v30  }
0x251: {  	v61 =	vld [tilespmem:s14+$0x9200];
	v30 =	vsel vm8, v28, v32;
	v31 =	vadd.f32 v33, v27;
	v29 =	vadd.f32 v29, v56;
	[tilespmem:s9+$0xC380] =	vst v23  }
0x252: {  	v41 =	vld [tilespmem:s14+$0x9300];
	v21 =	vadd.f32 v21, v30;
	v62 =	vmul.f32 v24, v24;
	[tilespmem:s9+$0xC200] =	vst v24;
	v37 =	vadd.f32 v24, v20  }
0x253: {  	s0 =	sshrl.u32 s25, $0x2;
	v40 =	vld [tilespmem:s14+$0x3380];
	[tilespmem:s9+$0xC500] =	vst v57;
	v30 =	vmul.f32 v57, v57;
	v59 =	vadd.f32 v22, v54;
	v27 =	vadd.f32 v31, v20  }
0x254: {  	v45 =	vld [tilespmem:s14+$0x3500];
	s0 =	sor.u32 s26, s0;
	[tilespmem:s9+$0xC280] =	vst v31;
	v31 =	vmul.f32 v31, v31;
	v60 =	vadd.f32 v29, v25;
	v21 =	vadd.f32 v21, v63  }
0x255: {  	s1 =	sadd.s32 $0x15200, s0;
	v55 =	vld [tilespmem:s0+$0x15200];
	v29 =	vperm.xlane v19, v10;
	v39 =	vadd.f32 v62, v20;
	v22 =	vadd.f32 v30, v20;
	[tilespmem:s9+$0xC300] =	vst v59  }
0x256: {  	s29 =	sor.u32 s19, s19;
	v54 =	vld [tilespmem:s1+$0x80];
	v25 =	vmul.f32 v59, v59;
	[tilespmem:s9+$0xC480] =	vst v60;
	v35 =	vadd.f32 v31, v20;
	v31 =	vadd.f32 v23, v20  }
0x257: {  	s13 =	sor.u32 $0x380, s29;
	v48 =	vld [tilespmem:s14+$0x3280];
	v23 =	vmul.f32 v23, v23;
	v24 =	vmul.f32 v60, v60;
	v38 =	vadd.f32 v59, v20;
	[tilespmem:s9+$0xC400] =	vst v21  }
0x258: {  	v33 =	vadd.f32 v25, v20;
	v25 =	vadd.f32 v21, v20;
	v21 =	vmul.f32 v21, v21;
	v63 =	vld [tilespmem:s13+$0x9200]  }
0x259: {  	v49 =	vld [tilespmem:s14+$0x9500];
	vm9 =	vgt.s32 v29, $0x0;
	v34 =	vadd.f32 v60, v20;
	v36 =	vadd.f32 v23, v20  }
0x25a: {  	v32 =	vsel vm9, v28, v32;
	v23 =	vadd.f32 v57, v20;
	v29 =	vadd.f32 v21, v20;
	v21 =	vld [tilespmem:s13+$0x3200]  }
0x25b: {  	v50 =	vld [tilespmem:s14+$0x9280];
	v28 =	vadd.f32 v24, v20;
	v42 =	vsel vm7, v54, v55;
	v24 =	vsel vm2, v54, v55  }
0x25c: {  	v26 =	vld [tilespmem:s14+$0x9400];
	v53 =	vsel vm5, v54, v55;
	v47 =	vsel vm4, v54, v55;
	v52 =	vsel vm6, v54, v55  }
0x25d: {  	v46 =	vld [tilespmem:s14+$0x9480];
	v44 =	vadd.f32 v61, v24;
	v24 =	vsel vm3, v54, v55;
	v56 =	vadd.f32 v63, v32  }
0x25e: {  	v30 =	vld [tilespmem:s14+$0x3480];
	v51 =	vsel vm8, v54, v55;
	v43 =	vadd.f32 v43, v52;
	v52 =	vadd.f32 v49, v24  }
0x25f: {  	s17 =	sor.u32 s24, s18;
	s6 =	simm.s32 $0x100;
	v49 =	vld [tilespmem:s14+$0x3300];
	v24 =	vimm.f32 $0.0e+00;
	v32 =	vsel vm9, v54, v55;
	v21 =	vadd.f32 v56, v21  }
.LBB2_11:
0x260: {  	s0 =	sand.u32 $0x7FFFFC00, s6  }
0x261: {  	v50 =	vadd.f32 v50, v53;
	v51 =	vadd.f32 v26, v51;
	s18 =	sadd.s32 $0x10, s18;
	s1 =	smov.u32 s6;
	s19 =	sadd.s32 $0x80, s6  }
0x262: {  	s4 =	sand.u32 $0x70, s18;
	s9 =	sshrl.u32 s0, $0x2;
	s1 =	sor.u32 s1, s18;
	v53 =	vld [tilespmem:s14+$0x3400];
	v45 =	vadd.f32 v52, v45;
	[tilespmem:s13+$0xC200] =	vst v21;
	v20 =	vadd.f32 v21, v20;
	v21 =	vmul.f32 v21, v21  }
0x263: {  	p2 =	sne.s32 s6, $0x1780;
	v41 =	vadd.f32 v41, v47;
	s9 =	sor.u32 s4, s9;
	s0 =	sor.u32 s4, s0;
	v52 =	vld [tilespmem:s14+$0x3200];
	v48 =	vadd.f32 v50, v48  }
0x264: {  	s4 =	sadd.s32 $0x15200, s9;
	v26 =	vld [tilespmem:s0+$0x9400];
	v42 =	vadd.f32 v46, v42;
	[tilespmem:s14+$0xC500] =	vst v45;
	v46 =	vmul.f32 v45, v45;
	v24 =	vadd.f32 v21, v24  }
0x265: {  	v21 =	vld [tilespmem:s0+$0x9500];
	[tilespmem:s14+$0xC280] =	vst v48;
	v27 =	vadd.f32 v48, v27;
	v47 =	vmul.f32 v48, v48;
	v48 =	vadd.f32 v41, v49  }
0x266: {  	v49 =	vld [tilespmem:s0+$0x9380];
	v54 =	vadd.f32 v42, v30;
	v22 =	vadd.f32 v46, v22  }
0x267: {  	v40 =	vadd.f32 v43, v40;
	v46 =	vld [tilespmem:s0+$0x9200];
	v35 =	vadd.f32 v47, v35;
	[tilespmem:s14+$0xC300] =	vst v48;
	v41 =	vmul.f32 v48, v48  }
0x268: {  	v43 =	vadd.f32 v51, v53;
	v55 =	vld [tilespmem:s4+$0x80];
	v42 =	vadd.f32 v44, v52;
	[tilespmem:s14+$0xC480] =	vst v54;
	v44 =	vmul.f32 v54, v54  }
0x269: {  	v31 =	vadd.f32 v40, v31;
	v30 =	vld [tilespmem:s0+$0x3480];
	v33 =	vadd.f32 v41, v33;
	[tilespmem:s14+$0xC380] =	vst v40;
	v40 =	vmul.f32 v40, v40  }
0x26a: {  	v25 =	vadd.f32 v43, v25;
	v56 =	vld [tilespmem:s9+$0x15200];
	v47 =	vmul.f32 v42, v42;
	[tilespmem:s14+$0xC400] =	vst v43;
	v43 =	vmul.f32 v43, v43  }
0x26b: {  	s13 =	sor.u32 $0x380, s17;
	s17 =	smov.u32 s1;
	v37 =	vadd.f32 v42, v37;
	v41 =	vld [tilespmem:s0+$0x9300];
	[tilespmem:s14+$0xC200] =	vst v42;
	v36 =	vadd.f32 v40, v36;
	s14 =	smov.u32 s0  }
0x26c: {  	v23 =	vadd.f32 v45, v23;
	v52 =	vld [tilespmem:s13+$0x9200]  }
0x26d: {  	v39 =	vadd.f32 v47, v39;
	v29 =	vadd.f32 v43, v29;
	v57 =	vld [tilespmem:s13+$0x3200]  }
0x26e: {  	v38 =	vadd.f32 v48, v38;
	v28 =	vadd.f32 v44, v28;
	v40 =	vld [tilespmem:s14+$0x3380]  }
.Ltmp4:
0x26f: {  	v34 =	vadd.f32 v54, v34;
	v50 =	vld [tilespmem:s14+$0x9280];
	v42 =	vsel vm7, v55, v56;
	(pc) =	sbr.rel @p2 .LBB2_11-.Ltmp4, $4  }
0x270: {  	v43 =	vsel vm2, v55, v56;
	v53 =	vsel vm5, v55, v56;
	v47 =	vsel vm4, v55, v56;
	v45 =	vld [tilespmem:s14+$0x3500]  }
0x271: {  	v54 =	vsel vm6, v55, v56;
	v51 =	vsel vm8, v55, v56;
	v48 =	vld [tilespmem:s14+$0x3280];
	v58 =	vadd.f32 v52, v32  }
0x272: {  	v44 =	vadd.f32 v46, v43;
	v43 =	vadd.f32 v49, v54;
	v32 =	vsel vm3, v55, v56;
	v46 =	vld [tilespmem:s14+$0x9480]  }
0x273: {  	s6 =	smov.u32 s19;
	v52 =	vadd.f32 v21, v32;
	v32 =	vsel vm9, v55, v56;
	v49 =	vld [tilespmem:s14+$0x3300];
	v21 =	vadd.f32 v58, v57  }
0x274: {  	v54 =	vld [tilespmem:s14+$0x3200];
	_ =	sdelay $0x4  }
0x275: {  	v50 =	vadd.f32 v50, v53;
	v44 =	vadd.f32 v44, v54;
	_ =	sdelay $0x1  }
0x276: {  	v41 =	vadd.f32 v41, v47;
	v48 =	vadd.f32 v50, v48;
	v59 =	vmul.f32 v44, v44  }
0x277: {  	v37 =	vadd.f32 v44, v37  }
0x278: {  	v50 =	vmul.f32 v48, v48;
	v41 =	vadd.f32 v41, v49;
	v39 =	vadd.f32 v59, v39  }
0x279: {  	v60 =	vld [tilespmem:s14+$0x3400];
	v27 =	vadd.f32 v48, v27;
	(xrf2) =	vadd.scan.msk.f32 $0xffff, v37  }
0x27a: {  	v35 =	vadd.f32 v50, v35;
	v61 =	vmul.f32 v41, v41;
	(xrf2) =	vadd.scan.msk.f32 $0xffff, v39  }
0x27b: {  	v40 =	vadd.f32 v43, v40;
	v38 =	vadd.f32 v41, v38;
	(xrf2) =	vadd.scan.msk.f32 $0xffff, v27  }
0x27c: {  	v26 =	vadd.f32 v26, v51;
	v27 =	vadd.f32 v61, v33;
	(xrf2) =	vadd.scan.msk.f32 $0xffff, v35  }
0x27d: {  	v31 =	vadd.f32 v40, v31;
	(xrf2) =	vadd.scan.msk.f32 $0xffff, v38  }
0x27e: {  	v26 =	vadd.f32 v26, v60;
	(xrf2) =	vadd.scan.msk.f32 $0xffff, v27;
	v27 =	vadd.f32 v46, v42  }
0x27f: {  	v62 =	vmul.f32 v40, v40  }
0x280: {  	v63 =	vadd.f32 v52, v45;
	(xrf2) =	vadd.scan.msk.f32 $0xffff, v31;
	v27 =	vadd.f32 v27, v30;
	v30 =	vmul.f32 v26, v26  }
0x281: {  	[tilespmem:s14+$0xC380] =	vst v40;
	v33 =	vadd.f32 v62, v36  }
0x282: {  	[tilespmem:s14+$0xC500] =	vst v63  }
0x283: {  	v23 =	vadd.f32 v63, v23;
	v25 =	vadd.f32 v26, v25;
	(xrf2) =	vadd.scan.msk.f32 $0xffff, v33;
	v31, _, _ =	vpop (xrf2);
	v43 =	vmul.f32 v27, v27  }
0x284: {  	[tilespmem:s14+$0xC280] =	vst v48;
	v29 =	vadd.f32 v30, v29;
	(v2sf) =	vpush v31, $0xF;
	v30, _, _ =	vpop (xrf2)  }
0x285: {  	[tilespmem:s14+$0xC400] =	vst v26;
	(xrf2) =	vadd.scan.msk.f32 $0xffff, v25;
	v25 =	vadd.f32 v43, v28;
	(v2sf) =	vpush v30, $0xF;
	v26, _, _ =	vpop (xrf2)  }
0x286: {  	[tilespmem:s14+$0xC480] =	vst v27;
	v27 =	vadd.f32 v27, v34;
	(v2sf) =	vpush v26, $0xF;
	v26, _, _ =	vpop (xrf2)  }
0x287: {  	[tilespmem:s14+$0xC300] =	vst v41;
	(xrf2) =	vadd.scan.msk.f32 $0xffff, v29;
	(v2sf) =	vpush v26, $0xF;
	v26, _, _ =	vpop (xrf2)  }
0x288: {  	[tilespmem:s14+$0xC200] =	vst v44;
	s14 =	sor.u32 $0x380, s17;
	(xrf2) =	vadd.scan.msk.f32 $0xffff, v27;
	(v2sf) =	vpush v26, $0xF  }
0x289: {  	v42 =	vmul.f32 v63, v63;
	v27 =	vld [tilespmem:s14+$0x9200];
	(xrf2) =	vadd.scan.msk.f32 $0xffff, v25;
	v25, _, _ =	vpop (xrf2)  }
0x28a: {  	(xrf2) =	vadd.scan.msk.f32 $0xffff, v23;
	v23, _, _ =	vpop (xrf2);
	(v2sf) =	vpush v25, $0xF  }
0x28b: {  	v22 =	vadd.f32 v42, v22;
	v26 =	vld [tilespmem:s14+$0x3200];
	(v2sf) =	vpush v23, $0xF;
	_ =	sdelay $0x1  }
0x28c: {  	(xrf2) =	vadd.scan.msk.f32 $0xffff, v22;
	v23, _, _ =	vpop (xrf2)  }
0x28d: {  	v22 =	vadd.f32 v27, v32;
	(v2sf) =	vpush v23, $0xF  }
0x28e: {  	v23, _, _ =	vpop (xrf2)  }
0x28f: {  	v25 =	vmul.f32 v21, v21;
	v22 =	vadd.f32 v22, v26;
	(v2sf) =	vpush v23, $0xF  }
0x290: {  	v20 =	vadd.f32 v21, v20;
	v26, _, _ =	vpop (xrf2)  }
0x291: {  	v24 =	vadd.f32 v25, v24;
	v25 =	vmul.f32 v22, v22;
	(v2sf) =	vpush v26, $0xF  }
0x292: {  	v23, _, _ =	vpop (xrf2);
	v20 =	vadd.f32 v22, v20;
	s0 =	spop (v2sf)  }
0x293: {  	v26, _, _ =	vpop (xrf2);
	(v2sf) =	vpush v23, $0xF;
	v23 =	vadd.f32 v25, v24;
	s6 =	smul.f32 $1.302083370e-03, s0;
	s1 =	spop (v2sf)  }
0x294: {  	(v2sf) =	vpush v26, $0xF;
	(xrf2) =	vadd.scan.msk.f32 $0xffff, v20;
	s24 =	smul.f32 $1.302083370e-03, s1;
	s25 =	spop (v2sf)  }
0x295: {  	v24, _, _ =	vpop (xrf2);
	(xrf2) =	vadd.scan.msk.f32 $0xffff, v23;
	s9 =	smul.f32 s6, s6;
	s4 =	spop (v2sf)  }
0x296: {  	(v2sf) =	vpush v24, $0xF;
	v20, _, _ =	vpop (xrf2);
	s19 =	smul.f32 $1.302083370e-03, s25;
	s10 =	spop (v2sf)  }
0x297: {  	(v2sf) =	vpush v20, $0xF;
	s4 =	smul.f32 $1.302083370e-03, s4;
	s0 =	ssub.f32 s24, s9  }
0x298: {  	s26 =	spop (v2sf);
	s18 =	smul.f32 s19, s19  }
0x299: {  	s21 =	smul.f32 $1.302083370e-03, s10;
	s29 =	spop (v2sf)  }
0x29a: {  	s0 =	sadd.f32 $9.999999960e-13, s0;
	s1 =	smul.f32 $1.302083370e-03, s26  }
0x29b: {  	s4 =	ssub.f32 s4, s18;
	s9 =	smul.f32 s21, s21  }
0x29c: {  	s20 =	spop (v2sf);
	s17 =	smul.f32 $1.302083370e-03, s29  }
0x29d: {  	v23 =	vmov s0;
	s0 =	smul.f32 $1.302083370e-03, s20;
	s4 =	sadd.f32 $9.999999960e-13, s4  }
0x29e: {  	v20, _, _ =	vpop (xrf2);
	s18 =	spop (v2sf);
	s25 =	smul.f32 s17, s17  }
0x29f: {  	(v2sf) =	vpush v20, $0xF;
	s1 =	ssub.f32 s1, s9;
	v20, _, _ =	vpop (xrf2);
	s18 =	smul.f32 $1.302083370e-03, s18  }
0x2a0: {  	s29 =	spop (v2sf);
	(v2sf) =	vpush v20, $0xF;
	v20 =	vshra.s32 v23, $0x1;
	v23 =	vmul.f32 $5.000000000e-01, v23;
	s0 =	ssub.f32 s0, s25  }
0x2a1: {  	v24 =	vmov s4;
	s1 =	sadd.f32 $9.999999960e-13, s1;
	v20 =	vsub.s32 $0x5F3759DF, v20;
	s10 =	smul.f32 $1.302083370e-03, s29  }
0x2a2: {  	s24 =	spop (v2sf);
	v26 =	vshra.s32 v24, $0x1;
	v24 =	vmul.f32 $5.000000000e-01, v24;
	s9 =	smul.f32 s18, s18;
	v25 =	vmul.f32 v20, v23  }
0x2a3: {  	s26 =	spop (v2sf);
	v26 =	vsub.s32 $0x5F3759DF, v26;
	s20 =	smul.f32 $1.302083370e-03, s24  }
0x2a4: {  	s0 =	sadd.f32 $9.999999960e-13, s0;
	v27 =	vmul.f32 v26, v24;
	s25 =	smul.f32 $1.302083370e-03, s26;
	v25 =	vmul.f32 v20, v25  }
0x2a5: {  	s4 =	spop (v2sf);
	s26 =	smul.f32 s20, s20  }
0x2a6: {  	s24 =	smul.f32 $1.302083370e-03, s4;
	s29 =	spop (v2sf);
	v27 =	vmul.f32 v26, v27;
	v25 =	vsub.f32 $1.500000000e+00, v25  }
0x2a7: {  	v28 =	vmov s1;
	s9 =	ssub.f32 s10, s9;
	s10 =	smul.f32 $1.302083370e-03, s29  }
0x2a8: {  	s25 =	ssub.f32 s25, s26;
	s26 =	smul.f32 s24, s24;
	v20 =	vmul.f32 v20, v25;
	v25 =	vsub.f32 $1.500000000e+00, v27;
	v27 =	vmov s0  }
0x2a9: {  	v29 =	vshra.s32 v28, $0x1;
	v28 =	vmul.f32 $5.000000000e-01, v28;
	s1 =	sadd.f32 $9.999999960e-13, s9;
	v30 =	vshra.s32 v27, $0x1  }
0x2aa: {  	s4 =	ssub.f32 s10, s26;
	v27 =	vmul.f32 $5.000000000e-01, v27;
	v25 =	vmul.f32 v26, v25;
	v26 =	vsub.s32 $0x5F3759DF, v29  }
0x2ab: {  	s0 =	sadd.f32 $9.999999960e-13, s25;
	v23 =	vmul.f32 v20, v23;
	v30 =	vsub.s32 $0x5F3759DF, v30;
	v29 =	vmul.f32 v26, v28  }
0x2ac: {  	v44 =	vmov s6;
	s4 =	sadd.f32 $9.999999960e-13, s4;
	v31 =	vmul.f32 v30, v27;
	v24 =	vmul.f32 v25, v24  }
0x2ad: {  	v45 =	vmov s1;
	v23 =	vmul.f32 v23, v20;
	v29 =	vmul.f32 v26, v29  }
0x2ae: {  	v46 =	vmov s0;
	v47 =	vmov s4;
	v24 =	vmul.f32 v24, v25  }
0x2af: {  	s29 =	spop (v2sf);
	v31 =	vmul.f32 v30, v31;
	v23 =	vsub.f32 $1.500000000e+00, v23;
	v29 =	vsub.f32 $1.500000000e+00, v29  }
0x2b0: {  	v48 =	vmul.f32 $5.000000000e-01, v46;
	v51 =	vshra.s32 v47, $0x1;
	s9 =	smul.f32 $1.302083370e-03, s29;
	s6 =	spop (v2sf);
	v24 =	vsub.f32 $1.500000000e+00, v24  }
0x2b1: {  	s1 =	smul.f32 $1.302083370e-03, s6;
	v20 =	vmul.f32 v23, v20;
	v23 =	vmul.f32 v26, v29;
	v26 =	vsub.f32 $1.500000000e+00, v31  }
0x2b2: {  	s10 =	smul.f32 s9, s9;
	v29 =	vmul.f32 $5.000000000e-01, v45;
	v24 =	vmul.f32 v24, v25;
	v25 =	vshra.s32 v45, $0x1  }
0x2b3: {  	v35 =	vmul.f32 $5.000000000e-01, v47;
	v37 =	vsub.s32 $0x5F3759DF, v51;
	v25 =	vsub.s32 $0x5F3759DF, v25  }
0x2b4: {  	v31 =	vshra.s32 v46, $0x1;
	s0 =	ssub.f32 s1, s10;
	v26 =	vmul.f32 v30, v26;
	v30 =	vmul.f32 v25, v29  }
0x2b5: {  	v52 =	vmul.f32 v37, v35;
	v31 =	vsub.s32 $0x5F3759DF, v31;
	v28 =	vmul.f32 v23, v28  }
0x2b6: {  	v50 =	vmul.f32 v31, v48;
	s0 =	sadd.f32 $9.999999960e-13, s0;
	v30 =	vmul.f32 v25, v30  }
0x2b7: {  	v54 =	vmul.f32 v37, v52;
	v28 =	vmul.f32 v28, v23  }
0x2b8: {  	v36 =	vmul.f32 v31, v50;
	v49 =	vmov s0;
	v30 =	vsub.f32 $1.500000000e+00, v30  }
0x2b9: {  	v27 =	vmul.f32 v26, v27;
	v53 =	vshra.s32 v49, $0x1;
	v34 =	vmul.f32 $5.000000000e-01, v49  }
0x2ba: {  	[tilespmem:s13+$0xC200] =	vst v21;
	v21 =	vmul.f32 v25, v30;
	v25 =	vsub.f32 $1.500000000e+00, v36;
	v30 =	vsub.s32 $0x5F3759DF, v53  }
0x2bb: {  	[tilespmem:s14+$0xC200] =	vst v22;
	v22 =	vmov s19;
	v27 =	vmul.f32 v27, v26;
	v55 =	vmul.f32 v30, v34  }
0x2bc: {  	[tilespmem:$0x15E00] =	vst v44;
	v56 =	vmov s21;
	v29 =	vmul.f32 v21, v29;
	v25 =	vmul.f32 v31, v25  }
0x2bd: {  	[tilespmem:$0x16600] =	vst v20;
	v20 =	vsub.f32 $1.500000000e+00, v28;
	v28 =	vsub.f32 $1.500000000e+00, v54;
	v31 =	vmul.f32 v30, v55  }
0x2be: {  	[tilespmem:$0x15E80] =	vst v22;
	v22 =	vsub.f32 $1.500000000e+00, v27;
	v27 =	vmul.f32 v29, v21;
	v29 =	vmul.f32 v25, v48  }
0x2bf: {  	[tilespmem:$0x16680] =	vst v24;
	v20 =	vmul.f32 v20, v23;
	v23 =	vmul.f32 v37, v28;
	v24 =	vsub.f32 $1.500000000e+00, v31  }
0x2c0: {  	[tilespmem:$0x15F00] =	vst v56;
	v22 =	vmul.f32 v22, v26;
	v26 =	vsub.f32 $1.500000000e+00, v27;
	v27 =	vmul.f32 v29, v25  }
0x2c1: {  	[tilespmem:$0x16700] =	vst v20;
	v20 =	vmov s17;
	v28 =	vmul.f32 v23, v35;
	v24 =	vmul.f32 v30, v24  }
0x2c2: {  	[tilespmem:$0x15F80] =	vst v20;
	v20 =	vmul.f32 v26, v21;
	v21 =	vsub.f32 $1.500000000e+00, v27  }
0x2c3: {  	[tilespmem:$0x16780] =	vst v22;
	v22 =	vmov s18;
	v26 =	vmul.f32 v28, v23;
	v27 =	vmul.f32 v24, v34  }
0x2c4: {  	[tilespmem:$0x16000] =	vst v22;
	v21 =	vmul.f32 v21, v25  }
0x2c5: {  	[tilespmem:$0x16800] =	vst v20;
	v20 =	vmov s20;
	v22 =	vsub.f32 $1.500000000e+00, v26;
	v25 =	vmul.f32 v27, v24  }
0x2c6: {  	[tilespmem:$0x16080] =	vst v20  }
0x2c7: {  	[tilespmem:$0x16880] =	vst v21;
	v20 =	vmul.f32 v22, v23;
	v21 =	vmov s24;
	v22 =	vsub.f32 $1.500000000e+00, v25  }
0x2c8: {  	s21 =	simm.s32 $0x0;
	[tilespmem:$0x16100] =	vst v21  }
0x2c9: {  	s24 =	sand.u32 $0x7FFFFC00, s21;
	v21 =	vmov s9;
	[tilespmem:$0x16900] =	vst v20;
	v20 =	vmul.f32 v22, v24  }
0x2ca: {  	v58 =	vperm.xlane v19, v15;
	s0 =	sand.u32 $0x70, s21;
	s25 =	sshrl.u32 s24, $0x2;
	[tilespmem:$0x16180] =	vst v21  }
0x2cb: {  	s4 =	sor.u32 s0, s25;
	[tilespmem:$0x16980] =	vst v20  }
0x2cc: {  	vm5 =	vgt.s32 v58, $0x0;
	v40 =	vimm.f32 $0.0e+00;
	s26 =	sadd.s32 $0x15200, s4;
	v20 =	vld [tilespmem:s4+$0x15200]  }
0x2cd: {  	v39 =	vimm.f32 $0.0e+00;
	v38 =	vimm.f32 $0.0e+00;
	v31 =	vperm.xlane v19, v17;
	s13 =	sor.u32 s0, s24;
	v21 =	vld [tilespmem:s26+$0x80]  }
0x2ce: {  	v33 =	vimm.f32 $0.0e+00;
	v37 =	vimm.f32 $0.0e+00;
	v30 =	vperm.xlane v19, v16;
	v23 =	vld [tilespmem:s13+$0xAD80]  }
0x2cf: {  	v36 =	vimm.f32 $0.0e+00;
	v35 =	vimm.f32 $0.0e+00;
	vm3 =	vgt.s32 v31, $0x0;
	v26 =	vld [tilespmem:s13+$0xAA00]  }
0x2d0: {  	v28 =	vperm.xlane v19, v18;
	vm4 =	vgt.s32 v30, $0x0;
	v27 =	vperm.xlane v19, v14;
	v29 =	vld [tilespmem:s13+$0x4D80]  }
0x2d1: {  	v34 =	vimm.f32 $0.0e+00;
	v22 =	vperm.xlane v19, v11;
	v24 =	vperm.xlane v19, v12;
	v57 =	vld [tilespmem:s13+$0xAA80]  }
0x2d2: {  	vm2 =	vgt.s32 v28, $0x0;
	v25 =	vperm.xlane v19, v13;
	vm6 =	vgt.s32 v27, $0x0;
	v27 =	vld [tilespmem:s13+$0xAC00]  }
0x2d3: {  	v19 =	vimm.f32 $0.0e+00;
	vm8 =	vgt.s32 v24, $0x0;
	vm9 =	vgt.s32 v22, $0x0;
	v24 =	vld [tilespmem:s13+$0xAC80]  }
0x2d4: {  	vm7 =	vgt.s32 v25, $0x0;
	v31 =	vld [tilespmem:s13+$0xAB80];
	v30 =	vsel vm2, v21, v20;
	v22 =	vsel vm9, v21, v20  }
0x2d5: {  	v28 =	vld [tilespmem:s13+$0xAB00];
	v25 =	vsel vm8, v21, v20;
	v59 =	vsel vm5, v21, v20;
	v23 =	vadd.f32 v23, v30  }
0x2d6: {  	v60 =	vld [tilespmem:s13+$0x4A00];
	v63 =	vsel vm4, v21, v20;
	v61 =	vadd.f32 v26, v22;
	v26 =	vadd.f32 v57, v25  }
0x2d7: {  	v30 =	vsel vm6, v21, v20;
	v22 =	vadd.f32 v27, v59;
	v32 =	vadd.f32 v23, v29;
	v23 =	vld [tilespmem:s13+$0xAD00]  }
0x2d8: {  	v47 =	vld [tilespmem:s13+$0x4A80];
	v42 =	vadd.f32 v24, v63;
	v27 =	vimm.f32 $0.0e+00;
	v24 =	vimm.f32 $0.0e+00  }
0x2d9: {  	v46 =	vld [tilespmem:s13+$0x4B00];
	v25 =	vadd.f32 v31, v30;
	v30 =	vimm.f32 $0.0e+00;
	v62 =	vmul.f32 v32, v32  }
0x2da: {  	v43 =	vld [tilespmem:s13+$0x4B80];
	v31 =	vimm.f32 $0.0e+00;
	v29 =	vsel vm7, v21, v20;
	v21 =	vsel vm3, v21, v20  }
0x2db: {  	s29 =	simm.s32 $0x80;
	v44 =	vld [tilespmem:s13+$0x4C00];
	v28 =	vadd.f32 v28, v29;
	v29 =	vimm.f32 $0.0e+00;
	v20 =	vadd.f32 v62, v19  }
0x2dc: {  	s14 =	simm.s32 $0x100;
	s6 =	sand.u32 $0x7FFFFC00, s29;
	s17 =	simm.s32 $0x10;
	v45 =	vld [tilespmem:s13+$0x4C80];
	[tilespmem:s13+$0xDD80] =	vst v32;
	v41 =	vadd.f32 v23, v21;
	v21 =	vadd.f32 v61, v60;
	v23 =	vimm.f32 $0.0e+00  }
.LBB2_13:
0x2dd: {  	p2 =	sne.s32 s14, $0x1780;
	s0 =	sand.u32 $0x70, s17;
	s1 =	sshrl.u32 s6, $0x2;
	v26 =	vadd.f32 v26, v47;
	v47 =	vld [tilespmem:s13+$0x4D00];
	v19 =	vadd.f32 v32, v19  }
0x2de: {  	s1 =	sor.u32 s0, s1;
	[tilespmem:s13+$0xDA00] =	vst v21;
	v29 =	vadd.f32 v21, v29;
	v21 =	vmul.f32 v21, v21;
	v28 =	vadd.f32 v28, v46  }
0x2df: {  	s4 =	sadd.s32 $0x15200, s1;
	v32 =	vld [tilespmem:s1+$0x15200];
	[tilespmem:s13+$0xDA80] =	vst v26;
	v27 =	vadd.f32 v26, v27;
	v26 =	vmul.f32 v26, v26;
	v43 =	vadd.f32 v25, v43  }
0x2e0: {  	s0 =	sor.u32 s0, s6;
	v25 =	vld [tilespmem:s4+$0x80];
	v40 =	vadd.f32 v21, v40;
	[tilespmem:s13+$0xDB00] =	vst v28;
	v21 =	vmul.f32 v28, v28;
	v44 =	vadd.f32 v22, v44  }
0x2e1: {  	v22 =	vld [tilespmem:s0+$0xAD80];
	v23 =	vadd.f32 v26, v23;
	[tilespmem:s13+$0xDB80] =	vst v43;
	v26 =	vmul.f32 v43, v43;
	v45 =	vadd.f32 v42, v45  }
0x2e2: {  	v42 =	vld [tilespmem:s0+$0xAA00];
	v24 =	vadd.f32 v21, v24;
	[tilespmem:s13+$0xDC00] =	vst v44;
	v21 =	vmul.f32 v44, v44;
	v48 =	vadd.f32 v41, v47  }
0x2e3: {  	v30 =	vadd.f32 v28, v30;
	v41 =	vld [tilespmem:s0+$0x4D80];
	v31 =	vadd.f32 v26, v31;
	[tilespmem:s13+$0xDC80] =	vst v45;
	v28 =	vmul.f32 v45, v45  }
0x2e4: {  	v26 =	vld [tilespmem:s0+$0xAA80];
	v39 =	vadd.f32 v21, v39;
	[tilespmem:s13+$0xDD00] =	vst v48;
	v21 =	vmul.f32 v48, v48;
	s13 =	smov.u32 s0  }
0x2e5: {  	v46 =	vsel vm9, v25, v32;
	v47 =	vsel vm8, v25, v32;
	v49 =	vld [tilespmem:s13+$0xAB00];
	v50 =	vsel vm2, v25, v32  }
0x2e6: {  	v51 =	vsel vm7, v25, v32;
	v53 =	vsel vm6, v25, v32;
	v52 =	vld [tilespmem:s13+$0xAB80];
	v22 =	vadd.f32 v22, v50  }
0x2e7: {  	v54 =	vsel vm5, v25, v32;
	v55 =	vsel vm4, v25, v32;
	v56 =	vsel vm3, v25, v32;
	v50 =	vld [tilespmem:s13+$0xAC00]  }
0x2e8: {  	v57 =	vadd.f32 v42, v46;
	v42 =	vld [tilespmem:s13+$0xAC80];
	v32 =	vadd.f32 v22, v41  }
0x2e9: {  	v37 =	vadd.f32 v28, v37;
	v26 =	vadd.f32 v26, v47;
	v41 =	vld [tilespmem:s13+$0xAD00]  }
0x2ea: {  	v33 =	vadd.f32 v21, v33;
	v58 =	vld [tilespmem:s13+$0x4A00];
	v28 =	vadd.f32 v49, v51;
	[tilespmem:s13+$0xDD80] =	vst v32;
	v49 =	vmul.f32 v32, v32  }
.Ltmp5:
0x2eb: {  	v38 =	vadd.f32 v43, v38;
	v47 =	vld [tilespmem:s13+$0x4A80];
	v25 =	vadd.f32 v52, v53;
	(pc) =	sbr.rel @p2 .LBB2_13-.Ltmp5, $4  }
0x2ec: {  	v46 =	vld [tilespmem:s13+$0x4B00];
	v22 =	vadd.f32 v50, v54;
	v20 =	vadd.f32 v49, v20  }
0x2ed: {  	v36 =	vadd.f32 v44, v36;
	v43 =	vld [tilespmem:s13+$0x4B80];
	v42 =	vadd.f32 v42, v55  }
0x2ee: {  	v35 =	vadd.f32 v45, v35;
	v44 =	vld [tilespmem:s13+$0x4C00];
	v41 =	vadd.f32 v41, v56  }
0x2ef: {  	s17 =	sadd.s32 $0x10, s17;
	s6 =	sand.u32 $0x7FFFFC00, s14;
	s14 =	sadd.s32 $0x80, s14;
	v34 =	vadd.f32 v48, v34;
	v21 =	vadd.f32 v57, v58;
	v45 =	vld [tilespmem:s13+$0x4C80]  }
0x2f0: {  	s0 =	sand.u32 $0x70, s17;
	s1 =	sshrl.u32 s6, $0x2  }
0x2f1: {  	v48 =	vld [tilespmem:s13+$0x4D00];
	s1 =	sor.u32 s0, s1  }
0x2f2: {  	v26 =	vadd.f32 v26, v47;
	s14 =	sor.u32 s0, s6;
	v47 =	vld [tilespmem:s1+$0x15200]  }
0x2f3: {  	s4 =	sadd.s32 $0x15200, s1;
	v51 =	vld [tilespmem:s14+$0xAA00]  }
0x2f4: {  	v28 =	vadd.f32 v28, v46;
	v49 =	vld [tilespmem:s4+$0x80]  }
0x2f5: {  	v25 =	vadd.f32 v25, v43;
	v43 =	vld [tilespmem:s14+$0xAA80]  }
0x2f6: {  	v58 =	vmul.f32 v26, v26;
	v60 =	vld [tilespmem:s14+$0xAB00];
	v22 =	vadd.f32 v22, v44;
	v59 =	vmul.f32 v28, v28  }
0x2f7: {  	v50 =	vmul.f32 v21, v21;
	v62 =	vld [tilespmem:s14+$0x4A00];
	v52 =	vmul.f32 v25, v25  }
0x2f8: {  	v46 =	vadd.f32 v58, v23;
	v61 =	vmul.f32 v22, v22;
	v44 =	vadd.f32 v59, v24  }
0x2f9: {  	v63 =	vld [tilespmem:s14+$0x4A80];
	v24 =	vadd.f32 v41, v48;
	v41 =	vadd.f32 v52, v31;
	v31 =	vsel vm9, v49, v47  }
0x2fa: {  	v39 =	vadd.f32 v61, v39;
	v56 =	vsel vm8, v49, v47;
	v31 =	vadd.f32 v51, v31  }
0x2fb: {  	v58 =	vld [tilespmem:s14+$0xAB80];
	v61 =	vadd.f32 v21, v29;
	v57 =	vsel vm7, v49, v47;
	v43 =	vadd.f32 v43, v56  }
0x2fc: {  	v59 =	vadd.f32 v60, v57;
	v60 =	vld [tilespmem:s14+$0x4B00];
	v29 =	vadd.f32 v31, v62  }
0x2fd: {  	v40 =	vadd.f32 v50, v40;
	v53 =	vadd.f32 v28, v30  }
0x2fe: {  	v62 =	vadd.f32 v26, v27;
	v27 =	vadd.f32 v43, v63;
	v63 =	vmul.f32 v29, v29  }
0x2ff: {  	v23 =	vadd.f32 v42, v45;
	v30 =	vsel vm6, v49, v47;
	v31 =	vld [tilespmem:s14+$0x4B80];
	v57 =	vadd.f32 v29, v61  }
0x300: {  	v56 =	vadd.f32 v58, v30;
	v58 =	vmul.f32 v27, v27;
	v40 =	vadd.f32 v63, v40  }
0x301: {  	v52 =	vld [tilespmem:s14+$0xAC00];
	v45 =	vadd.f32 v27, v62;
	v30 =	vadd.f32 v59, v60;
	(xrf2) =	vadd.scan.msk.f32 $0xffff, v57  }
0x302: {  	v46 =	vadd.f32 v58, v46;
	(xrf2) =	vadd.scan.msk.f32 $0xffff, v40  }
0x303: {  	v48 =	vld [tilespmem:s14+$0x4C00];
	v61 =	vmul.f32 v30, v30;
	v53 =	vadd.f32 v30, v53;
	(xrf2) =	vadd.scan.msk.f32 $0xffff, v45  }
0x304: {  	v38 =	vadd.f32 v25, v38;
	v43 =	vld [tilespmem:s14+$0xAC80];
	v31 =	vadd.f32 v56, v31;
	(xrf2) =	vadd.scan.msk.f32 $0xffff, v46  }
0x305: {  	v62 =	vsel vm5, v49, v47;
	v59 =	vmul.f32 v23, v23;
	v40 =	vadd.f32 v61, v44;
	(xrf2) =	vadd.scan.msk.f32 $0xffff, v53  }
0x306: {  	v60 =	vmul.f32 v24, v24;
	v63 =	vld [tilespmem:s14+$0xAD00];
	v58 =	vadd.f32 v52, v62;
	v38 =	vadd.f32 v31, v38  }
0x307: {  	v36 =	vadd.f32 v22, v36;
	v37 =	vadd.f32 v59, v37;
	v56 =	vld [tilespmem:s14+$0x4C80];
	v57 =	vmul.f32 v31, v31;
	(xrf2) =	vadd.scan.msk.f32 $0xffff, v40  }
0x308: {  	v59 =	vsel vm4, v49, v47;
	v50 =	vadd.f32 v60, v33;
	v33 =	vadd.f32 v58, v48;
	(xrf2) =	vadd.scan.msk.f32 $0xffff, v38  }
0x309: {  	v60 =	vld [tilespmem:s14+$0x4D00];
	v43 =	vadd.f32 v43, v59;
	v41 =	vadd.f32 v57, v41  }
0x30a: {  	v61 =	vsel vm3, v49, v47;
	v46 =	vadd.f32 v24, v34;
	v36 =	vadd.f32 v33, v36  }
0x30b: {  	v45 =	vmul.f32 v33, v33;
	v62 =	vadd.f32 v63, v61;
	v63 =	vadd.f32 v23, v35;
	(xrf2) =	vadd.scan.msk.f32 $0xffff, v41;
	v48, _, _ =	vpop (xrf2)  }
0x30c: {  	v35 =	vadd.f32 v43, v56;
	(v2sf) =	vpush v48, $0xF;
	v52, _, _ =	vpop (xrf2)  }
0x30d: {  	v58 =	vld [tilespmem:s14+$0xAD80];
	v39 =	vadd.f32 v45, v39;
	(xrf2) =	vadd.scan.msk.f32 $0xffff, v36;
	(v2sf) =	vpush v52, $0xF;
	v54, _, _ =	vpop (xrf2)  }
0x30e: {  	v34 =	vadd.f32 v62, v60;
	v51 =	vmul.f32 v35, v35;
	(v2sf) =	vpush v54, $0xF;
	v57, _, _ =	vpop (xrf2)  }
0x30f: {  	v40 =	vadd.f32 v35, v63;
	(xrf2) =	vadd.scan.msk.f32 $0xffff, v39;
	(v2sf) =	vpush v57, $0xF;
	v59, _, _ =	vpop (xrf2)  }
0x310: {  	v63 =	vld [tilespmem:s14+$0x4D80];
	v53 =	vadd.f32 v51, v37;
	(v2sf) =	vpush v59, $0xF  }
0x311: {  	v43 =	vsel vm2, v49, v47;
	v55 =	vmul.f32 v34, v34;
	v56 =	vadd.f32 v34, v46;
	(xrf2) =	vadd.scan.msk.f32 $0xffff, v40;
	v61, _, _ =	vpop (xrf2)  }
0x312: {  	v36 =	vadd.f32 v58, v43;
	(xrf2) =	vadd.scan.msk.f32 $0xffff, v53;
	v62, _, _ =	vpop (xrf2);
	(v2sf) =	vpush v61, $0xF  }
0x313: {  	v60 =	vadd.f32 v55, v50;
	(v2sf) =	vpush v62, $0xF  }
0x314: {  	(xrf2) =	vadd.scan.msk.f32 $0xffff, v56  }
0x315: {  	v36 =	vadd.f32 v36, v63;
	(xrf2) =	vadd.scan.msk.f32 $0xffff, v60;
	v42, _, _ =	vpop (xrf2)  }
0x316: {  	v19 =	vadd.f32 v32, v19;
	(v2sf) =	vpush v42, $0xF  }
0x317: {  	v47 =	vmul.f32 v36, v36;
	v44, _, _ =	vpop (xrf2)  }
0x318: {  	v19 =	vadd.f32 v36, v19;
	(v2sf) =	vpush v44, $0xF  }
0x319: {  	v20 =	vadd.f32 v47, v20;
	v45, _, _ =	vpop (xrf2)  }
0x31a: {  	(xrf2) =	vadd.scan.msk.f32 $0xffff, v19;
	(v2sf) =	vpush v45, $0xF  }
0x31b: {  	(xrf2) =	vadd.scan.msk.f32 $0xffff, v20;
	v46, _, _ =	vpop (xrf2);
	s9 =	spop (v2sf)  }
0x31c: {  	v48, _, _ =	vpop (xrf2);
	(v2sf) =	vpush v46, $0xF;
	s6 =	smul.f32 $1.302083370e-03, s9;
	s10 =	spop (v2sf)  }
0x31d: {  	(v2sf) =	vpush v48, $0xF;
	s17 =	smul.f32 $1.302083370e-03, s10;
	s21 =	spop (v2sf)  }
0x31e: {  	v49, _, _ =	vpop (xrf2);
	s9 =	smul.f32 s6, s6;
	s24 =	spop (v2sf)  }
0x31f: {  	(v2sf) =	vpush v49, $0xF;
	v19, _, _ =	vpop (xrf2);
	s19 =	smul.f32 $1.302083370e-03, s21;
	s10 =	spop (v2sf)  }
0x320: {  	(v2sf) =	vpush v19, $0xF;
	s4 =	smul.f32 $1.302083370e-03, s24;
	s0 =	ssub.f32 s17, s9  }
0x321: {  	s25 =	spop (v2sf);
	s18 =	smul.f32 s19, s19  }
0x322: {  	s21 =	smul.f32 $1.302083370e-03, s10;
	s26 =	spop (v2sf)  }
0x323: {  	s0 =	sadd.f32 $9.999999960e-13, s0;
	s1 =	smul.f32 $1.302083370e-03, s25  }
0x324: {  	v19, _, _ =	vpop (xrf2);
	s4 =	ssub.f32 s4, s18;
	s9 =	smul.f32 s21, s21  }
0x325: {  	(v2sf) =	vpush v19, $0xF;
	v19, _, _ =	vpop (xrf2);
	s20 =	spop (v2sf);
	s17 =	smul.f32 $1.302083370e-03, s26  }
0x326: {  	(v2sf) =	vpush v19, $0xF;
	v20 =	vmov s0;
	s0 =	smul.f32 $1.302083370e-03, s20;
	s4 =	sadd.f32 $9.999999960e-13, s4  }
0x327: {  	s18 =	spop (v2sf);
	s25 =	smul.f32 s17, s17  }
0x328: {  	v19 =	vshra.s32 v20, $0x1;
	v20 =	vmul.f32 $5.000000000e-01, v20;
	s1 =	ssub.f32 s1, s9;
	s18 =	smul.f32 $1.302083370e-03, s18;
	v50 =	vmov s4  }
0x329: {  	v19 =	vsub.s32 $0x5F3759DF, v19;
	s20 =	spop (v2sf);
	s0 =	ssub.f32 s0, s25;
	v52 =	vshra.s32 v50, $0x1;
	v32 =	vmul.f32 $5.000000000e-01, v50  }
0x32a: {  	v51 =	vmul.f32 v19, v20;
	s1 =	sadd.f32 $9.999999960e-13, s1;
	s10 =	smul.f32 $1.302083370e-03, s20;
	v38 =	vsub.s32 $0x5F3759DF, v52  }
0x32b: {  	s24 =	spop (v2sf);
	s9 =	smul.f32 s18, s18;
	v53 =	vmul.f32 v38, v32  }
0x32c: {  	s26 =	spop (v2sf);
	v37 =	vmul.f32 v19, v51;
	s20 =	smul.f32 $1.302083370e-03, s24  }
0x32d: {  	s0 =	sadd.f32 $9.999999960e-13, s0;
	s25 =	smul.f32 $1.302083370e-03, s26;
	v39 =	vmul.f32 v38, v53  }
0x32e: {  	s4 =	spop (v2sf);
	v37 =	vsub.f32 $1.500000000e+00, v37;
	s26 =	smul.f32 s20, s20  }
0x32f: {  	v54 =	vmov s1;
	s24 =	smul.f32 $1.302083370e-03, s4;
	s29 =	spop (v2sf);
	v55 =	vsub.f32 $1.500000000e+00, v39  }
0x330: {  	s9 =	ssub.f32 s10, s9;
	v57 =	vshra.s32 v54, $0x1;
	v40 =	vmul.f32 $5.000000000e-01, v54;
	v19 =	vmul.f32 v19, v37;
	s10 =	smul.f32 $1.302083370e-03, s29  }
0x331: {  	v61 =	vmov s6;
	v58 =	vsub.s32 $0x5F3759DF, v57;
	s25 =	ssub.f32 s25, s26;
	s26 =	smul.f32 s24, s24;
	v37 =	vmul.f32 v38, v55  }
0x332: {  	v56 =	vmov s0;
	s1 =	sadd.f32 $9.999999960e-13, s9;
	v41 =	vmul.f32 v58, v40;
	v20 =	vmul.f32 v19, v20  }
0x333: {  	[tilespmem:s13+$0xDA00] =	vst v21;
	v59 =	vshra.s32 v56, $0x1;
	v39 =	vmul.f32 $5.000000000e-01, v56;
	s4 =	ssub.f32 s10, s26;
	v32 =	vmul.f32 v37, v32  }
0x334: {  	[tilespmem:s13+$0xDA80] =	vst v26;
	v42 =	vsub.s32 $0x5F3759DF, v59;
	v21 =	vmul.f32 v58, v41;
	s0 =	sadd.f32 $9.999999960e-13, s25;
	s10 =	spop (v2sf);
	v20 =	vmul.f32 v20, v19  }
0x335: {  	[tilespmem:s13+$0xDB00] =	vst v28;
	v62 =	vmov s1;
	v60 =	vmul.f32 v42, v39;
	s29 =	smul.f32 $1.302083370e-03, s10;
	s25 =	spop (v2sf);
	v26 =	vmul.f32 v32, v37  }
0x336: {  	[tilespmem:s13+$0xDC80] =	vst v23;
	v23 =	vshra.s32 v62, $0x1;
	v21 =	vsub.f32 $1.500000000e+00, v21;
	s1 =	smul.f32 $1.302083370e-03, s25;
	v20 =	vsub.f32 $1.500000000e+00, v20  }
0x337: {  	[tilespmem:s13+$0xDB80] =	vst v25;
	v23 =	vsub.s32 $0x5F3759DF, v23;
	v28 =	vmul.f32 v42, v60;
	s26 =	smul.f32 s29, s29;
	v25 =	vsub.f32 $1.500000000e+00, v26  }
0x338: {  	s4 =	sadd.f32 $9.999999960e-13, s4;
	v63 =	vmov s0;
	v19 =	vmul.f32 v20, v19;
	v20 =	vmul.f32 v58, v21  }
0x339: {  	[tilespmem:s13+$0xDC00] =	vst v22;
	s0 =	ssub.f32 s1, s26;
	v21 =	vsub.f32 $1.500000000e+00, v28;
	v22 =	vmul.f32 v25, v37;
	v25 =	vmul.f32 $5.000000000e-01, v62  }
0x33a: {  	[tilespmem:s13+$0xDD00] =	vst v24;
	v44 =	vmul.f32 $5.000000000e-01, v63;
	v26 =	vmov s4;
	v24 =	vmul.f32 v20, v40  }
0x33b: {  	[tilespmem:s14+$0xDA00] =	vst v29;
	s0 =	sadd.f32 $9.999999960e-13, s0;
	v21 =	vmul.f32 v42, v21;
	v42 =	vshra.s32 v63, $0x1;
	v28 =	vmul.f32 v23, v25  }
0x33c: {  	[tilespmem:s14+$0xDB00] =	vst v30;
	v30 =	vshra.s32 v26, $0x1;
	v26 =	vmul.f32 $5.000000000e-01, v26;
	v32 =	vsub.s32 $0x5F3759DF, v42  }
0x33d: {  	[tilespmem:s14+$0xDA80] =	vst v27;
	v45 =	vmov s0;
	v27 =	vmul.f32 v23, v28;
	v28 =	vmul.f32 v32, v44  }
0x33e: {  	[tilespmem:s14+$0xDB80] =	vst v31;
	v30 =	vsub.s32 $0x5F3759DF, v30;
	v24 =	vmul.f32 v24, v20;
	v29 =	vmul.f32 v21, v39  }
0x33f: {  	[tilespmem:s14+$0xDC00] =	vst v33;
	v31 =	vmul.f32 v30, v26;
	v27 =	vsub.f32 $1.500000000e+00, v27;
	v28 =	vmul.f32 v32, v28  }
0x340: {  	[tilespmem:s14+$0xDC80] =	vst v35;
	v46 =	vshra.s32 v45, $0x1;
	v37 =	vmul.f32 $5.000000000e-01, v45;
	v29 =	vmul.f32 v29, v21  }
0x341: {  	[tilespmem:s14+$0xDD00] =	vst v34;
	v23 =	vmul.f32 v23, v27;
	v27 =	vsub.f32 $1.500000000e+00, v28;
	v28 =	vsub.s32 $0x5F3759DF, v46  }
0x342: {  	[tilespmem:s14+$0xDD80] =	vst v36;
	v47 =	vmov s19;
	v31 =	vmul.f32 v30, v31;
	v48 =	vmul.f32 v28, v37  }
0x343: {  	[tilespmem:$0x16200] =	vst v61;
	v49 =	vmov s21;
	v25 =	vmul.f32 v23, v25;
	v27 =	vmul.f32 v32, v27  }
0x344: {  	[tilespmem:$0x16A00] =	vst v19;
	v19 =	vsub.f32 $1.500000000e+00, v24;
	v24 =	vsub.f32 $1.500000000e+00, v31;
	v31 =	vmul.f32 v28, v48  }
0x345: {  	[tilespmem:$0x16280] =	vst v47;
	v29 =	vsub.f32 $1.500000000e+00, v29;
	v25 =	vmul.f32 v25, v23;
	v32 =	vmul.f32 v27, v44  }
0x346: {  	[tilespmem:$0x16A80] =	vst v22;
	v19 =	vmul.f32 v19, v20;
	v20 =	vmul.f32 v30, v24;
	v22 =	vsub.f32 $1.500000000e+00, v31  }
0x347: {  	[tilespmem:$0x16300] =	vst v49;
	v21 =	vmul.f32 v29, v21;
	v24 =	vsub.f32 $1.500000000e+00, v25;
	v25 =	vmul.f32 v32, v27  }
0x348: {  	[tilespmem:$0x16B00] =	vst v19;
	v19 =	vmov s17;
	v26 =	vmul.f32 v20, v26;
	v22 =	vmul.f32 v28, v22  }
0x349: {  	[tilespmem:$0x16380] =	vst v19;
	v19 =	vmul.f32 v24, v23;
	v23 =	vsub.f32 $1.500000000e+00, v25  }
0x34a: {  	[tilespmem:$0x16B80] =	vst v21;
	v21 =	vmov s18;
	v24 =	vmul.f32 v26, v20;
	v25 =	vmul.f32 v22, v37  }
0x34b: {  	[tilespmem:$0x16400] =	vst v21;
	v21 =	vmul.f32 v23, v27  }
0x34c: {  	[tilespmem:$0x16C00] =	vst v19;
	v19 =	vmov s20;
	v23 =	vsub.f32 $1.500000000e+00, v24;
	v24 =	vmul.f32 v25, v22  }
0x34d: {  	[tilespmem:$0x16480] =	vst v19  }
0x34e: {  	[tilespmem:$0x16C80] =	vst v21;
	v19 =	vmul.f32 v23, v20;
	v20 =	vmov s24;
	v21 =	vsub.f32 $1.500000000e+00, v24  }
0x34f: {  	s0 =	sadd.s32 @!p0 $0x30, s31;
	[tilespmem:$0x16500] =	vst v20  }
0x350: {  	s1 =	sadd.s32 @!p0 s11, s0;
	v20 =	vmov s29;
	[tilespmem:$0x16D00] =	vst v19;
	v19 =	vmul.f32 v21, v22  }
0x351: {  	s1 =	sshrl.u32 @!p0 s1, $0x3;
	[tilespmem:$0x16580] =	vst v20  }
0x352: {  	s6 =	simm.s32 @!p0 $0x0;
	s9 =	simm.s32 @!p0 $0x80;
	s4 =	sadd.s32 @!p0 s28, s1;
	[tilespmem:$0x16D80] =	vst v19  }
0x353: {  	[tilespmem:s9], [sflag:$0x7] =	stream.linear.gather @!p0 [hbm4b:s4+s6], $0x10, $0x38;
	[tilespmem:$0x16E00] =	vst v63  }
0x354: {  	s4 =	simm.s32 @!p0 $0x7  }
0x355: {  	_ =	swait.ge @!p0 [sflag:s4], $0x10  }
0x356: {  	[sflag:s4] =	ssyncset.done @!p0 $0x0  }
0x357: {  	s1 =	sadd.s32 @!p0 s22, s1;
	s9 =	simm.s32 @!p0 $0x180;
	[sflag:s4] =	ssyncadd.s32 @!p0 $0xFFFFFFF0  }
0x358: {  	[tilespmem:s9], [sflag:$0x7] =	stream.linear.gather @!p0 [hbm4b:s1+s6], $0x10, $0x38;
	[tilespmem:$0x16E00] =	vst v63  }
0x359: {  	_ =	swait.ge @!p0 [sflag:s4], $0x10  }
0x35a: {  	[sflag:s4] =	ssyncset.done @!p0 $0x0  }
0x35b: {  	[sflag:s4] =	ssyncadd.s32 @!p0 $0xFFFFFFF0  }
0x35c: {  	v19 =	vld @!p0 [tilespmem:$0x80];
	_ =	sdelay $0x4  }
0x35d: {  	v20 =	vshrl.u32 @!p0 v19, $0x3  }
0x35e: {  	v20 =	vmul.u32 @!p0 $0x30, v20  }
0x35f: {  	v21 =	vlaneseq.u32 @!p0;
	v19 =	vand.u32 @!p0 $0x7, v19  }
0x360: {  	v22 =	vshrl.u32 @!p0 v21, $0x3;
	v19 =	vor.u32 @!p0 v19, v20;
	v20 =	vand.u32 @!p0 $0x7, v21  }
0x361: {  	v22 =	vmul.u32 @!p0 $0x8, v22;
	v20 =	vperm.xlane @!p0 v19, v20;
	_ =	sdelay $0x1  }
0x362: {  	v20 =	vadd.s32 @!p0 v22, v20;
	_ =	sdelay $0x2  }
0x363: {  	v21 =	vor.u32 @!p0 $0x8, v21  }
0x364: {  	s1 =	simm.s32 @!p0 $0x3200;
	v19 =	vperm.xlane @!p0 v19, v21  }
0x365: {  	[tilespmem:s1], [sflag:$0x2] =	stream.indirect_vreg.gather @!p0 [hbm4b:s2+s6], $0x80, v20, vm1, $0xb8;
	[tilespmem:$0x16E00] =	vst v63  }
0x366: {  	v19 =	vadd.s32 @!p0 v22, v19;
	s1 =	simm.s32 @!p0 $0x3A00  }
0x367: {  	[tilespmem:s1], [sflag:$0x2] =	stream.indirect_vreg.gather @!p0 [hbm4b:s15+s6], $0x80, v20, vm1, $0xb8;
	[tilespmem:$0x16E00] =	vst v63  }
0x368: {  	s1 =	simm.s32 @!p0 $0x4200  }
0x369: {  	[tilespmem:s1], [sflag:$0x2] =	stream.indirect_vreg.gather @!p0 [hbm4b:s16+s6], $0x80, v20, vm1, $0xb8;
	[tilespmem:$0x16E00] =	vst v63  }
0x36a: {  	s0 =	sadd.s32 @!p0 s12, s0;
	s1 =	simm.s32 @!p0 $0x4A00  }
0x36b: {  	[tilespmem:s1], [sflag:$0x2] =	stream.indirect_vreg.gather @!p0 [hbm4b:s2+s6], $0x80, v19, vm1, $0xb8;
	[tilespmem:$0x16E00] =	vst v63  }
0x36c: {  	s0 =	sshrl.u32 @!p0 s0, $0x3;
	s1 =	simm.s32 @!p0 $0x5200  }
0x36d: {  	[tilespmem:s1], [sflag:$0x2] =	stream.indirect_vreg.gather @!p0 [hbm4b:s15+s6], $0x80, v19, vm1, $0xb8;
	[tilespmem:$0x16E00] =	vst v63  }
0x36e: {  	s0 =	smul.u32 @!p0 $0x300, s0;
	s1 =	simm.s32 @!p0 $0x5A00  }
0x36f: {  	[tilespmem:s1], [sflag:$0x2] =	stream.indirect_vreg.gather @!p0 [hbm4b:s16+s6], $0x80, v19, vm1, $0xb8;
	[tilespmem:$0x16E00] =	vst v63  }
0x370: {  	s1 =	rddreg [dreg:$0x3]  }
0x371: {  	s0 =	sadd.s32 @!p0 s1, s0;
	s1 =	simm.s32 @!p0 $0x9200  }
0x372: {  	[tilespmem:s1], [sflag:$0x4] =	stream.linear.gather @!p0 [hbm4b:s0+s6], $0x3000, $0x38;
	[tilespmem:$0x16E00] =	vst v63  }
0x373: {  	s0 =	simm.s32 @p1 $0x6  }
0x374: {  	_ =	swait.ge @p1 [sflag:s0], $0x3000  }
0x375: {  	[sflag:s0] =	ssyncset.done @p1 $0x0  }
0x376: {  	[sflag:s0] =	ssyncadd.s32 @p1 $0xFFFFD000  }
0x377: {  	v28 =	vld [tilespmem:$0x15E00]  }
0x378: {  	v21 =	vld [tilespmem:$0x15E80]  }
0x379: {  	v31 =	vld [tilespmem:$0x15F00]  }
0x37a: {  	v34 =	vld [tilespmem:$0x15F80]  }
0x37b: {  	v32 =	vld [tilespmem:$0x16000]  }
0x37c: {  	v29 =	vld [tilespmem:$0x16080]  }
0x37d: {  	v27 =	vld [tilespmem:$0x16100]  }
0x37e: {  	v26 =	vld [tilespmem:$0x16600]  }
0x37f: {  	v22 =	vld [tilespmem:$0x16680]  }
0x380: {  	v35 =	vld [tilespmem:$0x16700]  }
0x381: {  	v33 =	vld [tilespmem:$0x16780]  }
0x382: {  	v36 =	vld [tilespmem:$0x16800]  }
0x383: {  	s17 =	simm.s32 $0x0;
	v30 =	vld [tilespmem:$0x16880]  }
0x384: {  	s9 =	sand.u32 $0x1C00, s17;
	s4 =	simm.s32 $0x15800;
	s6 =	sand.u32 $0x70, s17;
	v25 =	vld [tilespmem:$0x16900]  }
0x385: {  	s19 =	sor.u32 s6, s9;
	v42 =	vld [tilespmem:s4+$0x0]  }
0x386: {  	v23 =	vld [tilespmem:s19+$0xC380]  }
0x387: {  	v24 =	vld [tilespmem:s19+$0xC300]  }
0x388: {  	v50 =	vld [tilespmem:s19+$0xC400]  }
0x389: {  	v51 =	vld [tilespmem:s19+$0xC200]  }
0x38a: {  	s31 =	simm.s32 $0x10;
	s29 =	simm.s32 $0x80;
	v52 =	vld [tilespmem:s19+$0xC500]  }
0x38b: {  	s18 =	sand.u32 $0x70, s31;
	s20 =	sand.u32 $0x1C00, s29;
	v53 =	vld [tilespmem:s19+$0xC280]  }
0x38c: {  	s24 =	sor.u32 s18, s20;
	v54 =	vld [tilespmem:s19+$0xC480]  }
0x38d: {  	v60 =	vld [tilespmem:s24+$0xC300]  }
0x38e: {  	v61 =	vld [tilespmem:s24+$0xC380]  }
0x38f: {  	v62 =	vld [tilespmem:s24+$0xC400];
	v24 =	vsub.f32 v24, v31;
	v55 =	vsub.f32 v23, v34  }
0x390: {  	v63 =	vld [tilespmem:s24+$0xC200];
	v37 =	vsub.f32 v50, v32;
	v38 =	vsub.f32 v51, v28  }
0x391: {  	s10 =	simm.s32 $0x15B00;
	v59 =	vld [tilespmem:s24+$0xC280];
	v39 =	vsub.f32 v52, v27;
	v40 =	vsub.f32 v53, v21  }
0x392: {  	v41 =	vld [tilespmem:s10+$0x0];
	v43 =	vsub.f32 v54, v29;
	v46 =	vsub.f32 v60, v31;
	v56 =	vmul.f32 v24, v35  }
0x393: {  	v19 =	vld [tilespmem:$0x16180];
	v47 =	vsub.f32 v61, v34;
	v44 =	vmul.f32 v55, v33;
	v37 =	vmul.f32 v37, v36  }
0x394: {  	v20 =	vld [tilespmem:$0x16980];
	v48 =	vsub.f32 v62, v32;
	v38 =	vmul.f32 v38, v26;
	v40 =	vmul.f32 v40, v22  }
0x395: {  	s13 =	simm.s32 $0x15810;
	v58 =	vld [tilespmem:s24+$0xC500];
	v49 =	vsub.f32 v63, v28;
	v43 =	vmul.f32 v43, v30;
	v37 =	vmul.f32 v37, v42  }
0x396: {  	s14 =	simm.s32 $0x15B10;
	v23 =	vld [tilespmem:s13+$0x0];
	v59 =	vsub.f32 v59, v21;
	v39 =	vmul.f32 v39, v25;
	v44 =	vmul.f32 v44, v42  }
0x397: {  	s13 =	simm.s32 $0x20;
	v24 =	vld [tilespmem:s14+$0x0];
	s14 =	simm.s32 $0x100;
	v46 =	vmul.f32 v46, v35;
	v43 =	vmul.f32 v43, v42;
	v57 =	vadd.f32 v37, v41  }
0x398: {  	s25 =	simm.s32 $0x15B20;
	v60 =	vld [tilespmem:s24+$0xC480];
	s26 =	sand.u32 $0x70, s13;
	v47 =	vmul.f32 v47, v33;
	s6 =	sand.u32 $0x1C00, s14;
	v45 =	vmul.f32 v56, v42;
	v44 =	vadd.f32 v44, v41  }
0x399: {  	v61 =	vmul.f32 v48, v36;
	v54 =	vmul.f32 v38, v42;
	v38 =	vld [tilespmem:s25+$0x0];
	s18 =	sor.u32 s26, s6;
	v43 =	vadd.f32 v43, v41;
	[tilespmem:s19+$0x12400] =	vst v57  }
0x39a: {  	v48 =	vsub.f32 v58, v27;
	v39 =	vmul.f32 v39, v42;
	v63 =	vld [tilespmem:s18+$0xC300];
	v45 =	vadd.f32 v45, v41;
	[tilespmem:s19+$0x12380] =	vst v44  }
0x39b: {  	v58 =	vmul.f32 v49, v26;
	v40 =	vmul.f32 v40, v42;
	v52 =	vld [tilespmem:s18+$0xC400];
	v62 =	vadd.f32 v54, v41;
	[tilespmem:s19+$0x12480] =	vst v43  }
0x39c: {  	s21 =	simm.s32 $0x15820;
	v49 =	vmul.f32 v59, v22;
	v48 =	vmul.f32 v48, v25;
	v53 =	vld [tilespmem:s18+$0xC500];
	v39 =	vadd.f32 v39, v41;
	[tilespmem:s19+$0x12300] =	vst v45  }
0x39d: {  	v47 =	vmul.f32 v47, v23;
	v60 =	vsub.f32 v60, v29;
	v37 =	vld [tilespmem:s21+$0x0];
	v40 =	vadd.f32 v40, v41;
	[tilespmem:s19+$0x12200] =	vst v62  }
0x39e: {  	s9 =	sor.u32 s17, s17;
	v55 =	vmul.f32 v49, v23;
	v46 =	vmul.f32 v46, v23;
	v57 =	vld [tilespmem:s18+$0xC380];
	[tilespmem:s19+$0x12500] =	vst v39  }
0x39f: {  	v44 =	vmul.f32 v61, v23;
	v61 =	vld [tilespmem:s18+$0xC200];
	v45 =	vmul.f32 v60, v30;
	[tilespmem:s19+$0x12280] =	vst v40;
	s19 =	sor.u32 $0x380, s9  }
0x3a0: {  	v48 =	vmul.f32 v48, v23;
	v47 =	vadd.f32 v47, v24;
	v51 =	vld [tilespmem:s19+$0xC200];
	v62 =	vsub.f32 v63, v31  }
0x3a1: {  	v49 =	vld [tilespmem:s18+$0xC280];
	v55 =	vadd.f32 v55, v24;
	v63 =	vmul.f32 v45, v23;
	v52 =	vsub.f32 v52, v32  }
0x3a2: {  	s20 =	simm.s32 $0x30;
	s17 =	simm.s32 $0x180;
	s10 =	simm.s32 $0x15830;
	v54 =	vld [tilespmem:s18+$0xC480];
	v48 =	vadd.f32 v48, v24;
	v44 =	vadd.f32 v44, v24;
	v56 =	vmul.f32 v62, v35  }
0x3a3: {  	s25 =	sand.u32 $0x70, s20;
	s26 =	sand.u32 $0x1C00, s17;
	s21 =	simm.s32 $0x15B30;
	v39 =	vld [tilespmem:s10+$0x0];
	v62 =	vmul.f32 v52, v36;
	v60 =	vsub.f32 v57, v34;
	v57 =	vadd.f32 v63, v24  }
0x3a4: {  	v43 =	vmul.f32 v58, v23;
	v40 =	vld [tilespmem:s21+$0x0];
	s21 =	sor.u32 s25, s26;
	[tilespmem:s24+$0x12380] =	vst v47;
	v50 =	vsub.f32 v61, v28;
	v61 =	vadd.f32 v46, v24  }
0x3a5: {  	v58 =	vld [tilespmem:s21+$0xC380];
	[tilespmem:s24+$0x12280] =	vst v55;
	v63 =	vsub.f32 v53, v27;
	v46 =	vmul.f32 v62, v37;
	v51 =	vsub.f32 v51, v19  }
0x3a6: {  	[tilespmem:s24+$0x12500] =	vst v48;
	v45 =	vmul.f32 v60, v33;
	v59 =	vmul.f32 v50, v26;
	v60 =	vsub.f32 v49, v21;
	v50 =	vld [tilespmem:s21+$0xC300]  }
0x3a7: {  	v47 =	vld [tilespmem:s21+$0xC200];
	[tilespmem:s24+$0x12300] =	vst v61;
	v61 =	vsub.f32 v54, v29;
	v52 =	vmul.f32 v63, v25;
	v51 =	vmul.f32 v51, v20  }
0x3a8: {  	v43 =	vadd.f32 v43, v24;
	[tilespmem:s24+$0x12400] =	vst v44;
	v49 =	vld [tilespmem:s21+$0xC400];
	v45 =	vmul.f32 v45, v37;
	v62 =	vmul.f32 v60, v22  }
0x3a9: {  	v48 =	vld [tilespmem:s21+$0xC280];
	[tilespmem:s24+$0x12480] =	vst v57;
	v57 =	vadd.f32 v46, v38;
	v54 =	vmul.f32 v61, v30;
	v63 =	vmul.f32 v51, v42  }
0x3aa: {  	s31 =	sor.u32 s29, s31;
	v44 =	vld [tilespmem:s21+$0xC480];
	[tilespmem:s24+$0x12200] =	vst v43;
	v51 =	vmul.f32 v59, v37;
	v43 =	vmul.f32 v62, v37;
	v60 =	vadd.f32 v45, v38  }
0x3ab: {  	s29 =	simm.s32 $0x200;
	s24 =	sor.u32 $0x380, s31;
	v46 =	vld [tilespmem:s21+$0xC500];
	[tilespmem:s18+$0x12400] =	vst v57;
	v45 =	vmul.f32 v52, v37;
	v54 =	vmul.f32 v54, v37;
	v53 =	vsub.f32 v50, v31  }
0x3ac: {  	s6 =	simm.s32 $0x15B40;
	s10 =	simm.s32 $0x40;
	s9 =	simm.s32 $0x15840;
	v42 =	vld [tilespmem:s24+$0xC200];
	v52 =	vsub.f32 v58, v34;
	v50 =	vmul.f32 v56, v37;
	v41 =	vadd.f32 v63, v41;
	[tilespmem:s18+$0x12380] =	vst v60  }
.LBB2_15:
0x3ad: {  	s0 =	sand.u32 $0x70, s10;
	s1 =	sand.u32 $0x1C00, s29;
	v55 =	vmul.f32 v53, v35;
	v49 =	vsub.f32 v49, v32;
	s4 =	smov.u32 s10  }
0x3ae: {  	v53 =	vadd.f32 v54, v38;
	v54 =	vmovc v39;
	v39 =	vld [tilespmem:s9+$0x0];
	v56 =	vmovc v24;
	v24 =	vmov v38;
	v38 =	vmov v40;
	s25 =	sadd.s32 $0x10, s10;
	s26 =	smov.u32 s14;
	s14 =	smov.u32 s17  }
0x3af: {  	p0 =	sne.s32 s10, $0x2F0;
	v47 =	vsub.f32 v47, v28;
	v40 =	vld [tilespmem:s6+$0x0];
	s0 =	sor.u32 s0, s1;
	v52 =	vmul.f32 v52, v33;
	v50 =	vadd.f32 v50, v24;
	[tilespmem:s19+$0x12200] =	vst v41;
	s19 =	smov.u32 s24  }
0x3b0: {  	s17 =	smov.u32 s29;
	v51 =	vadd.f32 v51, v24;
	v41 =	vld [tilespmem:s0+$0xC380];
	v49 =	vmul.f32 v49, v36;
	v46 =	vsub.f32 v46, v27;
	[tilespmem:s18+$0x12480] =	vst v53  }
0x3b1: {  	v57 =	vmul.f32 v47, v26;
	v53 =	vld [tilespmem:s0+$0xC300];
	v47 =	vsub.f32 v48, v21;
	v48 =	vmul.f32 v52, v54;
	[tilespmem:s18+$0x12300] =	vst v50  }
0x3b2: {  	v52 =	vsub.f32 v44, v29;
	v50 =	vmul.f32 v49, v54;
	v44 =	vld [tilespmem:s0+$0xC480];
	[tilespmem:s18+$0x12200] =	vst v51;
	v42 =	vsub.f32 v42, v19  }
0x3b3: {  	v45 =	vadd.f32 v45, v24;
	v49 =	vld [tilespmem:s0+$0xC400];
	v51 =	vmul.f32 v47, v22;
	v58 =	vadd.f32 v48, v38  }
.Ltmp6:
0x3b4: {  	v47 =	vld [tilespmem:s0+$0xC200];
	v48 =	vadd.f32 v50, v38;
	v50 =	vmul.f32 v46, v25;
	v42 =	vmul.f32 v42, v20;
	(pc) =	sbr.rel @p0 .LBB2_15-.Ltmp6, $4  }
0x3b5: {  	s29 =	sadd.s32 $0x80, s29;
	v59 =	vadd.f32 v43, v24;
	v52 =	vmul.f32 v52, v30;
	v43 =	vmul.f32 v51, v54;
	[tilespmem:s18+$0x12500] =	vst v45  }
0x3b6: {  	s1 =	sor.u32 s26, s13;
	s13 =	smov.u32 s20;
	s20 =	smov.u32 s4;
	v46 =	vld [tilespmem:s0+$0xC500];
	[tilespmem:s21+$0x12400] =	vst v48;
	v45 =	vmul.f32 v50, v54;
	v60 =	vmul.f32 v42, v23;
	v23 =	vmovc v37;
	v37 =	vmov v54  }
0x3b7: {  	s24 =	sor.u32 $0x380, s1;
	v53 =	vsub.f32 v53, v31;
	v48 =	vld [tilespmem:s0+$0xC280];
	v50 =	vmul.f32 v55, v37;
	v54 =	vmul.f32 v52, v37;
	[tilespmem:s18+$0x12280] =	vst v59;
	s18 =	smov.u32 s21;
	s21 =	smov.u32 s0  }
0x3b8: {  	s9 =	sadd.s32 $0x10, s9;
	s6 =	sadd.s32 $0x10, s6;
	s10 =	smov.u32 s25;
	v52 =	vsub.f32 v41, v34;
	v51 =	vmul.f32 v57, v37;
	[tilespmem:s18+$0x12380] =	vst v58;
	v42 =	vld [tilespmem:s24+$0xC200];
	v41 =	vadd.f32 v60, v56  }
0x3b9: {  	v31 =	vsub.f32 v49, v32;
	v49 =	vadd.f32 v54, v38  }
0x3ba: {  	v28 =	vsub.f32 v47, v28;
	v34 =	vmul.f32 v53, v35;
	v33 =	vmul.f32 v52, v33  }
0x3bb: {  	v50 =	vadd.f32 v50, v38;
	v29 =	vsub.f32 v44, v29;
	v31 =	vmul.f32 v31, v36  }
0x3bc: {  	v54 =	vadd.f32 v45, v38;
	[tilespmem:s18+$0x12480] =	vst v49;
	v26 =	vmul.f32 v28, v26;
	v28 =	vmul.f32 v33, v39  }
0x3bd: {  	v53 =	vadd.f32 v51, v38;
	[tilespmem:s18+$0x12300] =	vst v50;
	v29 =	vmul.f32 v29, v30;
	v31 =	vmul.f32 v31, v39  }
0x3be: {  	v27 =	vsub.f32 v46, v27;
	[tilespmem:s18+$0x12500] =	vst v54;
	v28 =	vadd.f32 v28, v40  }
0x3bf: {  	[tilespmem:s18+$0x12200] =	vst v53;
	v21 =	vsub.f32 v48, v21;
	v29 =	vmul.f32 v29, v39;
	v30 =	vadd.f32 v31, v40  }
0x3c0: {  	v25 =	vmul.f32 v27, v25;
	v27 =	vmul.f32 v34, v39;
	v31 =	vadd.f32 v43, v38;
	[tilespmem:s21+$0x12380] =	vst v28  }
0x3c1: {  	v21 =	vmul.f32 v21, v22;
	v22 =	vmul.f32 v26, v39;
	v26 =	vadd.f32 v29, v40;
	[tilespmem:s21+$0x12400] =	vst v30  }
0x3c2: {  	v25 =	vmul.f32 v25, v39;
	v27 =	vadd.f32 v27, v40;
	[tilespmem:s18+$0x12280] =	vst v31  }
0x3c3: {  	v21 =	vmul.f32 v21, v39;
	v22 =	vadd.f32 v22, v40;
	[tilespmem:s21+$0x12480] =	vst v26  }
0x3c4: {  	[tilespmem:s21+$0x12300] =	vst v27;
	v25 =	vadd.f32 v25, v40  }
0x3c5: {  	s0 =	sor.u32 s14, s13;
	[tilespmem:s21+$0x12200] =	vst v22;
	v21 =	vadd.f32 v21, v40  }
0x3c6: {  	s1 =	sor.u32 s17, s20;
	s0 =	sor.u32 $0x380, s0;
	[tilespmem:s21+$0x12500] =	vst v25  }
0x3c7: {  	s1 =	sor.u32 $0x380, s1;
	v22 =	vld [tilespmem:s0+$0xC200];
	[tilespmem:s21+$0x12280] =	vst v21  }
0x3c8: {  	v21 =	vld [tilespmem:s1+$0xC200];
	_ =	sdelay $0x2  }
0x3c9: {  	v25 =	vsub.f32 v42, v19  }
0x3ca: {  	v22 =	vsub.f32 v22, v19  }
0x3cb: {  	v25 =	vmul.f32 v25, v20;
	v19 =	vsub.f32 v21, v19  }
0x3cc: {  	v21 =	vmul.f32 v22, v20  }
0x3cd: {  	v22 =	vmul.f32 v25, v23;
	v19 =	vmul.f32 v19, v20  }
0x3ce: {  	v20 =	vmul.f32 v21, v37  }
0x3cf: {  	v21 =	vadd.f32 v22, v24;
	v19 =	vmul.f32 v19, v39  }
0x3d0: {  	[tilespmem:s19+$0x12200] =	vst v41;
	v20 =	vadd.f32 v20, v38  }
0x3d1: {  	[tilespmem:s24+$0x12200] =	vst v21;
	v19 =	vadd.f32 v19, v40  }
0x3d2: {  	[tilespmem:s0+$0x12200] =	vst v20  }
0x3d3: {  	[tilespmem:s1+$0x12200] =	vst v19  }
0x3d4: {  	v32 =	vld [tilespmem:$0x16200]  }
0x3d5: {  	v29 =	vld [tilespmem:$0x16280]  }
0x3d6: {  	v27 =	vld [tilespmem:$0x16300]  }
0x3d7: {  	v24 =	vld [tilespmem:$0x16380]  }
0x3d8: {  	v22 =	vld [tilespmem:$0x16400]  }
0x3d9: {  	v20 =	vld [tilespmem:$0x16480]  }
0x3da: {  	v19 =	vld [tilespmem:$0x16500]  }
0x3db: {  	v34 =	vld [tilespmem:$0x16580]  }
0x3dc: {  	v30 =	vld [tilespmem:$0x16A00]  }
0x3dd: {  	v28 =	vld [tilespmem:$0x16A80]  }
0x3de: {  	v26 =	vld [tilespmem:$0x16B00]  }
0x3df: {  	s20 =	simm.s32 $0x0;
	v25 =	vld [tilespmem:$0x16B80]  }
0x3e0: {  	s21 =	sand.u32 $0x70, s20;
	s0 =	sand.u32 $0x1C00, s20;
	v23 =	vld [tilespmem:$0x16C00]  }
0x3e1: {  	s14 =	sor.u32 s21, s0;
	v33 =	vld [tilespmem:$0x16D80]  }
0x3e2: {  	v31 =	vld [tilespmem:s14+$0xDD80]  }
0x3e3: {  	v36 =	vld [tilespmem:s14+$0xDA00]  }
0x3e4: {  	v55 =	vld [tilespmem:s14+$0xDA80]  }
0x3e5: {  	s24 =	simm.s32 $0x15800;
	v56 =	vld [tilespmem:s14+$0xDB00]  }
0x3e6: {  	v40 =	vld [tilespmem:s24+$0x0]  }
0x3e7: {  	v57 =	vld [tilespmem:s14+$0xDB80]  }
0x3e8: {  	s26 =	simm.s32 $0x10;
	s29 =	simm.s32 $0x80;
	v41 =	vld [tilespmem:s14+$0xDC00]  }
0x3e9: {  	s0 =	sand.u32 $0x70, s26;
	s1 =	sand.u32 $0x1C00, s29;
	v59 =	vld [tilespmem:s14+$0xDC80]  }
0x3ea: {  	v60 =	vld [tilespmem:s14+$0xDD00];
	s13 =	sor.u32 s0, s1  }
0x3eb: {  	v61 =	vld [tilespmem:s13+$0xDD80];
	v31 =	vsub.f32 v31, v34  }
0x3ec: {  	v62 =	vld [tilespmem:s13+$0xDA00];
	v36 =	vsub.f32 v36, v32;
	v37 =	vsub.f32 v55, v29  }
0x3ed: {  	s25 =	simm.s32 $0x15B00;
	v63 =	vld [tilespmem:s13+$0xDA80];
	v38 =	vsub.f32 v56, v27;
	v39 =	vsub.f32 v57, v24  }
0x3ee: {  	v35 =	vld [tilespmem:s25+$0x0];
	v41 =	vsub.f32 v41, v22;
	v43 =	vsub.f32 v59, v20  }
0x3ef: {  	v21 =	vld [tilespmem:$0x16C80];
	v44 =	vsub.f32 v60, v19;
	v58 =	vmul.f32 v31, v33;
	v36 =	vmul.f32 v36, v30  }
0x3f0: {  	v59 =	vsub.f32 v61, v34;
	v37 =	vmul.f32 v37, v28;
	v38 =	vmul.f32 v38, v26  }
0x3f1: {  	v60 =	vsub.f32 v62, v32;
	v31 =	vld [tilespmem:$0x16D00];
	v39 =	vmul.f32 v39, v25;
	v42 =	vmul.f32 v58, v40  }
0x3f2: {  	v47 =	vsub.f32 v63, v29;
	v41 =	vmul.f32 v41, v23;
	v36 =	vmul.f32 v36, v40  }
0x3f3: {  	s18 =	simm.s32 $0x15810;
	v56 =	vld [tilespmem:s13+$0xDB00];
	v37 =	vmul.f32 v37, v40;
	v38 =	vmul.f32 v38, v40;
	v42 =	vadd.f32 v42, v35  }
0x3f4: {  	v43 =	vmul.f32 v43, v21;
	v63 =	vmul.f32 v59, v33;
	v55 =	vadd.f32 v36, v35;
	v36 =	vld [tilespmem:s18+$0x0]  }
0x3f5: {  	s17 =	simm.s32 $0x15B10;
	v39 =	vmul.f32 v39, v40;
	v57 =	vadd.f32 v37, v35;
	v58 =	vadd.f32 v38, v35;
	v38 =	vld [tilespmem:s13+$0xDB80];
	[tilespmem:s14+$0x13D80] =	vst v42  }
0x3f6: {  	v41 =	vmul.f32 v41, v40;
	v37 =	vld [tilespmem:s17+$0x0];
	v44 =	vmul.f32 v44, v31;
	[tilespmem:s14+$0x13A00] =	vst v55  }
0x3f7: {  	v45 =	vmul.f32 v60, v30;
	v62 =	vmul.f32 v43, v40;
	v61 =	vadd.f32 v39, v35;
	v39 =	vld [tilespmem:s13+$0xDC00];
	[tilespmem:s14+$0x13A80] =	vst v57  }
0x3f8: {  	s31 =	simm.s32 $0x20;
	s6 =	simm.s32 $0x100;
	v46 =	vsub.f32 v56, v27;
	v43 =	vadd.f32 v41, v35;
	[tilespmem:s14+$0x13B00] =	vst v58;
	v42 =	vmul.f32 v44, v40;
	v40 =	vld [tilespmem:s13+$0xDC80]  }
0x3f9: {  	s9 =	simm.s32 $0x30;
	s10 =	sand.u32 $0x70, s31;
	s19 =	sand.u32 $0x1C00, s6;
	v47 =	vmul.f32 v47, v28;
	v41 =	vld [tilespmem:s13+$0xDD00];
	[tilespmem:s14+$0x13B80] =	vst v61;
	v44 =	vadd.f32 v62, v35;
	v48 =	vmul.f32 v63, v36  }
.LBB2_17:
0x3fa: {  	p0 =	sne.s32 s9, $0x2F0;
	s0 =	sor.u32 s10, s19;
	v45 =	vmul.f32 v45, v36;
	v46 =	vmul.f32 v46, v26;
	v38 =	vsub.f32 v38, v24;
	[tilespmem:s14+$0x13C00] =	vst v43  }
0x3fb: {  	v42 =	vadd.f32 v42, v35;
	v43 =	vld [tilespmem:s0+$0xDD80];
	v47 =	vmul.f32 v47, v36;
	v48 =	vadd.f32 v48, v37;
	[tilespmem:s14+$0x13C80] =	vst v44  }
0x3fc: {  	v35 =	vmovc v37;
	v44 =	vld [tilespmem:s0+$0xDA00];
	v46 =	vmul.f32 v46, v36;
	v38 =	vmul.f32 v38, v25;
	v39 =	vsub.f32 v39, v22  }
0x3fd: {  	v37 =	vadd.f32 v45, v35;
	v49 =	vld [tilespmem:s0+$0xDA80];
	v40 =	vsub.f32 v40, v20;
	[tilespmem:s13+$0x13D80] =	vst v48  }
0x3fe: {  	s18 =	sadd.s32 $0x10, s18;
	v48 =	vld [tilespmem:s0+$0xDB00];
	v45 =	vmul.f32 v38, v36;
	v39 =	vmul.f32 v39, v23;
	v41 =	vsub.f32 v41, v19;
	[tilespmem:s14+$0x13D00] =	vst v42;
	s14 =	smov.u32 s13;
	s13 =	smov.u32 s0  }
0x3ff: {  	v42 =	vadd.f32 v47, v35;
	v46 =	vadd.f32 v46, v35;
	v50 =	vld [tilespmem:s18+$0x0];
	[tilespmem:s14+$0x13A00] =	vst v37;
	v40 =	vmul.f32 v40, v21  }
.Ltmp7:
0x400: {  	s17 =	sadd.s32 $0x10, s17;
	v38 =	vld [tilespmem:s13+$0xDB80];
	v43 =	vsub.f32 v43, v34;
	v47 =	vmul.f32 v39, v36;
	v41 =	vmul.f32 v41, v31;
	(pc) =	sbr.rel @p0 .LBB2_17-.Ltmp7, $4  }
0x401: {  	v51 =	vadd.f32 v45, v35;
	v37 =	vld [tilespmem:s17+$0x0];
	v44 =	vsub.f32 v44, v32;
	[tilespmem:s14+$0x13A80] =	vst v42;
	v52 =	vmul.f32 v40, v36  }
0x402: {  	v49 =	vsub.f32 v49, v29;
	v39 =	vld [tilespmem:s13+$0xDC00];
	v53 =	vmul.f32 v43, v33;
	[tilespmem:s14+$0x13B00] =	vst v46;
	v42 =	vmul.f32 v41, v36  }
0x403: {  	s6 =	sadd.s32 $0x80, s6;
	v43 =	vadd.f32 v47, v35;
	v45 =	vmul.f32 v44, v30;
	v46 =	vsub.f32 v48, v27;
	v40 =	vld [tilespmem:s13+$0xDC80];
	[tilespmem:s14+$0x13B80] =	vst v51  }
0x404: {  	s10 =	sand.u32 $0x70, s9;
	s9 =	sadd.s32 $0x10, s9;
	s19 =	sand.u32 $0x1C00, s6;
	v44 =	vadd.f32 v52, v35;
	v47 =	vmul.f32 v49, v28;
	v41 =	vld [tilespmem:s13+$0xDD00];
	v48 =	vmul.f32 v53, v50;
	v36 =	vmovc v50  }
0x405: {  	s6 =	sor.u32 s10, s19  }
0x406: {  	v49 =	vld [tilespmem:s6+$0xDD80]  }
0x407: {  	v50 =	vld [tilespmem:s6+$0xDA00]  }
0x408: {  	v38 =	vsub.f32 v38, v24;
	v45 =	vmul.f32 v45, v36;
	v46 =	vmul.f32 v46, v26;
	v59 =	vld [tilespmem:s6+$0xDA80]  }
0x409: {  	v35 =	vadd.f32 v42, v35;
	v47 =	vmul.f32 v47, v36;
	v48 =	vadd.f32 v48, v37;
	v51 =	vld [tilespmem:s6+$0xDB00]  }
0x40a: {  	v60 =	vld [tilespmem:s6+$0xDB80];
	v38 =	vmul.f32 v38, v25;
	v39 =	vsub.f32 v39, v22;
	v45 =	vadd.f32 v45, v37  }
0x40b: {  	v63 =	vld [tilespmem:s6+$0xDC00];
	v58 =	vmul.f32 v46, v36;
	v40 =	vsub.f32 v40, v20;
	v47 =	vadd.f32 v47, v37  }
0x40c: {  	[tilespmem:s14+$0x13C00] =	vst v43;
	v52 =	vld [tilespmem:s6+$0xDD00];
	v38 =	vmul.f32 v38, v36;
	v39 =	vmul.f32 v39, v23;
	v41 =	vsub.f32 v41, v19  }
0x40d: {  	s0 =	sadd.s32 $0x10, s18;
	[tilespmem:s14+$0x13C80] =	vst v44;
	v42 =	vadd.f32 v58, v37;
	v40 =	vmul.f32 v40, v21;
	v34 =	vsub.f32 v49, v34  }
0x40e: {  	v43 =	vld [tilespmem:s0+$0x0];
	[tilespmem:s14+$0x13D00] =	vst v35;
	v39 =	vmul.f32 v39, v36;
	v32 =	vsub.f32 v50, v32;
	v61 =	vadd.f32 v38, v37  }
0x40f: {  	s26 =	sadd.s32 $0x10, s17;
	[tilespmem:s13+$0x13D80] =	vst v48;
	v41 =	vmul.f32 v41, v31;
	v29 =	vsub.f32 v59, v29;
	v27 =	vsub.f32 v51, v27  }
0x410: {  	v48 =	vld [tilespmem:s26+$0x0];
	[tilespmem:s13+$0x13A00] =	vst v45;
	v55 =	vsub.f32 v60, v24;
	v58 =	vsub.f32 v63, v22;
	v62 =	vmul.f32 v40, v36  }
0x411: {  	[tilespmem:s13+$0x13A80] =	vst v47;
	v50 =	vld [tilespmem:s6+$0xDC80];
	v19 =	vsub.f32 v52, v19;
	v33 =	vmul.f32 v34, v33;
	v49 =	vmul.f32 v41, v36  }
0x412: {  	[tilespmem:s13+$0x13B00] =	vst v42;
	v30 =	vmul.f32 v32, v30;
	v39 =	vadd.f32 v39, v37;
	v28 =	vmul.f32 v29, v28  }
0x413: {  	[tilespmem:s13+$0x13B80] =	vst v61;
	v54 =	vmul.f32 v27, v26;
	v53 =	vadd.f32 v62, v37;
	v33 =	vmul.f32 v33, v43  }
0x414: {  	v24 =	vmul.f32 v55, v25;
	v30 =	vmul.f32 v30, v43;
	[tilespmem:s13+$0x13C00] =	vst v39;
	v57 =	vadd.f32 v49, v37  }
0x415: {  	v22 =	vmul.f32 v58, v23;
	v28 =	vmul.f32 v28, v43;
	[tilespmem:s13+$0x13C80] =	vst v53;
	v56 =	vadd.f32 v33, v48  }
0x416: {  	v26 =	vmul.f32 v54, v43;
	v20 =	vsub.f32 v50, v20;
	v59 =	vadd.f32 v30, v48;
	[tilespmem:s13+$0x13D00] =	vst v57  }
0x417: {  	v19 =	vmul.f32 v19, v31;
	v60 =	vmul.f32 v24, v43;
	v61 =	vadd.f32 v28, v48;
	[tilespmem:s6+$0x13D80] =	vst v56  }
0x418: {  	v22 =	vmul.f32 v22, v43;
	v62 =	vadd.f32 v26, v48;
	v20 =	vmul.f32 v20, v21;
	[tilespmem:s6+$0x13A00] =	vst v59  }
0x419: {  	v19 =	vmul.f32 v19, v43;
	v23 =	vadd.f32 v60, v48;
	[tilespmem:s6+$0x13A80] =	vst v61  }
0x41a: {  	v63 =	vadd.f32 v22, v48;
	[tilespmem:s6+$0x13B00] =	vst v62;
	v20 =	vmul.f32 v20, v43  }
0x41b: {  	s30 =	sadd.s32 $0x1, s30;
	v19 =	vadd.f32 v19, v48;
	[tilespmem:s6+$0x13B80] =	vst v23  }
0x41c: {  	p0 =	sne.s32 s30, $0x8;
	[tilespmem:s6+$0x13C00] =	vst v63;
	v20 =	vadd.f32 v20, v48  }
.Ltmp8:
0x41d: {  	[tilespmem:s6+$0x13D00] =	vst v19;
	(pc) =	sbr.rel @p0 .LBB2_2-.Ltmp8, $4  }
0x41e: {  	[tilespmem:s6+$0x13C80] =	vst v20  }
0x41f: {  	s29 =	rddreg [dreg:$0x10]  }
0x420: {  	s1 =	simm.s32 $0x0;
	s31 =	simm.s32 $0x12200;
	s0 =	sadd.s32 s29, s3  }
0x421: {  	[hbm4b:s0+s1] =	stream.linear.scatter [tilespmem:s31], [sflag:$0x6], $0x3000, $0x38;
	[tilespmem:$0x16E00] =	vst v63  }
0x422: {  	s0 =	simm.s32 $0x5  }
0x423: {  	_ =	swait.ge [sflag:s0], $0x3000  }
0x424: {  	[sflag:s0] =	ssyncset.done $0x0  }
0x425: {  	s1 =	simm.s32 $0x6;
	[sflag:s0] =	ssyncadd.s32 $0xFFFFD000  }
0x426: {  	_ =	swait.ge [sflag:s1], $0x3000  }
0x427: {  	s3 =	rddreg [dreg:$0x11]  }
0x428: {  	s31 =	rddreg [dreg:$0xf];
	s3 =	sadd.s32 $0x1, s3  }
0x429: {  	p0 =	sne.s32 s3, s31  }
.Ltmp9:
0x42a: {  	_ = 	snop;
	(pc) =	sbr.rel @p0 .LBB2_1-.Ltmp9, $3  }
0x42b: {  	_ =	sdelay $0x1  }
0x42c: {  	[sflag:s1] =	ssyncset.done $0x0  }
0x42d: {  	[sflag:s1] =	ssyncadd.s32 $0xFFFFD000  }
0x42e: {  	_ =	sfence.sel $0x180000  }
0x42f: {  	[bflag:$0x0] =	sbarrier.arrive $0xFFFF  }
0x430: {  	_ =	strace $0x90000047  }
0x431: {  	s0 =	stileid.u32;
	[bflag:$0x2] =	sbarrier.arrive $0xFFFF  }
0x432: {  	p0 =	sne.s32 s0, $0x0;
	s0 =	rddreg [dreg:$0x8]  }
0x433: {  	s0 =	sadd.s32 @!p0 $0x100000, s0  }
0x434: {  	[sflag:s0] =	ssyncadd.tile.s32 @!p0 $0x1;
	_ =	shalt  }
.Lfunc_end2:
_tile_overlayer_lowered:
.L_overlay_start_2:
0x435: {  	(tag) =	ssettag $0x2  }
0x436: {  	s0 =	rddreg [dreg:$0x0];
	s2 =	stileid.u32  }
0x437: {  	s1 =	rddreg [dreg:$0x1];
	p0 =	sne.s32 s2, $0x0  }
0x438: {  	s3 =	rddreg [dreg:$0x2];
	[bflag:$0x3] =	sbarrier.arrive $0xFFFF;
	s2 =	simm.s32 @!p0 $0x1C07  }
0x439: {  	[timem:s3], [sflag:s2] =	dma.local @!p0 [hbm:s0], s1  }
0x43a: {  	s0 =	simm.s32 @!p0 $0x7  }
0x43b: {  	_ =	swait.ge @!p0 [sflag:s0], s1  }
0x43c: {  	s1 =	ssub.s32 @!p0 $0x0, s1;
	[sflag:s0] =	ssyncset.done @!p0 $0x0  }
0x43d: {  	[sflag:s0] =	ssyncadd.s32 @!p0 s1  }
0x43e: {  	[bflag:$0x3] =	sbarrier.arrive $0xFFFF  }
0x43f: {  	_ =	shalt  }

</sc_bundles>
